<compile_context>
chip_gen: v7x
topology: tpu7x:2x2x1
jax: 0.10.2.dev20260603
libtpu: 0.0.44.dev20260713+nightly
codegen_flags: <defaults>
</compile_context>

<pallas_src>
import functools

import jax
import jax.numpy as jnp
from jax import lax
from jax.experimental import pallas as pl
from jax.experimental.pallas import tpu as pltpu
from jax.experimental.pallas import tpu_sc as plsc

N_NODES = 10000
N_EDGES = 320000
D = 128
N_CLASSES = 16
N_PAIRS = 4096

NC = 2
NS = 16
NW = NC * NS
CHUNK = 128
NCHUNK = 80
HALF = NCHUNK // 2
EPW = NCHUNK * CHUNK
NPAD = 10112
RPS = NPAD // NS

_MESH = plsc.VectorSubcoreMesh(
    core_axis_name="c", subcore_axis_name="s", num_cores=NC, num_subcores=NS)

f32 = jnp.float32
i32 = jnp.int32


def _fill_1d(ref, n, val):
  v = jnp.full((16,), val, f32)
  off = 0
  while off + 16 <= n:
    ref[pl.ds(off, 16)] = v
    off += 16
  if off < n:
    ref[pl.ds(n - 16, 16)] = v


_RPS_PIECES = [(o, min(CHUNK, RPS - o)) for o in range(0, RPS, CHUNK)]

HC = CHUNK // 2


def _gather2(tab, idxs_v, j, buf, sem):
  pltpu.async_copy(tab.at[idxs_v.at[j, pl.ds(0, HC)]], buf.at[pl.ds(0, HC)],
                   sem)
  pltpu.async_copy(tab.at[idxs_v.at[j, pl.ds(HC, HC)]], buf.at[pl.ds(HC, HC)],
                   sem)


def _gwait2(tab, idxs_v, j, buf, sem):
  pltpu.make_async_copy(tab.at[idxs_v.at[j, pl.ds(0, HC)]],
                        buf.at[pl.ds(0, HC)], sem).wait()
  pltpu.make_async_copy(tab.at[idxs_v.at[j, pl.ds(HC, HC)]],
                        buf.at[pl.ds(HC, HC)], sem).wait()


def _deg_body(srcI, dstI, outO, outI, idxs_v, idxd_v, ones_v, stage, hs, hd):
  c = lax.axis_index("c")
  s = lax.axis_index("s")
  w = s * NC + c
  sub0 = s * RPS
  _fill_1d(stage, RPS, 0.0)
  _fill_1d(ones_v, CHUNK, 1.0)
  pltpu.sync_copy(stage, hs.at[pl.ds(sub0, RPS)])
  pltpu.sync_copy(stage, hd.at[pl.ds(sub0, RPS)])
  pltpu.sync_copy(srcI.at[pl.ds(w * NCHUNK, NCHUNK)], idxs_v)
  pltpu.sync_copy(dstI.at[pl.ds(w * NCHUNK, NCHUNK)], idxd_v)
  plsc.subcore_barrier()

  def step(j, carry):
    pltpu.sync_copy(ones_v, hs.at[idxs_v.at[j]], add=True)
    pltpu.sync_copy(ones_v, hd.at[idxd_v.at[j]], add=True)
    return carry

  lax.fori_loop(0, NCHUNK, step, 0)
  plsc.subcore_barrier()
  pltpu.sync_copy(hs.at[pl.ds(sub0, RPS)], stage)
  pltpu.sync_copy(stage, outO.at[pl.ds(c * NPAD + sub0, RPS)])
  pltpu.sync_copy(hd.at[pl.ds(sub0, RPS)], stage)
  pltpu.sync_copy(stage, outI.at[pl.ds(c * NPAD + sub0, RPS)])


_deg_kernel = pl.kernel(
    _deg_body,
    out_type=(jax.ShapeDtypeStruct((NC * NPAD,), f32),
              jax.ShapeDtypeStruct((NC * NPAD,), f32)),
    mesh=_MESH,
    scratch_types=[
        pltpu.VMEM((NCHUNK, CHUNK), i32),
        pltpu.VMEM((NCHUNK, CHUNK), i32),
        pltpu.VMEM((CHUNK,), f32),
        pltpu.VMEM((RPS,), f32),
        pltpu.VMEM_SHARED((NPAD,), f32),
        pltpu.VMEM_SHARED((NPAD,), f32),
    ],
)


def _mp_body(tab, srcI, dstI, parts, idxs_v, idxd_v, buf0, buf1, acc, sem0,
             sem1):
  c = lax.axis_index("c")
  s = lax.axis_index("s")
  w = s * NC + c
  sub0 = s * RPS

  def zrow(r, carry):
    for cc in range(D // 16):
      buf0[r, pl.ds(cc * 16, 16)] = jnp.zeros((16,), f32)
    return carry

  lax.fori_loop(0, CHUNK, zrow, 0)
  for off, sz in _RPS_PIECES:
    pltpu.sync_copy(buf0.at[pl.ds(0, sz)], acc.at[pl.ds(sub0 + off, sz)])
  plsc.subcore_barrier()

  for p in range(NCHUNK // HALF):
    pltpu.sync_copy(srcI.at[pl.ds(w * NCHUNK + p * HALF, HALF)], idxs_v)
    pltpu.sync_copy(dstI.at[pl.ds(w * NCHUNK + p * HALF, HALF)], idxd_v)
    _gather2(tab, idxs_v, 0, buf0, sem0)

    def pair(jj, carry):
      j0 = 2 * jj
      _gather2(tab, idxs_v, j0 + 1, buf1, sem1)
      _gwait2(tab, idxs_v, j0, buf0, sem0)
      pltpu.sync_copy(buf0, acc.at[idxd_v.at[j0]], add=True)
      _gather2(tab, idxs_v, j0 + 2, buf0, sem0)
      _gwait2(tab, idxs_v, j0 + 1, buf1, sem1)
      pltpu.sync_copy(buf1, acc.at[idxd_v.at[j0 + 1]], add=True)
      return carry

    lax.fori_loop(0, HALF // 2 - 1, pair, 0)
    _gather2(tab, idxs_v, HALF - 1, buf1, sem1)
    _gwait2(tab, idxs_v, HALF - 2, buf0, sem0)
    pltpu.sync_copy(buf0, acc.at[idxd_v.at[HALF - 2]], add=True)
    _gwait2(tab, idxs_v, HALF - 1, buf1, sem1)
    pltpu.sync_copy(buf1, acc.at[idxd_v.at[HALF - 1]], add=True)
  plsc.subcore_barrier()
  pltpu.sync_copy(acc.at[pl.ds(sub0, RPS)], parts.at[c, pl.ds(sub0, RPS)])


_mp_kernel = pl.kernel(
    _mp_body,
    out_type=jax.ShapeDtypeStruct((NC, NPAD, D), f32),
    mesh=_MESH,
    scratch_types=[
        pltpu.VMEM((HALF, CHUNK), i32),
        pltpu.VMEM((HALF, CHUNK), i32),
        pltpu.VMEM((CHUNK, D), f32),
        pltpu.VMEM((CHUNK, D), f32),
        pltpu.VMEM_SHARED((NPAD, D), f32),
        pltpu.SemaphoreType.DMA,
        pltpu.SemaphoreType.DMA,
    ],
)


def _mp2_body(tab, srcI, dstI, x1I, x2I, sinH, g1p, g2p, sx1, sx2, idxs_v,
              idxd_v, buf0, buf1, sbuf, acc, sem0, sem1):
  c = lax.axis_index("c")
  s = lax.axis_index("s")
  w = s * NC + c
  sub0 = s * RPS

  def zrow(r, carry):
    for cc in range(D // 16):
      buf0[r, pl.ds(cc * 16, 16)] = jnp.zeros((16,), f32)
    return carry

  lax.fori_loop(0, CHUNK, zrow, 0)
  for off, sz in _RPS_PIECES:
    pltpu.sync_copy(buf0.at[pl.ds(0, sz)], acc.at[pl.ds(sub0 + off, sz)])
  plsc.subcore_barrier()

  for p in range(NCHUNK // HALF):
    pltpu.sync_copy(srcI.at[pl.ds(w * NCHUNK + p * HALF, HALF)], idxs_v)
    pltpu.sync_copy(dstI.at[pl.ds(w * NCHUNK + p * HALF, HALF)], idxd_v)
    _gather2(tab, idxs_v, 0, buf0, sem0)

    def pair(jj, carry):
      j0 = 2 * jj
      _gather2(tab, idxs_v, j0 + 1, buf1, sem1)
      _gwait2(tab, idxs_v, j0, buf0, sem0)
      pltpu.sync_copy(buf0, acc.at[idxd_v.at[j0]], add=True)
      _gather2(tab, idxs_v, j0 + 2, buf0, sem0)
      _gwait2(tab, idxs_v, j0 + 1, buf1, sem1)
      pltpu.sync_copy(buf1, acc.at[idxd_v.at[j0 + 1]], add=True)
      return carry

    lax.fori_loop(0, HALF // 2 - 1, pair, 0)
    _gather2(tab, idxs_v, HALF - 1, buf1, sem1)
    _gwait2(tab, idxs_v, HALF - 2, buf0, sem0)
    pltpu.sync_copy(buf0, acc.at[idxd_v.at[HALF - 2]], add=True)
    _gwait2(tab, idxs_v, HALF - 1, buf1, sem1)
    pltpu.sync_copy(buf1, acc.at[idxd_v.at[HALF - 1]], add=True)
  plsc.subcore_barrier()

  pidx = idxs_v.at[0]
  for kk in range(2):
    k0 = (s * 2 + kk) * CHUNK
    for xI, gp, sx in ((x1I, g1p, sx1), (x2I, g2p, sx2)):
      pltpu.sync_copy(xI.at[pl.ds(k0, CHUNK)], pidx)
      pltpu.async_copy(acc.at[pidx], buf0, sem0).wait()
      pltpu.sync_copy(buf0, gp.at[c, pl.ds(k0, CHUNK)])
      pltpu.async_copy(sinH.at[pidx], sbuf, sem0).wait()
      pltpu.sync_copy(sbuf, sx.at[pl.ds(c * N_PAIRS + k0, CHUNK)])


_mp2_kernel = pl.kernel(
    _mp2_body,
    out_type=(jax.ShapeDtypeStruct((NC, N_PAIRS, D), f32),
              jax.ShapeDtypeStruct((NC, N_PAIRS, D), f32),
              jax.ShapeDtypeStruct((NC * N_PAIRS,), f32),
              jax.ShapeDtypeStruct((NC * N_PAIRS,), f32)),
    mesh=_MESH,
    scratch_types=[
        pltpu.VMEM((HALF, CHUNK), i32),
        pltpu.VMEM((HALF, CHUNK), i32),
        pltpu.VMEM((CHUNK, D), f32),
        pltpu.VMEM((CHUNK, D), f32),
        pltpu.VMEM((CHUNK,), f32),
        pltpu.VMEM_SHARED((NPAD, D), f32),
        pltpu.SemaphoreType.DMA,
        pltpu.SemaphoreType.DMA,
    ],
)


def _norm_body(h_ref, dO_ref, dI_ref, hn_ref, sin_ref, sout_ref):
  dO = dO_ref[...]
  dI = dI_ref[...]
  s_out = lax.rsqrt(jnp.maximum(dO[0:NPAD] + dO[NPAD:2 * NPAD], 1.0))
  s_in = lax.rsqrt(jnp.maximum(dI[0:NPAD] + dI[NPAD:2 * NPAD], 1.0))
  sout_ref[...] = s_out
  sin_ref[...] = s_in
  so_col = s_out[0:N_NODES].reshape(N_NODES, 1)
  hn_ref[0:N_NODES, :] = h_ref[...] * so_col
  hn_ref[N_NODES:NPAD, :] = jnp.zeros((NPAD - N_NODES, D), f32)


_norm_kernel = pl.pallas_call(
    _norm_body,
    out_shape=(jax.ShapeDtypeStruct((NPAD, D), f32),
               jax.ShapeDtypeStruct((NPAD,), f32),
               jax.ShapeDtypeStruct((NPAD,), f32)),
)


def _layer1_body(p_ref, sin_ref, sout_ref, W_ref, b_ref, hn2_ref):
  s_in = sin_ref[...].reshape(NPAD, 1)
  s_out = sout_ref[...].reshape(NPAD, 1)
  agg = (p_ref[0] + p_ref[1]) * s_in
  out = jnp.dot(agg, W_ref[...], preferred_element_type=f32) + b_ref[...]
  hn2_ref[...] = jnp.maximum(out, 0.0) * s_out


_layer1_kernel = pl.pallas_call(
    _layer1_body,
    out_shape=jax.ShapeDtypeStruct((NPAD, D), f32),
)


def _head_body(g1p_ref, g2p_ref, sx1_ref, sx2_ref, W2_ref, b2_ref, Wl1_ref,
               bl1_ref, Wl2_ref, bl2_ref, WmT_ref, bm_ref, hc_ref, hm_ref):
  dot = functools.partial(jnp.dot, preferred_element_type=f32)
  W2 = W2_ref[...]
  b2 = b2_ref[...]
  sx1 = sx1_ref[...][0:N_PAIRS].reshape(N_PAIRS, 1)
  sx2 = sx2_ref[...][0:N_PAIRS].reshape(N_PAIRS, 1)
  g1 = (g1p_ref[0] + g1p_ref[1]) * sx1
  g2 = (g2p_ref[0] + g2p_ref[1]) * sx2
  h1 = jnp.maximum(dot(g1, W2) + b2, 0.0)
  h2 = jnp.maximum(dot(g2, W2) + b2, 0.0)
  z = dot(h1, Wl1_ref[0:D, :])
  z += dot(h2, Wl1_ref[D:2 * D, :])
  z += dot(jnp.abs(h1 - h2), Wl1_ref[2 * D:3 * D, :])
  z = jnp.maximum(z + bl1_ref[...], 0.0)
  hc_ref[...] = dot(z, Wl2_ref[...]) + bl2_ref[...]
  hm_ref[...] = jnp.sum(z * WmT_ref[...], axis=1, keepdims=True) + bm_ref[...]


_head_kernel = pl.pallas_call(
    _head_body,
    out_shape=(jax.ShapeDtypeStruct((N_PAIRS, N_CLASSES), f32),
               jax.ShapeDtypeStruct((N_PAIRS, 1), f32)),
)


def kernel(h, edge_index, x1, x2, W1, b1, W2, b2, Wl1, bl1, Wl2, bl2, Wmse,
           bmse):
  src = edge_index[0]
  dst = edge_index[1]
  npad_e = NW * EPW - N_EDGES
  padidx = (N_NODES +
            (jnp.arange(npad_e, dtype=i32) % (NPAD - N_NODES))).astype(i32)
  srcp = jnp.concatenate([src, padidx]).reshape(NW * NCHUNK, CHUNK)
  dstp = jnp.concatenate([dst, padidx]).reshape(NW * NCHUNK, CHUNK)

  degO, degI = _deg_kernel(srcp, dstp)
  hn1, s_in, s_out = _norm_kernel(h, degO, degI)
  parts1 = _mp_kernel(hn1, srcp, dstp)
  hn2 = _layer1_kernel(parts1, s_in, s_out, W1, b1.reshape(1, D))
  g1p, g2p, sx1, sx2 = _mp2_kernel(hn2, srcp, dstp, x1, x2, s_in)
  h_c, h_mse = _head_kernel(g1p, g2p, sx1, sx2, W2,
                            b2.reshape(1, D), Wl1, bl1.reshape(1, D), Wl2,
                            bl2.reshape(1, N_CLASSES), Wmse.reshape(1, D),
                            bmse.reshape(1, 1))
  return (h_c, h_mse)

# --- scband reference (transcript-rebuilt; emitter-appended) ---
"""Pipeline reference for scband-gcn-1683627180304 (READ-ONLY COPY).

The authoritative reference and input builder live on the scoring server;
editing this copy changes nothing except your own understanding.
"""

import jax, jax.numpy as jnp
import numpy as np

N_NODES = 10000
N_EDGES = 320000
D_IN = 128
N_HIDDEN = 128
N_CLASSES = 16
N_PAIRS = 4096


def _init_linear(key, fan_in, fan_out):
    kw, kb = jax.random.split(key)
    bound = 1.0 / np.sqrt(fan_in)
    W = jax.random.uniform(kw, (fan_in, fan_out), dtype=jnp.float32, minval=-bound, maxval=bound)
    b = jax.random.uniform(kb, (fan_out,), dtype=jnp.float32, minval=-bound, maxval=bound)
    return W, b


def setup_inputs(seed: int = 0):
    key = jax.random.key(seed)
    ks = jax.random.split(key, 10)
    h = jax.random.normal(ks[0], (N_NODES, D_IN), dtype=jnp.float32)
    edge_index = jax.random.randint(ks[1], (2, N_EDGES), 0, N_NODES, dtype=jnp.int32)
    x1 = jax.random.randint(ks[2], (N_PAIRS,), 0, N_NODES, dtype=jnp.int32)
    x2 = jax.random.randint(ks[3], (N_PAIRS,), 0, N_NODES, dtype=jnp.int32)
    W1, b1 = _init_linear(ks[4], D_IN, N_HIDDEN)
    W2, b2 = _init_linear(ks[5], N_HIDDEN, N_HIDDEN)
    Wl1, bl1 = _init_linear(ks[6], N_HIDDEN * 3, N_HIDDEN)
    Wl2, bl2 = _init_linear(ks[7], N_HIDDEN, N_CLASSES)
    Wmse, bmse = _init_linear(ks[8], N_HIDDEN, 1)
    return {"h": h, "edge_index": edge_index, "x1": x1, "x2": x2,
            "W1": W1, "b1": b1, "W2": W2, "b2": b2,
            "Wl1": Wl1, "bl1": bl1, "Wl2": Wl2, "bl2": bl2,
            "Wmse": Wmse, "bmse": bmse}


def _graph_conv(h, src, dst, W, b):
    # DGL GraphConv, norm='both': D_dst^{-1/2} A D_src^{-1/2} h W + b, then relu
    n = h.shape[0]
    deg_out = jnp.clip(jnp.bincount(src, length=n), 1).astype(h.dtype)
    deg_in = jnp.clip(jnp.bincount(dst, length=n), 1).astype(h.dtype)
    hn = h * (deg_out ** -0.5)[:, None]
    msgs = hn[src]
    agg = jnp.zeros((n, h.shape[1]), dtype=h.dtype).at[dst].add(msgs)
    agg = agg * (deg_in ** -0.5)[:, None]
    out = agg @ W + b
    return jax.nn.relu(out)


def reference(h, edge_index, x1, x2, W1, b1, W2, b2, Wl1, bl1, Wl2, bl2, Wmse, bmse):
    src = edge_index[0]
    dst = edge_index[1]
    h = _graph_conv(h, src, dst, W1, b1)
    h = _graph_conv(h, src, dst, W2, b2)
    h1 = h[x1]
    h2 = h[x2]
    z = jnp.concatenate([h1, h2, jnp.abs(h1 - h2)], axis=1)
    z = jax.nn.relu(z @ Wl1 + bl1)
    h_c = z @ Wl2 + bl2
    h_mse = z @ Wmse + bmse
    return (h_c, h_mse)

if __name__ == "__main__":
    import jax
    _d = setup_inputs()
    print(jax.jit(kernel)(*tuple(_d.values())))

</pallas_src>

<mosaic_0001>
#map = affine_map<(d0, d1) -> (0, 0)>
#map1 = affine_map<(d0, d1) -> (0)>
module attributes {stable_mosaic.version = 14 : i64} {
  func.func @_deg_body(%arg0: i32, %arg1: i32, %arg2: memref<2560x128xi32, #tpu.memory_space<hbm>>, %arg3: memref<2560x128xi32, #tpu.memory_space<hbm>>, %arg4: memref<20224xf32, #tpu.memory_space<hbm>>, %arg5: memref<20224xf32, #tpu.memory_space<hbm>>, %arg6: memref<80x128xi32, #tpu.memory_space<vmem>>, %arg7: memref<80x128xi32, #tpu.memory_space<vmem>>, %arg8: memref<128xf32, #tpu.memory_space<vmem>>, %arg9: memref<632xf32, #tpu.memory_space<vmem>>, %arg10: memref<10112xf32, #tpu.memory_space<vmem_shared>>, %arg11: memref<10112xf32, #tpu.memory_space<vmem_shared>>) attributes {dimension_semantics = [#tpu.dimension_semantics<core_parallel>, #tpu.dimension_semantics<subcore_parallel>], iteration_bounds = array<i64: 2, 16>, scalar_prefetch = 0 : i64, scratch_operands = 6 : i64, tpu.core_type = #tpu.core_type<sc_vector_subcore>, window_params = [{transform_indices = #map}, {transform_indices = #map}, {transform_indices = #map1}, {transform_indices = #map1}]} {
    %mul3A = arith.constant 2 : i32
    %mul3A_0 = arith.muli %arg1, %mul3A : i32
    %add3A = arith.addi %mul3A_0, %arg0 : i32
    %mul3A_1 = arith.constant 632 : i32
    %mul3A_2 = arith.muli %arg1, %mul3A_1 : i32
    %broadcast_in_dim3A = arith.constant 0.000000e+00 : f32
    %broadcast_in_dim3A_3 = vector.broadcast %broadcast_in_dim3A : f32 to vector<16xf32>
    %swap3A = arith.constant 0 : index
    %swap3A_4 = tpu.vector_load %arg9[%swap3A] {strides = array<i32>} : memref<632xf32, #tpu.memory_space<vmem>>, vector<16xf32>,
    %swap3A_5 = vector.shape_cast %swap3A_4 : vector<16xf32> to vector<16xf32>
    %swap3A_6 = vector.shape_cast %broadcast_in_dim3A_3 : vector<16xf32> to vector<16xf32>
    tpu.vector_store %arg9[%swap3A], %swap3A_6 {strides = array<i32>} : memref<632xf32, #tpu.memory_space<vmem>>, vector<16xf32>,
    %swap3A_7 = arith.constant 16 : index
    %swap3A_8 = tpu.vector_load %arg9[%swap3A_7] {strides = array<i32>} : memref<632xf32, #tpu.memory_space<vmem>>, vector<16xf32>,
    %swap3A_9 = vector.shape_cast %swap3A_8 : vector<16xf32> to vector<16xf32>
    %swap3A_10 = vector.shape_cast %broadcast_in_dim3A_3 : vector<16xf32> to vector<16xf32>
    tpu.vector_store %arg9[%swap3A_7], %swap3A_10 {strides = array<i32>} : memref<632xf32, #tpu.memory_space<vmem>>, vector<16xf32>,
    %swap3A_11 = arith.constant 32 : index
    %swap3A_12 = tpu.vector_load %arg9[%swap3A_11] {strides = array<i32>} : memref<632xf32, #tpu.memory_space<vmem>>, vector<16xf32>,
    %swap3A_13 = vector.shape_cast %swap3A_12 : vector<16xf32> to vector<16xf32>
    %swap3A_14 = vector.shape_cast %broadcast_in_dim3A_3 : vector<16xf32> to vector<16xf32>
    tpu.vector_store %arg9[%swap3A_11], %swap3A_14 {strides = array<i32>} : memref<632xf32, #tpu.memory_space<vmem>>, vector<16xf32>,
    %swap3A_15 = arith.constant 48 : index
    %swap3A_16 = tpu.vector_load %arg9[%swap3A_15] {strides = array<i32>} : memref<632xf32, #tpu.memory_space<vmem>>, vector<16xf32>,
    %swap3A_17 = vector.shape_cast %swap3A_16 : vector<16xf32> to vector<16xf32>
    %swap3A_18 = vector.shape_cast %broadcast_in_dim3A_3 : vector<16xf32> to vector<16xf32>
    tpu.vector_store %arg9[%swap3A_15], %swap3A_18 {strides = array<i32>} : memref<632xf32, #tpu.memory_space<vmem>>, vector<16xf32>,
    %swap3A_19 = arith.constant 64 : index
    %swap3A_20 = tpu.vector_load %arg9[%swap3A_19] {strides = array<i32>} : memref<632xf32, #tpu.memory_space<vmem>>, vector<16xf32>,
    %swap3A_21 = vector.shape_cast %swap3A_20 : vector<16xf32> to vector<16xf32>
    %swap3A_22 = vector.shape_cast %broadcast_in_dim3A_3 : vector<16xf32> to vector<16xf32>
    tpu.vector_store %arg9[%swap3A_19], %swap3A_22 {strides = array<i32>} : memref<632xf32, #tpu.memory_space<vmem>>, vector<16xf32>,
    %swap3A_23 = arith.constant 80 : index
    %swap3A_24 = tpu.vector_load %arg9[%swap3A_23] {strides = array<i32>} : memref<632xf32, #tpu.memory_space<vmem>>, vector<16xf32>,
    %swap3A_25 = vector.shape_cast %swap3A_24 : vector<16xf32> to vector<16xf32>
    %swap3A_26 = vector.shape_cast %broadcast_in_dim3A_3 : vector<16xf32> to vector<16xf32>
    tpu.vector_store %arg9[%swap3A_23], %swap3A_26 {strides = array<i32>} : memref<632xf32, #tpu.memory_space<vmem>>, vector<16xf32>,
    %swap3A_27 = arith.constant 96 : index
    %swap3A_28 = tpu.vector_load %arg9[%swap3A_27] {strides = array<i32>} : memref<632xf32, #tpu.memory_space<vmem>>, vector<16xf32>,
    %swap3A_29 = vector.shape_cast %swap3A_28 : vector<16xf32> to vector<16xf32>
    %swap3A_30 = vector.shape_cast %broadcast_in_dim3A_3 : vector<16xf32> to vector<16xf32>
    tpu.vector_store %arg9[%swap3A_27], %swap3A_30 {strides = array<i32>} : memref<632xf32, #tpu.memory_space<vmem>>, vector<16xf32>,
    %swap3A_31 = arith.constant 112 : index
    %swap3A_32 = tpu.vector_load %arg9[%swap3A_31] {strides = array<i32>} : memref<632xf32, #tpu.memory_space<vmem>>, vector<16xf32>,
    %swap3A_33 = vector.shape_cast %swap3A_32 : vector<16xf32> to vector<16xf32>
    %swap3A_34 = vector.shape_cast %broadcast_in_dim3A_3 : vector<16xf32> to vector<16xf32>
    tpu.vector_store %arg9[%swap3A_31], %swap3A_34 {strides = array<i32>} : memref<632xf32, #tpu.memory_space<vmem>>, vector<16xf32>,
    %swap3A_35 = arith.constant 128 : index
    %swap3A_36 = tpu.vector_load %arg9[%swap3A_35] {strides = array<i32>} : memref<632xf32, #tpu.memory_space<vmem>>, vector<16xf32>,
    %swap3A_37 = vector.shape_cast %swap3A_36 : vector<16xf32> to vector<16xf32>
    %swap3A_38 = vector.shape_cast %broadcast_in_dim3A_3 : vector<16xf32> to vector<16xf32>
    tpu.vector_store %arg9[%swap3A_35], %swap3A_38 {strides = array<i32>} : memref<632xf32, #tpu.memory_space<vmem>>, vector<16xf32>,
    %swap3A_39 = arith.constant 144 : index
    %swap3A_40 = tpu.vector_load %arg9[%swap3A_39] {strides = array<i32>} : memref<632xf32, #tpu.memory_space<vmem>>, vector<16xf32>,
    %swap3A_41 = vector.shape_cast %swap3A_40 : vector<16xf32> to vector<16xf32>
    %swap3A_42 = vector.shape_cast %broadcast_in_dim3A_3 : vector<16xf32> to vector<16xf32>
    tpu.vector_store %arg9[%swap3A_39], %swap3A_42 {strides = array<i32>} : memref<632xf32, #tpu.memory_space<vmem>>, vector<16xf32>,
    %swap3A_43 = arith.constant 160 : index
    %swap3A_44 = tpu.vector_load %arg9[%swap3A_43] {strides = array<i32>} : memref<632xf32, #tpu.memory_space<vmem>>, vector<16xf32>,
    %swap3A_45 = vector.shape_cast %swap3A_44 : vector<16xf32> to vector<16xf32>
    %swap3A_46 = vector.shape_cast %broadcast_in_dim3A_3 : vector<16xf32> to vector<16xf32>
    tpu.vector_store %arg9[%swap3A_43], %swap3A_46 {strides = array<i32>} : memref<632xf32, #tpu.memory_space<vmem>>, vector<16xf32>,
    %swap3A_47 = arith.constant 176 : index
    %swap3A_48 = tpu.vector_load %arg9[%swap3A_47] {strides = array<i32>} : memref<632xf32, #tpu.memory_space<vmem>>, vector<16xf32>,
    %swap3A_49 = vector.shape_cast %swap3A_48 : vector<16xf32> to vector<16xf32>
    %swap3A_50 = vector.shape_cast %broadcast_in_dim3A_3 : vector<16xf32> to vector<16xf32>
    tpu.vector_store %arg9[%swap3A_47], %swap3A_50 {strides = array<i32>} : memref<632xf32, #tpu.memory_space<vmem>>, vector<16xf32>,
    %swap3A_51 = arith.constant 192 : index
    %swap3A_52 = tpu.vector_load %arg9[%swap3A_51] {strides = array<i32>} : memref<632xf32, #tpu.memory_space<vmem>>, vector<16xf32>,
    %swap3A_53 = vector.shape_cast %swap3A_52 : vector<16xf32> to vector<16xf32>
    %swap3A_54 = vector.shape_cast %broadcast_in_dim3A_3 : vector<16xf32> to vector<16xf32>
    tpu.vector_store %arg9[%swap3A_51], %swap3A_54 {strides = array<i32>} : memref<632xf32, #tpu.memory_space<vmem>>, vector<16xf32>,
    %swap3A_55 = arith.constant 208 : index
    %swap3A_56 = tpu.vector_load %arg9[%swap3A_55] {strides = array<i32>} : memref<632xf32, #tpu.memory_space<vmem>>, vector<16xf32>,
    %swap3A_57 = vector.shape_cast %swap3A_56 : vector<16xf32> to vector<16xf32>
    %swap3A_58 = vector.shape_cast %broadcast_in_dim3A_3 : vector<16xf32> to vector<16xf32>
    tpu.vector_store %arg9[%swap3A_55], %swap3A_58 {strides = array<i32>} : memref<632xf32, #tpu.memory_space<vmem>>, vector<16xf32>,
    %swap3A_59 = arith.constant 224 : index
    %swap3A_60 = tpu.vector_load %arg9[%swap3A_59] {strides = array<i32>} : memref<632xf32, #tpu.memory_space<vmem>>, vector<16xf32>,
    %swap3A_61 = vector.shape_cast %swap3A_60 : vector<16xf32> to vector<16xf32>
    %swap3A_62 = vector.shape_cast %broadcast_in_dim3A_3 : vector<16xf32> to vector<16xf32>
    tpu.vector_store %arg9[%swap3A_59], %swap3A_62 {strides = array<i32>} : memref<632xf32, #tpu.memory_space<vmem>>, vector<16xf32>,
    %swap3A_63 = arith.constant 240 : index
    %swap3A_64 = tpu.vector_load %arg9[%swap3A_63] {strides = array<i32>} : memref<632xf32, #tpu.memory_space<vmem>>, vector<16xf32>,
    %swap3A_65 = vector.shape_cast %swap3A_64 : vector<16xf32> to vector<16xf32>
    %swap3A_66 = vector.shape_cast %broadcast_in_dim3A_3 : vector<16xf32> to vector<16xf32>
    tpu.vector_store %arg9[%swap3A_63], %swap3A_66 {strides = array<i32>} : memref<632xf32, #tpu.memory_space<vmem>>, vector<16xf32>,
    %swap3A_67 = arith.constant 256 : index
    %swap3A_68 = tpu.vector_load %arg9[%swap3A_67] {strides = array<i32>} : memref<632xf32, #tpu.memory_space<vmem>>, vector<16xf32>,
    %swap3A_69 = vector.shape_cast %swap3A_68 : vector<16xf32> to vector<16xf32>
    %swap3A_70 = vector.shape_cast %broadcast_in_dim3A_3 : vector<16xf32> to vector<16xf32>
    tpu.vector_store %arg9[%swap3A_67], %swap3A_70 {strides = array<i32>} : memref<632xf32, #tpu.memory_space<vmem>>, vector<16xf32>,
    %swap3A_71 = arith.constant 272 : index
    %swap3A_72 = tpu.vector_load %arg9[%swap3A_71] {strides = array<i32>} : memref<632xf32, #tpu.memory_space<vmem>>, vector<16xf32>,
    %swap3A_73 = vector.shape_cast %swap3A_72 : vector<16xf32> to vector<16xf32>
    %swap3A_74 = vector.shape_cast %broadcast_in_dim3A_3 : vector<16xf32> to vector<16xf32>
    tpu.vector_store %arg9[%swap3A_71], %swap3A_74 {strides = array<i32>} : memref<632xf32, #tpu.memory_space<vmem>>, vector<16xf32>,
    %swap3A_75 = arith.constant 288 : index
    %swap3A_76 = tpu.vector_load %arg9[%swap3A_75] {strides = array<i32>} : memref<632xf32, #tpu.memory_space<vmem>>, vector<16xf32>,
    %swap3A_77 = vector.shape_cast %swap3A_76 : vector<16xf32> to vector<16xf32>
    %swap3A_78 = vector.shape_cast %broadcast_in_dim3A_3 : vector<16xf32> to vector<16xf32>
    tpu.vector_store %arg9[%swap3A_75], %swap3A_78 {strides = array<i32>} : memref<632xf32, #tpu.memory_space<vmem>>, vector<16xf32>,
    %swap3A_79 = arith.constant 304 : index
    %swap3A_80 = tpu.vector_load %arg9[%swap3A_79] {strides = array<i32>} : memref<632xf32, #tpu.memory_space<vmem>>, vector<16xf32>,
    %swap3A_81 = vector.shape_cast %swap3A_80 : vector<16xf32> to vector<16xf32>
    %swap3A_82 = vector.shape_cast %broadcast_in_dim3A_3 : vector<16xf32> to vector<16xf32>
    tpu.vector_store %arg9[%swap3A_79], %swap3A_82 {strides = array<i32>} : memref<632xf32, #tpu.memory_space<vmem>>, vector<16xf32>,
    %swap3A_83 = arith.constant 320 : index
    %swap3A_84 = tpu.vector_load %arg9[%swap3A_83] {strides = array<i32>} : memref<632xf32, #tpu.memory_space<vmem>>, vector<16xf32>,
    %swap3A_85 = vector.shape_cast %swap3A_84 : vector<16xf32> to vector<16xf32>
    %swap3A_86 = vector.shape_cast %broadcast_in_dim3A_3 : vector<16xf32> to vector<16xf32>
    tpu.vector_store %arg9[%swap3A_83], %swap3A_86 {strides = array<i32>} : memref<632xf32, #tpu.memory_space<vmem>>, vector<16xf32>,
    %swap3A_87 = arith.constant 336 : index
    %swap3A_88 = tpu.vector_load %arg9[%swap3A_87] {strides = array<i32>} : memref<632xf32, #tpu.memory_space<vmem>>, vector<16xf32>,
    %swap3A_89 = vector.shape_cast %swap3A_88 : vector<16xf32> to vector<16xf32>
    %swap3A_90 = vector.shape_cast %broadcast_in_dim3A_3 : vector<16xf32> to vector<16xf32>
    tpu.vector_store %arg9[%swap3A_87], %swap3A_90 {strides = array<i32>} : memref<632xf32, #tpu.memory_space<vmem>>, vector<16xf32>,
    %swap3A_91 = arith.constant 352 : index
    %swap3A_92 = tpu.vector_load %arg9[%swap3A_91] {strides = array<i32>} : memref<632xf32, #tpu.memory_space<vmem>>, vector<16xf32>,
    %swap3A_93 = vector.shape_cast %swap3A_92 : vector<16xf32> to vector<16xf32>
    %swap3A_94 = vector.shape_cast %broadcast_in_dim3A_3 : vector<16xf32> to vector<16xf32>
    tpu.vector_store %arg9[%swap3A_91], %swap3A_94 {strides = array<i32>} : memref<632xf32, #tpu.memory_space<vmem>>, vector<16xf32>,
    %swap3A_95 = arith.constant 368 : index
    %swap3A_96 = tpu.vector_load %arg9[%swap3A_95] {strides = array<i32>} : memref<632xf32, #tpu.memory_space<vmem>>, vector<16xf32>,
    %swap3A_97 = vector.shape_cast %swap3A_96 : vector<16xf32> to vector<16xf32>
    %swap3A_98 = vector.shape_cast %broadcast_in_dim3A_3 : vector<16xf32> to vector<16xf32>
    tpu.vector_store %arg9[%swap3A_95], %swap3A_98 {strides = array<i32>} : memref<632xf32, #tpu.memory_space<vmem>>, vector<16xf32>,
    %swap3A_99 = arith.constant 384 : index
    %swap3A_100 = tpu.vector_load %arg9[%swap3A_99] {strides = array<i32>} : memref<632xf32, #tpu.memory_space<vmem>>, vector<16xf32>,
    %swap3A_101 = vector.shape_cast %swap3A_100 : vector<16xf32> to vector<16xf32>
    %swap3A_102 = vector.shape_cast %broadcast_in_dim3A_3 : vector<16xf32> to vector<16xf32>
    tpu.vector_store %arg9[%swap3A_99], %swap3A_102 {strides = array<i32>} : memref<632xf32, #tpu.memory_space<vmem>>, vector<16xf32>,
    %swap3A_103 = arith.constant 400 : index
    %swap3A_104 = tpu.vector_load %arg9[%swap3A_103] {strides = array<i32>} : memref<632xf32, #tpu.memory_space<vmem>>, vector<16xf32>,
    %swap3A_105 = vector.shape_cast %swap3A_104 : vector<16xf32> to vector<16xf32>
    %swap3A_106 = vector.shape_cast %broadcast_in_dim3A_3 : vector<16xf32> to vector<16xf32>
    tpu.vector_store %arg9[%swap3A_103], %swap3A_106 {strides = array<i32>} : memref<632xf32, #tpu.memory_space<vmem>>, vector<16xf32>,
    %swap3A_107 = arith.constant 416 : index
    %swap3A_108 = tpu.vector_load %arg9[%swap3A_107] {strides = array<i32>} : memref<632xf32, #tpu.memory_space<vmem>>, vector<16xf32>,
    %swap3A_109 = vector.shape_cast %swap3A_108 : vector<16xf32> to vector<16xf32>
    %swap3A_110 = vector.shape_cast %broadcast_in_dim3A_3 : vector<16xf32> to vector<16xf32>
    tpu.vector_store %arg9[%swap3A_107], %swap3A_110 {strides = array<i32>} : memref<632xf32, #tpu.memory_space<vmem>>, vector<16xf32>,
    %swap3A_111 = arith.constant 432 : index
    %swap3A_112 = tpu.vector_load %arg9[%swap3A_111] {strides = array<i32>} : memref<632xf32, #tpu.memory_space<vmem>>, vector<16xf32>,
    %swap3A_113 = vector.shape_cast %swap3A_112 : vector<16xf32> to vector<16xf32>
    %swap3A_114 = vector.shape_cast %broadcast_in_dim3A_3 : vector<16xf32> to vector<16xf32>
    tpu.vector_store %arg9[%swap3A_111], %swap3A_114 {strides = array<i32>} : memref<632xf32, #tpu.memory_space<vmem>>, vector<16xf32>,
    %swap3A_115 = arith.constant 448 : index
    %swap3A_116 = tpu.vector_load %arg9[%swap3A_115] {strides = array<i32>} : memref<632xf32, #tpu.memory_space<vmem>>, vector<16xf32>,
    %swap3A_117 = vector.shape_cast %swap3A_116 : vector<16xf32> to vector<16xf32>
    %swap3A_118 = vector.shape_cast %broadcast_in_dim3A_3 : vector<16xf32> to vector<16xf32>
    tpu.vector_store %arg9[%swap3A_115], %swap3A_118 {strides = array<i32>} : memref<632xf32, #tpu.memory_space<vmem>>, vector<16xf32>,
    %swap3A_119 = arith.constant 464 : index
    %swap3A_120 = tpu.vector_load %arg9[%swap3A_119] {strides = array<i32>} : memref<632xf32, #tpu.memory_space<vmem>>, vector<16xf32>,
    %swap3A_121 = vector.shape_cast %swap3A_120 : vector<16xf32> to vector<16xf32>
    %swap3A_122 = vector.shape_cast %broadcast_in_dim3A_3 : vector<16xf32> to vector<16xf32>
    tpu.vector_store %arg9[%swap3A_119], %swap3A_122 {strides = array<i32>} : memref<632xf32, #tpu.memory_space<vmem>>, vector<16xf32>,
    %swap3A_123 = arith.constant 480 : index
    %swap3A_124 = tpu.vector_load %arg9[%swap3A_123] {strides = array<i32>} : memref<632xf32, #tpu.memory_space<vmem>>, vector<16xf32>,
    %swap3A_125 = vector.shape_cast %swap3A_124 : vector<16xf32> to vector<16xf32>
    %swap3A_126 = vector.shape_cast %broadcast_in_dim3A_3 : vector<16xf32> to vector<16xf32>
    tpu.vector_store %arg9[%swap3A_123], %swap3A_126 {strides = array<i32>} : memref<632xf32, #tpu.memory_space<vmem>>, vector<16xf32>,
    %swap3A_127 = arith.constant 496 : index
    %swap3A_128 = tpu.vector_load %arg9[%swap3A_127] {strides = array<i32>} : memref<632xf32, #tpu.memory_space<vmem>>, vector<16xf32>,
    %swap3A_129 = vector.shape_cast %swap3A_128 : vector<16xf32> to vector<16xf32>
    %swap3A_130 = vector.shape_cast %broadcast_in_dim3A_3 : vector<16xf32> to vector<16xf32>
    tpu.vector_store %arg9[%swap3A_127], %swap3A_130 {strides = array<i32>} : memref<632xf32, #tpu.memory_space<vmem>>, vector<16xf32>,
    %swap3A_131 = arith.constant 512 : index
    %swap3A_132 = tpu.vector_load %arg9[%swap3A_131] {strides = array<i32>} : memref<632xf32, #tpu.memory_space<vmem>>, vector<16xf32>,
    %swap3A_133 = vector.shape_cast %swap3A_132 : vector<16xf32> to vector<16xf32>
    %swap3A_134 = vector.shape_cast %broadcast_in_dim3A_3 : vector<16xf32> to vector<16xf32>
    tpu.vector_store %arg9[%swap3A_131], %swap3A_134 {strides = array<i32>} : memref<632xf32, #tpu.memory_space<vmem>>, vector<16xf32>,
    %swap3A_135 = arith.constant 528 : index
    %swap3A_136 = tpu.vector_load %arg9[%swap3A_135] {strides = array<i32>} : memref<632xf32, #tpu.memory_space<vmem>>, vector<16xf32>,
    %swap3A_137 = vector.shape_cast %swap3A_136 : vector<16xf32> to vector<16xf32>
    %swap3A_138 = vector.shape_cast %broadcast_in_dim3A_3 : vector<16xf32> to vector<16xf32>
    tpu.vector_store %arg9[%swap3A_135], %swap3A_138 {strides = array<i32>} : memref<632xf32, #tpu.memory_space<vmem>>, vector<16xf32>,
    %swap3A_139 = arith.constant 544 : index
    %swap3A_140 = tpu.vector_load %arg9[%swap3A_139] {strides = array<i32>} : memref<632xf32, #tpu.memory_space<vmem>>, vector<16xf32>,
    %swap3A_141 = vector.shape_cast %swap3A_140 : vector<16xf32> to vector<16xf32>
    %swap3A_142 = vector.shape_cast %broadcast_in_dim3A_3 : vector<16xf32> to vector<16xf32>
    tpu.vector_store %arg9[%swap3A_139], %swap3A_142 {strides = array<i32>} : memref<632xf32, #tpu.memory_space<vmem>>, vector<16xf32>,
    %swap3A_143 = arith.constant 560 : index
    %swap3A_144 = tpu.vector_load %arg9[%swap3A_143] {strides = array<i32>} : memref<632xf32, #tpu.memory_space<vmem>>, vector<16xf32>,
    %swap3A_145 = vector.shape_cast %swap3A_144 : vector<16xf32> to vector<16xf32>
    %swap3A_146 = vector.shape_cast %broadcast_in_dim3A_3 : vector<16xf32> to vector<16xf32>
    tpu.vector_store %arg9[%swap3A_143], %swap3A_146 {strides = array<i32>} : memref<632xf32, #tpu.memory_space<vmem>>, vector<16xf32>,
    %swap3A_147 = arith.constant 576 : index
    %swap3A_148 = tpu.vector_load %arg9[%swap3A_147] {strides = array<i32>} : memref<632xf32, #tpu.memory_space<vmem>>, vector<16xf32>,
    %swap3A_149 = vector.shape_cast %swap3A_148 : vector<16xf32> to vector<16xf32>
    %swap3A_150 = vector.shape_cast %broadcast_in_dim3A_3 : vector<16xf32> to vector<16xf32>
    tpu.vector_store %arg9[%swap3A_147], %swap3A_150 {strides = array<i32>} : memref<632xf32, #tpu.memory_space<vmem>>, vector<16xf32>,
    %swap3A_151 = arith.constant 592 : index
    %swap3A_152 = tpu.vector_load %arg9[%swap3A_151] {strides = array<i32>} : memref<632xf32, #tpu.memory_space<vmem>>, vector<16xf32>,
    %swap3A_153 = vector.shape_cast %swap3A_152 : vector<16xf32> to vector<16xf32>
    %swap3A_154 = vector.shape_cast %broadcast_in_dim3A_3 : vector<16xf32> to vector<16xf32>
    tpu.vector_store %arg9[%swap3A_151], %swap3A_154 {strides = array<i32>} : memref<632xf32, #tpu.memory_space<vmem>>, vector<16xf32>,
    %swap3A_155 = arith.constant 608 : index
    %swap3A_156 = tpu.vector_load %arg9[%swap3A_155] {strides = array<i32>} : memref<632xf32, #tpu.memory_space<vmem>>, vector<16xf32>,
    %swap3A_157 = vector.shape_cast %swap3A_156 : vector<16xf32> to vector<16xf32>
    %swap3A_158 = vector.shape_cast %broadcast_in_dim3A_3 : vector<16xf32> to vector<16xf32>
    tpu.vector_store %arg9[%swap3A_155], %swap3A_158 {strides = array<i32>} : memref<632xf32, #tpu.memory_space<vmem>>, vector<16xf32>,
    %swap3A_159 = arith.constant 616 : index
    %swap3A_160 = tpu.vector_load %arg9[%swap3A_159] {strides = array<i32>} : memref<632xf32, #tpu.memory_space<vmem>>, vector<16xf32>,
    %swap3A_161 = vector.shape_cast %swap3A_160 : vector<16xf32> to vector<16xf32>
    %swap3A_162 = vector.shape_cast %broadcast_in_dim3A_3 : vector<16xf32> to vector<16xf32>
    tpu.vector_store %arg9[%swap3A_159], %swap3A_162 {strides = array<i32>} : memref<632xf32, #tpu.memory_space<vmem>>, vector<16xf32>,
    %broadcast_in_dim3A_163 = arith.constant 1.000000e+00 : f32
    %broadcast_in_dim3A_164 = vector.broadcast %broadcast_in_dim3A_163 : f32 to vector<16xf32>
    %swap3A_165 = arith.constant 0 : index
    %swap3A_166 = tpu.vector_load %arg8[%swap3A_165] {strides = array<i32>} : memref<128xf32, #tpu.memory_space<vmem>>, vector<16xf32>,
    %swap3A_167 = vector.shape_cast %swap3A_166 : vector<16xf32> to vector<16xf32>
    %swap3A_168 = vector.shape_cast %broadcast_in_dim3A_164 : vector<16xf32> to vector<16xf32>
    tpu.vector_store %arg8[%swap3A_165], %swap3A_168 {strides = array<i32>} : memref<128xf32, #tpu.memory_space<vmem>>, vector<16xf32>,
    %swap3A_169 = arith.constant 16 : index
    %swap3A_170 = tpu.vector_load %arg8[%swap3A_169] {strides = array<i32>} : memref<128xf32, #tpu.memory_space<vmem>>, vector<16xf32>,
    %swap3A_171 = vector.shape_cast %swap3A_170 : vector<16xf32> to vector<16xf32>
    %swap3A_172 = vector.shape_cast %broadcast_in_dim3A_164 : vector<16xf32> to vector<16xf32>
    tpu.vector_store %arg8[%swap3A_169], %swap3A_172 {strides = array<i32>} : memref<128xf32, #tpu.memory_space<vmem>>, vector<16xf32>,
    %swap3A_173 = arith.constant 32 : index
    %swap3A_174 = tpu.vector_load %arg8[%swap3A_173] {strides = array<i32>} : memref<128xf32, #tpu.memory_space<vmem>>, vector<16xf32>,
    %swap3A_175 = vector.shape_cast %swap3A_174 : vector<16xf32> to vector<16xf32>
    %swap3A_176 = vector.shape_cast %broadcast_in_dim3A_164 : vector<16xf32> to vector<16xf32>
    tpu.vector_store %arg8[%swap3A_173], %swap3A_176 {strides = array<i32>} : memref<128xf32, #tpu.memory_space<vmem>>, vector<16xf32>,
    %swap3A_177 = arith.constant 48 : index
    %swap3A_178 = tpu.vector_load %arg8[%swap3A_177] {strides = array<i32>} : memref<128xf32, #tpu.memory_space<vmem>>, vector<16xf32>,
    %swap3A_179 = vector.shape_cast %swap3A_178 : vector<16xf32> to vector<16xf32>
    %swap3A_180 = vector.shape_cast %broadcast_in_dim3A_164 : vector<16xf32> to vector<16xf32>
    tpu.vector_store %arg8[%swap3A_177], %swap3A_180 {strides = array<i32>} : memref<128xf32, #tpu.memory_space<vmem>>, vector<16xf32>,
    %swap3A_181 = arith.constant 64 : index
    %swap3A_182 = tpu.vector_load %arg8[%swap3A_181] {strides = array<i32>} : memref<128xf32, #tpu.memory_space<vmem>>, vector<16xf32>,
    %swap3A_183 = vector.shape_cast %swap3A_182 : vector<16xf32> to vector<16xf32>
    %swap3A_184 = vector.shape_cast %broadcast_in_dim3A_164 : vector<16xf32> to vector<16xf32>
    tpu.vector_store %arg8[%swap3A_181], %swap3A_184 {strides = array<i32>} : memref<128xf32, #tpu.memory_space<vmem>>, vector<16xf32>,
    %swap3A_185 = arith.constant 80 : index
    %swap3A_186 = tpu.vector_load %arg8[%swap3A_185] {strides = array<i32>} : memref<128xf32, #tpu.memory_space<vmem>>, vector<16xf32>,
    %swap3A_187 = vector.shape_cast %swap3A_186 : vector<16xf32> to vector<16xf32>
    %swap3A_188 = vector.shape_cast %broadcast_in_dim3A_164 : vector<16xf32> to vector<16xf32>
    tpu.vector_store %arg8[%swap3A_185], %swap3A_188 {strides = array<i32>} : memref<128xf32, #tpu.memory_space<vmem>>, vector<16xf32>,
    %swap3A_189 = arith.constant 96 : index
    %swap3A_190 = tpu.vector_load %arg8[%swap3A_189] {strides = array<i32>} : memref<128xf32, #tpu.memory_space<vmem>>, vector<16xf32>,
    %swap3A_191 = vector.shape_cast %swap3A_190 : vector<16xf32> to vector<16xf32>
    %swap3A_192 = vector.shape_cast %broadcast_in_dim3A_164 : vector<16xf32> to vector<16xf32>
    tpu.vector_store %arg8[%swap3A_189], %swap3A_192 {strides = array<i32>} : memref<128xf32, #tpu.memory_space<vmem>>, vector<16xf32>,
    %swap3A_193 = arith.constant 112 : index
    %swap3A_194 = tpu.vector_load %arg8[%swap3A_193] {strides = array<i32>} : memref<128xf32, #tpu.memory_space<vmem>>, vector<16xf32>,
    %swap3A_195 = vector.shape_cast %swap3A_194 : vector<16xf32> to vector<16xf32>
    %swap3A_196 = vector.shape_cast %broadcast_in_dim3A_164 : vector<16xf32> to vector<16xf32>
    tpu.vector_store %arg8[%swap3A_193], %swap3A_196 {strides = array<i32>} : memref<128xf32, #tpu.memory_space<vmem>>, vector<16xf32>,
    "tpu.region"() ({
      %run_scoped3A = tpu.sem_alloc : memref<!tpu.dma_semaphore, #tpu.memory_space<semaphore_mem>>
      %dma_start3A = tpu.memref_slice %arg10[%mul3A_2] : memref<10112xf32, #tpu.memory_space<vmem_shared>> -> memref<632xf32, #tpu.memory_space<vmem_shared>>
      %dma_start3A_213 = tpu.memref_slice %arg10[%mul3A_2] : memref<10112xf32, #tpu.memory_space<vmem_shared>> -> memref<632xf32, #tpu.memory_space<vmem_shared>>
      tpu.enqueue_dma source(%arg9 : memref<632xf32, #tpu.memory_space<vmem>>) target(%dma_start3A_213 : memref<632xf32, #tpu.memory_space<vmem_shared>>) target_semaphore(%run_scoped3A : memref<!tpu.dma_semaphore, #tpu.memory_space<semaphore_mem>>)
      %dma_wait3A = tpu.memref_slice %arg10[%mul3A_2] : memref<10112xf32, #tpu.memory_space<vmem_shared>> -> memref<632xf32, #tpu.memory_space<vmem_shared>>
      %dma_wait3A_214 = tpu.memref_slice %arg10[%mul3A_2] : memref<10112xf32, #tpu.memory_space<vmem_shared>> -> memref<632xf32, #tpu.memory_space<vmem_shared>>
      tpu.wait_dma2 semaphore(%run_scoped3A : memref<!tpu.dma_semaphore, #tpu.memory_space<semaphore_mem>>) src(%arg9 : memref<632xf32, #tpu.memory_space<vmem>>) dst(%dma_wait3A_214 : memref<632xf32, #tpu.memory_space<vmem_shared>>)
      tpu.yield
    }) : () -> ()
    "tpu.region"() ({
      %run_scoped3A = tpu.sem_alloc : memref<!tpu.dma_semaphore, #tpu.memory_space<semaphore_mem>>
      %dma_start3A = tpu.memref_slice %arg11[%mul3A_2] : memref<10112xf32, #tpu.memory_space<vmem_shared>> -> memref<632xf32, #tpu.memory_space<vmem_shared>>
      %dma_start3A_213 = tpu.memref_slice %arg11[%mul3A_2] : memref<10112xf32, #tpu.memory_space<vmem_shared>> -> memref<632xf32, #tpu.memory_space<vmem_shared>>
      tpu.enqueue_dma source(%arg9 : memref<632xf32, #tpu.memory_space<vmem>>) target(%dma_start3A_213 : memref<632xf32, #tpu.memory_space<vmem_shared>>) target_semaphore(%run_scoped3A : memref<!tpu.dma_semaphore, #tpu.memory_space<semaphore_mem>>)
      %dma_wait3A = tpu.memref_slice %arg11[%mul3A_2] : memref<10112xf32, #tpu.memory_space<vmem_shared>> -> memref<632xf32, #tpu.memory_space<vmem_shared>>
      %dma_wait3A_214 = tpu.memref_slice %arg11[%mul3A_2] : memref<10112xf32, #tpu.memory_space<vmem_shared>> -> memref<632xf32, #tpu.memory_space<vmem_shared>>
      tpu.wait_dma2 semaphore(%run_scoped3A : memref<!tpu.dma_semaphore, #tpu.memory_space<semaphore_mem>>) src(%arg9 : memref<632xf32, #tpu.memory_space<vmem>>) dst(%dma_wait3A_214 : memref<632xf32, #tpu.memory_space<vmem_shared>>)
      tpu.yield
    }) : () -> ()
    %mul3A_197 = arith.constant 80 : i32
    %mul3A_198 = arith.muli %add3A, %mul3A_197 : i32
    "tpu.region"() ({
      %run_scoped3A = tpu.sem_alloc : memref<!tpu.dma_semaphore, #tpu.memory_space<semaphore_mem>>
      %dma_start3A = arith.constant 0 : i32
      %dma_start3A_213 = tpu.memref_slice %arg2[%mul3A_198, %dma_start3A] : memref<2560x128xi32, #tpu.memory_space<hbm>> -> memref<80x128xi32, #tpu.memory_space<hbm>>
      %dma_start3A_214 = arith.constant 0 : i32
      %dma_start3A_215 = tpu.memref_slice %arg2[%mul3A_198, %dma_start3A_214] : memref<2560x128xi32, #tpu.memory_space<hbm>> -> memref<80x128xi32, #tpu.memory_space<hbm>>
      tpu.enqueue_dma source(%dma_start3A_215 : memref<80x128xi32, #tpu.memory_space<hbm>>) target(%arg6 : memref<80x128xi32, #tpu.memory_space<vmem>>) target_semaphore(%run_scoped3A : memref<!tpu.dma_semaphore, #tpu.memory_space<semaphore_mem>>)
      %dma_wait3A = arith.constant 0 : i32
      %dma_wait3A_216 = tpu.memref_slice %arg2[%mul3A_198, %dma_wait3A] : memref<2560x128xi32, #tpu.memory_space<hbm>> -> memref<80x128xi32, #tpu.memory_space<hbm>>
      %dma_wait3A_217 = arith.constant 0 : i32
      %dma_wait3A_218 = tpu.memref_slice %arg2[%mul3A_198, %dma_wait3A_217] : memref<2560x128xi32, #tpu.memory_space<hbm>> -> memref<80x128xi32, #tpu.memory_space<hbm>>
      tpu.wait_dma2 semaphore(%run_scoped3A : memref<!tpu.dma_semaphore, #tpu.memory_space<semaphore_mem>>) src(%dma_wait3A_218 : memref<80x128xi32, #tpu.memory_space<hbm>>) dst(%arg6 : memref<80x128xi32, #tpu.memory_space<vmem>>)
      tpu.yield
    }) : () -> ()
    %mul3A_199 = arith.constant 80 : i32
    %mul3A_200 = arith.muli %add3A, %mul3A_199 : i32
    "tpu.region"() ({
      %run_scoped3A = tpu.sem_alloc : memref<!tpu.dma_semaphore, #tpu.memory_space<semaphore_mem>>
      %dma_start3A = arith.constant 0 : i32
      %dma_start3A_213 = tpu.memref_slice %arg3[%mul3A_200, %dma_start3A] : memref<2560x128xi32, #tpu.memory_space<hbm>> -> memref<80x128xi32, #tpu.memory_space<hbm>>
      %dma_start3A_214 = arith.constant 0 : i32
      %dma_start3A_215 = tpu.memref_slice %arg3[%mul3A_200, %dma_start3A_214] : memref<2560x128xi32, #tpu.memory_space<hbm>> -> memref<80x128xi32, #tpu.memory_space<hbm>>
      tpu.enqueue_dma source(%dma_start3A_215 : memref<80x128xi32, #tpu.memory_space<hbm>>) target(%arg7 : memref<80x128xi32, #tpu.memory_space<vmem>>) target_semaphore(%run_scoped3A : memref<!tpu.dma_semaphore, #tpu.memory_space<semaphore_mem>>)
      %dma_wait3A = arith.constant 0 : i32
      %dma_wait3A_216 = tpu.memref_slice %arg3[%mul3A_200, %dma_wait3A] : memref<2560x128xi32, #tpu.memory_space<hbm>> -> memref<80x128xi32, #tpu.memory_space<hbm>>
      %dma_wait3A_217 = arith.constant 0 : i32
      %dma_wait3A_218 = tpu.memref_slice %arg3[%mul3A_200, %dma_wait3A_217] : memref<2560x128xi32, #tpu.memory_space<hbm>> -> memref<80x128xi32, #tpu.memory_space<hbm>>
      tpu.wait_dma2 semaphore(%run_scoped3A : memref<!tpu.dma_semaphore, #tpu.memory_space<semaphore_mem>>) src(%dma_wait3A_218 : memref<80x128xi32, #tpu.memory_space<hbm>>) dst(%arg7 : memref<80x128xi32, #tpu.memory_space<vmem>>)
      tpu.yield
    }) : () -> ()
    %barrier3A = arith.constant 0 : index
    tpu.barrier barrier_id(%barrier3A)
    %scan3A = arith.constant 0 : i32
    %scan3A_201 = arith.constant 0 : i32
    %scan3A_202 = arith.constant 80 : i32
    %scan3A_203 = arith.addi %scan3A_201, %scan3A_202 : i32
    %scan3A_204 = arith.constant 1 : i32
    scf.for %scan3A_213 = %scan3A_201 to %scan3A_203 step %scan3A_204  : i32 {
      "tpu.region"() ({
        %run_scoped3A = tpu.sem_alloc : memref<!tpu.dma_semaphore, #tpu.memory_space<semaphore_mem>>
        %dma_start3A = arith.constant 0 : i32
        %dma_start3A_214 = tpu.memref_slice %arg6[%scan3A_213, %dma_start3A] : memref<80x128xi32, #tpu.memory_space<vmem>> -> memref<1x128xi32, #tpu.memory_space<vmem>>
        %dma_start3A_215 = tpu.memref_squeeze %dma_start3A_214 : memref<1x128xi32, #tpu.memory_space<vmem>> -> memref<128xi32, #tpu.memory_space<vmem>>
        %dma_start3A_216 = arith.constant 0 : i32
        %dma_start3A_217 = tpu.memref_slice %arg10[%dma_start3A_216] : memref<10112xf32, #tpu.memory_space<vmem_shared>> -> memref<10112xf32, #tpu.memory_space<vmem_shared>>
        tpu.enqueue_indirect_dma source(%arg8 : memref<128xf32, #tpu.memory_space<vmem>>) target(%dma_start3A_217 : memref<10112xf32, #tpu.memory_space<vmem_shared>>) offsets(%dma_start3A_215 : memref<128xi32, #tpu.memory_space<vmem>>) semaphore(%run_scoped3A : memref<!tpu.dma_semaphore, #tpu.memory_space<semaphore_mem>>) {add = true}
        %dma_wait3A = arith.constant 0 : i32
        %dma_wait3A_218 = tpu.memref_slice %arg6[%scan3A_213, %dma_wait3A] : memref<80x128xi32, #tpu.memory_space<vmem>> -> memref<1x128xi32, #tpu.memory_space<vmem>>
        %dma_wait3A_219 = tpu.memref_squeeze %dma_wait3A_218 : memref<1x128xi32, #tpu.memory_space<vmem>> -> memref<128xi32, #tpu.memory_space<vmem>>
        %dma_wait3A_220 = arith.constant 0 : i32
        %dma_wait3A_221 = tpu.memref_slice %arg10[%dma_wait3A_220] : memref<10112xf32, #tpu.memory_space<vmem_shared>> -> memref<10112xf32, #tpu.memory_space<vmem_shared>>
        tpu.wait_indirect_dma semaphore(%run_scoped3A : memref<!tpu.dma_semaphore, #tpu.memory_space<semaphore_mem>>) src(%arg8 : memref<128xf32, #tpu.memory_space<vmem>>) dst(%dma_wait3A_221 : memref<10112xf32, #tpu.memory_space<vmem_shared>>)
        tpu.yield
      }) : () -> ()
      "tpu.region"() ({
        %run_scoped3A = tpu.sem_alloc : memref<!tpu.dma_semaphore, #tpu.memory_space<semaphore_mem>>
        %dma_start3A = arith.constant 0 : i32
        %dma_start3A_214 = tpu.memref_slice %arg7[%scan3A_213, %dma_start3A] : memref<80x128xi32, #tpu.memory_space<vmem>> -> memref<1x128xi32, #tpu.memory_space<vmem>>
        %dma_start3A_215 = tpu.memref_squeeze %dma_start3A_214 : memref<1x128xi32, #tpu.memory_space<vmem>> -> memref<128xi32, #tpu.memory_space<vmem>>
        %dma_start3A_216 = arith.constant 0 : i32
        %dma_start3A_217 = tpu.memref_slice %arg11[%dma_start3A_216] : memref<10112xf32, #tpu.memory_space<vmem_shared>> -> memref<10112xf32, #tpu.memory_space<vmem_shared>>
        tpu.enqueue_indirect_dma source(%arg8 : memref<128xf32, #tpu.memory_space<vmem>>) target(%dma_start3A_217 : memref<10112xf32, #tpu.memory_space<vmem_shared>>) offsets(%dma_start3A_215 : memref<128xi32, #tpu.memory_space<vmem>>) semaphore(%run_scoped3A : memref<!tpu.dma_semaphore, #tpu.memory_space<semaphore_mem>>) {add = true}
        %dma_wait3A = arith.constant 0 : i32
        %dma_wait3A_218 = tpu.memref_slice %arg7[%scan3A_213, %dma_wait3A] : memref<80x128xi32, #tpu.memory_space<vmem>> -> memref<1x128xi32, #tpu.memory_space<vmem>>
        %dma_wait3A_219 = tpu.memref_squeeze %dma_wait3A_218 : memref<1x128xi32, #tpu.memory_space<vmem>> -> memref<128xi32, #tpu.memory_space<vmem>>
        %dma_wait3A_220 = arith.constant 0 : i32
        %dma_wait3A_221 = tpu.memref_slice %arg11[%dma_wait3A_220] : memref<10112xf32, #tpu.memory_space<vmem_shared>> -> memref<10112xf32, #tpu.memory_space<vmem_shared>>
        tpu.wait_indirect_dma semaphore(%run_scoped3A : memref<!tpu.dma_semaphore, #tpu.memory_space<semaphore_mem>>) src(%arg8 : memref<128xf32, #tpu.memory_space<vmem>>) dst(%dma_wait3A_221 : memref<10112xf32, #tpu.memory_space<vmem_shared>>)
        tpu.yield
      }) : () -> ()
    }
    %scan3A_205 = arith.constant 80 : i32
    %barrier3A_206 = arith.constant 0 : index
    tpu.barrier barrier_id(%barrier3A_206)
    "tpu.region"() ({
      %run_scoped3A = tpu.sem_alloc : memref<!tpu.dma_semaphore, #tpu.memory_space<semaphore_mem>>
      %dma_start3A = tpu.memref_slice %arg10[%mul3A_2] : memref<10112xf32, #tpu.memory_space<vmem_shared>> -> memref<632xf32, #tpu.memory_space<vmem_shared>>
      %dma_start3A_213 = tpu.memref_slice %arg10[%mul3A_2] : memref<10112xf32, #tpu.memory_space<vmem_shared>> -> memref<632xf32, #tpu.memory_space<vmem_shared>>
      tpu.enqueue_dma source(%dma_start3A_213 : memref<632xf32, #tpu.memory_space<vmem_shared>>) target(%arg9 : memref<632xf32, #tpu.memory_space<vmem>>) target_semaphore(%run_scoped3A : memref<!tpu.dma_semaphore, #tpu.memory_space<semaphore_mem>>)
      %dma_wait3A = tpu.memref_slice %arg10[%mul3A_2] : memref<10112xf32, #tpu.memory_space<vmem_shared>> -> memref<632xf32, #tpu.memory_space<vmem_shared>>
      %dma_wait3A_214 = tpu.memref_slice %arg10[%mul3A_2] : memref<10112xf32, #tpu.memory_space<vmem_shared>> -> memref<632xf32, #tpu.memory_space<vmem_shared>>
      tpu.wait_dma2 semaphore(%run_scoped3A : memref<!tpu.dma_semaphore, #tpu.memory_space<semaphore_mem>>) src(%dma_wait3A_214 : memref<632xf32, #tpu.memory_space<vmem_shared>>) dst(%arg9 : memref<632xf32, #tpu.memory_space<vmem>>)
      tpu.yield
    }) : () -> ()
    %mul3A_207 = arith.constant 10112 : i32
    %mul3A_208 = arith.muli %arg0, %mul3A_207 : i32
    %add3A_209 = arith.addi %mul3A_208, %mul3A_2 : i32
    "tpu.region"() ({
      %run_scoped3A = tpu.sem_alloc : memref<!tpu.dma_semaphore, #tpu.memory_space<semaphore_mem>>
      %dma_start3A = tpu.memref_slice %arg4[%add3A_209] : memref<20224xf32, #tpu.memory_space<hbm>> -> memref<632xf32, #tpu.memory_space<hbm>>
      %dma_start3A_213 = tpu.memref_slice %arg4[%add3A_209] : memref<20224xf32, #tpu.memory_space<hbm>> -> memref<632xf32, #tpu.memory_space<hbm>>
      tpu.enqueue_dma source(%arg9 : memref<632xf32, #tpu.memory_space<vmem>>) target(%dma_start3A_213 : memref<632xf32, #tpu.memory_space<hbm>>) target_semaphore(%run_scoped3A : memref<!tpu.dma_semaphore, #tpu.memory_space<semaphore_mem>>)
      %dma_wait3A = tpu.memref_slice %arg4[%add3A_209] : memref<20224xf32, #tpu.memory_space<hbm>> -> memref<632xf32, #tpu.memory_space<hbm>>
      %dma_wait3A_214 = tpu.memref_slice %arg4[%add3A_209] : memref<20224xf32, #tpu.memory_space<hbm>> -> memref<632xf32, #tpu.memory_space<hbm>>
      tpu.wait_dma2 semaphore(%run_scoped3A : memref<!tpu.dma_semaphore, #tpu.memory_space<semaphore_mem>>) src(%arg9 : memref<632xf32, #tpu.memory_space<vmem>>) dst(%dma_wait3A_214 : memref<632xf32, #tpu.memory_space<hbm>>)
      tpu.yield
    }) : () -> ()
    "tpu.region"() ({
      %run_scoped3A = tpu.sem_alloc : memref<!tpu.dma_semaphore, #tpu.memory_space<semaphore_mem>>
      %dma_start3A = tpu.memref_slice %arg11[%mul3A_2] : memref<10112xf32, #tpu.memory_space<vmem_shared>> -> memref<632xf32, #tpu.memory_space<vmem_shared>>
      %dma_start3A_213 = tpu.memref_slice %arg11[%mul3A_2] : memref<10112xf32, #tpu.memory_space<vmem_shared>> -> memref<632xf32, #tpu.memory_space<vmem_shared>>
      tpu.enqueue_dma source(%dma_start3A_213 : memref<632xf32, #tpu.memory_space<vmem_shared>>) target(%arg9 : memref<632xf32, #tpu.memory_space<vmem>>) target_semaphore(%run_scoped3A : memref<!tpu.dma_semaphore, #tpu.memory_space<semaphore_mem>>)
      %dma_wait3A = tpu.memref_slice %arg11[%mul3A_2] : memref<10112xf32, #tpu.memory_space<vmem_shared>> -> memref<632xf32, #tpu.memory_space<vmem_shared>>
      %dma_wait3A_214 = tpu.memref_slice %arg11[%mul3A_2] : memref<10112xf32, #tpu.memory_space<vmem_shared>> -> memref<632xf32, #tpu.memory_space<vmem_shared>>
      tpu.wait_dma2 semaphore(%run_scoped3A : memref<!tpu.dma_semaphore, #tpu.memory_space<semaphore_mem>>) src(%dma_wait3A_214 : memref<632xf32, #tpu.memory_space<vmem_shared>>) dst(%arg9 : memref<632xf32, #tpu.memory_space<vmem>>)
      tpu.yield
    }) : () -> ()
    %mul3A_210 = arith.constant 10112 : i32
    %mul3A_211 = arith.muli %arg0, %mul3A_210 : i32
    %add3A_212 = arith.addi %mul3A_211, %mul3A_2 : i32
    "tpu.region"() ({
      %run_scoped3A = tpu.sem_alloc : memref<!tpu.dma_semaphore, #tpu.memory_space<semaphore_mem>>
      %dma_start3A = tpu.memref_slice %arg5[%add3A_212] : memref<20224xf32, #tpu.memory_space<hbm>> -> memref<632xf32, #tpu.memory_space<hbm>>
      %dma_start3A_213 = tpu.memref_slice %arg5[%add3A_212] : memref<20224xf32, #tpu.memory_space<hbm>> -> memref<632xf32, #tpu.memory_space<hbm>>
      tpu.enqueue_dma source(%arg9 : memref<632xf32, #tpu.memory_space<vmem>>) target(%dma_start3A_213 : memref<632xf32, #tpu.memory_space<hbm>>) target_semaphore(%run_scoped3A : memref<!tpu.dma_semaphore, #tpu.memory_space<semaphore_mem>>)
      %dma_wait3A = tpu.memref_slice %arg5[%add3A_212] : memref<20224xf32, #tpu.memory_space<hbm>> -> memref<632xf32, #tpu.memory_space<hbm>>
      %dma_wait3A_214 = tpu.memref_slice %arg5[%add3A_212] : memref<20224xf32, #tpu.memory_space<hbm>> -> memref<632xf32, #tpu.memory_space<hbm>>
      tpu.wait_dma2 semaphore(%run_scoped3A : memref<!tpu.dma_semaphore, #tpu.memory_space<semaphore_mem>>) src(%arg9 : memref<632xf32, #tpu.memory_space<vmem>>) dst(%dma_wait3A_214 : memref<632xf32, #tpu.memory_space<hbm>>)
      tpu.yield
    }) : () -> ()
    return
  }
}

#map = affine_map<(d0, d1) -> (0, 0)>
#map1 = affine_map<(d0, d1) -> (0, 0, 0)>
module attributes {stable_mosaic.version = 14 : i64} {
  func.func @_mp_body(%arg0: i32, %arg1: i32, %arg2: memref<10112x128xf32, #tpu.memory_space<hbm>>, %arg3: memref<2560x128xi32, #tpu.memory_space<hbm>>, %arg4: memref<2560x128xi32, #tpu.memory_space<hbm>>, %arg5: memref<2x10112x128xf32, #tpu.memory_space<hbm>>, %arg6: memref<40x128xi32, #tpu.memory_space<vmem>>, %arg7: memref<40x128xi32, #tpu.memory_space<vmem>>, %arg8: memref<128x128xf32, #tpu.memory_space<vmem>>, %arg9: memref<128x128xf32, #tpu.memory_space<vmem>>, %arg10: memref<10112x128xf32, #tpu.memory_space<vmem_shared>>, %arg11: memref<!tpu.dma_semaphore, #tpu.memory_space<semaphore_mem>>, %arg12: memref<!tpu.dma_semaphore, #tpu.memory_space<semaphore_mem>>) attributes {dimension_semantics = [#tpu.dimension_semantics<core_parallel>, #tpu.dimension_semantics<subcore_parallel>], iteration_bounds = array<i64: 2, 16>, scalar_prefetch = 0 : i64, scratch_operands = 7 : i64, tpu.core_type = #tpu.core_type<sc_vector_subcore>, window_params = [{transform_indices = #map}, {transform_indices = #map}, {transform_indices = #map}, {transform_indices = #map1}]} {
    %mul3A = arith.constant 2 : i32
    %mul3A_0 = arith.muli %arg1, %mul3A : i32
    %add3A = arith.addi %mul3A_0, %arg0 : i32
    %mul3A_1 = arith.constant 632 : i32
    %mul3A_2 = arith.muli %arg1, %mul3A_1 : i32
    %scan3A = arith.constant 0 : i32
    %scan3A_3 = arith.constant 0 : i32
    %scan3A_4 = arith.constant 128 : i32
    %scan3A_5 = arith.addi %scan3A_3, %scan3A_4 : i32
    %scan3A_6 = arith.constant 1 : i32
    scf.for %scan3A_208 = %scan3A_3 to %scan3A_5 step %scan3A_6  : i32 {
      %broadcast_in_dim3A = arith.constant 0.000000e+00 : f32
      %broadcast_in_dim3A_209 = vector.broadcast %broadcast_in_dim3A : f32 to vector<16xf32>
      %swap3A = arith.index_cast %scan3A_208 : i32 to index
      %swap3A_210 = arith.constant 0 : index
      %swap3A_211 = tpu.vector_load %arg8[%swap3A, %swap3A_210] {strides = array<i32>} : memref<128x128xf32, #tpu.memory_space<vmem>>, vector<1x16xf32>,
      %swap3A_212 = vector.shape_cast %swap3A_211 : vector<1x16xf32> to vector<16xf32>
      %swap3A_213 = vector.shape_cast %broadcast_in_dim3A_209 : vector<16xf32> to vector<1x16xf32>
      tpu.vector_store %arg8[%swap3A, %swap3A_210], %swap3A_213 {strides = array<i32>} : memref<128x128xf32, #tpu.memory_space<vmem>>, vector<1x16xf32>,
      %broadcast_in_dim3A_214 = arith.constant 0.000000e+00 : f32
      %broadcast_in_dim3A_215 = vector.broadcast %broadcast_in_dim3A_214 : f32 to vector<16xf32>
      %swap3A_216 = arith.index_cast %scan3A_208 : i32 to index
      %swap3A_217 = arith.constant 16 : index
      %swap3A_218 = tpu.vector_load %arg8[%swap3A_216, %swap3A_217] {strides = array<i32>} : memref<128x128xf32, #tpu.memory_space<vmem>>, vector<1x16xf32>,
      %swap3A_219 = vector.shape_cast %swap3A_218 : vector<1x16xf32> to vector<16xf32>
      %swap3A_220 = vector.shape_cast %broadcast_in_dim3A_215 : vector<16xf32> to vector<1x16xf32>
      tpu.vector_store %arg8[%swap3A_216, %swap3A_217], %swap3A_220 {strides = array<i32>} : memref<128x128xf32, #tpu.memory_space<vmem>>, vector<1x16xf32>,
      %broadcast_in_dim3A_221 = arith.constant 0.000000e+00 : f32
      %broadcast_in_dim3A_222 = vector.broadcast %broadcast_in_dim3A_221 : f32 to vector<16xf32>
      %swap3A_223 = arith.index_cast %scan3A_208 : i32 to index
      %swap3A_224 = arith.constant 32 : index
      %swap3A_225 = tpu.vector_load %arg8[%swap3A_223, %swap3A_224] {strides = array<i32>} : memref<128x128xf32, #tpu.memory_space<vmem>>, vector<1x16xf32>,
      %swap3A_226 = vector.shape_cast %swap3A_225 : vector<1x16xf32> to vector<16xf32>
      %swap3A_227 = vector.shape_cast %broadcast_in_dim3A_222 : vector<16xf32> to vector<1x16xf32>
      tpu.vector_store %arg8[%swap3A_223, %swap3A_224], %swap3A_227 {strides = array<i32>} : memref<128x128xf32, #tpu.memory_space<vmem>>, vector<1x16xf32>,
      %broadcast_in_dim3A_228 = arith.constant 0.000000e+00 : f32
      %broadcast_in_dim3A_229 = vector.broadcast %broadcast_in_dim3A_228 : f32 to vector<16xf32>
      %swap3A_230 = arith.index_cast %scan3A_208 : i32 to index
      %swap3A_231 = arith.constant 48 : index
      %swap3A_232 = tpu.vector_load %arg8[%swap3A_230, %swap3A_231] {strides = array<i32>} : memref<128x128xf32, #tpu.memory_space<vmem>>, vector<1x16xf32>,
      %swap3A_233 = vector.shape_cast %swap3A_232 : vector<1x16xf32> to vector<16xf32>
      %swap3A_234 = vector.shape_cast %broadcast_in_dim3A_229 : vector<16xf32> to vector<1x16xf32>
      tpu.vector_store %arg8[%swap3A_230, %swap3A_231], %swap3A_234 {strides = array<i32>} : memref<128x128xf32, #tpu.memory_space<vmem>>, vector<1x16xf32>,
      %broadcast_in_dim3A_235 = arith.constant 0.000000e+00 : f32
      %broadcast_in_dim3A_236 = vector.broadcast %broadcast_in_dim3A_235 : f32 to vector<16xf32>
      %swap3A_237 = arith.index_cast %scan3A_208 : i32 to index
      %swap3A_238 = arith.constant 64 : index
      %swap3A_239 = tpu.vector_load %arg8[%swap3A_237, %swap3A_238] {strides = array<i32>} : memref<128x128xf32, #tpu.memory_space<vmem>>, vector<1x16xf32>,
      %swap3A_240 = vector.shape_cast %swap3A_239 : vector<1x16xf32> to vector<16xf32>
      %swap3A_241 = vector.shape_cast %broadcast_in_dim3A_236 : vector<16xf32> to vector<1x16xf32>
      tpu.vector_store %arg8[%swap3A_237, %swap3A_238], %swap3A_241 {strides = array<i32>} : memref<128x128xf32, #tpu.memory_space<vmem>>, vector<1x16xf32>,
      %broadcast_in_dim3A_242 = arith.constant 0.000000e+00 : f32
      %broadcast_in_dim3A_243 = vector.broadcast %broadcast_in_dim3A_242 : f32 to vector<16xf32>
      %swap3A_244 = arith.index_cast %scan3A_208 : i32 to index
      %swap3A_245 = arith.constant 80 : index
      %swap3A_246 = tpu.vector_load %arg8[%swap3A_244, %swap3A_245] {strides = array<i32>} : memref<128x128xf32, #tpu.memory_space<vmem>>, vector<1x16xf32>,
      %swap3A_247 = vector.shape_cast %swap3A_246 : vector<1x16xf32> to vector<16xf32>
      %swap3A_248 = vector.shape_cast %broadcast_in_dim3A_243 : vector<16xf32> to vector<1x16xf32>
      tpu.vector_store %arg8[%swap3A_244, %swap3A_245], %swap3A_248 {strides = array<i32>} : memref<128x128xf32, #tpu.memory_space<vmem>>, vector<1x16xf32>,
      %broadcast_in_dim3A_249 = arith.constant 0.000000e+00 : f32
      %broadcast_in_dim3A_250 = vector.broadcast %broadcast_in_dim3A_249 : f32 to vector<16xf32>
      %swap3A_251 = arith.index_cast %scan3A_208 : i32 to index
      %swap3A_252 = arith.constant 96 : index
      %swap3A_253 = tpu.vector_load %arg8[%swap3A_251, %swap3A_252] {strides = array<i32>} : memref<128x128xf32, #tpu.memory_space<vmem>>, vector<1x16xf32>,
      %swap3A_254 = vector.shape_cast %swap3A_253 : vector<1x16xf32> to vector<16xf32>
      %swap3A_255 = vector.shape_cast %broadcast_in_dim3A_250 : vector<16xf32> to vector<1x16xf32>
      tpu.vector_store %arg8[%swap3A_251, %swap3A_252], %swap3A_255 {strides = array<i32>} : memref<128x128xf32, #tpu.memory_space<vmem>>, vector<1x16xf32>,
      %broadcast_in_dim3A_256 = arith.constant 0.000000e+00 : f32
      %broadcast_in_dim3A_257 = vector.broadcast %broadcast_in_dim3A_256 : f32 to vector<16xf32>
      %swap3A_258 = arith.index_cast %scan3A_208 : i32 to index
      %swap3A_259 = arith.constant 112 : index
      %swap3A_260 = tpu.vector_load %arg8[%swap3A_258, %swap3A_259] {strides = array<i32>} : memref<128x128xf32, #tpu.memory_space<vmem>>, vector<1x16xf32>,
      %swap3A_261 = vector.shape_cast %swap3A_260 : vector<1x16xf32> to vector<16xf32>
      %swap3A_262 = vector.shape_cast %broadcast_in_dim3A_257 : vector<16xf32> to vector<1x16xf32>
      tpu.vector_store %arg8[%swap3A_258, %swap3A_259], %swap3A_262 {strides = array<i32>} : memref<128x128xf32, #tpu.memory_space<vmem>>, vector<1x16xf32>,
    }
    %scan3A_7 = arith.constant 128 : i32
    %add3A_8 = arith.constant 0 : i32
    %add3A_9 = arith.addi %mul3A_2, %add3A_8 : i32
    "tpu.region"() ({
      %run_scoped3A_208 = tpu.sem_alloc : memref<!tpu.dma_semaphore, #tpu.memory_space<semaphore_mem>>
      %dma_start3A_209 = arith.constant 0 : i32
      %dma_start3A_210 = arith.constant 0 : i32
      %dma_start3A_211 = tpu.memref_slice %arg8[%dma_start3A_209, %dma_start3A_210] : memref<128x128xf32, #tpu.memory_space<vmem>> -> memref<128x128xf32, #tpu.memory_space<vmem>>
      %dma_start3A_212 = arith.constant 0 : i32
      %dma_start3A_213 = tpu.memref_slice %arg10[%add3A_9, %dma_start3A_212] : memref<10112x128xf32, #tpu.memory_space<vmem_shared>> -> memref<128x128xf32, #tpu.memory_space<vmem_shared>>
      %dma_start3A_214 = arith.constant 0 : i32
      %dma_start3A_215 = tpu.memref_slice %arg10[%add3A_9, %dma_start3A_214] : memref<10112x128xf32, #tpu.memory_space<vmem_shared>> -> memref<128x128xf32, #tpu.memory_space<vmem_shared>>
      %dma_start3A_216 = arith.constant 0 : i32
      %dma_start3A_217 = arith.constant 0 : i32
      %dma_start3A_218 = tpu.memref_slice %arg8[%dma_start3A_216, %dma_start3A_217] : memref<128x128xf32, #tpu.memory_space<vmem>> -> memref<128x128xf32, #tpu.memory_space<vmem>>
      tpu.enqueue_dma source(%dma_start3A_218 : memref<128x128xf32, #tpu.memory_space<vmem>>) target(%dma_start3A_215 : memref<128x128xf32, #tpu.memory_space<vmem_shared>>) target_semaphore(%run_scoped3A_208 : memref<!tpu.dma_semaphore, #tpu.memory_space<semaphore_mem>>)
      %dma_wait3A_219 = arith.constant 0 : i32
      %dma_wait3A_220 = arith.constant 0 : i32
      %dma_wait3A_221 = tpu.memref_slice %arg8[%dma_wait3A_219, %dma_wait3A_220] : memref<128x128xf32, #tpu.memory_space<vmem>> -> memref<128x128xf32, #tpu.memory_space<vmem>>
      %dma_wait3A_222 = arith.constant 0 : i32
      %dma_wait3A_223 = tpu.memref_slice %arg10[%add3A_9, %dma_wait3A_222] : memref<10112x128xf32, #tpu.memory_space<vmem_shared>> -> memref<128x128xf32, #tpu.memory_space<vmem_shared>>
      %dma_wait3A_224 = arith.constant 0 : i32
      %dma_wait3A_225 = tpu.memref_slice %arg10[%add3A_9, %dma_wait3A_224] : memref<10112x128xf32, #tpu.memory_space<vmem_shared>> -> memref<128x128xf32, #tpu.memory_space<vmem_shared>>
      %dma_wait3A_226 = arith.constant 0 : i32
      %dma_wait3A_227 = arith.constant 0 : i32
      %dma_wait3A_228 = tpu.memref_slice %arg8[%dma_wait3A_226, %dma_wait3A_227] : memref<128x128xf32, #tpu.memory_space<vmem>> -> memref<128x128xf32, #tpu.memory_space<vmem>>
      tpu.wait_dma2 semaphore(%run_scoped3A_208 : memref<!tpu.dma_semaphore, #tpu.memory_space<semaphore_mem>>) src(%dma_wait3A_228 : memref<128x128xf32, #tpu.memory_space<vmem>>) dst(%dma_wait3A_225 : memref<128x128xf32, #tpu.memory_space<vmem_shared>>)
      tpu.yield
    }) : () -> ()
    %add3A_10 = arith.constant 128 : i32
    %add3A_11 = arith.addi %mul3A_2, %add3A_10 : i32
    "tpu.region"() ({
      %run_scoped3A_208 = tpu.sem_alloc : memref<!tpu.dma_semaphore, #tpu.memory_space<semaphore_mem>>
      %dma_start3A_209 = arith.constant 0 : i32
      %dma_start3A_210 = arith.constant 0 : i32
      %dma_start3A_211 = tpu.memref_slice %arg8[%dma_start3A_209, %dma_start3A_210] : memref<128x128xf32, #tpu.memory_space<vmem>> -> memref<128x128xf32, #tpu.memory_space<vmem>>
      %dma_start3A_212 = arith.constant 0 : i32
      %dma_start3A_213 = tpu.memref_slice %arg10[%add3A_11, %dma_start3A_212] : memref<10112x128xf32, #tpu.memory_space<vmem_shared>> -> memref<128x128xf32, #tpu.memory_space<vmem_shared>>
      %dma_start3A_214 = arith.constant 0 : i32
      %dma_start3A_215 = tpu.memref_slice %arg10[%add3A_11, %dma_start3A_214] : memref<10112x128xf32, #tpu.memory_space<vmem_shared>> -> memref<128x128xf32, #tpu.memory_space<vmem_shared>>
      %dma_start3A_216 = arith.constant 0 : i32
      %dma_start3A_217 = arith.constant 0 : i32
      %dma_start3A_218 = tpu.memref_slice %arg8[%dma_start3A_216, %dma_start3A_217] : memref<128x128xf32, #tpu.memory_space<vmem>> -> memref<128x128xf32, #tpu.memory_space<vmem>>
      tpu.enqueue_dma source(%dma_start3A_218 : memref<128x128xf32, #tpu.memory_space<vmem>>) target(%dma_start3A_215 : memref<128x128xf32, #tpu.memory_space<vmem_shared>>) target_semaphore(%run_scoped3A_208 : memref<!tpu.dma_semaphore, #tpu.memory_space<semaphore_mem>>)
      %dma_wait3A_219 = arith.constant 0 : i32
      %dma_wait3A_220 = arith.constant 0 : i32
      %dma_wait3A_221 = tpu.memref_slice %arg8[%dma_wait3A_219, %dma_wait3A_220] : memref<128x128xf32, #tpu.memory_space<vmem>> -> memref<128x128xf32, #tpu.memory_space<vmem>>
      %dma_wait3A_222 = arith.constant 0 : i32
      %dma_wait3A_223 = tpu.memref_slice %arg10[%add3A_11, %dma_wait3A_222] : memref<10112x128xf32, #tpu.memory_space<vmem_shared>> -> memref<128x128xf32, #tpu.memory_space<vmem_shared>>
      %dma_wait3A_224 = arith.constant 0 : i32
      %dma_wait3A_225 = tpu.memref_slice %arg10[%add3A_11, %dma_wait3A_224] : memref<10112x128xf32, #tpu.memory_space<vmem_shared>> -> memref<128x128xf32, #tpu.memory_space<vmem_shared>>
      %dma_wait3A_226 = arith.constant 0 : i32
      %dma_wait3A_227 = arith.constant 0 : i32
      %dma_wait3A_228 = tpu.memref_slice %arg8[%dma_wait3A_226, %dma_wait3A_227] : memref<128x128xf32, #tpu.memory_space<vmem>> -> memref<128x128xf32, #tpu.memory_space<vmem>>
      tpu.wait_dma2 semaphore(%run_scoped3A_208 : memref<!tpu.dma_semaphore, #tpu.memory_space<semaphore_mem>>) src(%dma_wait3A_228 : memref<128x128xf32, #tpu.memory_space<vmem>>) dst(%dma_wait3A_225 : memref<128x128xf32, #tpu.memory_space<vmem_shared>>)
      tpu.yield
    }) : () -> ()
    %add3A_12 = arith.constant 256 : i32
    %add3A_13 = arith.addi %mul3A_2, %add3A_12 : i32
    "tpu.region"() ({
      %run_scoped3A_208 = tpu.sem_alloc : memref<!tpu.dma_semaphore, #tpu.memory_space<semaphore_mem>>
      %dma_start3A_209 = arith.constant 0 : i32
      %dma_start3A_210 = arith.constant 0 : i32
      %dma_start3A_211 = tpu.memref_slice %arg8[%dma_start3A_209, %dma_start3A_210] : memref<128x128xf32, #tpu.memory_space<vmem>> -> memref<128x128xf32, #tpu.memory_space<vmem>>
      %dma_start3A_212 = arith.constant 0 : i32
      %dma_start3A_213 = tpu.memref_slice %arg10[%add3A_13, %dma_start3A_212] : memref<10112x128xf32, #tpu.memory_space<vmem_shared>> -> memref<128x128xf32, #tpu.memory_space<vmem_shared>>
      %dma_start3A_214 = arith.constant 0 : i32
      %dma_start3A_215 = tpu.memref_slice %arg10[%add3A_13, %dma_start3A_214] : memref<10112x128xf32, #tpu.memory_space<vmem_shared>> -> memref<128x128xf32, #tpu.memory_space<vmem_shared>>
      %dma_start3A_216 = arith.constant 0 : i32
      %dma_start3A_217 = arith.constant 0 : i32
      %dma_start3A_218 = tpu.memref_slice %arg8[%dma_start3A_216, %dma_start3A_217] : memref<128x128xf32, #tpu.memory_space<vmem>> -> memref<128x128xf32, #tpu.memory_space<vmem>>
      tpu.enqueue_dma source(%dma_start3A_218 : memref<128x128xf32, #tpu.memory_space<vmem>>) target(%dma_start3A_215 : memref<128x128xf32, #tpu.memory_space<vmem_shared>>) target_semaphore(%run_scoped3A_208 : memref<!tpu.dma_semaphore, #tpu.memory_space<semaphore_mem>>)
      %dma_wait3A_219 = arith.constant 0 : i32
      %dma_wait3A_220 = arith.constant 0 : i32
      %dma_wait3A_221 = tpu.memref_slice %arg8[%dma_wait3A_219, %dma_wait3A_220] : memref<128x128xf32, #tpu.memory_space<vmem>> -> memref<128x128xf32, #tpu.memory_space<vmem>>
      %dma_wait3A_222 = arith.constant 0 : i32
      %dma_wait3A_223 = tpu.memref_slice %arg10[%add3A_13, %dma_wait3A_222] : memref<10112x128xf32, #tpu.memory_space<vmem_shared>> -> memref<128x128xf32, #tpu.memory_space<vmem_shared>>
      %dma_wait3A_224 = arith.constant 0 : i32
      %dma_wait3A_225 = tpu.memref_slice %arg10[%add3A_13, %dma_wait3A_224] : memref<10112x128xf32, #tpu.memory_space<vmem_shared>> -> memref<128x128xf32, #tpu.memory_space<vmem_shared>>
      %dma_wait3A_226 = arith.constant 0 : i32
      %dma_wait3A_227 = arith.constant 0 : i32
      %dma_wait3A_228 = tpu.memref_slice %arg8[%dma_wait3A_226, %dma_wait3A_227] : memref<128x128xf32, #tpu.memory_space<vmem>> -> memref<128x128xf32, #tpu.memory_space<vmem>>
      tpu.wait_dma2 semaphore(%run_scoped3A_208 : memref<!tpu.dma_semaphore, #tpu.memory_space<semaphore_mem>>) src(%dma_wait3A_228 : memref<128x128xf32, #tpu.memory_space<vmem>>) dst(%dma_wait3A_225 : memref<128x128xf32, #tpu.memory_space<vmem_shared>>)
      tpu.yield
    }) : () -> ()
    %add3A_14 = arith.constant 384 : i32
    %add3A_15 = arith.addi %mul3A_2, %add3A_14 : i32
    "tpu.region"() ({
      %run_scoped3A_208 = tpu.sem_alloc : memref<!tpu.dma_semaphore, #tpu.memory_space<semaphore_mem>>
      %dma_start3A_209 = arith.constant 0 : i32
      %dma_start3A_210 = arith.constant 0 : i32
      %dma_start3A_211 = tpu.memref_slice %arg8[%dma_start3A_209, %dma_start3A_210] : memref<128x128xf32, #tpu.memory_space<vmem>> -> memref<128x128xf32, #tpu.memory_space<vmem>>
      %dma_start3A_212 = arith.constant 0 : i32
      %dma_start3A_213 = tpu.memref_slice %arg10[%add3A_15, %dma_start3A_212] : memref<10112x128xf32, #tpu.memory_space<vmem_shared>> -> memref<128x128xf32, #tpu.memory_space<vmem_shared>>
      %dma_start3A_214 = arith.constant 0 : i32
      %dma_start3A_215 = tpu.memref_slice %arg10[%add3A_15, %dma_start3A_214] : memref<10112x128xf32, #tpu.memory_space<vmem_shared>> -> memref<128x128xf32, #tpu.memory_space<vmem_shared>>
      %dma_start3A_216 = arith.constant 0 : i32
      %dma_start3A_217 = arith.constant 0 : i32
      %dma_start3A_218 = tpu.memref_slice %arg8[%dma_start3A_216, %dma_start3A_217] : memref<128x128xf32, #tpu.memory_space<vmem>> -> memref<128x128xf32, #tpu.memory_space<vmem>>
      tpu.enqueue_dma source(%dma_start3A_218 : memref<128x128xf32, #tpu.memory_space<vmem>>) target(%dma_start3A_215 : memref<128x128xf32, #tpu.memory_space<vmem_shared>>) target_semaphore(%run_scoped3A_208 : memref<!tpu.dma_semaphore, #tpu.memory_space<semaphore_mem>>)
      %dma_wait3A_219 = arith.constant 0 : i32
      %dma_wait3A_220 = arith.constant 0 : i32
      %dma_wait3A_221 = tpu.memref_slice %arg8[%dma_wait3A_219, %dma_wait3A_220] : memref<128x128xf32, #tpu.memory_space<vmem>> -> memref<128x128xf32, #tpu.memory_space<vmem>>
      %dma_wait3A_222 = arith.constant 0 : i32
      %dma_wait3A_223 = tpu.memref_slice %arg10[%add3A_15, %dma_wait3A_222] : memref<10112x128xf32, #tpu.memory_space<vmem_shared>> -> memref<128x128xf32, #tpu.memory_space<vmem_shared>>
      %dma_wait3A_224 = arith.constant 0 : i32
      %dma_wait3A_225 = tpu.memref_slice %arg10[%add3A_15, %dma_wait3A_224] : memref<10112x128xf32, #tpu.memory_space<vmem_shared>> -> memref<128x128xf32, #tpu.memory_space<vmem_shared>>
      %dma_wait3A_226 = arith.constant 0 : i32
      %dma_wait3A_227 = arith.constant 0 : i32
      %dma_wait3A_228 = tpu.memref_slice %arg8[%dma_wait3A_226, %dma_wait3A_227] : memref<128x128xf32, #tpu.memory_space<vmem>> -> memref<128x128xf32, #tpu.memory_space<vmem>>
      tpu.wait_dma2 semaphore(%run_scoped3A_208 : memref<!tpu.dma_semaphore, #tpu.memory_space<semaphore_mem>>) src(%dma_wait3A_228 : memref<128x128xf32, #tpu.memory_space<vmem>>) dst(%dma_wait3A_225 : memref<128x128xf32, #tpu.memory_space<vmem_shared>>)
      tpu.yield
    }) : () -> ()
    %add3A_16 = arith.constant 512 : i32
    %add3A_17 = arith.addi %mul3A_2, %add3A_16 : i32
    "tpu.region"() ({
      %run_scoped3A_208 = tpu.sem_alloc : memref<!tpu.dma_semaphore, #tpu.memory_space<semaphore_mem>>
      %dma_start3A_209 = arith.constant 0 : i32
      %dma_start3A_210 = arith.constant 0 : i32
      %dma_start3A_211 = tpu.memref_slice %arg8[%dma_start3A_209, %dma_start3A_210] : memref<128x128xf32, #tpu.memory_space<vmem>> -> memref<120x128xf32, #tpu.memory_space<vmem>>
      %dma_start3A_212 = arith.constant 0 : i32
      %dma_start3A_213 = tpu.memref_slice %arg10[%add3A_17, %dma_start3A_212] : memref<10112x128xf32, #tpu.memory_space<vmem_shared>> -> memref<120x128xf32, #tpu.memory_space<vmem_shared>>
      %dma_start3A_214 = arith.constant 0 : i32
      %dma_start3A_215 = tpu.memref_slice %arg10[%add3A_17, %dma_start3A_214] : memref<10112x128xf32, #tpu.memory_space<vmem_shared>> -> memref<120x128xf32, #tpu.memory_space<vmem_shared>>
      %dma_start3A_216 = arith.constant 0 : i32
      %dma_start3A_217 = arith.constant 0 : i32
      %dma_start3A_218 = tpu.memref_slice %arg8[%dma_start3A_216, %dma_start3A_217] : memref<128x128xf32, #tpu.memory_space<vmem>> -> memref<120x128xf32, #tpu.memory_space<vmem>>
      tpu.enqueue_dma source(%dma_start3A_218 : memref<120x128xf32, #tpu.memory_space<vmem>>) target(%dma_start3A_215 : memref<120x128xf32, #tpu.memory_space<vmem_shared>>) target_semaphore(%run_scoped3A_208 : memref<!tpu.dma_semaphore, #tpu.memory_space<semaphore_mem>>)
      %dma_wait3A_219 = arith.constant 0 : i32
      %dma_wait3A_220 = arith.constant 0 : i32
      %dma_wait3A_221 = tpu.memref_slice %arg8[%dma_wait3A_219, %dma_wait3A_220] : memref<128x128xf32, #tpu.memory_space<vmem>> -> memref<120x128xf32, #tpu.memory_space<vmem>>
      %dma_wait3A_222 = arith.constant 0 : i32
      %dma_wait3A_223 = tpu.memref_slice %arg10[%add3A_17, %dma_wait3A_222] : memref<10112x128xf32, #tpu.memory_space<vmem_shared>> -> memref<120x128xf32, #tpu.memory_space<vmem_shared>>
      %dma_wait3A_224 = arith.constant 0 : i32
      %dma_wait3A_225 = tpu.memref_slice %arg10[%add3A_17, %dma_wait3A_224] : memref<10112x128xf32, #tpu.memory_space<vmem_shared>> -> memref<120x128xf32, #tpu.memory_space<vmem_shared>>
      %dma_wait3A_226 = arith.constant 0 : i32
      %dma_wait3A_227 = arith.constant 0 : i32
      %dma_wait3A_228 = tpu.memref_slice %arg8[%dma_wait3A_226, %dma_wait3A_227] : memref<128x128xf32, #tpu.memory_space<vmem>> -> memref<120x128xf32, #tpu.memory_space<vmem>>
      tpu.wait_dma2 semaphore(%run_scoped3A_208 : memref<!tpu.dma_semaphore, #tpu.memory_space<semaphore_mem>>) src(%dma_wait3A_228 : memref<120x128xf32, #tpu.memory_space<vmem>>) dst(%dma_wait3A_225 : memref<120x128xf32, #tpu.memory_space<vmem_shared>>)
      tpu.yield
    }) : () -> ()
    %barrier3A = arith.constant 0 : index
    tpu.barrier barrier_id(%barrier3A)
    %mul3A_18 = arith.constant 80 : i32
    %mul3A_19 = arith.muli %add3A, %mul3A_18 : i32
    %add3A_20 = arith.constant 0 : i32
    %add3A_21 = arith.addi %mul3A_19, %add3A_20 : i32
    "tpu.region"() ({
      %run_scoped3A_208 = tpu.sem_alloc : memref<!tpu.dma_semaphore, #tpu.memory_space<semaphore_mem>>
      %dma_start3A_209 = arith.constant 0 : i32
      %dma_start3A_210 = tpu.memref_slice %arg3[%add3A_21, %dma_start3A_209] : memref<2560x128xi32, #tpu.memory_space<hbm>> -> memref<40x128xi32, #tpu.memory_space<hbm>>
      %dma_start3A_211 = arith.constant 0 : i32
      %dma_start3A_212 = tpu.memref_slice %arg3[%add3A_21, %dma_start3A_211] : memref<2560x128xi32, #tpu.memory_space<hbm>> -> memref<40x128xi32, #tpu.memory_space<hbm>>
      tpu.enqueue_dma source(%dma_start3A_212 : memref<40x128xi32, #tpu.memory_space<hbm>>) target(%arg6 : memref<40x128xi32, #tpu.memory_space<vmem>>) target_semaphore(%run_scoped3A_208 : memref<!tpu.dma_semaphore, #tpu.memory_space<semaphore_mem>>)
      %dma_wait3A_213 = arith.constant 0 : i32
      %dma_wait3A_214 = tpu.memref_slice %arg3[%add3A_21, %dma_wait3A_213] : memref<2560x128xi32, #tpu.memory_space<hbm>> -> memref<40x128xi32, #tpu.memory_space<hbm>>
      %dma_wait3A_215 = arith.constant 0 : i32
      %dma_wait3A_216 = tpu.memref_slice %arg3[%add3A_21, %dma_wait3A_215] : memref<2560x128xi32, #tpu.memory_space<hbm>> -> memref<40x128xi32, #tpu.memory_space<hbm>>
      tpu.wait_dma2 semaphore(%run_scoped3A_208 : memref<!tpu.dma_semaphore, #tpu.memory_space<semaphore_mem>>) src(%dma_wait3A_216 : memref<40x128xi32, #tpu.memory_space<hbm>>) dst(%arg6 : memref<40x128xi32, #tpu.memory_space<vmem>>)
      tpu.yield
    }) : () -> ()
    %mul3A_22 = arith.constant 80 : i32
    %mul3A_23 = arith.muli %add3A, %mul3A_22 : i32
    %add3A_24 = arith.constant 0 : i32
    %add3A_25 = arith.addi %mul3A_23, %add3A_24 : i32
    "tpu.region"() ({
      %run_scoped3A_208 = tpu.sem_alloc : memref<!tpu.dma_semaphore, #tpu.memory_space<semaphore_mem>>
      %dma_start3A_209 = arith.constant 0 : i32
      %dma_start3A_210 = tpu.memref_slice %arg4[%add3A_25, %dma_start3A_209] : memref<2560x128xi32, #tpu.memory_space<hbm>> -> memref<40x128xi32, #tpu.memory_space<hbm>>
      %dma_start3A_211 = arith.constant 0 : i32
      %dma_start3A_212 = tpu.memref_slice %arg4[%add3A_25, %dma_start3A_211] : memref<2560x128xi32, #tpu.memory_space<hbm>> -> memref<40x128xi32, #tpu.memory_space<hbm>>
      tpu.enqueue_dma source(%dma_start3A_212 : memref<40x128xi32, #tpu.memory_space<hbm>>) target(%arg7 : memref<40x128xi32, #tpu.memory_space<vmem>>) target_semaphore(%run_scoped3A_208 : memref<!tpu.dma_semaphore, #tpu.memory_space<semaphore_mem>>)
      %dma_wait3A_213 = arith.constant 0 : i32
      %dma_wait3A_214 = tpu.memref_slice %arg4[%add3A_25, %dma_wait3A_213] : memref<2560x128xi32, #tpu.memory_space<hbm>> -> memref<40x128xi32, #tpu.memory_space<hbm>>
      %dma_wait3A_215 = arith.constant 0 : i32
      %dma_wait3A_216 = tpu.memref_slice %arg4[%add3A_25, %dma_wait3A_215] : memref<2560x128xi32, #tpu.memory_space<hbm>> -> memref<40x128xi32, #tpu.memory_space<hbm>>
      tpu.wait_dma2 semaphore(%run_scoped3A_208 : memref<!tpu.dma_semaphore, #tpu.memory_space<semaphore_mem>>) src(%dma_wait3A_216 : memref<40x128xi32, #tpu.memory_space<hbm>>) dst(%arg7 : memref<40x128xi32, #tpu.memory_space<vmem>>)
      tpu.yield
    }) : () -> ()
    %dma_start3A = arith.constant 0 : i32
    %dma_start3A_26 = arith.constant 0 : i32
    %dma_start3A_27 = arith.constant 0 : i32
    %dma_start3A_28 = tpu.memref_slice %arg8[%dma_start3A_26, %dma_start3A_27] : memref<128x128xf32, #tpu.memory_space<vmem>> -> memref<64x128xf32, #tpu.memory_space<vmem>>
    %dma_start3A_29 = arith.constant 0 : i32
    %dma_start3A_30 = tpu.memref_slice %arg6[%dma_start3A, %dma_start3A_29] : memref<40x128xi32, #tpu.memory_space<vmem>> -> memref<1x64xi32, #tpu.memory_space<vmem>>
    %dma_start3A_31 = tpu.memref_squeeze %dma_start3A_30 : memref<1x64xi32, #tpu.memory_space<vmem>> -> memref<64xi32, #tpu.memory_space<vmem>>
    %dma_start3A_32 = arith.constant 0 : i32
    %dma_start3A_33 = arith.constant 0 : i32
    %dma_start3A_34 = tpu.memref_slice %arg2[%dma_start3A_32, %dma_start3A_33] : memref<10112x128xf32, #tpu.memory_space<hbm>> -> memref<10112x128xf32, #tpu.memory_space<hbm>>
    tpu.enqueue_indirect_dma source(%dma_start3A_34 : memref<10112x128xf32, #tpu.memory_space<hbm>>) target(%dma_start3A_28 : memref<64x128xf32, #tpu.memory_space<vmem>>) offsets(%dma_start3A_31 : memref<64xi32, #tpu.memory_space<vmem>>) semaphore(%arg11 : memref<!tpu.dma_semaphore, #tpu.memory_space<semaphore_mem>>)
    %dma_start3A_35 = arith.constant 0 : i32
    %dma_start3A_36 = arith.constant 64 : i32
    %dma_start3A_37 = arith.constant 0 : i32
    %dma_start3A_38 = tpu.memref_slice %arg8[%dma_start3A_36, %dma_start3A_37] : memref<128x128xf32, #tpu.memory_space<vmem>> -> memref<64x128xf32, #tpu.memory_space<vmem>>
    %dma_start3A_39 = arith.constant 64 : i32
    %dma_start3A_40 = tpu.memref_slice %arg6[%dma_start3A_35, %dma_start3A_39] : memref<40x128xi32, #tpu.memory_space<vmem>> -> memref<1x64xi32, #tpu.memory_space<vmem>>
    %dma_start3A_41 = tpu.memref_squeeze %dma_start3A_40 : memref<1x64xi32, #tpu.memory_space<vmem>> -> memref<64xi32, #tpu.memory_space<vmem>>
    %dma_start3A_42 = arith.constant 0 : i32
    %dma_start3A_43 = arith.constant 0 : i32
    %dma_start3A_44 = tpu.memref_slice %arg2[%dma_start3A_42, %dma_start3A_43] : memref<10112x128xf32, #tpu.memory_space<hbm>> -> memref<10112x128xf32, #tpu.memory_space<hbm>>
    tpu.enqueue_indirect_dma source(%dma_start3A_44 : memref<10112x128xf32, #tpu.memory_space<hbm>>) target(%dma_start3A_38 : memref<64x128xf32, #tpu.memory_space<vmem>>) offsets(%dma_start3A_41 : memref<64xi32, #tpu.memory_space<vmem>>) semaphore(%arg11 : memref<!tpu.dma_semaphore, #tpu.memory_space<semaphore_mem>>)
    %scan3A_45 = arith.constant 0 : i32
    %scan3A_46 = arith.constant 0 : i32
    %scan3A_47 = arith.constant 19 : i32
    %scan3A_48 = arith.addi %scan3A_46, %scan3A_47 : i32
    %scan3A_49 = arith.constant 1 : i32
    scf.for %scan3A_208 = %scan3A_46 to %scan3A_48 step %scan3A_49  : i32 {
      %mul3A_209 = arith.constant 2 : i32
      %mul3A_210 = arith.muli %mul3A_209, %scan3A_208 : i32
      %add3A_211 = arith.constant 1 : i32
      %add3A_212 = arith.addi %mul3A_210, %add3A_211 : i32
      %dma_start3A_213 = arith.constant 0 : i32
      %dma_start3A_214 = arith.constant 0 : i32
      %dma_start3A_215 = tpu.memref_slice %arg9[%dma_start3A_213, %dma_start3A_214] : memref<128x128xf32, #tpu.memory_space<vmem>> -> memref<64x128xf32, #tpu.memory_space<vmem>>
      %dma_start3A_216 = arith.constant 0 : i32
      %dma_start3A_217 = tpu.memref_slice %arg6[%add3A_212, %dma_start3A_216] : memref<40x128xi32, #tpu.memory_space<vmem>> -> memref<1x64xi32, #tpu.memory_space<vmem>>
      %dma_start3A_218 = tpu.memref_squeeze %dma_start3A_217 : memref<1x64xi32, #tpu.memory_space<vmem>> -> memref<64xi32, #tpu.memory_space<vmem>>
      %dma_start3A_219 = arith.constant 0 : i32
      %dma_start3A_220 = arith.constant 0 : i32
      %dma_start3A_221 = tpu.memref_slice %arg2[%dma_start3A_219, %dma_start3A_220] : memref<10112x128xf32, #tpu.memory_space<hbm>> -> memref<10112x128xf32, #tpu.memory_space<hbm>>
      tpu.enqueue_indirect_dma source(%dma_start3A_221 : memref<10112x128xf32, #tpu.memory_space<hbm>>) target(%dma_start3A_215 : memref<64x128xf32, #tpu.memory_space<vmem>>) offsets(%dma_start3A_218 : memref<64xi32, #tpu.memory_space<vmem>>) semaphore(%arg12 : memref<!tpu.dma_semaphore, #tpu.memory_space<semaphore_mem>>)
      %dma_start3A_222 = arith.constant 64 : i32
      %dma_start3A_223 = arith.constant 0 : i32
      %dma_start3A_224 = tpu.memref_slice %arg9[%dma_start3A_222, %dma_start3A_223] : memref<128x128xf32, #tpu.memory_space<vmem>> -> memref<64x128xf32, #tpu.memory_space<vmem>>
      %dma_start3A_225 = arith.constant 64 : i32
      %dma_start3A_226 = tpu.memref_slice %arg6[%add3A_212, %dma_start3A_225] : memref<40x128xi32, #tpu.memory_space<vmem>> -> memref<1x64xi32, #tpu.memory_space<vmem>>
      %dma_start3A_227 = tpu.memref_squeeze %dma_start3A_226 : memref<1x64xi32, #tpu.memory_space<vmem>> -> memref<64xi32, #tpu.memory_space<vmem>>
      %dma_start3A_228 = arith.constant 0 : i32
      %dma_start3A_229 = arith.constant 0 : i32
      %dma_start3A_230 = tpu.memref_slice %arg2[%dma_start3A_228, %dma_start3A_229] : memref<10112x128xf32, #tpu.memory_space<hbm>> -> memref<10112x128xf32, #tpu.memory_space<hbm>>
      tpu.enqueue_indirect_dma source(%dma_start3A_230 : memref<10112x128xf32, #tpu.memory_space<hbm>>) target(%dma_start3A_224 : memref<64x128xf32, #tpu.memory_space<vmem>>) offsets(%dma_start3A_227 : memref<64xi32, #tpu.memory_space<vmem>>) semaphore(%arg12 : memref<!tpu.dma_semaphore, #tpu.memory_space<semaphore_mem>>)
      %dma_wait3A_231 = arith.constant 0 : i32
      %dma_wait3A_232 = arith.constant 0 : i32
      %dma_wait3A_233 = tpu.memref_slice %arg8[%dma_wait3A_231, %dma_wait3A_232] : memref<128x128xf32, #tpu.memory_space<vmem>> -> memref<64x128xf32, #tpu.memory_space<vmem>>
      %dma_wait3A_234 = arith.constant 0 : i32
      %dma_wait3A_235 = tpu.memref_slice %arg6[%mul3A_210, %dma_wait3A_234] : memref<40x128xi32, #tpu.memory_space<vmem>> -> memref<1x64xi32, #tpu.memory_space<vmem>>
      %dma_wait3A_236 = tpu.memref_squeeze %dma_wait3A_235 : memref<1x64xi32, #tpu.memory_space<vmem>> -> memref<64xi32, #tpu.memory_space<vmem>>
      %dma_wait3A_237 = arith.constant 0 : i32
      %dma_wait3A_238 = arith.constant 0 : i32
      %dma_wait3A_239 = tpu.memref_slice %arg2[%dma_wait3A_237, %dma_wait3A_238] : memref<10112x128xf32, #tpu.memory_space<hbm>> -> memref<10112x128xf32, #tpu.memory_space<hbm>>
      tpu.wait_indirect_dma semaphore(%arg11 : memref<!tpu.dma_semaphore, #tpu.memory_space<semaphore_mem>>) src(%dma_wait3A_239 : memref<10112x128xf32, #tpu.memory_space<hbm>>) dst(%dma_wait3A_233 : memref<64x128xf32, #tpu.memory_space<vmem>>)
      %dma_wait3A_240 = arith.constant 64 : i32
      %dma_wait3A_241 = arith.constant 0 : i32
      %dma_wait3A_242 = tpu.memref_slice %arg8[%dma_wait3A_240, %dma_wait3A_241] : memref<128x128xf32, #tpu.memory_space<vmem>> -> memref<64x128xf32, #tpu.memory_space<vmem>>
      %dma_wait3A_243 = arith.constant 64 : i32
      %dma_wait3A_244 = tpu.memref_slice %arg6[%mul3A_210, %dma_wait3A_243] : memref<40x128xi32, #tpu.memory_space<vmem>> -> memref<1x64xi32, #tpu.memory_space<vmem>>
      %dma_wait3A_245 = tpu.memref_squeeze %dma_wait3A_244 : memref<1x64xi32, #tpu.memory_space<vmem>> -> memref<64xi32, #tpu.memory_space<vmem>>
      %dma_wait3A_246 = arith.constant 0 : i32
      %dma_wait3A_247 = arith.constant 0 : i32
      %dma_wait3A_248 = tpu.memref_slice %arg2[%dma_wait3A_246, %dma_wait3A_247] : memref<10112x128xf32, #tpu.memory_space<hbm>> -> memref<10112x128xf32, #tpu.memory_space<hbm>>
      tpu.wait_indirect_dma semaphore(%arg11 : memref<!tpu.dma_semaphore, #tpu.memory_space<semaphore_mem>>) src(%dma_wait3A_248 : memref<10112x128xf32, #tpu.memory_space<hbm>>) dst(%dma_wait3A_242 : memref<64x128xf32, #tpu.memory_space<vmem>>)
      "tpu.region"() ({
        %run_scoped3A_291 = tpu.sem_alloc : memref<!tpu.dma_semaphore, #tpu.memory_space<semaphore_mem>>
        %dma_start3A_292 = arith.constant 0 : i32
        %dma_start3A_293 = tpu.memref_slice %arg7[%mul3A_210, %dma_start3A_292] : memref<40x128xi32, #tpu.memory_space<vmem>> -> memref<1x128xi32, #tpu.memory_space<vmem>>
        %dma_start3A_294 = tpu.memref_squeeze %dma_start3A_293 : memref<1x128xi32, #tpu.memory_space<vmem>> -> memref<128xi32, #tpu.memory_space<vmem>>
        %dma_start3A_295 = arith.constant 0 : i32
        %dma_start3A_296 = arith.constant 0 : i32
        %dma_start3A_297 = tpu.memref_slice %arg10[%dma_start3A_295, %dma_start3A_296] : memref<10112x128xf32, #tpu.memory_space<vmem_shared>> -> memref<10112x128xf32, #tpu.memory_space<vmem_shared>>
        tpu.enqueue_indirect_dma source(%arg8 : memref<128x128xf32, #tpu.memory_space<vmem>>) target(%dma_start3A_297 : memref<10112x128xf32, #tpu.memory_space<vmem_shared>>) offsets(%dma_start3A_294 : memref<128xi32, #tpu.memory_space<vmem>>) semaphore(%run_scoped3A_291 : memref<!tpu.dma_semaphore, #tpu.memory_space<semaphore_mem>>) {add = true}
        %dma_wait3A_298 = arith.constant 0 : i32
        %dma_wait3A_299 = tpu.memref_slice %arg7[%mul3A_210, %dma_wait3A_298] : memref<40x128xi32, #tpu.memory_space<vmem>> -> memref<1x128xi32, #tpu.memory_space<vmem>>
        %dma_wait3A_300 = tpu.memref_squeeze %dma_wait3A_299 : memref<1x128xi32, #tpu.memory_space<vmem>> -> memref<128xi32, #tpu.memory_space<vmem>>
        %dma_wait3A_301 = arith.constant 0 : i32
        %dma_wait3A_302 = arith.constant 0 : i32
        %dma_wait3A_303 = tpu.memref_slice %arg10[%dma_wait3A_301, %dma_wait3A_302] : memref<10112x128xf32, #tpu.memory_space<vmem_shared>> -> memref<10112x128xf32, #tpu.memory_space<vmem_shared>>
        tpu.wait_indirect_dma semaphore(%run_scoped3A_291 : memref<!tpu.dma_semaphore, #tpu.memory_space<semaphore_mem>>) src(%arg8 : memref<128x128xf32, #tpu.memory_space<vmem>>) dst(%dma_wait3A_303 : memref<10112x128xf32, #tpu.memory_space<vmem_shared>>)
        tpu.yield
      }) : () -> ()
      %add3A_249 = arith.constant 2 : i32
      %add3A_250 = arith.addi %mul3A_210, %add3A_249 : i32
      %dma_start3A_251 = arith.constant 0 : i32
      %dma_start3A_252 = arith.constant 0 : i32
      %dma_start3A_253 = tpu.memref_slice %arg8[%dma_start3A_251, %dma_start3A_252] : memref<128x128xf32, #tpu.memory_space<vmem>> -> memref<64x128xf32, #tpu.memory_space<vmem>>
      %dma_start3A_254 = arith.constant 0 : i32
      %dma_start3A_255 = tpu.memref_slice %arg6[%add3A_250, %dma_start3A_254] : memref<40x128xi32, #tpu.memory_space<vmem>> -> memref<1x64xi32, #tpu.memory_space<vmem>>
      %dma_start3A_256 = tpu.memref_squeeze %dma_start3A_255 : memref<1x64xi32, #tpu.memory_space<vmem>> -> memref<64xi32, #tpu.memory_space<vmem>>
      %dma_start3A_257 = arith.constant 0 : i32
      %dma_start3A_258 = arith.constant 0 : i32
      %dma_start3A_259 = tpu.memref_slice %arg2[%dma_start3A_257, %dma_start3A_258] : memref<10112x128xf32, #tpu.memory_space<hbm>> -> memref<10112x128xf32, #tpu.memory_space<hbm>>
      tpu.enqueue_indirect_dma source(%dma_start3A_259 : memref<10112x128xf32, #tpu.memory_space<hbm>>) target(%dma_start3A_253 : memref<64x128xf32, #tpu.memory_space<vmem>>) offsets(%dma_start3A_256 : memref<64xi32, #tpu.memory_space<vmem>>) semaphore(%arg11 : memref<!tpu.dma_semaphore, #tpu.memory_space<semaphore_mem>>)
      %dma_start3A_260 = arith.constant 64 : i32
      %dma_start3A_261 = arith.constant 0 : i32
      %dma_start3A_262 = tpu.memref_slice %arg8[%dma_start3A_260, %dma_start3A_261] : memref<128x128xf32, #tpu.memory_space<vmem>> -> memref<64x128xf32, #tpu.memory_space<vmem>>
      %dma_start3A_263 = arith.constant 64 : i32
      %dma_start3A_264 = tpu.memref_slice %arg6[%add3A_250, %dma_start3A_263] : memref<40x128xi32, #tpu.memory_space<vmem>> -> memref<1x64xi32, #tpu.memory_space<vmem>>
      %dma_start3A_265 = tpu.memref_squeeze %dma_start3A_264 : memref<1x64xi32, #tpu.memory_space<vmem>> -> memref<64xi32, #tpu.memory_space<vmem>>
      %dma_start3A_266 = arith.constant 0 : i32
      %dma_start3A_267 = arith.constant 0 : i32
      %dma_start3A_268 = tpu.memref_slice %arg2[%dma_start3A_266, %dma_start3A_267] : memref<10112x128xf32, #tpu.memory_space<hbm>> -> memref<10112x128xf32, #tpu.memory_space<hbm>>
      tpu.enqueue_indirect_dma source(%dma_start3A_268 : memref<10112x128xf32, #tpu.memory_space<hbm>>) target(%dma_start3A_262 : memref<64x128xf32, #tpu.memory_space<vmem>>) offsets(%dma_start3A_265 : memref<64xi32, #tpu.memory_space<vmem>>) semaphore(%arg11 : memref<!tpu.dma_semaphore, #tpu.memory_space<semaphore_mem>>)
      %add3A_269 = arith.constant 1 : i32
      %add3A_270 = arith.addi %mul3A_210, %add3A_269 : i32
      %dma_wait3A_271 = arith.constant 0 : i32
      %dma_wait3A_272 = arith.constant 0 : i32
      %dma_wait3A_273 = tpu.memref_slice %arg9[%dma_wait3A_271, %dma_wait3A_272] : memref<128x128xf32, #tpu.memory_space<vmem>> -> memref<64x128xf32, #tpu.memory_space<vmem>>
      %dma_wait3A_274 = arith.constant 0 : i32
      %dma_wait3A_275 = tpu.memref_slice %arg6[%add3A_270, %dma_wait3A_274] : memref<40x128xi32, #tpu.memory_space<vmem>> -> memref<1x64xi32, #tpu.memory_space<vmem>>
      %dma_wait3A_276 = tpu.memref_squeeze %dma_wait3A_275 : memref<1x64xi32, #tpu.memory_space<vmem>> -> memref<64xi32, #tpu.memory_space<vmem>>
      %dma_wait3A_277 = arith.constant 0 : i32
      %dma_wait3A_278 = arith.constant 0 : i32
      %dma_wait3A_279 = tpu.memref_slice %arg2[%dma_wait3A_277, %dma_wait3A_278] : memref<10112x128xf32, #tpu.memory_space<hbm>> -> memref<10112x128xf32, #tpu.memory_space<hbm>>
      tpu.wait_indirect_dma semaphore(%arg12 : memref<!tpu.dma_semaphore, #tpu.memory_space<semaphore_mem>>) src(%dma_wait3A_279 : memref<10112x128xf32, #tpu.memory_space<hbm>>) dst(%dma_wait3A_273 : memref<64x128xf32, #tpu.memory_space<vmem>>)
      %dma_wait3A_280 = arith.constant 64 : i32
      %dma_wait3A_281 = arith.constant 0 : i32
      %dma_wait3A_282 = tpu.memref_slice %arg9[%dma_wait3A_280, %dma_wait3A_281] : memref<128x128xf32, #tpu.memory_space<vmem>> -> memref<64x128xf32, #tpu.memory_space<vmem>>
      %dma_wait3A_283 = arith.constant 64 : i32
      %dma_wait3A_284 = tpu.memref_slice %arg6[%add3A_270, %dma_wait3A_283] : memref<40x128xi32, #tpu.memory_space<vmem>> -> memref<1x64xi32, #tpu.memory_space<vmem>>
      %dma_wait3A_285 = tpu.memref_squeeze %dma_wait3A_284 : memref<1x64xi32, #tpu.memory_space<vmem>> -> memref<64xi32, #tpu.memory_space<vmem>>
      %dma_wait3A_286 = arith.constant 0 : i32
      %dma_wait3A_287 = arith.constant 0 : i32
      %dma_wait3A_288 = tpu.memref_slice %arg2[%dma_wait3A_286, %dma_wait3A_287] : memref<10112x128xf32, #tpu.memory_space<hbm>> -> memref<10112x128xf32, #tpu.memory_space<hbm>>
      tpu.wait_indirect_dma semaphore(%arg12 : memref<!tpu.dma_semaphore, #tpu.memory_space<semaphore_mem>>) src(%dma_wait3A_288 : memref<10112x128xf32, #tpu.memory_space<hbm>>) dst(%dma_wait3A_282 : memref<64x128xf32, #tpu.memory_space<vmem>>)
      %add3A_289 = arith.constant 1 : i32
      %add3A_290 = arith.addi %mul3A_210, %add3A_289 : i32
      "tpu.region"() ({
        %run_scoped3A_291 = tpu.sem_alloc : memref<!tpu.dma_semaphore, #tpu.memory_space<semaphore_mem>>
        %dma_start3A_292 = arith.constant 0 : i32
        %dma_start3A_293 = tpu.memref_slice %arg7[%add3A_290, %dma_start3A_292] : memref<40x128xi32, #tpu.memory_space<vmem>> -> memref<1x128xi32, #tpu.memory_space<vmem>>
        %dma_start3A_294 = tpu.memref_squeeze %dma_start3A_293 : memref<1x128xi32, #tpu.memory_space<vmem>> -> memref<128xi32, #tpu.memory_space<vmem>>
        %dma_start3A_295 = arith.constant 0 : i32
        %dma_start3A_296 = arith.constant 0 : i32
        %dma_start3A_297 = tpu.memref_slice %arg10[%dma_start3A_295, %dma_start3A_296] : memref<10112x128xf32, #tpu.memory_space<vmem_shared>> -> memref<10112x128xf32, #tpu.memory_space<vmem_shared>>
        tpu.enqueue_indirect_dma source(%arg9 : memref<128x128xf32, #tpu.memory_space<vmem>>) target(%dma_start3A_297 : memref<10112x128xf32, #tpu.memory_space<vmem_shared>>) offsets(%dma_start3A_294 : memref<128xi32, #tpu.memory_space<vmem>>) semaphore(%run_scoped3A_291 : memref<!tpu.dma_semaphore, #tpu.memory_space<semaphore_mem>>) {add = true}
        %dma_wait3A_298 = arith.constant 0 : i32
        %dma_wait3A_299 = tpu.memref_slice %arg7[%add3A_290, %dma_wait3A_298] : memref<40x128xi32, #tpu.memory_space<vmem>> -> memref<1x128xi32, #tpu.memory_space<vmem>>
        %dma_wait3A_300 = tpu.memref_squeeze %dma_wait3A_299 : memref<1x128xi32, #tpu.memory_space<vmem>> -> memref<128xi32, #tpu.memory_space<vmem>>
        %dma_wait3A_301 = arith.constant 0 : i32
        %dma_wait3A_302 = arith.constant 0 : i32
        %dma_wait3A_303 = tpu.memref_slice %arg10[%dma_wait3A_301, %dma_wait3A_302] : memref<10112x128xf32, #tpu.memory_space<vmem_shared>> -> memref<10112x128xf32, #tpu.memory_space<vmem_shared>>
        tpu.wait_indirect_dma semaphore(%run_scoped3A_291 : memref<!tpu.dma_semaphore, #tpu.memory_space<semaphore_mem>>) src(%arg9 : memref<128x128xf32, #tpu.memory_space<vmem>>) dst(%dma_wait3A_303 : memref<10112x128xf32, #tpu.memory_space<vmem_shared>>)
        tpu.yield
      }) : () -> ()
    }
    %scan3A_50 = arith.constant 19 : i32
    %dma_start3A_51 = arith.constant 39 : i32
    %dma_start3A_52 = arith.constant 0 : i32
    %dma_start3A_53 = arith.constant 0 : i32
    %dma_start3A_54 = tpu.memref_slice %arg9[%dma_start3A_52, %dma_start3A_53] : memref<128x128xf32, #tpu.memory_space<vmem>> -> memref<64x128xf32, #tpu.memory_space<vmem>>
    %dma_start3A_55 = arith.constant 0 : i32
    %dma_start3A_56 = tpu.memref_slice %arg6[%dma_start3A_51, %dma_start3A_55] : memref<40x128xi32, #tpu.memory_space<vmem>> -> memref<1x64xi32, #tpu.memory_space<vmem>>
    %dma_start3A_57 = tpu.memref_squeeze %dma_start3A_56 : memref<1x64xi32, #tpu.memory_space<vmem>> -> memref<64xi32, #tpu.memory_space<vmem>>
    %dma_start3A_58 = arith.constant 0 : i32
    %dma_start3A_59 = arith.constant 0 : i32
    %dma_start3A_60 = tpu.memref_slice %arg2[%dma_start3A_58, %dma_start3A_59] : memref<10112x128xf32, #tpu.memory_space<hbm>> -> memref<10112x128xf32, #tpu.memory_space<hbm>>
    tpu.enqueue_indirect_dma source(%dma_start3A_60 : memref<10112x128xf32, #tpu.memory_space<hbm>>) target(%dma_start3A_54 : memref<64x128xf32, #tpu.memory_space<vmem>>) offsets(%dma_start3A_57 : memref<64xi32, #tpu.memory_space<vmem>>) semaphore(%arg12 : memref<!tpu.dma_semaphore, #tpu.memory_space<semaphore_mem>>)
    %dma_start3A_61 = arith.constant 39 : i32
    %dma_start3A_62 = arith.constant 64 : i32
    %dma_start3A_63 = arith.constant 0 : i32
    %dma_start3A_64 = tpu.memref_slice %arg9[%dma_start3A_62, %dma_start3A_63] : memref<128x128xf32, #tpu.memory_space<vmem>> -> memref<64x128xf32, #tpu.memory_space<vmem>>
    %dma_start3A_65 = arith.constant 64 : i32
    %dma_start3A_66 = tpu.memref_slice %arg6[%dma_start3A_61, %dma_start3A_65] : memref<40x128xi32, #tpu.memory_space<vmem>> -> memref<1x64xi32, #tpu.memory_space<vmem>>
    %dma_start3A_67 = tpu.memref_squeeze %dma_start3A_66 : memref<1x64xi32, #tpu.memory_space<vmem>> -> memref<64xi32, #tpu.memory_space<vmem>>
    %dma_start3A_68 = arith.constant 0 : i32
    %dma_start3A_69 = arith.constant 0 : i32
    %dma_start3A_70 = tpu.memref_slice %arg2[%dma_start3A_68, %dma_start3A_69] : memref<10112x128xf32, #tpu.memory_space<hbm>> -> memref<10112x128xf32, #tpu.memory_space<hbm>>
    tpu.enqueue_indirect_dma source(%dma_start3A_70 : memref<10112x128xf32, #tpu.memory_space<hbm>>) target(%dma_start3A_64 : memref<64x128xf32, #tpu.memory_space<vmem>>) offsets(%dma_start3A_67 : memref<64xi32, #tpu.memory_space<vmem>>) semaphore(%arg12 : memref<!tpu.dma_semaphore, #tpu.memory_space<semaphore_mem>>)
    %dma_wait3A = arith.constant 38 : i32
    %dma_wait3A_71 = arith.constant 0 : i32
    %dma_wait3A_72 = arith.constant 0 : i32
    %dma_wait3A_73 = tpu.memref_slice %arg8[%dma_wait3A_71, %dma_wait3A_72] : memref<128x128xf32, #tpu.memory_space<vmem>> -> memref<64x128xf32, #tpu.memory_space<vmem>>
    %dma_wait3A_74 = arith.constant 0 : i32
    %dma_wait3A_75 = tpu.memref_slice %arg6[%dma_wait3A, %dma_wait3A_74] : memref<40x128xi32, #tpu.memory_space<vmem>> -> memref<1x64xi32, #tpu.memory_space<vmem>>
    %dma_wait3A_76 = tpu.memref_squeeze %dma_wait3A_75 : memref<1x64xi32, #tpu.memory_space<vmem>> -> memref<64xi32, #tpu.memory_space<vmem>>
    %dma_wait3A_77 = arith.constant 0 : i32
    %dma_wait3A_78 = arith.constant 0 : i32
    %dma_wait3A_79 = tpu.memref_slice %arg2[%dma_wait3A_77, %dma_wait3A_78] : memref<10112x128xf32, #tpu.memory_space<hbm>> -> memref<10112x128xf32, #tpu.memory_space<hbm>>
    tpu.wait_indirect_dma semaphore(%arg11 : memref<!tpu.dma_semaphore, #tpu.memory_space<semaphore_mem>>) src(%dma_wait3A_79 : memref<10112x128xf32, #tpu.memory_space<hbm>>) dst(%dma_wait3A_73 : memref<64x128xf32, #tpu.memory_space<vmem>>)
    %dma_wait3A_80 = arith.constant 38 : i32
    %dma_wait3A_81 = arith.constant 64 : i32
    %dma_wait3A_82 = arith.constant 0 : i32
    %dma_wait3A_83 = tpu.memref_slice %arg8[%dma_wait3A_81, %dma_wait3A_82] : memref<128x128xf32, #tpu.memory_space<vmem>> -> memref<64x128xf32, #tpu.memory_space<vmem>>
    %dma_wait3A_84 = arith.constant 64 : i32
    %dma_wait3A_85 = tpu.memref_slice %arg6[%dma_wait3A_80, %dma_wait3A_84] : memref<40x128xi32, #tpu.memory_space<vmem>> -> memref<1x64xi32, #tpu.memory_space<vmem>>
    %dma_wait3A_86 = tpu.memref_squeeze %dma_wait3A_85 : memref<1x64xi32, #tpu.memory_space<vmem>> -> memref<64xi32, #tpu.memory_space<vmem>>
    %dma_wait3A_87 = arith.constant 0 : i32
    %dma_wait3A_88 = arith.constant 0 : i32
    %dma_wait3A_89 = tpu.memref_slice %arg2[%dma_wait3A_87, %dma_wait3A_88] : memref<10112x128xf32, #tpu.memory_space<hbm>> -> memref<10112x128xf32, #tpu.memory_space<hbm>>
    tpu.wait_indirect_dma semaphore(%arg11 : memref<!tpu.dma_semaphore, #tpu.memory_space<semaphore_mem>>) src(%dma_wait3A_89 : memref<10112x128xf32, #tpu.memory_space<hbm>>) dst(%dma_wait3A_83 : memref<64x128xf32, #tpu.memory_space<vmem>>)
    %run_scoped3A = arith.constant 38 : i32
    "tpu.region"() ({
      %run_scoped3A_208 = tpu.sem_alloc : memref<!tpu.dma_semaphore, #tpu.memory_space<semaphore_mem>>
      %dma_start3A_209 = arith.constant 0 : i32
      %dma_start3A_210 = tpu.memref_slice %arg7[%run_scoped3A, %dma_start3A_209] : memref<40x128xi32, #tpu.memory_space<vmem>> -> memref<1x128xi32, #tpu.memory_space<vmem>>
      %dma_start3A_211 = tpu.memref_squeeze %dma_start3A_210 : memref<1x128xi32, #tpu.memory_space<vmem>> -> memref<128xi32, #tpu.memory_space<vmem>>
      %dma_start3A_212 = arith.constant 0 : i32
      %dma_start3A_213 = arith.constant 0 : i32
      %dma_start3A_214 = tpu.memref_slice %arg10[%dma_start3A_212, %dma_start3A_213] : memref<10112x128xf32, #tpu.memory_space<vmem_shared>> -> memref<10112x128xf32, #tpu.memory_space<vmem_shared>>
      tpu.enqueue_indirect_dma source(%arg8 : memref<128x128xf32, #tpu.memory_space<vmem>>) target(%dma_start3A_214 : memref<10112x128xf32, #tpu.memory_space<vmem_shared>>) offsets(%dma_start3A_211 : memref<128xi32, #tpu.memory_space<vmem>>) semaphore(%run_scoped3A_208 : memref<!tpu.dma_semaphore, #tpu.memory_space<semaphore_mem>>) {add = true}
      %dma_wait3A_215 = arith.constant 0 : i32
      %dma_wait3A_216 = tpu.memref_slice %arg7[%run_scoped3A, %dma_wait3A_215] : memref<40x128xi32, #tpu.memory_space<vmem>> -> memref<1x128xi32, #tpu.memory_space<vmem>>
      %dma_wait3A_217 = tpu.memref_squeeze %dma_wait3A_216 : memref<1x128xi32, #tpu.memory_space<vmem>> -> memref<128xi32, #tpu.memory_space<vmem>>
      %dma_wait3A_218 = arith.constant 0 : i32
      %dma_wait3A_219 = arith.constant 0 : i32
      %dma_wait3A_220 = tpu.memref_slice %arg10[%dma_wait3A_218, %dma_wait3A_219] : memref<10112x128xf32, #tpu.memory_space<vmem_shared>> -> memref<10112x128xf32, #tpu.memory_space<vmem_shared>>
      tpu.wait_indirect_dma semaphore(%run_scoped3A_208 : memref<!tpu.dma_semaphore, #tpu.memory_space<semaphore_mem>>) src(%arg8 : memref<128x128xf32, #tpu.memory_space<vmem>>) dst(%dma_wait3A_220 : memref<10112x128xf32, #tpu.memory_space<vmem_shared>>)
      tpu.yield
    }) : () -> ()
    %dma_wait3A_90 = arith.constant 39 : i32
    %dma_wait3A_91 = arith.constant 0 : i32
    %dma_wait3A_92 = arith.constant 0 : i32
    %dma_wait3A_93 = tpu.memref_slice %arg9[%dma_wait3A_91, %dma_wait3A_92] : memref<128x128xf32, #tpu.memory_space<vmem>> -> memref<64x128xf32, #tpu.memory_space<vmem>>
    %dma_wait3A_94 = arith.constant 0 : i32
    %dma_wait3A_95 = tpu.memref_slice %arg6[%dma_wait3A_90, %dma_wait3A_94] : memref<40x128xi32, #tpu.memory_space<vmem>> -> memref<1x64xi32, #tpu.memory_space<vmem>>
    %dma_wait3A_96 = tpu.memref_squeeze %dma_wait3A_95 : memref<1x64xi32, #tpu.memory_space<vmem>> -> memref<64xi32, #tpu.memory_space<vmem>>
    %dma_wait3A_97 = arith.constant 0 : i32
    %dma_wait3A_98 = arith.constant 0 : i32
    %dma_wait3A_99 = tpu.memref_slice %arg2[%dma_wait3A_97, %dma_wait3A_98] : memref<10112x128xf32, #tpu.memory_space<hbm>> -> memref<10112x128xf32, #tpu.memory_space<hbm>>
    tpu.wait_indirect_dma semaphore(%arg12 : memref<!tpu.dma_semaphore, #tpu.memory_space<semaphore_mem>>) src(%dma_wait3A_99 : memref<10112x128xf32, #tpu.memory_space<hbm>>) dst(%dma_wait3A_93 : memref<64x128xf32, #tpu.memory_space<vmem>>)
    %dma_wait3A_100 = arith.constant 39 : i32
    %dma_wait3A_101 = arith.constant 64 : i32
    %dma_wait3A_102 = arith.constant 0 : i32
    %dma_wait3A_103 = tpu.memref_slice %arg9[%dma_wait3A_101, %dma_wait3A_102] : memref<128x128xf32, #tpu.memory_space<vmem>> -> memref<64x128xf32, #tpu.memory_space<vmem>>
    %dma_wait3A_104 = arith.constant 64 : i32
    %dma_wait3A_105 = tpu.memref_slice %arg6[%dma_wait3A_100, %dma_wait3A_104] : memref<40x128xi32, #tpu.memory_space<vmem>> -> memref<1x64xi32, #tpu.memory_space<vmem>>
    %dma_wait3A_106 = tpu.memref_squeeze %dma_wait3A_105 : memref<1x64xi32, #tpu.memory_space<vmem>> -> memref<64xi32, #tpu.memory_space<vmem>>
    %dma_wait3A_107 = arith.constant 0 : i32
    %dma_wait3A_108 = arith.constant 0 : i32
    %dma_wait3A_109 = tpu.memref_slice %arg2[%dma_wait3A_107, %dma_wait3A_108] : memref<10112x128xf32, #tpu.memory_space<hbm>> -> memref<10112x128xf32, #tpu.memory_space<hbm>>
    tpu.wait_indirect_dma semaphore(%arg12 : memref<!tpu.dma_semaphore, #tpu.memory_space<semaphore_mem>>) src(%dma_wait3A_109 : memref<10112x128xf32, #tpu.memory_space<hbm>>) dst(%dma_wait3A_103 : memref<64x128xf32, #tpu.memory_space<vmem>>)
    %run_scoped3A_110 = arith.constant 39 : i32
    "tpu.region"() ({
      %run_scoped3A_208 = tpu.sem_alloc : memref<!tpu.dma_semaphore, #tpu.memory_space<semaphore_mem>>
      %dma_start3A_209 = arith.constant 0 : i32
      %dma_start3A_210 = tpu.memref_slice %arg7[%run_scoped3A_110, %dma_start3A_209] : memref<40x128xi32, #tpu.memory_space<vmem>> -> memref<1x128xi32, #tpu.memory_space<vmem>>
      %dma_start3A_211 = tpu.memref_squeeze %dma_start3A_210 : memref<1x128xi32, #tpu.memory_space<vmem>> -> memref<128xi32, #tpu.memory_space<vmem>>
      %dma_start3A_212 = arith.constant 0 : i32
      %dma_start3A_213 = arith.constant 0 : i32
      %dma_start3A_214 = tpu.memref_slice %arg10[%dma_start3A_212, %dma_start3A_213] : memref<10112x128xf32, #tpu.memory_space<vmem_shared>> -> memref<10112x128xf32, #tpu.memory_space<vmem_shared>>
      tpu.enqueue_indirect_dma source(%arg9 : memref<128x128xf32, #tpu.memory_space<vmem>>) target(%dma_start3A_214 : memref<10112x128xf32, #tpu.memory_space<vmem_shared>>) offsets(%dma_start3A_211 : memref<128xi32, #tpu.memory_space<vmem>>) semaphore(%run_scoped3A_208 : memref<!tpu.dma_semaphore, #tpu.memory_space<semaphore_mem>>) {add = true}
      %dma_wait3A_215 = arith.constant 0 : i32
      %dma_wait3A_216 = tpu.memref_slice %arg7[%run_scoped3A_110, %dma_wait3A_215] : memref<40x128xi32, #tpu.memory_space<vmem>> -> memref<1x128xi32, #tpu.memory_space<vmem>>
      %dma_wait3A_217 = tpu.memref_squeeze %dma_wait3A_216 : memref<1x128xi32, #tpu.memory_space<vmem>> -> memref<128xi32, #tpu.memory_space<vmem>>
      %dma_wait3A_218 = arith.constant 0 : i32
      %dma_wait3A_219 = arith.constant 0 : i32
      %dma_wait3A_220 = tpu.memref_slice %arg10[%dma_wait3A_218, %dma_wait3A_219] : memref<10112x128xf32, #tpu.memory_space<vmem_shared>> -> memref<10112x128xf32, #tpu.memory_space<vmem_shared>>
      tpu.wait_indirect_dma semaphore(%run_scoped3A_208 : memref<!tpu.dma_semaphore, #tpu.memory_space<semaphore_mem>>) src(%arg9 : memref<128x128xf32, #tpu.memory_space<vmem>>) dst(%dma_wait3A_220 : memref<10112x128xf32, #tpu.memory_space<vmem_shared>>)
      tpu.yield
    }) : () -> ()
    %mul3A_111 = arith.constant 80 : i32
    %mul3A_112 = arith.muli %add3A, %mul3A_111 : i32
    %add3A_113 = arith.constant 40 : i32
    %add3A_114 = arith.addi %mul3A_112, %add3A_113 : i32
    "tpu.region"() ({
      %run_scoped3A_208 = tpu.sem_alloc : memref<!tpu.dma_semaphore, #tpu.memory_space<semaphore_mem>>
      %dma_start3A_209 = arith.constant 0 : i32
      %dma_start3A_210 = tpu.memref_slice %arg3[%add3A_114, %dma_start3A_209] : memref<2560x128xi32, #tpu.memory_space<hbm>> -> memref<40x128xi32, #tpu.memory_space<hbm>>
      %dma_start3A_211 = arith.constant 0 : i32
      %dma_start3A_212 = tpu.memref_slice %arg3[%add3A_114, %dma_start3A_211] : memref<2560x128xi32, #tpu.memory_space<hbm>> -> memref<40x128xi32, #tpu.memory_space<hbm>>
      tpu.enqueue_dma source(%dma_start3A_212 : memref<40x128xi32, #tpu.memory_space<hbm>>) target(%arg6 : memref<40x128xi32, #tpu.memory_space<vmem>>) target_semaphore(%run_scoped3A_208 : memref<!tpu.dma_semaphore, #tpu.memory_space<semaphore_mem>>)
      %dma_wait3A_213 = arith.constant 0 : i32
      %dma_wait3A_214 = tpu.memref_slice %arg3[%add3A_114, %dma_wait3A_213] : memref<2560x128xi32, #tpu.memory_space<hbm>> -> memref<40x128xi32, #tpu.memory_space<hbm>>
      %dma_wait3A_215 = arith.constant 0 : i32
      %dma_wait3A_216 = tpu.memref_slice %arg3[%add3A_114, %dma_wait3A_215] : memref<2560x128xi32, #tpu.memory_space<hbm>> -> memref<40x128xi32, #tpu.memory_space<hbm>>
      tpu.wait_dma2 semaphore(%run_scoped3A_208 : memref<!tpu.dma_semaphore, #tpu.memory_space<semaphore_mem>>) src(%dma_wait3A_216 : memref<40x128xi32, #tpu.memory_space<hbm>>) dst(%arg6 : memref<40x128xi32, #tpu.memory_space<vmem>>)
      tpu.yield
    }) : () -> ()
    %mul3A_115 = arith.constant 80 : i32
    %mul3A_116 = arith.muli %add3A, %mul3A_115 : i32
    %add3A_117 = arith.constant 40 : i32
    %add3A_118 = arith.addi %mul3A_116, %add3A_117 : i32
    "tpu.region"() ({
      %run_scoped3A_208 = tpu.sem_alloc : memref<!tpu.dma_semaphore, #tpu.memory_space<semaphore_mem>>
      %dma_start3A_209 = arith.constant 0 : i32
      %dma_start3A_210 = tpu.memref_slice %arg4[%add3A_118, %dma_start3A_209] : memref<2560x128xi32, #tpu.memory_space<hbm>> -> memref<40x128xi32, #tpu.memory_space<hbm>>
      %dma_start3A_211 = arith.constant 0 : i32
      %dma_start3A_212 = tpu.memref_slice %arg4[%add3A_118, %dma_start3A_211] : memref<2560x128xi32, #tpu.memory_space<hbm>> -> memref<40x128xi32, #tpu.memory_space<hbm>>
      tpu.enqueue_dma source(%dma_start3A_212 : memref<40x128xi32, #tpu.memory_space<hbm>>) target(%arg7 : memref<40x128xi32, #tpu.memory_space<vmem>>) target_semaphore(%run_scoped3A_208 : memref<!tpu.dma_semaphore, #tpu.memory_space<semaphore_mem>>)
      %dma_wait3A_213 = arith.constant 0 : i32
      %dma_wait3A_214 = tpu.memref_slice %arg4[%add3A_118, %dma_wait3A_213] : memref<2560x128xi32, #tpu.memory_space<hbm>> -> memref<40x128xi32, #tpu.memory_space<hbm>>
      %dma_wait3A_215 = arith.constant 0 : i32
      %dma_wait3A_216 = tpu.memref_slice %arg4[%add3A_118, %dma_wait3A_215] : memref<2560x128xi32, #tpu.memory_space<hbm>> -> memref<40x128xi32, #tpu.memory_space<hbm>>
      tpu.wait_dma2 semaphore(%run_scoped3A_208 : memref<!tpu.dma_semaphore, #tpu.memory_space<semaphore_mem>>) src(%dma_wait3A_216 : memref<40x128xi32, #tpu.memory_space<hbm>>) dst(%arg7 : memref<40x128xi32, #tpu.memory_space<vmem>>)
      tpu.yield
    }) : () -> ()
    %dma_start3A_119 = arith.constant 0 : i32
    %dma_start3A_120 = arith.constant 0 : i32
    %dma_start3A_121 = arith.constant 0 : i32
    %dma_start3A_122 = tpu.memref_slice %arg8[%dma_start3A_120, %dma_start3A_121] : memref<128x128xf32, #tpu.memory_space<vmem>> -> memref<64x128xf32, #tpu.memory_space<vmem>>
    %dma_start3A_123 = arith.constant 0 : i32
    %dma_start3A_124 = tpu.memref_slice %arg6[%dma_start3A_119, %dma_start3A_123] : memref<40x128xi32, #tpu.memory_space<vmem>> -> memref<1x64xi32, #tpu.memory_space<vmem>>
    %dma_start3A_125 = tpu.memref_squeeze %dma_start3A_124 : memref<1x64xi32, #tpu.memory_space<vmem>> -> memref<64xi32, #tpu.memory_space<vmem>>
    %dma_start3A_126 = arith.constant 0 : i32
    %dma_start3A_127 = arith.constant 0 : i32
    %dma_start3A_128 = tpu.memref_slice %arg2[%dma_start3A_126, %dma_start3A_127] : memref<10112x128xf32, #tpu.memory_space<hbm>> -> memref<10112x128xf32, #tpu.memory_space<hbm>>
    tpu.enqueue_indirect_dma source(%dma_start3A_128 : memref<10112x128xf32, #tpu.memory_space<hbm>>) target(%dma_start3A_122 : memref<64x128xf32, #tpu.memory_space<vmem>>) offsets(%dma_start3A_125 : memref<64xi32, #tpu.memory_space<vmem>>) semaphore(%arg11 : memref<!tpu.dma_semaphore, #tpu.memory_space<semaphore_mem>>)
    %dma_start3A_129 = arith.constant 0 : i32
    %dma_start3A_130 = arith.constant 64 : i32
    %dma_start3A_131 = arith.constant 0 : i32
    %dma_start3A_132 = tpu.memref_slice %arg8[%dma_start3A_130, %dma_start3A_131] : memref<128x128xf32, #tpu.memory_space<vmem>> -> memref<64x128xf32, #tpu.memory_space<vmem>>
    %dma_start3A_133 = arith.constant 64 : i32
    %dma_start3A_134 = tpu.memref_slice %arg6[%dma_start3A_129, %dma_start3A_133] : memref<40x128xi32, #tpu.memory_space<vmem>> -> memref<1x64xi32, #tpu.memory_space<vmem>>
    %dma_start3A_135 = tpu.memref_squeeze %dma_start3A_134 : memref<1x64xi32, #tpu.memory_space<vmem>> -> memref<64xi32, #tpu.memory_space<vmem>>
    %dma_start3A_136 = arith.constant 0 : i32
    %dma_start3A_137 = arith.constant 0 : i32
    %dma_start3A_138 = tpu.memref_slice %arg2[%dma_start3A_136, %dma_start3A_137] : memref<10112x128xf32, #tpu.memory_space<hbm>> -> memref<10112x128xf32, #tpu.memory_space<hbm>>
    tpu.enqueue_indirect_dma source(%dma_start3A_138 : memref<10112x128xf32, #tpu.memory_space<hbm>>) target(%dma_start3A_132 : memref<64x128xf32, #tpu.memory_space<vmem>>) offsets(%dma_start3A_135 : memref<64xi32, #tpu.memory_space<vmem>>) semaphore(%arg11 : memref<!tpu.dma_semaphore, #tpu.memory_space<semaphore_mem>>)
    %scan3A_139 = arith.constant 0 : i32
    %scan3A_140 = arith.constant 0 : i32
    %scan3A_141 = arith.constant 19 : i32
    %scan3A_142 = arith.addi %scan3A_140, %scan3A_141 : i32
    %scan3A_143 = arith.constant 1 : i32
    scf.for %scan3A_208 = %scan3A_140 to %scan3A_142 step %scan3A_143  : i32 {
      %mul3A_209 = arith.constant 2 : i32
      %mul3A_210 = arith.muli %mul3A_209, %scan3A_208 : i32
      %add3A_211 = arith.constant 1 : i32
      %add3A_212 = arith.addi %mul3A_210, %add3A_211 : i32
      %dma_start3A_213 = arith.constant 0 : i32
      %dma_start3A_214 = arith.constant 0 : i32
      %dma_start3A_215 = tpu.memref_slice %arg9[%dma_start3A_213, %dma_start3A_214] : memref<128x128xf32, #tpu.memory_space<vmem>> -> memref<64x128xf32, #tpu.memory_space<vmem>>
      %dma_start3A_216 = arith.constant 0 : i32
      %dma_start3A_217 = tpu.memref_slice %arg6[%add3A_212, %dma_start3A_216] : memref<40x128xi32, #tpu.memory_space<vmem>> -> memref<1x64xi32, #tpu.memory_space<vmem>>
      %dma_start3A_218 = tpu.memref_squeeze %dma_start3A_217 : memref<1x64xi32, #tpu.memory_space<vmem>> -> memref<64xi32, #tpu.memory_space<vmem>>
      %dma_start3A_219 = arith.constant 0 : i32
      %dma_start3A_220 = arith.constant 0 : i32
      %dma_start3A_221 = tpu.memref_slice %arg2[%dma_start3A_219, %dma_start3A_220] : memref<10112x128xf32, #tpu.memory_space<hbm>> -> memref<10112x128xf32, #tpu.memory_space<hbm>>
      tpu.enqueue_indirect_dma source(%dma_start3A_221 : memref<10112x128xf32, #tpu.memory_space<hbm>>) target(%dma_start3A_215 : memref<64x128xf32, #tpu.memory_space<vmem>>) offsets(%dma_start3A_218 : memref<64xi32, #tpu.memory_space<vmem>>) semaphore(%arg12 : memref<!tpu.dma_semaphore, #tpu.memory_space<semaphore_mem>>)
      %dma_start3A_222 = arith.constant 64 : i32
      %dma_start3A_223 = arith.constant 0 : i32
      %dma_start3A_224 = tpu.memref_slice %arg9[%dma_start3A_222, %dma_start3A_223] : memref<128x128xf32, #tpu.memory_space<vmem>> -> memref<64x128xf32, #tpu.memory_space<vmem>>
      %dma_start3A_225 = arith.constant 64 : i32
      %dma_start3A_226 = tpu.memref_slice %arg6[%add3A_212, %dma_start3A_225] : memref<40x128xi32, #tpu.memory_space<vmem>> -> memref<1x64xi32, #tpu.memory_space<vmem>>
      %dma_start3A_227 = tpu.memref_squeeze %dma_start3A_226 : memref<1x64xi32, #tpu.memory_space<vmem>> -> memref<64xi32, #tpu.memory_space<vmem>>
      %dma_start3A_228 = arith.constant 0 : i32
      %dma_start3A_229 = arith.constant 0 : i32
      %dma_start3A_230 = tpu.memref_slice %arg2[%dma_start3A_228, %dma_start3A_229] : memref<10112x128xf32, #tpu.memory_space<hbm>> -> memref<10112x128xf32, #tpu.memory_space<hbm>>
      tpu.enqueue_indirect_dma source(%dma_start3A_230 : memref<10112x128xf32, #tpu.memory_space<hbm>>) target(%dma_start3A_224 : memref<64x128xf32, #tpu.memory_space<vmem>>) offsets(%dma_start3A_227 : memref<64xi32, #tpu.memory_space<vmem>>) semaphore(%arg12 : memref<!tpu.dma_semaphore, #tpu.memory_space<semaphore_mem>>)
      %dma_wait3A_231 = arith.constant 0 : i32
      %dma_wait3A_232 = arith.constant 0 : i32
      %dma_wait3A_233 = tpu.memref_slice %arg8[%dma_wait3A_231, %dma_wait3A_232] : memref<128x128xf32, #tpu.memory_space<vmem>> -> memref<64x128xf32, #tpu.memory_space<vmem>>
      %dma_wait3A_234 = arith.constant 0 : i32
      %dma_wait3A_235 = tpu.memref_slice %arg6[%mul3A_210, %dma_wait3A_234] : memref<40x128xi32, #tpu.memory_space<vmem>> -> memref<1x64xi32, #tpu.memory_space<vmem>>
      %dma_wait3A_236 = tpu.memref_squeeze %dma_wait3A_235 : memref<1x64xi32, #tpu.memory_space<vmem>> -> memref<64xi32, #tpu.memory_space<vmem>>
      %dma_wait3A_237 = arith.constant 0 : i32
      %dma_wait3A_238 = arith.constant 0 : i32
      %dma_wait3A_239 = tpu.memref_slice %arg2[%dma_wait3A_237, %dma_wait3A_238] : memref<10112x128xf32, #tpu.memory_space<hbm>> -> memref<10112x128xf32, #tpu.memory_space<hbm>>
      tpu.wait_indirect_dma semaphore(%arg11 : memref<!tpu.dma_semaphore, #tpu.memory_space<semaphore_mem>>) src(%dma_wait3A_239 : memref<10112x128xf32, #tpu.memory_space<hbm>>) dst(%dma_wait3A_233 : memref<64x128xf32, #tpu.memory_space<vmem>>)
      %dma_wait3A_240 = arith.constant 64 : i32
      %dma_wait3A_241 = arith.constant 0 : i32
      %dma_wait3A_242 = tpu.memref_slice %arg8[%dma_wait3A_240, %dma_wait3A_241] : memref<128x128xf32, #tpu.memory_space<vmem>> -> memref<64x128xf32, #tpu.memory_space<vmem>>
      %dma_wait3A_243 = arith.constant 64 : i32
      %dma_wait3A_244 = tpu.memref_slice %arg6[%mul3A_210, %dma_wait3A_243] : memref<40x128xi32, #tpu.memory_space<vmem>> -> memref<1x64xi32, #tpu.memory_space<vmem>>
      %dma_wait3A_245 = tpu.memref_squeeze %dma_wait3A_244 : memref<1x64xi32, #tpu.memory_space<vmem>> -> memref<64xi32, #tpu.memory_space<vmem>>
      %dma_wait3A_246 = arith.constant 0 : i32
      %dma_wait3A_247 = arith.constant 0 : i32
      %dma_wait3A_248 = tpu.memref_slice %arg2[%dma_wait3A_246, %dma_wait3A_247] : memref<10112x128xf32, #tpu.memory_space<hbm>> -> memref<10112x128xf32, #tpu.memory_space<hbm>>
      tpu.wait_indirect_dma semaphore(%arg11 : memref<!tpu.dma_semaphore, #tpu.memory_space<semaphore_mem>>) src(%dma_wait3A_248 : memref<10112x128xf32, #tpu.memory_space<hbm>>) dst(%dma_wait3A_242 : memref<64x128xf32, #tpu.memory_space<vmem>>)
      "tpu.region"() ({
        %run_scoped3A_291 = tpu.sem_alloc : memref<!tpu.dma_semaphore, #tpu.memory_space<semaphore_mem>>
        %dma_start3A_292 = arith.constant 0 : i32
        %dma_start3A_293 = tpu.memref_slice %arg7[%mul3A_210, %dma_start3A_292] : memref<40x128xi32, #tpu.memory_space<vmem>> -> memref<1x128xi32, #tpu.memory_space<vmem>>
        %dma_start3A_294 = tpu.memref_squeeze %dma_start3A_293 : memref<1x128xi32, #tpu.memory_space<vmem>> -> memref<128xi32, #tpu.memory_space<vmem>>
        %dma_start3A_295 = arith.constant 0 : i32
        %dma_start3A_296 = arith.constant 0 : i32
        %dma_start3A_297 = tpu.memref_slice %arg10[%dma_start3A_295, %dma_start3A_296] : memref<10112x128xf32, #tpu.memory_space<vmem_shared>> -> memref<10112x128xf32, #tpu.memory_space<vmem_shared>>
        tpu.enqueue_indirect_dma source(%arg8 : memref<128x128xf32, #tpu.memory_space<vmem>>) target(%dma_start3A_297 : memref<10112x128xf32, #tpu.memory_space<vmem_shared>>) offsets(%dma_start3A_294 : memref<128xi32, #tpu.memory_space<vmem>>) semaphore(%run_scoped3A_291 : memref<!tpu.dma_semaphore, #tpu.memory_space<semaphore_mem>>) {add = true}
        %dma_wait3A_298 = arith.constant 0 : i32
        %dma_wait3A_299 = tpu.memref_slice %arg7[%mul3A_210, %dma_wait3A_298] : memref<40x128xi32, #tpu.memory_space<vmem>> -> memref<1x128xi32, #tpu.memory_space<vmem>>
        %dma_wait3A_300 = tpu.memref_squeeze %dma_wait3A_299 : memref<1x128xi32, #tpu.memory_space<vmem>> -> memref<128xi32, #tpu.memory_space<vmem>>
        %dma_wait3A_301 = arith.constant 0 : i32
        %dma_wait3A_302 = arith.constant 0 : i32
        %dma_wait3A_303 = tpu.memref_slice %arg10[%dma_wait3A_301, %dma_wait3A_302] : memref<10112x128xf32, #tpu.memory_space<vmem_shared>> -> memref<10112x128xf32, #tpu.memory_space<vmem_shared>>
        tpu.wait_indirect_dma semaphore(%run_scoped3A_291 : memref<!tpu.dma_semaphore, #tpu.memory_space<semaphore_mem>>) src(%arg8 : memref<128x128xf32, #tpu.memory_space<vmem>>) dst(%dma_wait3A_303 : memref<10112x128xf32, #tpu.memory_space<vmem_shared>>)
        tpu.yield
      }) : () -> ()
      %add3A_249 = arith.constant 2 : i32
      %add3A_250 = arith.addi %mul3A_210, %add3A_249 : i32
      %dma_start3A_251 = arith.constant 0 : i32
      %dma_start3A_252 = arith.constant 0 : i32
      %dma_start3A_253 = tpu.memref_slice %arg8[%dma_start3A_251, %dma_start3A_252] : memref<128x128xf32, #tpu.memory_space<vmem>> -> memref<64x128xf32, #tpu.memory_space<vmem>>
      %dma_start3A_254 = arith.constant 0 : i32
      %dma_start3A_255 = tpu.memref_slice %arg6[%add3A_250, %dma_start3A_254] : memref<40x128xi32, #tpu.memory_space<vmem>> -> memref<1x64xi32, #tpu.memory_space<vmem>>
      %dma_start3A_256 = tpu.memref_squeeze %dma_start3A_255 : memref<1x64xi32, #tpu.memory_space<vmem>> -> memref<64xi32, #tpu.memory_space<vmem>>
      %dma_start3A_257 = arith.constant 0 : i32
      %dma_start3A_258 = arith.constant 0 : i32
      %dma_start3A_259 = tpu.memref_slice %arg2[%dma_start3A_257, %dma_start3A_258] : memref<10112x128xf32, #tpu.memory_space<hbm>> -> memref<10112x128xf32, #tpu.memory_space<hbm>>
      tpu.enqueue_indirect_dma source(%dma_start3A_259 : memref<10112x128xf32, #tpu.memory_space<hbm>>) target(%dma_start3A_253 : memref<64x128xf32, #tpu.memory_space<vmem>>) offsets(%dma_start3A_256 : memref<64xi32, #tpu.memory_space<vmem>>) semaphore(%arg11 : memref<!tpu.dma_semaphore, #tpu.memory_space<semaphore_mem>>)
      %dma_start3A_260 = arith.constant 64 : i32
      %dma_start3A_261 = arith.constant 0 : i32
      %dma_start3A_262 = tpu.memref_slice %arg8[%dma_start3A_260, %dma_start3A_261] : memref<128x128xf32, #tpu.memory_space<vmem>> -> memref<64x128xf32, #tpu.memory_space<vmem>>
      %dma_start3A_263 = arith.constant 64 : i32
      %dma_start3A_264 = tpu.memref_slice %arg6[%add3A_250, %dma_start3A_263] : memref<40x128xi32, #tpu.memory_space<vmem>> -> memref<1x64xi32, #tpu.memory_space<vmem>>
      %dma_start3A_265 = tpu.memref_squeeze %dma_start3A_264 : memref<1x64xi32, #tpu.memory_space<vmem>> -> memref<64xi32, #tpu.memory_space<vmem>>
      %dma_start3A_266 = arith.constant 0 : i32
      %dma_start3A_267 = arith.constant 0 : i32
      %dma_start3A_268 = tpu.memref_slice %arg2[%dma_start3A_266, %dma_start3A_267] : memref<10112x128xf32, #tpu.memory_space<hbm>> -> memref<10112x128xf32, #tpu.memory_space<hbm>>
      tpu.enqueue_indirect_dma source(%dma_start3A_268 : memref<10112x128xf32, #tpu.memory_space<hbm>>) target(%dma_start3A_262 : memref<64x128xf32, #tpu.memory_space<vmem>>) offsets(%dma_start3A_265 : memref<64xi32, #tpu.memory_space<vmem>>) semaphore(%arg11 : memref<!tpu.dma_semaphore, #tpu.memory_space<semaphore_mem>>)
      %add3A_269 = arith.constant 1 : i32
      %add3A_270 = arith.addi %mul3A_210, %add3A_269 : i32
      %dma_wait3A_271 = arith.constant 0 : i32
      %dma_wait3A_272 = arith.constant 0 : i32
      %dma_wait3A_273 = tpu.memref_slice %arg9[%dma_wait3A_271, %dma_wait3A_272] : memref<128x128xf32, #tpu.memory_space<vmem>> -> memref<64x128xf32, #tpu.memory_space<vmem>>
      %dma_wait3A_274 = arith.constant 0 : i32
      %dma_wait3A_275 = tpu.memref_slice %arg6[%add3A_270, %dma_wait3A_274] : memref<40x128xi32, #tpu.memory_space<vmem>> -> memref<1x64xi32, #tpu.memory_space<vmem>>
      %dma_wait3A_276 = tpu.memref_squeeze %dma_wait3A_275 : memref<1x64xi32, #tpu.memory_space<vmem>> -> memref<64xi32, #tpu.memory_space<vmem>>
      %dma_wait3A_277 = arith.constant 0 : i32
      %dma_wait3A_278 = arith.constant 0 : i32
      %dma_wait3A_279 = tpu.memref_slice %arg2[%dma_wait3A_277, %dma_wait3A_278] : memref<10112x128xf32, #tpu.memory_space<hbm>> -> memref<10112x128xf32, #tpu.memory_space<hbm>>
      tpu.wait_indirect_dma semaphore(%arg12 : memref<!tpu.dma_semaphore, #tpu.memory_space<semaphore_mem>>) src(%dma_wait3A_279 : memref<10112x128xf32, #tpu.memory_space<hbm>>) dst(%dma_wait3A_273 : memref<64x128xf32, #tpu.memory_space<vmem>>)
      %dma_wait3A_280 = arith.constant 64 : i32
      %dma_wait3A_281 = arith.constant 0 : i32
      %dma_wait3A_282 = tpu.memref_slice %arg9[%dma_wait3A_280, %dma_wait3A_281] : memref<128x128xf32, #tpu.memory_space<vmem>> -> memref<64x128xf32, #tpu.memory_space<vmem>>
      %dma_wait3A_283 = arith.constant 64 : i32
      %dma_wait3A_284 = tpu.memref_slice %arg6[%add3A_270, %dma_wait3A_283] : memref<40x128xi32, #tpu.memory_space<vmem>> -> memref<1x64xi32, #tpu.memory_space<vmem>>
      %dma_wait3A_285 = tpu.memref_squeeze %dma_wait3A_284 : memref<1x64xi32, #tpu.memory_space<vmem>> -> memref<64xi32, #tpu.memory_space<vmem>>
      %dma_wait3A_286 = arith.constant 0 : i32
      %dma_wait3A_287 = arith.constant 0 : i32
      %dma_wait3A_288 = tpu.memref_slice %arg2[%dma_wait3A_286, %dma_wait3A_287] : memref<10112x128xf32, #tpu.memory_space<hbm>> -> memref<10112x128xf32, #tpu.memory_space<hbm>>
      tpu.wait_indirect_dma semaphore(%arg12 : memref<!tpu.dma_semaphore, #tpu.memory_space<semaphore_mem>>) src(%dma_wait3A_288 : memref<10112x128xf32, #tpu.memory_space<hbm>>) dst(%dma_wait3A_282 : memref<64x128xf32, #tpu.memory_space<vmem>>)
      %add3A_289 = arith.constant 1 : i32
      %add3A_290 = arith.addi %mul3A_210, %add3A_289 : i32
      "tpu.region"() ({
        %run_scoped3A_291 = tpu.sem_alloc : memref<!tpu.dma_semaphore, #tpu.memory_space<semaphore_mem>>
        %dma_start3A_292 = arith.constant 0 : i32
        %dma_start3A_293 = tpu.memref_slice %arg7[%add3A_290, %dma_start3A_292] : memref<40x128xi32, #tpu.memory_space<vmem>> -> memref<1x128xi32, #tpu.memory_space<vmem>>
        %dma_start3A_294 = tpu.memref_squeeze %dma_start3A_293 : memref<1x128xi32, #tpu.memory_space<vmem>> -> memref<128xi32, #tpu.memory_space<vmem>>
        %dma_start3A_295 = arith.constant 0 : i32
        %dma_start3A_296 = arith.constant 0 : i32
        %dma_start3A_297 = tpu.memref_slice %arg10[%dma_start3A_295, %dma_start3A_296] : memref<10112x128xf32, #tpu.memory_space<vmem_shared>> -> memref<10112x128xf32, #tpu.memory_space<vmem_shared>>
        tpu.enqueue_indirect_dma source(%arg9 : memref<128x128xf32, #tpu.memory_space<vmem>>) target(%dma_start3A_297 : memref<10112x128xf32, #tpu.memory_space<vmem_shared>>) offsets(%dma_start3A_294 : memref<128xi32, #tpu.memory_space<vmem>>) semaphore(%run_scoped3A_291 : memref<!tpu.dma_semaphore, #tpu.memory_space<semaphore_mem>>) {add = true}
        %dma_wait3A_298 = arith.constant 0 : i32
        %dma_wait3A_299 = tpu.memref_slice %arg7[%add3A_290, %dma_wait3A_298] : memref<40x128xi32, #tpu.memory_space<vmem>> -> memref<1x128xi32, #tpu.memory_space<vmem>>
        %dma_wait3A_300 = tpu.memref_squeeze %dma_wait3A_299 : memref<1x128xi32, #tpu.memory_space<vmem>> -> memref<128xi32, #tpu.memory_space<vmem>>
        %dma_wait3A_301 = arith.constant 0 : i32
        %dma_wait3A_302 = arith.constant 0 : i32
        %dma_wait3A_303 = tpu.memref_slice %arg10[%dma_wait3A_301, %dma_wait3A_302] : memref<10112x128xf32, #tpu.memory_space<vmem_shared>> -> memref<10112x128xf32, #tpu.memory_space<vmem_shared>>
        tpu.wait_indirect_dma semaphore(%run_scoped3A_291 : memref<!tpu.dma_semaphore, #tpu.memory_space<semaphore_mem>>) src(%arg9 : memref<128x128xf32, #tpu.memory_space<vmem>>) dst(%dma_wait3A_303 : memref<10112x128xf32, #tpu.memory_space<vmem_shared>>)
        tpu.yield
      }) : () -> ()
    }
    %scan3A_144 = arith.constant 19 : i32
    %dma_start3A_145 = arith.constant 39 : i32
    %dma_start3A_146 = arith.constant 0 : i32
    %dma_start3A_147 = arith.constant 0 : i32
    %dma_start3A_148 = tpu.memref_slice %arg9[%dma_start3A_146, %dma_start3A_147] : memref<128x128xf32, #tpu.memory_space<vmem>> -> memref<64x128xf32, #tpu.memory_space<vmem>>
    %dma_start3A_149 = arith.constant 0 : i32
    %dma_start3A_150 = tpu.memref_slice %arg6[%dma_start3A_145, %dma_start3A_149] : memref<40x128xi32, #tpu.memory_space<vmem>> -> memref<1x64xi32, #tpu.memory_space<vmem>>
    %dma_start3A_151 = tpu.memref_squeeze %dma_start3A_150 : memref<1x64xi32, #tpu.memory_space<vmem>> -> memref<64xi32, #tpu.memory_space<vmem>>
    %dma_start3A_152 = arith.constant 0 : i32
    %dma_start3A_153 = arith.constant 0 : i32
    %dma_start3A_154 = tpu.memref_slice %arg2[%dma_start3A_152, %dma_start3A_153] : memref<10112x128xf32, #tpu.memory_space<hbm>> -> memref<10112x128xf32, #tpu.memory_space<hbm>>
    tpu.enqueue_indirect_dma source(%dma_start3A_154 : memref<10112x128xf32, #tpu.memory_space<hbm>>) target(%dma_start3A_148 : memref<64x128xf32, #tpu.memory_space<vmem>>) offsets(%dma_start3A_151 : memref<64xi32, #tpu.memory_space<vmem>>) semaphore(%arg12 : memref<!tpu.dma_semaphore, #tpu.memory_space<semaphore_mem>>)
    %dma_start3A_155 = arith.constant 39 : i32
    %dma_start3A_156 = arith.constant 64 : i32
    %dma_start3A_157 = arith.constant 0 : i32
    %dma_start3A_158 = tpu.memref_slice %arg9[%dma_start3A_156, %dma_start3A_157] : memref<128x128xf32, #tpu.memory_space<vmem>> -> memref<64x128xf32, #tpu.memory_space<vmem>>
    %dma_start3A_159 = arith.constant 64 : i32
    %dma_start3A_160 = tpu.memref_slice %arg6[%dma_start3A_155, %dma_start3A_159] : memref<40x128xi32, #tpu.memory_space<vmem>> -> memref<1x64xi32, #tpu.memory_space<vmem>>
    %dma_start3A_161 = tpu.memref_squeeze %dma_start3A_160 : memref<1x64xi32, #tpu.memory_space<vmem>> -> memref<64xi32, #tpu.memory_space<vmem>>
    %dma_start3A_162 = arith.constant 0 : i32
    %dma_start3A_163 = arith.constant 0 : i32
    %dma_start3A_164 = tpu.memref_slice %arg2[%dma_start3A_162, %dma_start3A_163] : memref<10112x128xf32, #tpu.memory_space<hbm>> -> memref<10112x128xf32, #tpu.memory_space<hbm>>
    tpu.enqueue_indirect_dma source(%dma_start3A_164 : memref<10112x128xf32, #tpu.memory_space<hbm>>) target(%dma_start3A_158 : memref<64x128xf32, #tpu.memory_space<vmem>>) offsets(%dma_start3A_161 : memref<64xi32, #tpu.memory_space<vmem>>) semaphore(%arg12 : memref<!tpu.dma_semaphore, #tpu.memory_space<semaphore_mem>>)
    %dma_wait3A_165 = arith.constant 38 : i32
    %dma_wait3A_166 = arith.constant 0 : i32
    %dma_wait3A_167 = arith.constant 0 : i32
    %dma_wait3A_168 = tpu.memref_slice %arg8[%dma_wait3A_166, %dma_wait3A_167] : memref<128x128xf32, #tpu.memory_space<vmem>> -> memref<64x128xf32, #tpu.memory_space<vmem>>
    %dma_wait3A_169 = arith.constant 0 : i32
    %dma_wait3A_170 = tpu.memref_slice %arg6[%dma_wait3A_165, %dma_wait3A_169] : memref<40x128xi32, #tpu.memory_space<vmem>> -> memref<1x64xi32, #tpu.memory_space<vmem>>
    %dma_wait3A_171 = tpu.memref_squeeze %dma_wait3A_170 : memref<1x64xi32, #tpu.memory_space<vmem>> -> memref<64xi32, #tpu.memory_space<vmem>>
    %dma_wait3A_172 = arith.constant 0 : i32
    %dma_wait3A_173 = arith.constant 0 : i32
    %dma_wait3A_174 = tpu.memref_slice %arg2[%dma_wait3A_172, %dma_wait3A_173] : memref<10112x128xf32, #tpu.memory_space<hbm>> -> memref<10112x128xf32, #tpu.memory_space<hbm>>
    tpu.wait_indirect_dma semaphore(%arg11 : memref<!tpu.dma_semaphore, #tpu.memory_space<semaphore_mem>>) src(%dma_wait3A_174 : memref<10112x128xf32, #tpu.memory_space<hbm>>) dst(%dma_wait3A_168 : memref<64x128xf32, #tpu.memory_space<vmem>>)
    %dma_wait3A_175 = arith.constant 38 : i32
    %dma_wait3A_176 = arith.constant 64 : i32
    %dma_wait3A_177 = arith.constant 0 : i32
    %dma_wait3A_178 = tpu.memref_slice %arg8[%dma_wait3A_176, %dma_wait3A_177] : memref<128x128xf32, #tpu.memory_space<vmem>> -> memref<64x128xf32, #tpu.memory_space<vmem>>
    %dma_wait3A_179 = arith.constant 64 : i32
    %dma_wait3A_180 = tpu.memref_slice %arg6[%dma_wait3A_175, %dma_wait3A_179] : memref<40x128xi32, #tpu.memory_space<vmem>> -> memref<1x64xi32, #tpu.memory_space<vmem>>
    %dma_wait3A_181 = tpu.memref_squeeze %dma_wait3A_180 : memref<1x64xi32, #tpu.memory_space<vmem>> -> memref<64xi32, #tpu.memory_space<vmem>>
    %dma_wait3A_182 = arith.constant 0 : i32
    %dma_wait3A_183 = arith.constant 0 : i32
    %dma_wait3A_184 = tpu.memref_slice %arg2[%dma_wait3A_182, %dma_wait3A_183] : memref<10112x128xf32, #tpu.memory_space<hbm>> -> memref<10112x128xf32, #tpu.memory_space<hbm>>
    tpu.wait_indirect_dma semaphore(%arg11 : memref<!tpu.dma_semaphore, #tpu.memory_space<semaphore_mem>>) src(%dma_wait3A_184 : memref<10112x128xf32, #tpu.memory_space<hbm>>) dst(%dma_wait3A_178 : memref<64x128xf32, #tpu.memory_space<vmem>>)
    %run_scoped3A_185 = arith.constant 38 : i32
    "tpu.region"() ({
      %run_scoped3A_208 = tpu.sem_alloc : memref<!tpu.dma_semaphore, #tpu.memory_space<semaphore_mem>>
      %dma_start3A_209 = arith.constant 0 : i32
      %dma_start3A_210 = tpu.memref_slice %arg7[%run_scoped3A_185, %dma_start3A_209] : memref<40x128xi32, #tpu.memory_space<vmem>> -> memref<1x128xi32, #tpu.memory_space<vmem>>
      %dma_start3A_211 = tpu.memref_squeeze %dma_start3A_210 : memref<1x128xi32, #tpu.memory_space<vmem>> -> memref<128xi32, #tpu.memory_space<vmem>>
      %dma_start3A_212 = arith.constant 0 : i32
      %dma_start3A_213 = arith.constant 0 : i32
      %dma_start3A_214 = tpu.memref_slice %arg10[%dma_start3A_212, %dma_start3A_213] : memref<10112x128xf32, #tpu.memory_space<vmem_shared>> -> memref<10112x128xf32, #tpu.memory_space<vmem_shared>>
      tpu.enqueue_indirect_dma source(%arg8 : memref<128x128xf32, #tpu.memory_space<vmem>>) target(%dma_start3A_214 : memref<10112x128xf32, #tpu.memory_space<vmem_shared>>) offsets(%dma_start3A_211 : memref<128xi32, #tpu.memory_space<vmem>>) semaphore(%run_scoped3A_208 : memref<!tpu.dma_semaphore, #tpu.memory_space<semaphore_mem>>) {add = true}
      %dma_wait3A_215 = arith.constant 0 : i32
      %dma_wait3A_216 = tpu.memref_slice %arg7[%run_scoped3A_185, %dma_wait3A_215] : memref<40x128xi32, #tpu.memory_space<vmem>> -> memref<1x128xi32, #tpu.memory_space<vmem>>
      %dma_wait3A_217 = tpu.memref_squeeze %dma_wait3A_216 : memref<1x128xi32, #tpu.memory_space<vmem>> -> memref<128xi32, #tpu.memory_space<vmem>>
      %dma_wait3A_218 = arith.constant 0 : i32
      %dma_wait3A_219 = arith.constant 0 : i32
      %dma_wait3A_220 = tpu.memref_slice %arg10[%dma_wait3A_218, %dma_wait3A_219] : memref<10112x128xf32, #tpu.memory_space<vmem_shared>> -> memref<10112x128xf32, #tpu.memory_space<vmem_shared>>
      tpu.wait_indirect_dma semaphore(%run_scoped3A_208 : memref<!tpu.dma_semaphore, #tpu.memory_space<semaphore_mem>>) src(%arg8 : memref<128x128xf32, #tpu.memory_space<vmem>>) dst(%dma_wait3A_220 : memref<10112x128xf32, #tpu.memory_space<vmem_shared>>)
      tpu.yield
    }) : () -> ()
    %dma_wait3A_186 = arith.constant 39 : i32
    %dma_wait3A_187 = arith.constant 0 : i32
    %dma_wait3A_188 = arith.constant 0 : i32
    %dma_wait3A_189 = tpu.memref_slice %arg9[%dma_wait3A_187, %dma_wait3A_188] : memref<128x128xf32, #tpu.memory_space<vmem>> -> memref<64x128xf32, #tpu.memory_space<vmem>>
    %dma_wait3A_190 = arith.constant 0 : i32
    %dma_wait3A_191 = tpu.memref_slice %arg6[%dma_wait3A_186, %dma_wait3A_190] : memref<40x128xi32, #tpu.memory_space<vmem>> -> memref<1x64xi32, #tpu.memory_space<vmem>>
    %dma_wait3A_192 = tpu.memref_squeeze %dma_wait3A_191 : memref<1x64xi32, #tpu.memory_space<vmem>> -> memref<64xi32, #tpu.memory_space<vmem>>
    %dma_wait3A_193 = arith.constant 0 : i32
    %dma_wait3A_194 = arith.constant 0 : i32
    %dma_wait3A_195 = tpu.memref_slice %arg2[%dma_wait3A_193, %dma_wait3A_194] : memref<10112x128xf32, #tpu.memory_space<hbm>> -> memref<10112x128xf32, #tpu.memory_space<hbm>>
    tpu.wait_indirect_dma semaphore(%arg12 : memref<!tpu.dma_semaphore, #tpu.memory_space<semaphore_mem>>) src(%dma_wait3A_195 : memref<10112x128xf32, #tpu.memory_space<hbm>>) dst(%dma_wait3A_189 : memref<64x128xf32, #tpu.memory_space<vmem>>)
    %dma_wait3A_196 = arith.constant 39 : i32
    %dma_wait3A_197 = arith.constant 64 : i32
    %dma_wait3A_198 = arith.constant 0 : i32
    %dma_wait3A_199 = tpu.memref_slice %arg9[%dma_wait3A_197, %dma_wait3A_198] : memref<128x128xf32, #tpu.memory_space<vmem>> -> memref<64x128xf32, #tpu.memory_space<vmem>>
    %dma_wait3A_200 = arith.constant 64 : i32
    %dma_wait3A_201 = tpu.memref_slice %arg6[%dma_wait3A_196, %dma_wait3A_200] : memref<40x128xi32, #tpu.memory_space<vmem>> -> memref<1x64xi32, #tpu.memory_space<vmem>>
    %dma_wait3A_202 = tpu.memref_squeeze %dma_wait3A_201 : memref<1x64xi32, #tpu.memory_space<vmem>> -> memref<64xi32, #tpu.memory_space<vmem>>
    %dma_wait3A_203 = arith.constant 0 : i32
    %dma_wait3A_204 = arith.constant 0 : i32
    %dma_wait3A_205 = tpu.memref_slice %arg2[%dma_wait3A_203, %dma_wait3A_204] : memref<10112x128xf32, #tpu.memory_space<hbm>> -> memref<10112x128xf32, #tpu.memory_space<hbm>>
    tpu.wait_indirect_dma semaphore(%arg12 : memref<!tpu.dma_semaphore, #tpu.memory_space<semaphore_mem>>) src(%dma_wait3A_205 : memref<10112x128xf32, #tpu.memory_space<hbm>>) dst(%dma_wait3A_199 : memref<64x128xf32, #tpu.memory_space<vmem>>)
    %run_scoped3A_206 = arith.constant 39 : i32
    "tpu.region"() ({
      %run_scoped3A_208 = tpu.sem_alloc : memref<!tpu.dma_semaphore, #tpu.memory_space<semaphore_mem>>
      %dma_start3A_209 = arith.constant 0 : i32
      %dma_start3A_210 = tpu.memref_slice %arg7[%run_scoped3A_206, %dma_start3A_209] : memref<40x128xi32, #tpu.memory_space<vmem>> -> memref<1x128xi32, #tpu.memory_space<vmem>>
      %dma_start3A_211 = tpu.memref_squeeze %dma_start3A_210 : memref<1x128xi32, #tpu.memory_space<vmem>> -> memref<128xi32, #tpu.memory_space<vmem>>
      %dma_start3A_212 = arith.constant 0 : i32
      %dma_start3A_213 = arith.constant 0 : i32
      %dma_start3A_214 = tpu.memref_slice %arg10[%dma_start3A_212, %dma_start3A_213] : memref<10112x128xf32, #tpu.memory_space<vmem_shared>> -> memref<10112x128xf32, #tpu.memory_space<vmem_shared>>
      tpu.enqueue_indirect_dma source(%arg9 : memref<128x128xf32, #tpu.memory_space<vmem>>) target(%dma_start3A_214 : memref<10112x128xf32, #tpu.memory_space<vmem_shared>>) offsets(%dma_start3A_211 : memref<128xi32, #tpu.memory_space<vmem>>) semaphore(%run_scoped3A_208 : memref<!tpu.dma_semaphore, #tpu.memory_space<semaphore_mem>>) {add = true}
      %dma_wait3A_215 = arith.constant 0 : i32
      %dma_wait3A_216 = tpu.memref_slice %arg7[%run_scoped3A_206, %dma_wait3A_215] : memref<40x128xi32, #tpu.memory_space<vmem>> -> memref<1x128xi32, #tpu.memory_space<vmem>>
      %dma_wait3A_217 = tpu.memref_squeeze %dma_wait3A_216 : memref<1x128xi32, #tpu.memory_space<vmem>> -> memref<128xi32, #tpu.memory_space<vmem>>
      %dma_wait3A_218 = arith.constant 0 : i32
      %dma_wait3A_219 = arith.constant 0 : i32
      %dma_wait3A_220 = tpu.memref_slice %arg10[%dma_wait3A_218, %dma_wait3A_219] : memref<10112x128xf32, #tpu.memory_space<vmem_shared>> -> memref<10112x128xf32, #tpu.memory_space<vmem_shared>>
      tpu.wait_indirect_dma semaphore(%run_scoped3A_208 : memref<!tpu.dma_semaphore, #tpu.memory_space<semaphore_mem>>) src(%arg9 : memref<128x128xf32, #tpu.memory_space<vmem>>) dst(%dma_wait3A_220 : memref<10112x128xf32, #tpu.memory_space<vmem_shared>>)
      tpu.yield
    }) : () -> ()
    %barrier3A_207 = arith.constant 0 : index
    tpu.barrier barrier_id(%barrier3A_207)
    "tpu.region"() ({
      %run_scoped3A_208 = tpu.sem_alloc : memref<!tpu.dma_semaphore, #tpu.memory_space<semaphore_mem>>
      %dma_start3A_209 = arith.constant 0 : i32
      %dma_start3A_210 = tpu.memref_slice %arg5[%arg0, %mul3A_2, %dma_start3A_209] : memref<2x10112x128xf32, #tpu.memory_space<hbm>> -> memref<1x632x128xf32, #tpu.memory_space<hbm>>
      %dma_start3A_211 = tpu.memref_squeeze %dma_start3A_210 : memref<1x632x128xf32, #tpu.memory_space<hbm>> -> memref<632x128xf32, #tpu.memory_space<hbm>>
      %dma_start3A_212 = arith.constant 0 : i32
      %dma_start3A_213 = tpu.memref_slice %arg10[%mul3A_2, %dma_start3A_212] : memref<10112x128xf32, #tpu.memory_space<vmem_shared>> -> memref<632x128xf32, #tpu.memory_space<vmem_shared>>
      tpu.enqueue_dma source(%dma_start3A_213 : memref<632x128xf32, #tpu.memory_space<vmem_shared>>) target(%dma_start3A_211 : memref<632x128xf32, #tpu.memory_space<hbm>>) target_semaphore(%run_scoped3A_208 : memref<!tpu.dma_semaphore, #tpu.memory_space<semaphore_mem>>)
      %dma_wait3A_214 = arith.constant 0 : i32
      %dma_wait3A_215 = tpu.memref_slice %arg5[%arg0, %mul3A_2, %dma_wait3A_214] : memref<2x10112x128xf32, #tpu.memory_space<hbm>> -> memref<1x632x128xf32, #tpu.memory_space<hbm>>
      %dma_wait3A_216 = tpu.memref_squeeze %dma_wait3A_215 : memref<1x632x128xf32, #tpu.memory_space<hbm>> -> memref<632x128xf32, #tpu.memory_space<hbm>>
      %dma_wait3A_217 = arith.constant 0 : i32
      %dma_wait3A_218 = tpu.memref_slice %arg10[%mul3A_2, %dma_wait3A_217] : memref<10112x128xf32, #tpu.memory_space<vmem_shared>> -> memref<632x128xf32, #tpu.memory_space<vmem_shared>>
      tpu.wait_dma2 semaphore(%run_scoped3A_208 : memref<!tpu.dma_semaphore, #tpu.memory_space<semaphore_mem>>) src(%dma_wait3A_218 : memref<632x128xf32, #tpu.memory_space<vmem_shared>>) dst(%dma_wait3A_216 : memref<632x128xf32, #tpu.memory_space<hbm>>)
      tpu.yield
    }) : () -> ()
    return
  }
}

#map = affine_map<(d0, d1) -> (0, 0)>
#map1 = affine_map<(d0, d1) -> (0)>
#map2 = affine_map<(d0, d1) -> (0, 0, 0)>
module attributes {stable_mosaic.version = 14 : i64} {
  func.func @_mp2_body(%arg0: i32, %arg1: i32, %arg2: memref<10112x128xf32, #tpu.memory_space<hbm>>, %arg3: memref<2560x128xi32, #tpu.memory_space<hbm>>, %arg4: memref<2560x128xi32, #tpu.memory_space<hbm>>, %arg5: memref<4096xi32, #tpu.memory_space<hbm>>, %arg6: memref<4096xi32, #tpu.memory_space<hbm>>, %arg7: memref<10112xf32, #tpu.memory_space<hbm>>, %arg8: memref<2x4096x128xf32, #tpu.memory_space<hbm>>, %arg9: memref<2x4096x128xf32, #tpu.memory_space<hbm>>, %arg10: memref<8192xf32, #tpu.memory_space<hbm>>, %arg11: memref<8192xf32, #tpu.memory_space<hbm>>, %arg12: memref<40x128xi32, #tpu.memory_space<vmem>>, %arg13: memref<40x128xi32, #tpu.memory_space<vmem>>, %arg14: memref<128x128xf32, #tpu.memory_space<vmem>>, %arg15: memref<128x128xf32, #tpu.memory_space<vmem>>, %arg16: memref<128xf32, #tpu.memory_space<vmem>>, %arg17: memref<10112x128xf32, #tpu.memory_space<vmem_shared>>, %arg18: memref<!tpu.dma_semaphore, #tpu.memory_space<semaphore_mem>>, %arg19: memref<!tpu.dma_semaphore, #tpu.memory_space<semaphore_mem>>) attributes {dimension_semantics = [#tpu.dimension_semantics<core_parallel>, #tpu.dimension_semantics<subcore_parallel>], iteration_bounds = array<i64: 2, 16>, scalar_prefetch = 0 : i64, scratch_operands = 8 : i64, tpu.core_type = #tpu.core_type<sc_vector_subcore>, window_params = [{transform_indices = #map}, {transform_indices = #map}, {transform_indices = #map}, {transform_indices = #map1}, {transform_indices = #map1}, {transform_indices = #map1}, {transform_indices = #map2}, {transform_indices = #map2}, {transform_indices = #map1}, {transform_indices = #map1}]} {
    %mul3A = arith.constant 2 : i32
    %mul3A_0 = arith.muli %arg1, %mul3A : i32
    %add3A = arith.addi %mul3A_0, %arg0 : i32
    %mul3A_1 = arith.constant 632 : i32
    %mul3A_2 = arith.muli %arg1, %mul3A_1 : i32
    %scan3A = arith.constant 0 : i32
    %scan3A_3 = arith.constant 0 : i32
    %scan3A_4 = arith.constant 128 : i32
    %scan3A_5 = arith.addi %scan3A_3, %scan3A_4 : i32
    %scan3A_6 = arith.constant 1 : i32
    scf.for %scan3A_340 = %scan3A_3 to %scan3A_5 step %scan3A_6  : i32 {
      %broadcast_in_dim3A = arith.constant 0.000000e+00 : f32
      %broadcast_in_dim3A_341 = vector.broadcast %broadcast_in_dim3A : f32 to vector<16xf32>
      %swap3A = arith.index_cast %scan3A_340 : i32 to index
      %swap3A_342 = arith.constant 0 : index
      %swap3A_343 = tpu.vector_load %arg14[%swap3A, %swap3A_342] {strides = array<i32>} : memref<128x128xf32, #tpu.memory_space<vmem>>, vector<1x16xf32>,
      %swap3A_344 = vector.shape_cast %swap3A_343 : vector<1x16xf32> to vector<16xf32>
      %swap3A_345 = vector.shape_cast %broadcast_in_dim3A_341 : vector<16xf32> to vector<1x16xf32>
      tpu.vector_store %arg14[%swap3A, %swap3A_342], %swap3A_345 {strides = array<i32>} : memref<128x128xf32, #tpu.memory_space<vmem>>, vector<1x16xf32>,
      %broadcast_in_dim3A_346 = arith.constant 0.000000e+00 : f32
      %broadcast_in_dim3A_347 = vector.broadcast %broadcast_in_dim3A_346 : f32 to vector<16xf32>
      %swap3A_348 = arith.index_cast %scan3A_340 : i32 to index
      %swap3A_349 = arith.constant 16 : index
      %swap3A_350 = tpu.vector_load %arg14[%swap3A_348, %swap3A_349] {strides = array<i32>} : memref<128x128xf32, #tpu.memory_space<vmem>>, vector<1x16xf32>,
      %swap3A_351 = vector.shape_cast %swap3A_350 : vector<1x16xf32> to vector<16xf32>
      %swap3A_352 = vector.shape_cast %broadcast_in_dim3A_347 : vector<16xf32> to vector<1x16xf32>
      tpu.vector_store %arg14[%swap3A_348, %swap3A_349], %swap3A_352 {strides = array<i32>} : memref<128x128xf32, #tpu.memory_space<vmem>>, vector<1x16xf32>,
      %broadcast_in_dim3A_353 = arith.constant 0.000000e+00 : f32
      %broadcast_in_dim3A_354 = vector.broadcast %broadcast_in_dim3A_353 : f32 to vector<16xf32>
      %swap3A_355 = arith.index_cast %scan3A_340 : i32 to index
      %swap3A_356 = arith.constant 32 : index
      %swap3A_357 = tpu.vector_load %arg14[%swap3A_355, %swap3A_356] {strides = array<i32>} : memref<128x128xf32, #tpu.memory_space<vmem>>, vector<1x16xf32>,
      %swap3A_358 = vector.shape_cast %swap3A_357 : vector<1x16xf32> to vector<16xf32>
      %swap3A_359 = vector.shape_cast %broadcast_in_dim3A_354 : vector<16xf32> to vector<1x16xf32>
      tpu.vector_store %arg14[%swap3A_355, %swap3A_356], %swap3A_359 {strides = array<i32>} : memref<128x128xf32, #tpu.memory_space<vmem>>, vector<1x16xf32>,
      %broadcast_in_dim3A_360 = arith.constant 0.000000e+00 : f32
      %broadcast_in_dim3A_361 = vector.broadcast %broadcast_in_dim3A_360 : f32 to vector<16xf32>
      %swap3A_362 = arith.index_cast %scan3A_340 : i32 to index
      %swap3A_363 = arith.constant 48 : index
      %swap3A_364 = tpu.vector_load %arg14[%swap3A_362, %swap3A_363] {strides = array<i32>} : memref<128x128xf32, #tpu.memory_space<vmem>>, vector<1x16xf32>,
      %swap3A_365 = vector.shape_cast %swap3A_364 : vector<1x16xf32> to vector<16xf32>
      %swap3A_366 = vector.shape_cast %broadcast_in_dim3A_361 : vector<16xf32> to vector<1x16xf32>
      tpu.vector_store %arg14[%swap3A_362, %swap3A_363], %swap3A_366 {strides = array<i32>} : memref<128x128xf32, #tpu.memory_space<vmem>>, vector<1x16xf32>,
      %broadcast_in_dim3A_367 = arith.constant 0.000000e+00 : f32
      %broadcast_in_dim3A_368 = vector.broadcast %broadcast_in_dim3A_367 : f32 to vector<16xf32>
      %swap3A_369 = arith.index_cast %scan3A_340 : i32 to index
      %swap3A_370 = arith.constant 64 : index
      %swap3A_371 = tpu.vector_load %arg14[%swap3A_369, %swap3A_370] {strides = array<i32>} : memref<128x128xf32, #tpu.memory_space<vmem>>, vector<1x16xf32>,
      %swap3A_372 = vector.shape_cast %swap3A_371 : vector<1x16xf32> to vector<16xf32>
      %swap3A_373 = vector.shape_cast %broadcast_in_dim3A_368 : vector<16xf32> to vector<1x16xf32>
      tpu.vector_store %arg14[%swap3A_369, %swap3A_370], %swap3A_373 {strides = array<i32>} : memref<128x128xf32, #tpu.memory_space<vmem>>, vector<1x16xf32>,
      %broadcast_in_dim3A_374 = arith.constant 0.000000e+00 : f32
      %broadcast_in_dim3A_375 = vector.broadcast %broadcast_in_dim3A_374 : f32 to vector<16xf32>
      %swap3A_376 = arith.index_cast %scan3A_340 : i32 to index
      %swap3A_377 = arith.constant 80 : index
      %swap3A_378 = tpu.vector_load %arg14[%swap3A_376, %swap3A_377] {strides = array<i32>} : memref<128x128xf32, #tpu.memory_space<vmem>>, vector<1x16xf32>,
      %swap3A_379 = vector.shape_cast %swap3A_378 : vector<1x16xf32> to vector<16xf32>
      %swap3A_380 = vector.shape_cast %broadcast_in_dim3A_375 : vector<16xf32> to vector<1x16xf32>
      tpu.vector_store %arg14[%swap3A_376, %swap3A_377], %swap3A_380 {strides = array<i32>} : memref<128x128xf32, #tpu.memory_space<vmem>>, vector<1x16xf32>,
      %broadcast_in_dim3A_381 = arith.constant 0.000000e+00 : f32
      %broadcast_in_dim3A_382 = vector.broadcast %broadcast_in_dim3A_381 : f32 to vector<16xf32>
      %swap3A_383 = arith.index_cast %scan3A_340 : i32 to index
      %swap3A_384 = arith.constant 96 : index
      %swap3A_385 = tpu.vector_load %arg14[%swap3A_383, %swap3A_384] {strides = array<i32>} : memref<128x128xf32, #tpu.memory_space<vmem>>, vector<1x16xf32>,
      %swap3A_386 = vector.shape_cast %swap3A_385 : vector<1x16xf32> to vector<16xf32>
      %swap3A_387 = vector.shape_cast %broadcast_in_dim3A_382 : vector<16xf32> to vector<1x16xf32>
      tpu.vector_store %arg14[%swap3A_383, %swap3A_384], %swap3A_387 {strides = array<i32>} : memref<128x128xf32, #tpu.memory_space<vmem>>, vector<1x16xf32>,
      %broadcast_in_dim3A_388 = arith.constant 0.000000e+00 : f32
      %broadcast_in_dim3A_389 = vector.broadcast %broadcast_in_dim3A_388 : f32 to vector<16xf32>
      %swap3A_390 = arith.index_cast %scan3A_340 : i32 to index
      %swap3A_391 = arith.constant 112 : index
      %swap3A_392 = tpu.vector_load %arg14[%swap3A_390, %swap3A_391] {strides = array<i32>} : memref<128x128xf32, #tpu.memory_space<vmem>>, vector<1x16xf32>,
      %swap3A_393 = vector.shape_cast %swap3A_392 : vector<1x16xf32> to vector<16xf32>
      %swap3A_394 = vector.shape_cast %broadcast_in_dim3A_389 : vector<16xf32> to vector<1x16xf32>
      tpu.vector_store %arg14[%swap3A_390, %swap3A_391], %swap3A_394 {strides = array<i32>} : memref<128x128xf32, #tpu.memory_space<vmem>>, vector<1x16xf32>,
    }
    %scan3A_7 = arith.constant 128 : i32
    %add3A_8 = arith.constant 0 : i32
    %add3A_9 = arith.addi %mul3A_2, %add3A_8 : i32
    "tpu.region"() ({
      %run_scoped3A_340 = tpu.sem_alloc : memref<!tpu.dma_semaphore, #tpu.memory_space<semaphore_mem>>
      %dma_start3A_341 = arith.constant 0 : i32
      %dma_start3A_342 = arith.constant 0 : i32
      %dma_start3A_343 = tpu.memref_slice %arg14[%dma_start3A_341, %dma_start3A_342] : memref<128x128xf32, #tpu.memory_space<vmem>> -> memref<128x128xf32, #tpu.memory_space<vmem>>
      %dma_start3A_344 = arith.constant 0 : i32
      %dma_start3A_345 = tpu.memref_slice %arg17[%add3A_9, %dma_start3A_344] : memref<10112x128xf32, #tpu.memory_space<vmem_shared>> -> memref<128x128xf32, #tpu.memory_space<vmem_shared>>
      %dma_start3A_346 = arith.constant 0 : i32
      %dma_start3A_347 = tpu.memref_slice %arg17[%add3A_9, %dma_start3A_346] : memref<10112x128xf32, #tpu.memory_space<vmem_shared>> -> memref<128x128xf32, #tpu.memory_space<vmem_shared>>
      %dma_start3A_348 = arith.constant 0 : i32
      %dma_start3A_349 = arith.constant 0 : i32
      %dma_start3A_350 = tpu.memref_slice %arg14[%dma_start3A_348, %dma_start3A_349] : memref<128x128xf32, #tpu.memory_space<vmem>> -> memref<128x128xf32, #tpu.memory_space<vmem>>
      tpu.enqueue_dma source(%dma_start3A_350 : memref<128x128xf32, #tpu.memory_space<vmem>>) target(%dma_start3A_347 : memref<128x128xf32, #tpu.memory_space<vmem_shared>>) target_semaphore(%run_scoped3A_340 : memref<!tpu.dma_semaphore, #tpu.memory_space<semaphore_mem>>)
      %dma_wait3A_351 = arith.constant 0 : i32
      %dma_wait3A_352 = arith.constant 0 : i32
      %dma_wait3A_353 = tpu.memref_slice %arg14[%dma_wait3A_351, %dma_wait3A_352] : memref<128x128xf32, #tpu.memory_space<vmem>> -> memref<128x128xf32, #tpu.memory_space<vmem>>
      %dma_wait3A_354 = arith.constant 0 : i32
      %dma_wait3A_355 = tpu.memref_slice %arg17[%add3A_9, %dma_wait3A_354] : memref<10112x128xf32, #tpu.memory_space<vmem_shared>> -> memref<128x128xf32, #tpu.memory_space<vmem_shared>>
      %dma_wait3A_356 = arith.constant 0 : i32
      %dma_wait3A_357 = tpu.memref_slice %arg17[%add3A_9, %dma_wait3A_356] : memref<10112x128xf32, #tpu.memory_space<vmem_shared>> -> memref<128x128xf32, #tpu.memory_space<vmem_shared>>
      %dma_wait3A_358 = arith.constant 0 : i32
      %dma_wait3A_359 = arith.constant 0 : i32
      %dma_wait3A_360 = tpu.memref_slice %arg14[%dma_wait3A_358, %dma_wait3A_359] : memref<128x128xf32, #tpu.memory_space<vmem>> -> memref<128x128xf32, #tpu.memory_space<vmem>>
      tpu.wait_dma2 semaphore(%run_scoped3A_340 : memref<!tpu.dma_semaphore, #tpu.memory_space<semaphore_mem>>) src(%dma_wait3A_360 : memref<128x128xf32, #tpu.memory_space<vmem>>) dst(%dma_wait3A_357 : memref<128x128xf32, #tpu.memory_space<vmem_shared>>)
      tpu.yield
    }) : () -> ()
    %add3A_10 = arith.constant 128 : i32
    %add3A_11 = arith.addi %mul3A_2, %add3A_10 : i32
    "tpu.region"() ({
      %run_scoped3A_340 = tpu.sem_alloc : memref<!tpu.dma_semaphore, #tpu.memory_space<semaphore_mem>>
      %dma_start3A_341 = arith.constant 0 : i32
      %dma_start3A_342 = arith.constant 0 : i32
      %dma_start3A_343 = tpu.memref_slice %arg14[%dma_start3A_341, %dma_start3A_342] : memref<128x128xf32, #tpu.memory_space<vmem>> -> memref<128x128xf32, #tpu.memory_space<vmem>>
      %dma_start3A_344 = arith.constant 0 : i32
      %dma_start3A_345 = tpu.memref_slice %arg17[%add3A_11, %dma_start3A_344] : memref<10112x128xf32, #tpu.memory_space<vmem_shared>> -> memref<128x128xf32, #tpu.memory_space<vmem_shared>>
      %dma_start3A_346 = arith.constant 0 : i32
      %dma_start3A_347 = tpu.memref_slice %arg17[%add3A_11, %dma_start3A_346] : memref<10112x128xf32, #tpu.memory_space<vmem_shared>> -> memref<128x128xf32, #tpu.memory_space<vmem_shared>>
      %dma_start3A_348 = arith.constant 0 : i32
      %dma_start3A_349 = arith.constant 0 : i32
      %dma_start3A_350 = tpu.memref_slice %arg14[%dma_start3A_348, %dma_start3A_349] : memref<128x128xf32, #tpu.memory_space<vmem>> -> memref<128x128xf32, #tpu.memory_space<vmem>>
      tpu.enqueue_dma source(%dma_start3A_350 : memref<128x128xf32, #tpu.memory_space<vmem>>) target(%dma_start3A_347 : memref<128x128xf32, #tpu.memory_space<vmem_shared>>) target_semaphore(%run_scoped3A_340 : memref<!tpu.dma_semaphore, #tpu.memory_space<semaphore_mem>>)
      %dma_wait3A_351 = arith.constant 0 : i32
      %dma_wait3A_352 = arith.constant 0 : i32
      %dma_wait3A_353 = tpu.memref_slice %arg14[%dma_wait3A_351, %dma_wait3A_352] : memref<128x128xf32, #tpu.memory_space<vmem>> -> memref<128x128xf32, #tpu.memory_space<vmem>>
      %dma_wait3A_354 = arith.constant 0 : i32
      %dma_wait3A_355 = tpu.memref_slice %arg17[%add3A_11, %dma_wait3A_354] : memref<10112x128xf32, #tpu.memory_space<vmem_shared>> -> memref<128x128xf32, #tpu.memory_space<vmem_shared>>
      %dma_wait3A_356 = arith.constant 0 : i32
      %dma_wait3A_357 = tpu.memref_slice %arg17[%add3A_11, %dma_wait3A_356] : memref<10112x128xf32, #tpu.memory_space<vmem_shared>> -> memref<128x128xf32, #tpu.memory_space<vmem_shared>>
      %dma_wait3A_358 = arith.constant 0 : i32
      %dma_wait3A_359 = arith.constant 0 : i32
      %dma_wait3A_360 = tpu.memref_slice %arg14[%dma_wait3A_358, %dma_wait3A_359] : memref<128x128xf32, #tpu.memory_space<vmem>> -> memref<128x128xf32, #tpu.memory_space<vmem>>
      tpu.wait_dma2 semaphore(%run_scoped3A_340 : memref<!tpu.dma_semaphore, #tpu.memory_space<semaphore_mem>>) src(%dma_wait3A_360 : memref<128x128xf32, #tpu.memory_space<vmem>>) dst(%dma_wait3A_357 : memref<128x128xf32, #tpu.memory_space<vmem_shared>>)
      tpu.yield
    }) : () -> ()
    %add3A_12 = arith.constant 256 : i32
    %add3A_13 = arith.addi %mul3A_2, %add3A_12 : i32
    "tpu.region"() ({
      %run_scoped3A_340 = tpu.sem_alloc : memref<!tpu.dma_semaphore, #tpu.memory_space<semaphore_mem>>
      %dma_start3A_341 = arith.constant 0 : i32
      %dma_start3A_342 = arith.constant 0 : i32
      %dma_start3A_343 = tpu.memref_slice %arg14[%dma_start3A_341, %dma_start3A_342] : memref<128x128xf32, #tpu.memory_space<vmem>> -> memref<128x128xf32, #tpu.memory_space<vmem>>
      %dma_start3A_344 = arith.constant 0 : i32
      %dma_start3A_345 = tpu.memref_slice %arg17[%add3A_13, %dma_start3A_344] : memref<10112x128xf32, #tpu.memory_space<vmem_shared>> -> memref<128x128xf32, #tpu.memory_space<vmem_shared>>
      %dma_start3A_346 = arith.constant 0 : i32
      %dma_start3A_347 = tpu.memref_slice %arg17[%add3A_13, %dma_start3A_346] : memref<10112x128xf32, #tpu.memory_space<vmem_shared>> -> memref<128x128xf32, #tpu.memory_space<vmem_shared>>
      %dma_start3A_348 = arith.constant 0 : i32
      %dma_start3A_349 = arith.constant 0 : i32
      %dma_start3A_350 = tpu.memref_slice %arg14[%dma_start3A_348, %dma_start3A_349] : memref<128x128xf32, #tpu.memory_space<vmem>> -> memref<128x128xf32, #tpu.memory_space<vmem>>
      tpu.enqueue_dma source(%dma_start3A_350 : memref<128x128xf32, #tpu.memory_space<vmem>>) target(%dma_start3A_347 : memref<128x128xf32, #tpu.memory_space<vmem_shared>>) target_semaphore(%run_scoped3A_340 : memref<!tpu.dma_semaphore, #tpu.memory_space<semaphore_mem>>)
      %dma_wait3A_351 = arith.constant 0 : i32
      %dma_wait3A_352 = arith.constant 0 : i32
      %dma_wait3A_353 = tpu.memref_slice %arg14[%dma_wait3A_351, %dma_wait3A_352] : memref<128x128xf32, #tpu.memory_space<vmem>> -> memref<128x128xf32, #tpu.memory_space<vmem>>
      %dma_wait3A_354 = arith.constant 0 : i32
      %dma_wait3A_355 = tpu.memref_slice %arg17[%add3A_13, %dma_wait3A_354] : memref<10112x128xf32, #tpu.memory_space<vmem_shared>> -> memref<128x128xf32, #tpu.memory_space<vmem_shared>>
      %dma_wait3A_356 = arith.constant 0 : i32
      %dma_wait3A_357 = tpu.memref_slice %arg17[%add3A_13, %dma_wait3A_356] : memref<10112x128xf32, #tpu.memory_space<vmem_shared>> -> memref<128x128xf32, #tpu.memory_space<vmem_shared>>
      %dma_wait3A_358 = arith.constant 0 : i32
      %dma_wait3A_359 = arith.constant 0 : i32
      %dma_wait3A_360 = tpu.memref_slice %arg14[%dma_wait3A_358, %dma_wait3A_359] : memref<128x128xf32, #tpu.memory_space<vmem>> -> memref<128x128xf32, #tpu.memory_space<vmem>>
      tpu.wait_dma2 semaphore(%run_scoped3A_340 : memref<!tpu.dma_semaphore, #tpu.memory_space<semaphore_mem>>) src(%dma_wait3A_360 : memref<128x128xf32, #tpu.memory_space<vmem>>) dst(%dma_wait3A_357 : memref<128x128xf32, #tpu.memory_space<vmem_shared>>)
      tpu.yield
    }) : () -> ()
    %add3A_14 = arith.constant 384 : i32
    %add3A_15 = arith.addi %mul3A_2, %add3A_14 : i32
    "tpu.region"() ({
      %run_scoped3A_340 = tpu.sem_alloc : memref<!tpu.dma_semaphore, #tpu.memory_space<semaphore_mem>>
      %dma_start3A_341 = arith.constant 0 : i32
      %dma_start3A_342 = arith.constant 0 : i32
      %dma_start3A_343 = tpu.memref_slice %arg14[%dma_start3A_341, %dma_start3A_342] : memref<128x128xf32, #tpu.memory_space<vmem>> -> memref<128x128xf32, #tpu.memory_space<vmem>>
      %dma_start3A_344 = arith.constant 0 : i32
      %dma_start3A_345 = tpu.memref_slice %arg17[%add3A_15, %dma_start3A_344] : memref<10112x128xf32, #tpu.memory_space<vmem_shared>> -> memref<128x128xf32, #tpu.memory_space<vmem_shared>>
      %dma_start3A_346 = arith.constant 0 : i32
      %dma_start3A_347 = tpu.memref_slice %arg17[%add3A_15, %dma_start3A_346] : memref<10112x128xf32, #tpu.memory_space<vmem_shared>> -> memref<128x128xf32, #tpu.memory_space<vmem_shared>>
      %dma_start3A_348 = arith.constant 0 : i32
      %dma_start3A_349 = arith.constant 0 : i32
      %dma_start3A_350 = tpu.memref_slice %arg14[%dma_start3A_348, %dma_start3A_349] : memref<128x128xf32, #tpu.memory_space<vmem>> -> memref<128x128xf32, #tpu.memory_space<vmem>>
      tpu.enqueue_dma source(%dma_start3A_350 : memref<128x128xf32, #tpu.memory_space<vmem>>) target(%dma_start3A_347 : memref<128x128xf32, #tpu.memory_space<vmem_shared>>) target_semaphore(%run_scoped3A_340 : memref<!tpu.dma_semaphore, #tpu.memory_space<semaphore_mem>>)
      %dma_wait3A_351 = arith.constant 0 : i32
      %dma_wait3A_352 = arith.constant 0 : i32
      %dma_wait3A_353 = tpu.memref_slice %arg14[%dma_wait3A_351, %dma_wait3A_352] : memref<128x128xf32, #tpu.memory_space<vmem>> -> memref<128x128xf32, #tpu.memory_space<vmem>>
      %dma_wait3A_354 = arith.constant 0 : i32
      %dma_wait3A_355 = tpu.memref_slice %arg17[%add3A_15, %dma_wait3A_354] : memref<10112x128xf32, #tpu.memory_space<vmem_shared>> -> memref<128x128xf32, #tpu.memory_space<vmem_shared>>
      %dma_wait3A_356 = arith.constant 0 : i32
      %dma_wait3A_357 = tpu.memref_slice %arg17[%add3A_15, %dma_wait3A_356] : memref<10112x128xf32, #tpu.memory_space<vmem_shared>> -> memref<128x128xf32, #tpu.memory_space<vmem_shared>>
      %dma_wait3A_358 = arith.constant 0 : i32
      %dma_wait3A_359 = arith.constant 0 : i32
      %dma_wait3A_360 = tpu.memref_slice %arg14[%dma_wait3A_358, %dma_wait3A_359] : memref<128x128xf32, #tpu.memory_space<vmem>> -> memref<128x128xf32, #tpu.memory_space<vmem>>
      tpu.wait_dma2 semaphore(%run_scoped3A_340 : memref<!tpu.dma_semaphore, #tpu.memory_space<semaphore_mem>>) src(%dma_wait3A_360 : memref<128x128xf32, #tpu.memory_space<vmem>>) dst(%dma_wait3A_357 : memref<128x128xf32, #tpu.memory_space<vmem_shared>>)
      tpu.yield
    }) : () -> ()
    %add3A_16 = arith.constant 512 : i32
    %add3A_17 = arith.addi %mul3A_2, %add3A_16 : i32
    "tpu.region"() ({
      %run_scoped3A_340 = tpu.sem_alloc : memref<!tpu.dma_semaphore, #tpu.memory_space<semaphore_mem>>
      %dma_start3A_341 = arith.constant 0 : i32
      %dma_start3A_342 = arith.constant 0 : i32
      %dma_start3A_343 = tpu.memref_slice %arg14[%dma_start3A_341, %dma_start3A_342] : memref<128x128xf32, #tpu.memory_space<vmem>> -> memref<120x128xf32, #tpu.memory_space<vmem>>
      %dma_start3A_344 = arith.constant 0 : i32
      %dma_start3A_345 = tpu.memref_slice %arg17[%add3A_17, %dma_start3A_344] : memref<10112x128xf32, #tpu.memory_space<vmem_shared>> -> memref<120x128xf32, #tpu.memory_space<vmem_shared>>
      %dma_start3A_346 = arith.constant 0 : i32
      %dma_start3A_347 = tpu.memref_slice %arg17[%add3A_17, %dma_start3A_346] : memref<10112x128xf32, #tpu.memory_space<vmem_shared>> -> memref<120x128xf32, #tpu.memory_space<vmem_shared>>
      %dma_start3A_348 = arith.constant 0 : i32
      %dma_start3A_349 = arith.constant 0 : i32
      %dma_start3A_350 = tpu.memref_slice %arg14[%dma_start3A_348, %dma_start3A_349] : memref<128x128xf32, #tpu.memory_space<vmem>> -> memref<120x128xf32, #tpu.memory_space<vmem>>
      tpu.enqueue_dma source(%dma_start3A_350 : memref<120x128xf32, #tpu.memory_space<vmem>>) target(%dma_start3A_347 : memref<120x128xf32, #tpu.memory_space<vmem_shared>>) target_semaphore(%run_scoped3A_340 : memref<!tpu.dma_semaphore, #tpu.memory_space<semaphore_mem>>)
      %dma_wait3A_351 = arith.constant 0 : i32
      %dma_wait3A_352 = arith.constant 0 : i32
      %dma_wait3A_353 = tpu.memref_slice %arg14[%dma_wait3A_351, %dma_wait3A_352] : memref<128x128xf32, #tpu.memory_space<vmem>> -> memref<120x128xf32, #tpu.memory_space<vmem>>
      %dma_wait3A_354 = arith.constant 0 : i32
      %dma_wait3A_355 = tpu.memref_slice %arg17[%add3A_17, %dma_wait3A_354] : memref<10112x128xf32, #tpu.memory_space<vmem_shared>> -> memref<120x128xf32, #tpu.memory_space<vmem_shared>>
      %dma_wait3A_356 = arith.constant 0 : i32
      %dma_wait3A_357 = tpu.memref_slice %arg17[%add3A_17, %dma_wait3A_356] : memref<10112x128xf32, #tpu.memory_space<vmem_shared>> -> memref<120x128xf32, #tpu.memory_space<vmem_shared>>
      %dma_wait3A_358 = arith.constant 0 : i32
      %dma_wait3A_359 = arith.constant 0 : i32
      %dma_wait3A_360 = tpu.memref_slice %arg14[%dma_wait3A_358, %dma_wait3A_359] : memref<128x128xf32, #tpu.memory_space<vmem>> -> memref<120x128xf32, #tpu.memory_space<vmem>>
      tpu.wait_dma2 semaphore(%run_scoped3A_340 : memref<!tpu.dma_semaphore, #tpu.memory_space<semaphore_mem>>) src(%dma_wait3A_360 : memref<120x128xf32, #tpu.memory_space<vmem>>) dst(%dma_wait3A_357 : memref<120x128xf32, #tpu.memory_space<vmem_shared>>)
      tpu.yield
    }) : () -> ()
    %barrier3A = arith.constant 0 : index
    tpu.barrier barrier_id(%barrier3A)
    %mul3A_18 = arith.constant 80 : i32
    %mul3A_19 = arith.muli %add3A, %mul3A_18 : i32
    %add3A_20 = arith.constant 0 : i32
    %add3A_21 = arith.addi %mul3A_19, %add3A_20 : i32
    "tpu.region"() ({
      %run_scoped3A_340 = tpu.sem_alloc : memref<!tpu.dma_semaphore, #tpu.memory_space<semaphore_mem>>
      %dma_start3A_341 = arith.constant 0 : i32
      %dma_start3A_342 = tpu.memref_slice %arg3[%add3A_21, %dma_start3A_341] : memref<2560x128xi32, #tpu.memory_space<hbm>> -> memref<40x128xi32, #tpu.memory_space<hbm>>
      %dma_start3A_343 = arith.constant 0 : i32
      %dma_start3A_344 = tpu.memref_slice %arg3[%add3A_21, %dma_start3A_343] : memref<2560x128xi32, #tpu.memory_space<hbm>> -> memref<40x128xi32, #tpu.memory_space<hbm>>
      tpu.enqueue_dma source(%dma_start3A_344 : memref<40x128xi32, #tpu.memory_space<hbm>>) target(%arg12 : memref<40x128xi32, #tpu.memory_space<vmem>>) target_semaphore(%run_scoped3A_340 : memref<!tpu.dma_semaphore, #tpu.memory_space<semaphore_mem>>)
      %dma_wait3A_345 = arith.constant 0 : i32
      %dma_wait3A_346 = tpu.memref_slice %arg3[%add3A_21, %dma_wait3A_345] : memref<2560x128xi32, #tpu.memory_space<hbm>> -> memref<40x128xi32, #tpu.memory_space<hbm>>
      %dma_wait3A_347 = arith.constant 0 : i32
      %dma_wait3A_348 = tpu.memref_slice %arg3[%add3A_21, %dma_wait3A_347] : memref<2560x128xi32, #tpu.memory_space<hbm>> -> memref<40x128xi32, #tpu.memory_space<hbm>>
      tpu.wait_dma2 semaphore(%run_scoped3A_340 : memref<!tpu.dma_semaphore, #tpu.memory_space<semaphore_mem>>) src(%dma_wait3A_348 : memref<40x128xi32, #tpu.memory_space<hbm>>) dst(%arg12 : memref<40x128xi32, #tpu.memory_space<vmem>>)
      tpu.yield
    }) : () -> ()
    %mul3A_22 = arith.constant 80 : i32
    %mul3A_23 = arith.muli %add3A, %mul3A_22 : i32
    %add3A_24 = arith.constant 0 : i32
    %add3A_25 = arith.addi %mul3A_23, %add3A_24 : i32
    "tpu.region"() ({
      %run_scoped3A_340 = tpu.sem_alloc : memref<!tpu.dma_semaphore, #tpu.memory_space<semaphore_mem>>
      %dma_start3A_341 = arith.constant 0 : i32
      %dma_start3A_342 = tpu.memref_slice %arg4[%add3A_25, %dma_start3A_341] : memref<2560x128xi32, #tpu.memory_space<hbm>> -> memref<40x128xi32, #tpu.memory_space<hbm>>
      %dma_start3A_343 = arith.constant 0 : i32
      %dma_start3A_344 = tpu.memref_slice %arg4[%add3A_25, %dma_start3A_343] : memref<2560x128xi32, #tpu.memory_space<hbm>> -> memref<40x128xi32, #tpu.memory_space<hbm>>
      tpu.enqueue_dma source(%dma_start3A_344 : memref<40x128xi32, #tpu.memory_space<hbm>>) target(%arg13 : memref<40x128xi32, #tpu.memory_space<vmem>>) target_semaphore(%run_scoped3A_340 : memref<!tpu.dma_semaphore, #tpu.memory_space<semaphore_mem>>)
      %dma_wait3A_345 = arith.constant 0 : i32
      %dma_wait3A_346 = tpu.memref_slice %arg4[%add3A_25, %dma_wait3A_345] : memref<2560x128xi32, #tpu.memory_space<hbm>> -> memref<40x128xi32, #tpu.memory_space<hbm>>
      %dma_wait3A_347 = arith.constant 0 : i32
      %dma_wait3A_348 = tpu.memref_slice %arg4[%add3A_25, %dma_wait3A_347] : memref<2560x128xi32, #tpu.memory_space<hbm>> -> memref<40x128xi32, #tpu.memory_space<hbm>>
      tpu.wait_dma2 semaphore(%run_scoped3A_340 : memref<!tpu.dma_semaphore, #tpu.memory_space<semaphore_mem>>) src(%dma_wait3A_348 : memref<40x128xi32, #tpu.memory_space<hbm>>) dst(%arg13 : memref<40x128xi32, #tpu.memory_space<vmem>>)
      tpu.yield
    }) : () -> ()
    %dma_start3A = arith.constant 0 : i32
    %dma_start3A_26 = arith.constant 0 : i32
    %dma_start3A_27 = arith.constant 0 : i32
    %dma_start3A_28 = tpu.memref_slice %arg14[%dma_start3A_26, %dma_start3A_27] : memref<128x128xf32, #tpu.memory_space<vmem>> -> memref<64x128xf32, #tpu.memory_space<vmem>>
    %dma_start3A_29 = arith.constant 0 : i32
    %dma_start3A_30 = tpu.memref_slice %arg12[%dma_start3A, %dma_start3A_29] : memref<40x128xi32, #tpu.memory_space<vmem>> -> memref<1x64xi32, #tpu.memory_space<vmem>>
    %dma_start3A_31 = tpu.memref_squeeze %dma_start3A_30 : memref<1x64xi32, #tpu.memory_space<vmem>> -> memref<64xi32, #tpu.memory_space<vmem>>
    %dma_start3A_32 = arith.constant 0 : i32
    %dma_start3A_33 = arith.constant 0 : i32
    %dma_start3A_34 = tpu.memref_slice %arg2[%dma_start3A_32, %dma_start3A_33] : memref<10112x128xf32, #tpu.memory_space<hbm>> -> memref<10112x128xf32, #tpu.memory_space<hbm>>
    tpu.enqueue_indirect_dma source(%dma_start3A_34 : memref<10112x128xf32, #tpu.memory_space<hbm>>) target(%dma_start3A_28 : memref<64x128xf32, #tpu.memory_space<vmem>>) offsets(%dma_start3A_31 : memref<64xi32, #tpu.memory_space<vmem>>) semaphore(%arg18 : memref<!tpu.dma_semaphore, #tpu.memory_space<semaphore_mem>>)
    %dma_start3A_35 = arith.constant 0 : i32
    %dma_start3A_36 = arith.constant 64 : i32
    %dma_start3A_37 = arith.constant 0 : i32
    %dma_start3A_38 = tpu.memref_slice %arg14[%dma_start3A_36, %dma_start3A_37] : memref<128x128xf32, #tpu.memory_space<vmem>> -> memref<64x128xf32, #tpu.memory_space<vmem>>
    %dma_start3A_39 = arith.constant 64 : i32
    %dma_start3A_40 = tpu.memref_slice %arg12[%dma_start3A_35, %dma_start3A_39] : memref<40x128xi32, #tpu.memory_space<vmem>> -> memref<1x64xi32, #tpu.memory_space<vmem>>
    %dma_start3A_41 = tpu.memref_squeeze %dma_start3A_40 : memref<1x64xi32, #tpu.memory_space<vmem>> -> memref<64xi32, #tpu.memory_space<vmem>>
    %dma_start3A_42 = arith.constant 0 : i32
    %dma_start3A_43 = arith.constant 0 : i32
    %dma_start3A_44 = tpu.memref_slice %arg2[%dma_start3A_42, %dma_start3A_43] : memref<10112x128xf32, #tpu.memory_space<hbm>> -> memref<10112x128xf32, #tpu.memory_space<hbm>>
    tpu.enqueue_indirect_dma source(%dma_start3A_44 : memref<10112x128xf32, #tpu.memory_space<hbm>>) target(%dma_start3A_38 : memref<64x128xf32, #tpu.memory_space<vmem>>) offsets(%dma_start3A_41 : memref<64xi32, #tpu.memory_space<vmem>>) semaphore(%arg18 : memref<!tpu.dma_semaphore, #tpu.memory_space<semaphore_mem>>)
    %scan3A_45 = arith.constant 0 : i32
    %scan3A_46 = arith.constant 0 : i32
    %scan3A_47 = arith.constant 19 : i32
    %scan3A_48 = arith.addi %scan3A_46, %scan3A_47 : i32
    %scan3A_49 = arith.constant 1 : i32
    scf.for %scan3A_340 = %scan3A_46 to %scan3A_48 step %scan3A_49  : i32 {
      %mul3A_341 = arith.constant 2 : i32
      %mul3A_342 = arith.muli %mul3A_341, %scan3A_340 : i32
      %add3A_343 = arith.constant 1 : i32
      %add3A_344 = arith.addi %mul3A_342, %add3A_343 : i32
      %dma_start3A_345 = arith.constant 0 : i32
      %dma_start3A_346 = arith.constant 0 : i32
      %dma_start3A_347 = tpu.memref_slice %arg15[%dma_start3A_345, %dma_start3A_346] : memref<128x128xf32, #tpu.memory_space<vmem>> -> memref<64x128xf32, #tpu.memory_space<vmem>>
      %dma_start3A_348 = arith.constant 0 : i32
      %dma_start3A_349 = tpu.memref_slice %arg12[%add3A_344, %dma_start3A_348] : memref<40x128xi32, #tpu.memory_space<vmem>> -> memref<1x64xi32, #tpu.memory_space<vmem>>
      %dma_start3A_350 = tpu.memref_squeeze %dma_start3A_349 : memref<1x64xi32, #tpu.memory_space<vmem>> -> memref<64xi32, #tpu.memory_space<vmem>>
      %dma_start3A_351 = arith.constant 0 : i32
      %dma_start3A_352 = arith.constant 0 : i32
      %dma_start3A_353 = tpu.memref_slice %arg2[%dma_start3A_351, %dma_start3A_352] : memref<10112x128xf32, #tpu.memory_space<hbm>> -> memref<10112x128xf32, #tpu.memory_space<hbm>>
      tpu.enqueue_indirect_dma source(%dma_start3A_353 : memref<10112x128xf32, #tpu.memory_space<hbm>>) target(%dma_start3A_347 : memref<64x128xf32, #tpu.memory_space<vmem>>) offsets(%dma_start3A_350 : memref<64xi32, #tpu.memory_space<vmem>>) semaphore(%arg19 : memref<!tpu.dma_semaphore, #tpu.memory_space<semaphore_mem>>)
      %dma_start3A_354 = arith.constant 64 : i32
      %dma_start3A_355 = arith.constant 0 : i32
      %dma_start3A_356 = tpu.memref_slice %arg15[%dma_start3A_354, %dma_start3A_355] : memref<128x128xf32, #tpu.memory_space<vmem>> -> memref<64x128xf32, #tpu.memory_space<vmem>>
      %dma_start3A_357 = arith.constant 64 : i32
      %dma_start3A_358 = tpu.memref_slice %arg12[%add3A_344, %dma_start3A_357] : memref<40x128xi32, #tpu.memory_space<vmem>> -> memref<1x64xi32, #tpu.memory_space<vmem>>
      %dma_start3A_359 = tpu.memref_squeeze %dma_start3A_358 : memref<1x64xi32, #tpu.memory_space<vmem>> -> memref<64xi32, #tpu.memory_space<vmem>>
      %dma_start3A_360 = arith.constant 0 : i32
      %dma_start3A_361 = arith.constant 0 : i32
      %dma_start3A_362 = tpu.memref_slice %arg2[%dma_start3A_360, %dma_start3A_361] : memref<10112x128xf32, #tpu.memory_space<hbm>> -> memref<10112x128xf32, #tpu.memory_space<hbm>>
      tpu.enqueue_indirect_dma source(%dma_start3A_362 : memref<10112x128xf32, #tpu.memory_space<hbm>>) target(%dma_start3A_356 : memref<64x128xf32, #tpu.memory_space<vmem>>) offsets(%dma_start3A_359 : memref<64xi32, #tpu.memory_space<vmem>>) semaphore(%arg19 : memref<!tpu.dma_semaphore, #tpu.memory_space<semaphore_mem>>)
      %dma_wait3A_363 = arith.constant 0 : i32
      %dma_wait3A_364 = arith.constant 0 : i32
      %dma_wait3A_365 = tpu.memref_slice %arg14[%dma_wait3A_363, %dma_wait3A_364] : memref<128x128xf32, #tpu.memory_space<vmem>> -> memref<64x128xf32, #tpu.memory_space<vmem>>
      %dma_wait3A_366 = arith.constant 0 : i32
      %dma_wait3A_367 = tpu.memref_slice %arg12[%mul3A_342, %dma_wait3A_366] : memref<40x128xi32, #tpu.memory_space<vmem>> -> memref<1x64xi32, #tpu.memory_space<vmem>>
      %dma_wait3A_368 = tpu.memref_squeeze %dma_wait3A_367 : memref<1x64xi32, #tpu.memory_space<vmem>> -> memref<64xi32, #tpu.memory_space<vmem>>
      %dma_wait3A_369 = arith.constant 0 : i32
      %dma_wait3A_370 = arith.constant 0 : i32
      %dma_wait3A_371 = tpu.memref_slice %arg2[%dma_wait3A_369, %dma_wait3A_370] : memref<10112x128xf32, #tpu.memory_space<hbm>> -> memref<10112x128xf32, #tpu.memory_space<hbm>>
      tpu.wait_indirect_dma semaphore(%arg18 : memref<!tpu.dma_semaphore, #tpu.memory_space<semaphore_mem>>) src(%dma_wait3A_371 : memref<10112x128xf32, #tpu.memory_space<hbm>>) dst(%dma_wait3A_365 : memref<64x128xf32, #tpu.memory_space<vmem>>)
      %dma_wait3A_372 = arith.constant 64 : i32
      %dma_wait3A_373 = arith.constant 0 : i32
      %dma_wait3A_374 = tpu.memref_slice %arg14[%dma_wait3A_372, %dma_wait3A_373] : memref<128x128xf32, #tpu.memory_space<vmem>> -> memref<64x128xf32, #tpu.memory_space<vmem>>
      %dma_wait3A_375 = arith.constant 64 : i32
      %dma_wait3A_376 = tpu.memref_slice %arg12[%mul3A_342, %dma_wait3A_375] : memref<40x128xi32, #tpu.memory_space<vmem>> -> memref<1x64xi32, #tpu.memory_space<vmem>>
      %dma_wait3A_377 = tpu.memref_squeeze %dma_wait3A_376 : memref<1x64xi32, #tpu.memory_space<vmem>> -> memref<64xi32, #tpu.memory_space<vmem>>
      %dma_wait3A_378 = arith.constant 0 : i32
      %dma_wait3A_379 = arith.constant 0 : i32
      %dma_wait3A_380 = tpu.memref_slice %arg2[%dma_wait3A_378, %dma_wait3A_379] : memref<10112x128xf32, #tpu.memory_space<hbm>> -> memref<10112x128xf32, #tpu.memory_space<hbm>>
      tpu.wait_indirect_dma semaphore(%arg18 : memref<!tpu.dma_semaphore, #tpu.memory_space<semaphore_mem>>) src(%dma_wait3A_380 : memref<10112x128xf32, #tpu.memory_space<hbm>>) dst(%dma_wait3A_374 : memref<64x128xf32, #tpu.memory_space<vmem>>)
      "tpu.region"() ({
        %run_scoped3A_423 = tpu.sem_alloc : memref<!tpu.dma_semaphore, #tpu.memory_space<semaphore_mem>>
        %dma_start3A_424 = arith.constant 0 : i32
        %dma_start3A_425 = tpu.memref_slice %arg13[%mul3A_342, %dma_start3A_424] : memref<40x128xi32, #tpu.memory_space<vmem>> -> memref<1x128xi32, #tpu.memory_space<vmem>>
        %dma_start3A_426 = tpu.memref_squeeze %dma_start3A_425 : memref<1x128xi32, #tpu.memory_space<vmem>> -> memref<128xi32, #tpu.memory_space<vmem>>
        %dma_start3A_427 = arith.constant 0 : i32
        %dma_start3A_428 = arith.constant 0 : i32
        %dma_start3A_429 = tpu.memref_slice %arg17[%dma_start3A_427, %dma_start3A_428] : memref<10112x128xf32, #tpu.memory_space<vmem_shared>> -> memref<10112x128xf32, #tpu.memory_space<vmem_shared>>
        tpu.enqueue_indirect_dma source(%arg14 : memref<128x128xf32, #tpu.memory_space<vmem>>) target(%dma_start3A_429 : memref<10112x128xf32, #tpu.memory_space<vmem_shared>>) offsets(%dma_start3A_426 : memref<128xi32, #tpu.memory_space<vmem>>) semaphore(%run_scoped3A_423 : memref<!tpu.dma_semaphore, #tpu.memory_space<semaphore_mem>>) {add = true}
        %dma_wait3A_430 = arith.constant 0 : i32
        %dma_wait3A_431 = tpu.memref_slice %arg13[%mul3A_342, %dma_wait3A_430] : memref<40x128xi32, #tpu.memory_space<vmem>> -> memref<1x128xi32, #tpu.memory_space<vmem>>
        %dma_wait3A_432 = tpu.memref_squeeze %dma_wait3A_431 : memref<1x128xi32, #tpu.memory_space<vmem>> -> memref<128xi32, #tpu.memory_space<vmem>>
        %dma_wait3A_433 = arith.constant 0 : i32
        %dma_wait3A_434 = arith.constant 0 : i32
        %dma_wait3A_435 = tpu.memref_slice %arg17[%dma_wait3A_433, %dma_wait3A_434] : memref<10112x128xf32, #tpu.memory_space<vmem_shared>> -> memref<10112x128xf32, #tpu.memory_space<vmem_shared>>
        tpu.wait_indirect_dma semaphore(%run_scoped3A_423 : memref<!tpu.dma_semaphore, #tpu.memory_space<semaphore_mem>>) src(%arg14 : memref<128x128xf32, #tpu.memory_space<vmem>>) dst(%dma_wait3A_435 : memref<10112x128xf32, #tpu.memory_space<vmem_shared>>)
        tpu.yield
      }) : () -> ()
      %add3A_381 = arith.constant 2 : i32
      %add3A_382 = arith.addi %mul3A_342, %add3A_381 : i32
      %dma_start3A_383 = arith.constant 0 : i32
      %dma_start3A_384 = arith.constant 0 : i32
      %dma_start3A_385 = tpu.memref_slice %arg14[%dma_start3A_383, %dma_start3A_384] : memref<128x128xf32, #tpu.memory_space<vmem>> -> memref<64x128xf32, #tpu.memory_space<vmem>>
      %dma_start3A_386 = arith.constant 0 : i32
      %dma_start3A_387 = tpu.memref_slice %arg12[%add3A_382, %dma_start3A_386] : memref<40x128xi32, #tpu.memory_space<vmem>> -> memref<1x64xi32, #tpu.memory_space<vmem>>
      %dma_start3A_388 = tpu.memref_squeeze %dma_start3A_387 : memref<1x64xi32, #tpu.memory_space<vmem>> -> memref<64xi32, #tpu.memory_space<vmem>>
      %dma_start3A_389 = arith.constant 0 : i32
      %dma_start3A_390 = arith.constant 0 : i32
      %dma_start3A_391 = tpu.memref_slice %arg2[%dma_start3A_389, %dma_start3A_390] : memref<10112x128xf32, #tpu.memory_space<hbm>> -> memref<10112x128xf32, #tpu.memory_space<hbm>>
      tpu.enqueue_indirect_dma source(%dma_start3A_391 : memref<10112x128xf32, #tpu.memory_space<hbm>>) target(%dma_start3A_385 : memref<64x128xf32, #tpu.memory_space<vmem>>) offsets(%dma_start3A_388 : memref<64xi32, #tpu.memory_space<vmem>>) semaphore(%arg18 : memref<!tpu.dma_semaphore, #tpu.memory_space<semaphore_mem>>)
      %dma_start3A_392 = arith.constant 64 : i32
      %dma_start3A_393 = arith.constant 0 : i32
      %dma_start3A_394 = tpu.memref_slice %arg14[%dma_start3A_392, %dma_start3A_393] : memref<128x128xf32, #tpu.memory_space<vmem>> -> memref<64x128xf32, #tpu.memory_space<vmem>>
      %dma_start3A_395 = arith.constant 64 : i32
      %dma_start3A_396 = tpu.memref_slice %arg12[%add3A_382, %dma_start3A_395] : memref<40x128xi32, #tpu.memory_space<vmem>> -> memref<1x64xi32, #tpu.memory_space<vmem>>
      %dma_start3A_397 = tpu.memref_squeeze %dma_start3A_396 : memref<1x64xi32, #tpu.memory_space<vmem>> -> memref<64xi32, #tpu.memory_space<vmem>>
      %dma_start3A_398 = arith.constant 0 : i32
      %dma_start3A_399 = arith.constant 0 : i32
      %dma_start3A_400 = tpu.memref_slice %arg2[%dma_start3A_398, %dma_start3A_399] : memref<10112x128xf32, #tpu.memory_space<hbm>> -> memref<10112x128xf32, #tpu.memory_space<hbm>>
      tpu.enqueue_indirect_dma source(%dma_start3A_400 : memref<10112x128xf32, #tpu.memory_space<hbm>>) target(%dma_start3A_394 : memref<64x128xf32, #tpu.memory_space<vmem>>) offsets(%dma_start3A_397 : memref<64xi32, #tpu.memory_space<vmem>>) semaphore(%arg18 : memref<!tpu.dma_semaphore, #tpu.memory_space<semaphore_mem>>)
      %add3A_401 = arith.constant 1 : i32
      %add3A_402 = arith.addi %mul3A_342, %add3A_401 : i32
      %dma_wait3A_403 = arith.constant 0 : i32
      %dma_wait3A_404 = arith.constant 0 : i32
      %dma_wait3A_405 = tpu.memref_slice %arg15[%dma_wait3A_403, %dma_wait3A_404] : memref<128x128xf32, #tpu.memory_space<vmem>> -> memref<64x128xf32, #tpu.memory_space<vmem>>
      %dma_wait3A_406 = arith.constant 0 : i32
      %dma_wait3A_407 = tpu.memref_slice %arg12[%add3A_402, %dma_wait3A_406] : memref<40x128xi32, #tpu.memory_space<vmem>> -> memref<1x64xi32, #tpu.memory_space<vmem>>
      %dma_wait3A_408 = tpu.memref_squeeze %dma_wait3A_407 : memref<1x64xi32, #tpu.memory_space<vmem>> -> memref<64xi32, #tpu.memory_space<vmem>>
      %dma_wait3A_409 = arith.constant 0 : i32
      %dma_wait3A_410 = arith.constant 0 : i32
      %dma_wait3A_411 = tpu.memref_slice %arg2[%dma_wait3A_409, %dma_wait3A_410] : memref<10112x128xf32, #tpu.memory_space<hbm>> -> memref<10112x128xf32, #tpu.memory_space<hbm>>
      tpu.wait_indirect_dma semaphore(%arg19 : memref<!tpu.dma_semaphore, #tpu.memory_space<semaphore_mem>>) src(%dma_wait3A_411 : memref<10112x128xf32, #tpu.memory_space<hbm>>) dst(%dma_wait3A_405 : memref<64x128xf32, #tpu.memory_space<vmem>>)
      %dma_wait3A_412 = arith.constant 64 : i32
      %dma_wait3A_413 = arith.constant 0 : i32
      %dma_wait3A_414 = tpu.memref_slice %arg15[%dma_wait3A_412, %dma_wait3A_413] : memref<128x128xf32, #tpu.memory_space<vmem>> -> memref<64x128xf32, #tpu.memory_space<vmem>>
      %dma_wait3A_415 = arith.constant 64 : i32
      %dma_wait3A_416 = tpu.memref_slice %arg12[%add3A_402, %dma_wait3A_415] : memref<40x128xi32, #tpu.memory_space<vmem>> -> memref<1x64xi32, #tpu.memory_space<vmem>>
      %dma_wait3A_417 = tpu.memref_squeeze %dma_wait3A_416 : memref<1x64xi32, #tpu.memory_space<vmem>> -> memref<64xi32, #tpu.memory_space<vmem>>
      %dma_wait3A_418 = arith.constant 0 : i32
      %dma_wait3A_419 = arith.constant 0 : i32
      %dma_wait3A_420 = tpu.memref_slice %arg2[%dma_wait3A_418, %dma_wait3A_419] : memref<10112x128xf32, #tpu.memory_space<hbm>> -> memref<10112x128xf32, #tpu.memory_space<hbm>>
      tpu.wait_indirect_dma semaphore(%arg19 : memref<!tpu.dma_semaphore, #tpu.memory_space<semaphore_mem>>) src(%dma_wait3A_420 : memref<10112x128xf32, #tpu.memory_space<hbm>>) dst(%dma_wait3A_414 : memref<64x128xf32, #tpu.memory_space<vmem>>)
      %add3A_421 = arith.constant 1 : i32
      %add3A_422 = arith.addi %mul3A_342, %add3A_421 : i32
      "tpu.region"() ({
        %run_scoped3A_423 = tpu.sem_alloc : memref<!tpu.dma_semaphore, #tpu.memory_space<semaphore_mem>>
        %dma_start3A_424 = arith.constant 0 : i32
        %dma_start3A_425 = tpu.memref_slice %arg13[%add3A_422, %dma_start3A_424] : memref<40x128xi32, #tpu.memory_space<vmem>> -> memref<1x128xi32, #tpu.memory_space<vmem>>
        %dma_start3A_426 = tpu.memref_squeeze %dma_start3A_425 : memref<1x128xi32, #tpu.memory_space<vmem>> -> memref<128xi32, #tpu.memory_space<vmem>>
        %dma_start3A_427 = arith.constant 0 : i32
        %dma_start3A_428 = arith.constant 0 : i32
        %dma_start3A_429 = tpu.memref_slice %arg17[%dma_start3A_427, %dma_start3A_428] : memref<10112x128xf32, #tpu.memory_space<vmem_shared>> -> memref<10112x128xf32, #tpu.memory_space<vmem_shared>>
        tpu.enqueue_indirect_dma source(%arg15 : memref<128x128xf32, #tpu.memory_space<vmem>>) target(%dma_start3A_429 : memref<10112x128xf32, #tpu.memory_space<vmem_shared>>) offsets(%dma_start3A_426 : memref<128xi32, #tpu.memory_space<vmem>>) semaphore(%run_scoped3A_423 : memref<!tpu.dma_semaphore, #tpu.memory_space<semaphore_mem>>) {add = true}
        %dma_wait3A_430 = arith.constant 0 : i32
        %dma_wait3A_431 = tpu.memref_slice %arg13[%add3A_422, %dma_wait3A_430] : memref<40x128xi32, #tpu.memory_space<vmem>> -> memref<1x128xi32, #tpu.memory_space<vmem>>
        %dma_wait3A_432 = tpu.memref_squeeze %dma_wait3A_431 : memref<1x128xi32, #tpu.memory_space<vmem>> -> memref<128xi32, #tpu.memory_space<vmem>>
        %dma_wait3A_433 = arith.constant 0 : i32
        %dma_wait3A_434 = arith.constant 0 : i32
        %dma_wait3A_435 = tpu.memref_slice %arg17[%dma_wait3A_433, %dma_wait3A_434] : memref<10112x128xf32, #tpu.memory_space<vmem_shared>> -> memref<10112x128xf32, #tpu.memory_space<vmem_shared>>
        tpu.wait_indirect_dma semaphore(%run_scoped3A_423 : memref<!tpu.dma_semaphore, #tpu.memory_space<semaphore_mem>>) src(%arg15 : memref<128x128xf32, #tpu.memory_space<vmem>>) dst(%dma_wait3A_435 : memref<10112x128xf32, #tpu.memory_space<vmem_shared>>)
        tpu.yield
      }) : () -> ()
    }
    %scan3A_50 = arith.constant 19 : i32
    %dma_start3A_51 = arith.constant 39 : i32
    %dma_start3A_52 = arith.constant 0 : i32
    %dma_start3A_53 = arith.constant 0 : i32
    %dma_start3A_54 = tpu.memref_slice %arg15[%dma_start3A_52, %dma_start3A_53] : memref<128x128xf32, #tpu.memory_space<vmem>> -> memref<64x128xf32, #tpu.memory_space<vmem>>
    %dma_start3A_55 = arith.constant 0 : i32
    %dma_start3A_56 = tpu.memref_slice %arg12[%dma_start3A_51, %dma_start3A_55] : memref<40x128xi32, #tpu.memory_space<vmem>> -> memref<1x64xi32, #tpu.memory_space<vmem>>
    %dma_start3A_57 = tpu.memref_squeeze %dma_start3A_56 : memref<1x64xi32, #tpu.memory_space<vmem>> -> memref<64xi32, #tpu.memory_space<vmem>>
    %dma_start3A_58 = arith.constant 0 : i32
    %dma_start3A_59 = arith.constant 0 : i32
    %dma_start3A_60 = tpu.memref_slice %arg2[%dma_start3A_58, %dma_start3A_59] : memref<10112x128xf32, #tpu.memory_space<hbm>> -> memref<10112x128xf32, #tpu.memory_space<hbm>>
    tpu.enqueue_indirect_dma source(%dma_start3A_60 : memref<10112x128xf32, #tpu.memory_space<hbm>>) target(%dma_start3A_54 : memref<64x128xf32, #tpu.memory_space<vmem>>) offsets(%dma_start3A_57 : memref<64xi32, #tpu.memory_space<vmem>>) semaphore(%arg19 : memref<!tpu.dma_semaphore, #tpu.memory_space<semaphore_mem>>)
    %dma_start3A_61 = arith.constant 39 : i32
    %dma_start3A_62 = arith.constant 64 : i32
    %dma_start3A_63 = arith.constant 0 : i32
    %dma_start3A_64 = tpu.memref_slice %arg15[%dma_start3A_62, %dma_start3A_63] : memref<128x128xf32, #tpu.memory_space<vmem>> -> memref<64x128xf32, #tpu.memory_space<vmem>>
    %dma_start3A_65 = arith.constant 64 : i32
    %dma_start3A_66 = tpu.memref_slice %arg12[%dma_start3A_61, %dma_start3A_65] : memref<40x128xi32, #tpu.memory_space<vmem>> -> memref<1x64xi32, #tpu.memory_space<vmem>>
    %dma_start3A_67 = tpu.memref_squeeze %dma_start3A_66 : memref<1x64xi32, #tpu.memory_space<vmem>> -> memref<64xi32, #tpu.memory_space<vmem>>
    %dma_start3A_68 = arith.constant 0 : i32
    %dma_start3A_69 = arith.constant 0 : i32
    %dma_start3A_70 = tpu.memref_slice %arg2[%dma_start3A_68, %dma_start3A_69] : memref<10112x128xf32, #tpu.memory_space<hbm>> -> memref<10112x128xf32, #tpu.memory_space<hbm>>
    tpu.enqueue_indirect_dma source(%dma_start3A_70 : memref<10112x128xf32, #tpu.memory_space<hbm>>) target(%dma_start3A_64 : memref<64x128xf32, #tpu.memory_space<vmem>>) offsets(%dma_start3A_67 : memref<64xi32, #tpu.memory_space<vmem>>) semaphore(%arg19 : memref<!tpu.dma_semaphore, #tpu.memory_space<semaphore_mem>>)
    %dma_wait3A = arith.constant 38 : i32
    %dma_wait3A_71 = arith.constant 0 : i32
    %dma_wait3A_72 = arith.constant 0 : i32
    %dma_wait3A_73 = tpu.memref_slice %arg14[%dma_wait3A_71, %dma_wait3A_72] : memref<128x128xf32, #tpu.memory_space<vmem>> -> memref<64x128xf32, #tpu.memory_space<vmem>>
    %dma_wait3A_74 = arith.constant 0 : i32
    %dma_wait3A_75 = tpu.memref_slice %arg12[%dma_wait3A, %dma_wait3A_74] : memref<40x128xi32, #tpu.memory_space<vmem>> -> memref<1x64xi32, #tpu.memory_space<vmem>>
    %dma_wait3A_76 = tpu.memref_squeeze %dma_wait3A_75 : memref<1x64xi32, #tpu.memory_space<vmem>> -> memref<64xi32, #tpu.memory_space<vmem>>
    %dma_wait3A_77 = arith.constant 0 : i32
    %dma_wait3A_78 = arith.constant 0 : i32
    %dma_wait3A_79 = tpu.memref_slice %arg2[%dma_wait3A_77, %dma_wait3A_78] : memref<10112x128xf32, #tpu.memory_space<hbm>> -> memref<10112x128xf32, #tpu.memory_space<hbm>>
    tpu.wait_indirect_dma semaphore(%arg18 : memref<!tpu.dma_semaphore, #tpu.memory_space<semaphore_mem>>) src(%dma_wait3A_79 : memref<10112x128xf32, #tpu.memory_space<hbm>>) dst(%dma_wait3A_73 : memref<64x128xf32, #tpu.memory_space<vmem>>)
    %dma_wait3A_80 = arith.constant 38 : i32
    %dma_wait3A_81 = arith.constant 64 : i32
    %dma_wait3A_82 = arith.constant 0 : i32
    %dma_wait3A_83 = tpu.memref_slice %arg14[%dma_wait3A_81, %dma_wait3A_82] : memref<128x128xf32, #tpu.memory_space<vmem>> -> memref<64x128xf32, #tpu.memory_space<vmem>>
    %dma_wait3A_84 = arith.constant 64 : i32
    %dma_wait3A_85 = tpu.memref_slice %arg12[%dma_wait3A_80, %dma_wait3A_84] : memref<40x128xi32, #tpu.memory_space<vmem>> -> memref<1x64xi32, #tpu.memory_space<vmem>>
    %dma_wait3A_86 = tpu.memref_squeeze %dma_wait3A_85 : memref<1x64xi32, #tpu.memory_space<vmem>> -> memref<64xi32, #tpu.memory_space<vmem>>
    %dma_wait3A_87 = arith.constant 0 : i32
    %dma_wait3A_88 = arith.constant 0 : i32
    %dma_wait3A_89 = tpu.memref_slice %arg2[%dma_wait3A_87, %dma_wait3A_88] : memref<10112x128xf32, #tpu.memory_space<hbm>> -> memref<10112x128xf32, #tpu.memory_space<hbm>>
    tpu.wait_indirect_dma semaphore(%arg18 : memref<!tpu.dma_semaphore, #tpu.memory_space<semaphore_mem>>) src(%dma_wait3A_89 : memref<10112x128xf32, #tpu.memory_space<hbm>>) dst(%dma_wait3A_83 : memref<64x128xf32, #tpu.memory_space<vmem>>)
    %run_scoped3A = arith.constant 38 : i32
    "tpu.region"() ({
      %run_scoped3A_340 = tpu.sem_alloc : memref<!tpu.dma_semaphore, #tpu.memory_space<semaphore_mem>>
      %dma_start3A_341 = arith.constant 0 : i32
      %dma_start3A_342 = tpu.memref_slice %arg13[%run_scoped3A, %dma_start3A_341] : memref<40x128xi32, #tpu.memory_space<vmem>> -> memref<1x128xi32, #tpu.memory_space<vmem>>
      %dma_start3A_343 = tpu.memref_squeeze %dma_start3A_342 : memref<1x128xi32, #tpu.memory_space<vmem>> -> memref<128xi32, #tpu.memory_space<vmem>>
      %dma_start3A_344 = arith.constant 0 : i32
      %dma_start3A_345 = arith.constant 0 : i32
      %dma_start3A_346 = tpu.memref_slice %arg17[%dma_start3A_344, %dma_start3A_345] : memref<10112x128xf32, #tpu.memory_space<vmem_shared>> -> memref<10112x128xf32, #tpu.memory_space<vmem_shared>>
      tpu.enqueue_indirect_dma source(%arg14 : memref<128x128xf32, #tpu.memory_space<vmem>>) target(%dma_start3A_346 : memref<10112x128xf32, #tpu.memory_space<vmem_shared>>) offsets(%dma_start3A_343 : memref<128xi32, #tpu.memory_space<vmem>>) semaphore(%run_scoped3A_340 : memref<!tpu.dma_semaphore, #tpu.memory_space<semaphore_mem>>) {add = true}
      %dma_wait3A_347 = arith.constant 0 : i32
      %dma_wait3A_348 = tpu.memref_slice %arg13[%run_scoped3A, %dma_wait3A_347] : memref<40x128xi32, #tpu.memory_space<vmem>> -> memref<1x128xi32, #tpu.memory_space<vmem>>
      %dma_wait3A_349 = tpu.memref_squeeze %dma_wait3A_348 : memref<1x128xi32, #tpu.memory_space<vmem>> -> memref<128xi32, #tpu.memory_space<vmem>>
      %dma_wait3A_350 = arith.constant 0 : i32
      %dma_wait3A_351 = arith.constant 0 : i32
      %dma_wait3A_352 = tpu.memref_slice %arg17[%dma_wait3A_350, %dma_wait3A_351] : memref<10112x128xf32, #tpu.memory_space<vmem_shared>> -> memref<10112x128xf32, #tpu.memory_space<vmem_shared>>
      tpu.wait_indirect_dma semaphore(%run_scoped3A_340 : memref<!tpu.dma_semaphore, #tpu.memory_space<semaphore_mem>>) src(%arg14 : memref<128x128xf32, #tpu.memory_space<vmem>>) dst(%dma_wait3A_352 : memref<10112x128xf32, #tpu.memory_space<vmem_shared>>)
      tpu.yield
    }) : () -> ()
    %dma_wait3A_90 = arith.constant 39 : i32
    %dma_wait3A_91 = arith.constant 0 : i32
    %dma_wait3A_92 = arith.constant 0 : i32
    %dma_wait3A_93 = tpu.memref_slice %arg15[%dma_wait3A_91, %dma_wait3A_92] : memref<128x128xf32, #tpu.memory_space<vmem>> -> memref<64x128xf32, #tpu.memory_space<vmem>>
    %dma_wait3A_94 = arith.constant 0 : i32
    %dma_wait3A_95 = tpu.memref_slice %arg12[%dma_wait3A_90, %dma_wait3A_94] : memref<40x128xi32, #tpu.memory_space<vmem>> -> memref<1x64xi32, #tpu.memory_space<vmem>>
    %dma_wait3A_96 = tpu.memref_squeeze %dma_wait3A_95 : memref<1x64xi32, #tpu.memory_space<vmem>> -> memref<64xi32, #tpu.memory_space<vmem>>
    %dma_wait3A_97 = arith.constant 0 : i32
    %dma_wait3A_98 = arith.constant 0 : i32
    %dma_wait3A_99 = tpu.memref_slice %arg2[%dma_wait3A_97, %dma_wait3A_98] : memref<10112x128xf32, #tpu.memory_space<hbm>> -> memref<10112x128xf32, #tpu.memory_space<hbm>>
    tpu.wait_indirect_dma semaphore(%arg19 : memref<!tpu.dma_semaphore, #tpu.memory_space<semaphore_mem>>) src(%dma_wait3A_99 : memref<10112x128xf32, #tpu.memory_space<hbm>>) dst(%dma_wait3A_93 : memref<64x128xf32, #tpu.memory_space<vmem>>)
    %dma_wait3A_100 = arith.constant 39 : i32
    %dma_wait3A_101 = arith.constant 64 : i32
    %dma_wait3A_102 = arith.constant 0 : i32
    %dma_wait3A_103 = tpu.memref_slice %arg15[%dma_wait3A_101, %dma_wait3A_102] : memref<128x128xf32, #tpu.memory_space<vmem>> -> memref<64x128xf32, #tpu.memory_space<vmem>>
    %dma_wait3A_104 = arith.constant 64 : i32
    %dma_wait3A_105 = tpu.memref_slice %arg12[%dma_wait3A_100, %dma_wait3A_104] : memref<40x128xi32, #tpu.memory_space<vmem>> -> memref<1x64xi32, #tpu.memory_space<vmem>>
    %dma_wait3A_106 = tpu.memref_squeeze %dma_wait3A_105 : memref<1x64xi32, #tpu.memory_space<vmem>> -> memref<64xi32, #tpu.memory_space<vmem>>
    %dma_wait3A_107 = arith.constant 0 : i32
    %dma_wait3A_108 = arith.constant 0 : i32
    %dma_wait3A_109 = tpu.memref_slice %arg2[%dma_wait3A_107, %dma_wait3A_108] : memref<10112x128xf32, #tpu.memory_space<hbm>> -> memref<10112x128xf32, #tpu.memory_space<hbm>>
    tpu.wait_indirect_dma semaphore(%arg19 : memref<!tpu.dma_semaphore, #tpu.memory_space<semaphore_mem>>) src(%dma_wait3A_109 : memref<10112x128xf32, #tpu.memory_space<hbm>>) dst(%dma_wait3A_103 : memref<64x128xf32, #tpu.memory_space<vmem>>)
    %run_scoped3A_110 = arith.constant 39 : i32
    "tpu.region"() ({
      %run_scoped3A_340 = tpu.sem_alloc : memref<!tpu.dma_semaphore, #tpu.memory_space<semaphore_mem>>
      %dma_start3A_341 = arith.constant 0 : i32
      %dma_start3A_342 = tpu.memref_slice %arg13[%run_scoped3A_110, %dma_start3A_341] : memref<40x128xi32, #tpu.memory_space<vmem>> -> memref<1x128xi32, #tpu.memory_space<vmem>>
      %dma_start3A_343 = tpu.memref_squeeze %dma_start3A_342 : memref<1x128xi32, #tpu.memory_space<vmem>> -> memref<128xi32, #tpu.memory_space<vmem>>
      %dma_start3A_344 = arith.constant 0 : i32
      %dma_start3A_345 = arith.constant 0 : i32
      %dma_start3A_346 = tpu.memref_slice %arg17[%dma_start3A_344, %dma_start3A_345] : memref<10112x128xf32, #tpu.memory_space<vmem_shared>> -> memref<10112x128xf32, #tpu.memory_space<vmem_shared>>
      tpu.enqueue_indirect_dma source(%arg15 : memref<128x128xf32, #tpu.memory_space<vmem>>) target(%dma_start3A_346 : memref<10112x128xf32, #tpu.memory_space<vmem_shared>>) offsets(%dma_start3A_343 : memref<128xi32, #tpu.memory_space<vmem>>) semaphore(%run_scoped3A_340 : memref<!tpu.dma_semaphore, #tpu.memory_space<semaphore_mem>>) {add = true}
      %dma_wait3A_347 = arith.constant 0 : i32
      %dma_wait3A_348 = tpu.memref_slice %arg13[%run_scoped3A_110, %dma_wait3A_347] : memref<40x128xi32, #tpu.memory_space<vmem>> -> memref<1x128xi32, #tpu.memory_space<vmem>>
      %dma_wait3A_349 = tpu.memref_squeeze %dma_wait3A_348 : memref<1x128xi32, #tpu.memory_space<vmem>> -> memref<128xi32, #tpu.memory_space<vmem>>
      %dma_wait3A_350 = arith.constant 0 : i32
      %dma_wait3A_351 = arith.constant 0 : i32
      %dma_wait3A_352 = tpu.memref_slice %arg17[%dma_wait3A_350, %dma_wait3A_351] : memref<10112x128xf32, #tpu.memory_space<vmem_shared>> -> memref<10112x128xf32, #tpu.memory_space<vmem_shared>>
      tpu.wait_indirect_dma semaphore(%run_scoped3A_340 : memref<!tpu.dma_semaphore, #tpu.memory_space<semaphore_mem>>) src(%arg15 : memref<128x128xf32, #tpu.memory_space<vmem>>) dst(%dma_wait3A_352 : memref<10112x128xf32, #tpu.memory_space<vmem_shared>>)
      tpu.yield
    }) : () -> ()
    %mul3A_111 = arith.constant 80 : i32
    %mul3A_112 = arith.muli %add3A, %mul3A_111 : i32
    %add3A_113 = arith.constant 40 : i32
    %add3A_114 = arith.addi %mul3A_112, %add3A_113 : i32
    "tpu.region"() ({
      %run_scoped3A_340 = tpu.sem_alloc : memref<!tpu.dma_semaphore, #tpu.memory_space<semaphore_mem>>
      %dma_start3A_341 = arith.constant 0 : i32
      %dma_start3A_342 = tpu.memref_slice %arg3[%add3A_114, %dma_start3A_341] : memref<2560x128xi32, #tpu.memory_space<hbm>> -> memref<40x128xi32, #tpu.memory_space<hbm>>
      %dma_start3A_343 = arith.constant 0 : i32
      %dma_start3A_344 = tpu.memref_slice %arg3[%add3A_114, %dma_start3A_343] : memref<2560x128xi32, #tpu.memory_space<hbm>> -> memref<40x128xi32, #tpu.memory_space<hbm>>
      tpu.enqueue_dma source(%dma_start3A_344 : memref<40x128xi32, #tpu.memory_space<hbm>>) target(%arg12 : memref<40x128xi32, #tpu.memory_space<vmem>>) target_semaphore(%run_scoped3A_340 : memref<!tpu.dma_semaphore, #tpu.memory_space<semaphore_mem>>)
      %dma_wait3A_345 = arith.constant 0 : i32
      %dma_wait3A_346 = tpu.memref_slice %arg3[%add3A_114, %dma_wait3A_345] : memref<2560x128xi32, #tpu.memory_space<hbm>> -> memref<40x128xi32, #tpu.memory_space<hbm>>
      %dma_wait3A_347 = arith.constant 0 : i32
      %dma_wait3A_348 = tpu.memref_slice %arg3[%add3A_114, %dma_wait3A_347] : memref<2560x128xi32, #tpu.memory_space<hbm>> -> memref<40x128xi32, #tpu.memory_space<hbm>>
      tpu.wait_dma2 semaphore(%run_scoped3A_340 : memref<!tpu.dma_semaphore, #tpu.memory_space<semaphore_mem>>) src(%dma_wait3A_348 : memref<40x128xi32, #tpu.memory_space<hbm>>) dst(%arg12 : memref<40x128xi32, #tpu.memory_space<vmem>>)
      tpu.yield
    }) : () -> ()
    %mul3A_115 = arith.constant 80 : i32
    %mul3A_116 = arith.muli %add3A, %mul3A_115 : i32
    %add3A_117 = arith.constant 40 : i32
    %add3A_118 = arith.addi %mul3A_116, %add3A_117 : i32
    "tpu.region"() ({
      %run_scoped3A_340 = tpu.sem_alloc : memref<!tpu.dma_semaphore, #tpu.memory_space<semaphore_mem>>
      %dma_start3A_341 = arith.constant 0 : i32
      %dma_start3A_342 = tpu.memref_slice %arg4[%add3A_118, %dma_start3A_341] : memref<2560x128xi32, #tpu.memory_space<hbm>> -> memref<40x128xi32, #tpu.memory_space<hbm>>
      %dma_start3A_343 = arith.constant 0 : i32
      %dma_start3A_344 = tpu.memref_slice %arg4[%add3A_118, %dma_start3A_343] : memref<2560x128xi32, #tpu.memory_space<hbm>> -> memref<40x128xi32, #tpu.memory_space<hbm>>
      tpu.enqueue_dma source(%dma_start3A_344 : memref<40x128xi32, #tpu.memory_space<hbm>>) target(%arg13 : memref<40x128xi32, #tpu.memory_space<vmem>>) target_semaphore(%run_scoped3A_340 : memref<!tpu.dma_semaphore, #tpu.memory_space<semaphore_mem>>)
      %dma_wait3A_345 = arith.constant 0 : i32
      %dma_wait3A_346 = tpu.memref_slice %arg4[%add3A_118, %dma_wait3A_345] : memref<2560x128xi32, #tpu.memory_space<hbm>> -> memref<40x128xi32, #tpu.memory_space<hbm>>
      %dma_wait3A_347 = arith.constant 0 : i32
      %dma_wait3A_348 = tpu.memref_slice %arg4[%add3A_118, %dma_wait3A_347] : memref<2560x128xi32, #tpu.memory_space<hbm>> -> memref<40x128xi32, #tpu.memory_space<hbm>>
      tpu.wait_dma2 semaphore(%run_scoped3A_340 : memref<!tpu.dma_semaphore, #tpu.memory_space<semaphore_mem>>) src(%dma_wait3A_348 : memref<40x128xi32, #tpu.memory_space<hbm>>) dst(%arg13 : memref<40x128xi32, #tpu.memory_space<vmem>>)
      tpu.yield
    }) : () -> ()
    %dma_start3A_119 = arith.constant 0 : i32
    %dma_start3A_120 = arith.constant 0 : i32
    %dma_start3A_121 = arith.constant 0 : i32
    %dma_start3A_122 = tpu.memref_slice %arg14[%dma_start3A_120, %dma_start3A_121] : memref<128x128xf32, #tpu.memory_space<vmem>> -> memref<64x128xf32, #tpu.memory_space<vmem>>
    %dma_start3A_123 = arith.constant 0 : i32
    %dma_start3A_124 = tpu.memref_slice %arg12[%dma_start3A_119, %dma_start3A_123] : memref<40x128xi32, #tpu.memory_space<vmem>> -> memref<1x64xi32, #tpu.memory_space<vmem>>
    %dma_start3A_125 = tpu.memref_squeeze %dma_start3A_124 : memref<1x64xi32, #tpu.memory_space<vmem>> -> memref<64xi32, #tpu.memory_space<vmem>>
    %dma_start3A_126 = arith.constant 0 : i32
    %dma_start3A_127 = arith.constant 0 : i32
    %dma_start3A_128 = tpu.memref_slice %arg2[%dma_start3A_126, %dma_start3A_127] : memref<10112x128xf32, #tpu.memory_space<hbm>> -> memref<10112x128xf32, #tpu.memory_space<hbm>>
    tpu.enqueue_indirect_dma source(%dma_start3A_128 : memref<10112x128xf32, #tpu.memory_space<hbm>>) target(%dma_start3A_122 : memref<64x128xf32, #tpu.memory_space<vmem>>) offsets(%dma_start3A_125 : memref<64xi32, #tpu.memory_space<vmem>>) semaphore(%arg18 : memref<!tpu.dma_semaphore, #tpu.memory_space<semaphore_mem>>)
    %dma_start3A_129 = arith.constant 0 : i32
    %dma_start3A_130 = arith.constant 64 : i32
    %dma_start3A_131 = arith.constant 0 : i32
    %dma_start3A_132 = tpu.memref_slice %arg14[%dma_start3A_130, %dma_start3A_131] : memref<128x128xf32, #tpu.memory_space<vmem>> -> memref<64x128xf32, #tpu.memory_space<vmem>>
    %dma_start3A_133 = arith.constant 64 : i32
    %dma_start3A_134 = tpu.memref_slice %arg12[%dma_start3A_129, %dma_start3A_133] : memref<40x128xi32, #tpu.memory_space<vmem>> -> memref<1x64xi32, #tpu.memory_space<vmem>>
    %dma_start3A_135 = tpu.memref_squeeze %dma_start3A_134 : memref<1x64xi32, #tpu.memory_space<vmem>> -> memref<64xi32, #tpu.memory_space<vmem>>
    %dma_start3A_136 = arith.constant 0 : i32
    %dma_start3A_137 = arith.constant 0 : i32
    %dma_start3A_138 = tpu.memref_slice %arg2[%dma_start3A_136, %dma_start3A_137] : memref<10112x128xf32, #tpu.memory_space<hbm>> -> memref<10112x128xf32, #tpu.memory_space<hbm>>
    tpu.enqueue_indirect_dma source(%dma_start3A_138 : memref<10112x128xf32, #tpu.memory_space<hbm>>) target(%dma_start3A_132 : memref<64x128xf32, #tpu.memory_space<vmem>>) offsets(%dma_start3A_135 : memref<64xi32, #tpu.memory_space<vmem>>) semaphore(%arg18 : memref<!tpu.dma_semaphore, #tpu.memory_space<semaphore_mem>>)
    %scan3A_139 = arith.constant 0 : i32
    %scan3A_140 = arith.constant 0 : i32
    %scan3A_141 = arith.constant 19 : i32
    %scan3A_142 = arith.addi %scan3A_140, %scan3A_141 : i32
    %scan3A_143 = arith.constant 1 : i32
    scf.for %scan3A_340 = %scan3A_140 to %scan3A_142 step %scan3A_143  : i32 {
      %mul3A_341 = arith.constant 2 : i32
      %mul3A_342 = arith.muli %mul3A_341, %scan3A_340 : i32
      %add3A_343 = arith.constant 1 : i32
      %add3A_344 = arith.addi %mul3A_342, %add3A_343 : i32
      %dma_start3A_345 = arith.constant 0 : i32
      %dma_start3A_346 = arith.constant 0 : i32
      %dma_start3A_347 = tpu.memref_slice %arg15[%dma_start3A_345, %dma_start3A_346] : memref<128x128xf32, #tpu.memory_space<vmem>> -> memref<64x128xf32, #tpu.memory_space<vmem>>
      %dma_start3A_348 = arith.constant 0 : i32
      %dma_start3A_349 = tpu.memref_slice %arg12[%add3A_344, %dma_start3A_348] : memref<40x128xi32, #tpu.memory_space<vmem>> -> memref<1x64xi32, #tpu.memory_space<vmem>>
      %dma_start3A_350 = tpu.memref_squeeze %dma_start3A_349 : memref<1x64xi32, #tpu.memory_space<vmem>> -> memref<64xi32, #tpu.memory_space<vmem>>
      %dma_start3A_351 = arith.constant 0 : i32
      %dma_start3A_352 = arith.constant 0 : i32
      %dma_start3A_353 = tpu.memref_slice %arg2[%dma_start3A_351, %dma_start3A_352] : memref<10112x128xf32, #tpu.memory_space<hbm>> -> memref<10112x128xf32, #tpu.memory_space<hbm>>
      tpu.enqueue_indirect_dma source(%dma_start3A_353 : memref<10112x128xf32, #tpu.memory_space<hbm>>) target(%dma_start3A_347 : memref<64x128xf32, #tpu.memory_space<vmem>>) offsets(%dma_start3A_350 : memref<64xi32, #tpu.memory_space<vmem>>) semaphore(%arg19 : memref<!tpu.dma_semaphore, #tpu.memory_space<semaphore_mem>>)
      %dma_start3A_354 = arith.constant 64 : i32
      %dma_start3A_355 = arith.constant 0 : i32
      %dma_start3A_356 = tpu.memref_slice %arg15[%dma_start3A_354, %dma_start3A_355] : memref<128x128xf32, #tpu.memory_space<vmem>> -> memref<64x128xf32, #tpu.memory_space<vmem>>
      %dma_start3A_357 = arith.constant 64 : i32
      %dma_start3A_358 = tpu.memref_slice %arg12[%add3A_344, %dma_start3A_357] : memref<40x128xi32, #tpu.memory_space<vmem>> -> memref<1x64xi32, #tpu.memory_space<vmem>>
      %dma_start3A_359 = tpu.memref_squeeze %dma_start3A_358 : memref<1x64xi32, #tpu.memory_space<vmem>> -> memref<64xi32, #tpu.memory_space<vmem>>
      %dma_start3A_360 = arith.constant 0 : i32
      %dma_start3A_361 = arith.constant 0 : i32
      %dma_start3A_362 = tpu.memref_slice %arg2[%dma_start3A_360, %dma_start3A_361] : memref<10112x128xf32, #tpu.memory_space<hbm>> -> memref<10112x128xf32, #tpu.memory_space<hbm>>
      tpu.enqueue_indirect_dma source(%dma_start3A_362 : memref<10112x128xf32, #tpu.memory_space<hbm>>) target(%dma_start3A_356 : memref<64x128xf32, #tpu.memory_space<vmem>>) offsets(%dma_start3A_359 : memref<64xi32, #tpu.memory_space<vmem>>) semaphore(%arg19 : memref<!tpu.dma_semaphore, #tpu.memory_space<semaphore_mem>>)
      %dma_wait3A_363 = arith.constant 0 : i32
      %dma_wait3A_364 = arith.constant 0 : i32
      %dma_wait3A_365 = tpu.memref_slice %arg14[%dma_wait3A_363, %dma_wait3A_364] : memref<128x128xf32, #tpu.memory_space<vmem>> -> memref<64x128xf32, #tpu.memory_space<vmem>>
      %dma_wait3A_366 = arith.constant 0 : i32
      %dma_wait3A_367 = tpu.memref_slice %arg12[%mul3A_342, %dma_wait3A_366] : memref<40x128xi32, #tpu.memory_space<vmem>> -> memref<1x64xi32, #tpu.memory_space<vmem>>
      %dma_wait3A_368 = tpu.memref_squeeze %dma_wait3A_367 : memref<1x64xi32, #tpu.memory_space<vmem>> -> memref<64xi32, #tpu.memory_space<vmem>>
      %dma_wait3A_369 = arith.constant 0 : i32
      %dma_wait3A_370 = arith.constant 0 : i32
      %dma_wait3A_371 = tpu.memref_slice %arg2[%dma_wait3A_369, %dma_wait3A_370] : memref<10112x128xf32, #tpu.memory_space<hbm>> -> memref<10112x128xf32, #tpu.memory_space<hbm>>
      tpu.wait_indirect_dma semaphore(%arg18 : memref<!tpu.dma_semaphore, #tpu.memory_space<semaphore_mem>>) src(%dma_wait3A_371 : memref<10112x128xf32, #tpu.memory_space<hbm>>) dst(%dma_wait3A_365 : memref<64x128xf32, #tpu.memory_space<vmem>>)
      %dma_wait3A_372 = arith.constant 64 : i32
      %dma_wait3A_373 = arith.constant 0 : i32
      %dma_wait3A_374 = tpu.memref_slice %arg14[%dma_wait3A_372, %dma_wait3A_373] : memref<128x128xf32, #tpu.memory_space<vmem>> -> memref<64x128xf32, #tpu.memory_space<vmem>>
      %dma_wait3A_375 = arith.constant 64 : i32
      %dma_wait3A_376 = tpu.memref_slice %arg12[%mul3A_342, %dma_wait3A_375] : memref<40x128xi32, #tpu.memory_space<vmem>> -> memref<1x64xi32, #tpu.memory_space<vmem>>
      %dma_wait3A_377 = tpu.memref_squeeze %dma_wait3A_376 : memref<1x64xi32, #tpu.memory_space<vmem>> -> memref<64xi32, #tpu.memory_space<vmem>>
      %dma_wait3A_378 = arith.constant 0 : i32
      %dma_wait3A_379 = arith.constant 0 : i32
      %dma_wait3A_380 = tpu.memref_slice %arg2[%dma_wait3A_378, %dma_wait3A_379] : memref<10112x128xf32, #tpu.memory_space<hbm>> -> memref<10112x128xf32, #tpu.memory_space<hbm>>
      tpu.wait_indirect_dma semaphore(%arg18 : memref<!tpu.dma_semaphore, #tpu.memory_space<semaphore_mem>>) src(%dma_wait3A_380 : memref<10112x128xf32, #tpu.memory_space<hbm>>) dst(%dma_wait3A_374 : memref<64x128xf32, #tpu.memory_space<vmem>>)
      "tpu.region"() ({
        %run_scoped3A_423 = tpu.sem_alloc : memref<!tpu.dma_semaphore, #tpu.memory_space<semaphore_mem>>
        %dma_start3A_424 = arith.constant 0 : i32
        %dma_start3A_425 = tpu.memref_slice %arg13[%mul3A_342, %dma_start3A_424] : memref<40x128xi32, #tpu.memory_space<vmem>> -> memref<1x128xi32, #tpu.memory_space<vmem>>
        %dma_start3A_426 = tpu.memref_squeeze %dma_start3A_425 : memref<1x128xi32, #tpu.memory_space<vmem>> -> memref<128xi32, #tpu.memory_space<vmem>>
        %dma_start3A_427 = arith.constant 0 : i32
        %dma_start3A_428 = arith.constant 0 : i32
        %dma_start3A_429 = tpu.memref_slice %arg17[%dma_start3A_427, %dma_start3A_428] : memref<10112x128xf32, #tpu.memory_space<vmem_shared>> -> memref<10112x128xf32, #tpu.memory_space<vmem_shared>>
        tpu.enqueue_indirect_dma source(%arg14 : memref<128x128xf32, #tpu.memory_space<vmem>>) target(%dma_start3A_429 : memref<10112x128xf32, #tpu.memory_space<vmem_shared>>) offsets(%dma_start3A_426 : memref<128xi32, #tpu.memory_space<vmem>>) semaphore(%run_scoped3A_423 : memref<!tpu.dma_semaphore, #tpu.memory_space<semaphore_mem>>) {add = true}
        %dma_wait3A_430 = arith.constant 0 : i32
        %dma_wait3A_431 = tpu.memref_slice %arg13[%mul3A_342, %dma_wait3A_430] : memref<40x128xi32, #tpu.memory_space<vmem>> -> memref<1x128xi32, #tpu.memory_space<vmem>>
        %dma_wait3A_432 = tpu.memref_squeeze %dma_wait3A_431 : memref<1x128xi32, #tpu.memory_space<vmem>> -> memref<128xi32, #tpu.memory_space<vmem>>
        %dma_wait3A_433 = arith.constant 0 : i32
        %dma_wait3A_434 = arith.constant 0 : i32
        %dma_wait3A_435 = tpu.memref_slice %arg17[%dma_wait3A_433, %dma_wait3A_434] : memref<10112x128xf32, #tpu.memory_space<vmem_shared>> -> memref<10112x128xf32, #tpu.memory_space<vmem_shared>>
        tpu.wait_indirect_dma semaphore(%run_scoped3A_423 : memref<!tpu.dma_semaphore, #tpu.memory_space<semaphore_mem>>) src(%arg14 : memref<128x128xf32, #tpu.memory_space<vmem>>) dst(%dma_wait3A_435 : memref<10112x128xf32, #tpu.memory_space<vmem_shared>>)
        tpu.yield
      }) : () -> ()
      %add3A_381 = arith.constant 2 : i32
      %add3A_382 = arith.addi %mul3A_342, %add3A_381 : i32
      %dma_start3A_383 = arith.constant 0 : i32
      %dma_start3A_384 = arith.constant 0 : i32
      %dma_start3A_385 = tpu.memref_slice %arg14[%dma_start3A_383, %dma_start3A_384] : memref<128x128xf32, #tpu.memory_space<vmem>> -> memref<64x128xf32, #tpu.memory_space<vmem>>
      %dma_start3A_386 = arith.constant 0 : i32
      %dma_start3A_387 = tpu.memref_slice %arg12[%add3A_382, %dma_start3A_386] : memref<40x128xi32, #tpu.memory_space<vmem>> -> memref<1x64xi32, #tpu.memory_space<vmem>>
      %dma_start3A_388 = tpu.memref_squeeze %dma_start3A_387 : memref<1x64xi32, #tpu.memory_space<vmem>> -> memref<64xi32, #tpu.memory_space<vmem>>
      %dma_start3A_389 = arith.constant 0 : i32
      %dma_start3A_390 = arith.constant 0 : i32
      %dma_start3A_391 = tpu.memref_slice %arg2[%dma_start3A_389, %dma_start3A_390] : memref<10112x128xf32, #tpu.memory_space<hbm>> -> memref<10112x128xf32, #tpu.memory_space<hbm>>
      tpu.enqueue_indirect_dma source(%dma_start3A_391 : memref<10112x128xf32, #tpu.memory_space<hbm>>) target(%dma_start3A_385 : memref<64x128xf32, #tpu.memory_space<vmem>>) offsets(%dma_start3A_388 : memref<64xi32, #tpu.memory_space<vmem>>) semaphore(%arg18 : memref<!tpu.dma_semaphore, #tpu.memory_space<semaphore_mem>>)
      %dma_start3A_392 = arith.constant 64 : i32
      %dma_start3A_393 = arith.constant 0 : i32
      %dma_start3A_394 = tpu.memref_slice %arg14[%dma_start3A_392, %dma_start3A_393] : memref<128x128xf32, #tpu.memory_space<vmem>> -> memref<64x128xf32, #tpu.memory_space<vmem>>
      %dma_start3A_395 = arith.constant 64 : i32
      %dma_start3A_396 = tpu.memref_slice %arg12[%add3A_382, %dma_start3A_395] : memref<40x128xi32, #tpu.memory_space<vmem>> -> memref<1x64xi32, #tpu.memory_space<vmem>>
      %dma_start3A_397 = tpu.memref_squeeze %dma_start3A_396 : memref<1x64xi32, #tpu.memory_space<vmem>> -> memref<64xi32, #tpu.memory_space<vmem>>
      %dma_start3A_398 = arith.constant 0 : i32
      %dma_start3A_399 = arith.constant 0 : i32
      %dma_start3A_400 = tpu.memref_slice %arg2[%dma_start3A_398, %dma_start3A_399] : memref<10112x128xf32, #tpu.memory_space<hbm>> -> memref<10112x128xf32, #tpu.memory_space<hbm>>
      tpu.enqueue_indirect_dma source(%dma_start3A_400 : memref<10112x128xf32, #tpu.memory_space<hbm>>) target(%dma_start3A_394 : memref<64x128xf32, #tpu.memory_space<vmem>>) offsets(%dma_start3A_397 : memref<64xi32, #tpu.memory_space<vmem>>) semaphore(%arg18 : memref<!tpu.dma_semaphore, #tpu.memory_space<semaphore_mem>>)
      %add3A_401 = arith.constant 1 : i32
      %add3A_402 = arith.addi %mul3A_342, %add3A_401 : i32
      %dma_wait3A_403 = arith.constant 0 : i32
      %dma_wait3A_404 = arith.constant 0 : i32
      %dma_wait3A_405 = tpu.memref_slice %arg15[%dma_wait3A_403, %dma_wait3A_404] : memref<128x128xf32, #tpu.memory_space<vmem>> -> memref<64x128xf32, #tpu.memory_space<vmem>>
      %dma_wait3A_406 = arith.constant 0 : i32
      %dma_wait3A_407 = tpu.memref_slice %arg12[%add3A_402, %dma_wait3A_406] : memref<40x128xi32, #tpu.memory_space<vmem>> -> memref<1x64xi32, #tpu.memory_space<vmem>>
      %dma_wait3A_408 = tpu.memref_squeeze %dma_wait3A_407 : memref<1x64xi32, #tpu.memory_space<vmem>> -> memref<64xi32, #tpu.memory_space<vmem>>
      %dma_wait3A_409 = arith.constant 0 : i32
      %dma_wait3A_410 = arith.constant 0 : i32
      %dma_wait3A_411 = tpu.memref_slice %arg2[%dma_wait3A_409, %dma_wait3A_410] : memref<10112x128xf32, #tpu.memory_space<hbm>> -> memref<10112x128xf32, #tpu.memory_space<hbm>>
      tpu.wait_indirect_dma semaphore(%arg19 : memref<!tpu.dma_semaphore, #tpu.memory_space<semaphore_mem>>) src(%dma_wait3A_411 : memref<10112x128xf32, #tpu.memory_space<hbm>>) dst(%dma_wait3A_405 : memref<64x128xf32, #tpu.memory_space<vmem>>)
      %dma_wait3A_412 = arith.constant 64 : i32
      %dma_wait3A_413 = arith.constant 0 : i32
      %dma_wait3A_414 = tpu.memref_slice %arg15[%dma_wait3A_412, %dma_wait3A_413] : memref<128x128xf32, #tpu.memory_space<vmem>> -> memref<64x128xf32, #tpu.memory_space<vmem>>
      %dma_wait3A_415 = arith.constant 64 : i32
      %dma_wait3A_416 = tpu.memref_slice %arg12[%add3A_402, %dma_wait3A_415] : memref<40x128xi32, #tpu.memory_space<vmem>> -> memref<1x64xi32, #tpu.memory_space<vmem>>
      %dma_wait3A_417 = tpu.memref_squeeze %dma_wait3A_416 : memref<1x64xi32, #tpu.memory_space<vmem>> -> memref<64xi32, #tpu.memory_space<vmem>>
      %dma_wait3A_418 = arith.constant 0 : i32
      %dma_wait3A_419 = arith.constant 0 : i32
      %dma_wait3A_420 = tpu.memref_slice %arg2[%dma_wait3A_418, %dma_wait3A_419] : memref<10112x128xf32, #tpu.memory_space<hbm>> -> memref<10112x128xf32, #tpu.memory_space<hbm>>
      tpu.wait_indirect_dma semaphore(%arg19 : memref<!tpu.dma_semaphore, #tpu.memory_space<semaphore_mem>>) src(%dma_wait3A_420 : memref<10112x128xf32, #tpu.memory_space<hbm>>) dst(%dma_wait3A_414 : memref<64x128xf32, #tpu.memory_space<vmem>>)
      %add3A_421 = arith.constant 1 : i32
      %add3A_422 = arith.addi %mul3A_342, %add3A_421 : i32
      "tpu.region"() ({
        %run_scoped3A_423 = tpu.sem_alloc : memref<!tpu.dma_semaphore, #tpu.memory_space<semaphore_mem>>
        %dma_start3A_424 = arith.constant 0 : i32
        %dma_start3A_425 = tpu.memref_slice %arg13[%add3A_422, %dma_start3A_424] : memref<40x128xi32, #tpu.memory_space<vmem>> -> memref<1x128xi32, #tpu.memory_space<vmem>>
        %dma_start3A_426 = tpu.memref_squeeze %dma_start3A_425 : memref<1x128xi32, #tpu.memory_space<vmem>> -> memref<128xi32, #tpu.memory_space<vmem>>
        %dma_start3A_427 = arith.constant 0 : i32
        %dma_start3A_428 = arith.constant 0 : i32
        %dma_start3A_429 = tpu.memref_slice %arg17[%dma_start3A_427, %dma_start3A_428] : memref<10112x128xf32, #tpu.memory_space<vmem_shared>> -> memref<10112x128xf32, #tpu.memory_space<vmem_shared>>
        tpu.enqueue_indirect_dma source(%arg15 : memref<128x128xf32, #tpu.memory_space<vmem>>) target(%dma_start3A_429 : memref<10112x128xf32, #tpu.memory_space<vmem_shared>>) offsets(%dma_start3A_426 : memref<128xi32, #tpu.memory_space<vmem>>) semaphore(%run_scoped3A_423 : memref<!tpu.dma_semaphore, #tpu.memory_space<semaphore_mem>>) {add = true}
        %dma_wait3A_430 = arith.constant 0 : i32
        %dma_wait3A_431 = tpu.memref_slice %arg13[%add3A_422, %dma_wait3A_430] : memref<40x128xi32, #tpu.memory_space<vmem>> -> memref<1x128xi32, #tpu.memory_space<vmem>>
        %dma_wait3A_432 = tpu.memref_squeeze %dma_wait3A_431 : memref<1x128xi32, #tpu.memory_space<vmem>> -> memref<128xi32, #tpu.memory_space<vmem>>
        %dma_wait3A_433 = arith.constant 0 : i32
        %dma_wait3A_434 = arith.constant 0 : i32
        %dma_wait3A_435 = tpu.memref_slice %arg17[%dma_wait3A_433, %dma_wait3A_434] : memref<10112x128xf32, #tpu.memory_space<vmem_shared>> -> memref<10112x128xf32, #tpu.memory_space<vmem_shared>>
        tpu.wait_indirect_dma semaphore(%run_scoped3A_423 : memref<!tpu.dma_semaphore, #tpu.memory_space<semaphore_mem>>) src(%arg15 : memref<128x128xf32, #tpu.memory_space<vmem>>) dst(%dma_wait3A_435 : memref<10112x128xf32, #tpu.memory_space<vmem_shared>>)
        tpu.yield
      }) : () -> ()
    }
    %scan3A_144 = arith.constant 19 : i32
    %dma_start3A_145 = arith.constant 39 : i32
    %dma_start3A_146 = arith.constant 0 : i32
    %dma_start3A_147 = arith.constant 0 : i32
    %dma_start3A_148 = tpu.memref_slice %arg15[%dma_start3A_146, %dma_start3A_147] : memref<128x128xf32, #tpu.memory_space<vmem>> -> memref<64x128xf32, #tpu.memory_space<vmem>>
    %dma_start3A_149 = arith.constant 0 : i32
    %dma_start3A_150 = tpu.memref_slice %arg12[%dma_start3A_145, %dma_start3A_149] : memref<40x128xi32, #tpu.memory_space<vmem>> -> memref<1x64xi32, #tpu.memory_space<vmem>>
    %dma_start3A_151 = tpu.memref_squeeze %dma_start3A_150 : memref<1x64xi32, #tpu.memory_space<vmem>> -> memref<64xi32, #tpu.memory_space<vmem>>
    %dma_start3A_152 = arith.constant 0 : i32
    %dma_start3A_153 = arith.constant 0 : i32
    %dma_start3A_154 = tpu.memref_slice %arg2[%dma_start3A_152, %dma_start3A_153] : memref<10112x128xf32, #tpu.memory_space<hbm>> -> memref<10112x128xf32, #tpu.memory_space<hbm>>
    tpu.enqueue_indirect_dma source(%dma_start3A_154 : memref<10112x128xf32, #tpu.memory_space<hbm>>) target(%dma_start3A_148 : memref<64x128xf32, #tpu.memory_space<vmem>>) offsets(%dma_start3A_151 : memref<64xi32, #tpu.memory_space<vmem>>) semaphore(%arg19 : memref<!tpu.dma_semaphore, #tpu.memory_space<semaphore_mem>>)
    %dma_start3A_155 = arith.constant 39 : i32
    %dma_start3A_156 = arith.constant 64 : i32
    %dma_start3A_157 = arith.constant 0 : i32
    %dma_start3A_158 = tpu.memref_slice %arg15[%dma_start3A_156, %dma_start3A_157] : memref<128x128xf32, #tpu.memory_space<vmem>> -> memref<64x128xf32, #tpu.memory_space<vmem>>
    %dma_start3A_159 = arith.constant 64 : i32
    %dma_start3A_160 = tpu.memref_slice %arg12[%dma_start3A_155, %dma_start3A_159] : memref<40x128xi32, #tpu.memory_space<vmem>> -> memref<1x64xi32, #tpu.memory_space<vmem>>
    %dma_start3A_161 = tpu.memref_squeeze %dma_start3A_160 : memref<1x64xi32, #tpu.memory_space<vmem>> -> memref<64xi32, #tpu.memory_space<vmem>>
    %dma_start3A_162 = arith.constant 0 : i32
    %dma_start3A_163 = arith.constant 0 : i32
    %dma_start3A_164 = tpu.memref_slice %arg2[%dma_start3A_162, %dma_start3A_163] : memref<10112x128xf32, #tpu.memory_space<hbm>> -> memref<10112x128xf32, #tpu.memory_space<hbm>>
    tpu.enqueue_indirect_dma source(%dma_start3A_164 : memref<10112x128xf32, #tpu.memory_space<hbm>>) target(%dma_start3A_158 : memref<64x128xf32, #tpu.memory_space<vmem>>) offsets(%dma_start3A_161 : memref<64xi32, #tpu.memory_space<vmem>>) semaphore(%arg19 : memref<!tpu.dma_semaphore, #tpu.memory_space<semaphore_mem>>)
    %dma_wait3A_165 = arith.constant 38 : i32
    %dma_wait3A_166 = arith.constant 0 : i32
    %dma_wait3A_167 = arith.constant 0 : i32
    %dma_wait3A_168 = tpu.memref_slice %arg14[%dma_wait3A_166, %dma_wait3A_167] : memref<128x128xf32, #tpu.memory_space<vmem>> -> memref<64x128xf32, #tpu.memory_space<vmem>>
    %dma_wait3A_169 = arith.constant 0 : i32
    %dma_wait3A_170 = tpu.memref_slice %arg12[%dma_wait3A_165, %dma_wait3A_169] : memref<40x128xi32, #tpu.memory_space<vmem>> -> memref<1x64xi32, #tpu.memory_space<vmem>>
    %dma_wait3A_171 = tpu.memref_squeeze %dma_wait3A_170 : memref<1x64xi32, #tpu.memory_space<vmem>> -> memref<64xi32, #tpu.memory_space<vmem>>
    %dma_wait3A_172 = arith.constant 0 : i32
    %dma_wait3A_173 = arith.constant 0 : i32
    %dma_wait3A_174 = tpu.memref_slice %arg2[%dma_wait3A_172, %dma_wait3A_173] : memref<10112x128xf32, #tpu.memory_space<hbm>> -> memref<10112x128xf32, #tpu.memory_space<hbm>>
    tpu.wait_indirect_dma semaphore(%arg18 : memref<!tpu.dma_semaphore, #tpu.memory_space<semaphore_mem>>) src(%dma_wait3A_174 : memref<10112x128xf32, #tpu.memory_space<hbm>>) dst(%dma_wait3A_168 : memref<64x128xf32, #tpu.memory_space<vmem>>)
    %dma_wait3A_175 = arith.constant 38 : i32
    %dma_wait3A_176 = arith.constant 64 : i32
    %dma_wait3A_177 = arith.constant 0 : i32
    %dma_wait3A_178 = tpu.memref_slice %arg14[%dma_wait3A_176, %dma_wait3A_177] : memref<128x128xf32, #tpu.memory_space<vmem>> -> memref<64x128xf32, #tpu.memory_space<vmem>>
    %dma_wait3A_179 = arith.constant 64 : i32
    %dma_wait3A_180 = tpu.memref_slice %arg12[%dma_wait3A_175, %dma_wait3A_179] : memref<40x128xi32, #tpu.memory_space<vmem>> -> memref<1x64xi32, #tpu.memory_space<vmem>>
    %dma_wait3A_181 = tpu.memref_squeeze %dma_wait3A_180 : memref<1x64xi32, #tpu.memory_space<vmem>> -> memref<64xi32, #tpu.memory_space<vmem>>
    %dma_wait3A_182 = arith.constant 0 : i32
    %dma_wait3A_183 = arith.constant 0 : i32
    %dma_wait3A_184 = tpu.memref_slice %arg2[%dma_wait3A_182, %dma_wait3A_183] : memref<10112x128xf32, #tpu.memory_space<hbm>> -> memref<10112x128xf32, #tpu.memory_space<hbm>>
    tpu.wait_indirect_dma semaphore(%arg18 : memref<!tpu.dma_semaphore, #tpu.memory_space<semaphore_mem>>) src(%dma_wait3A_184 : memref<10112x128xf32, #tpu.memory_space<hbm>>) dst(%dma_wait3A_178 : memref<64x128xf32, #tpu.memory_space<vmem>>)
    %run_scoped3A_185 = arith.constant 38 : i32
    "tpu.region"() ({
      %run_scoped3A_340 = tpu.sem_alloc : memref<!tpu.dma_semaphore, #tpu.memory_space<semaphore_mem>>
      %dma_start3A_341 = arith.constant 0 : i32
      %dma_start3A_342 = tpu.memref_slice %arg13[%run_scoped3A_185, %dma_start3A_341] : memref<40x128xi32, #tpu.memory_space<vmem>> -> memref<1x128xi32, #tpu.memory_space<vmem>>
      %dma_start3A_343 = tpu.memref_squeeze %dma_start3A_342 : memref<1x128xi32, #tpu.memory_space<vmem>> -> memref<128xi32, #tpu.memory_space<vmem>>
      %dma_start3A_344 = arith.constant 0 : i32
      %dma_start3A_345 = arith.constant 0 : i32
      %dma_start3A_346 = tpu.memref_slice %arg17[%dma_start3A_344, %dma_start3A_345] : memref<10112x128xf32, #tpu.memory_space<vmem_shared>> -> memref<10112x128xf32, #tpu.memory_space<vmem_shared>>
      tpu.enqueue_indirect_dma source(%arg14 : memref<128x128xf32, #tpu.memory_space<vmem>>) target(%dma_start3A_346 : memref<10112x128xf32, #tpu.memory_space<vmem_shared>>) offsets(%dma_start3A_343 : memref<128xi32, #tpu.memory_space<vmem>>) semaphore(%run_scoped3A_340 : memref<!tpu.dma_semaphore, #tpu.memory_space<semaphore_mem>>) {add = true}
      %dma_wait3A_347 = arith.constant 0 : i32
      %dma_wait3A_348 = tpu.memref_slice %arg13[%run_scoped3A_185, %dma_wait3A_347] : memref<40x128xi32, #tpu.memory_space<vmem>> -> memref<1x128xi32, #tpu.memory_space<vmem>>
      %dma_wait3A_349 = tpu.memref_squeeze %dma_wait3A_348 : memref<1x128xi32, #tpu.memory_space<vmem>> -> memref<128xi32, #tpu.memory_space<vmem>>
      %dma_wait3A_350 = arith.constant 0 : i32
      %dma_wait3A_351 = arith.constant 0 : i32
      %dma_wait3A_352 = tpu.memref_slice %arg17[%dma_wait3A_350, %dma_wait3A_351] : memref<10112x128xf32, #tpu.memory_space<vmem_shared>> -> memref<10112x128xf32, #tpu.memory_space<vmem_shared>>
      tpu.wait_indirect_dma semaphore(%run_scoped3A_340 : memref<!tpu.dma_semaphore, #tpu.memory_space<semaphore_mem>>) src(%arg14 : memref<128x128xf32, #tpu.memory_space<vmem>>) dst(%dma_wait3A_352 : memref<10112x128xf32, #tpu.memory_space<vmem_shared>>)
      tpu.yield
    }) : () -> ()
    %dma_wait3A_186 = arith.constant 39 : i32
    %dma_wait3A_187 = arith.constant 0 : i32
    %dma_wait3A_188 = arith.constant 0 : i32
    %dma_wait3A_189 = tpu.memref_slice %arg15[%dma_wait3A_187, %dma_wait3A_188] : memref<128x128xf32, #tpu.memory_space<vmem>> -> memref<64x128xf32, #tpu.memory_space<vmem>>
    %dma_wait3A_190 = arith.constant 0 : i32
    %dma_wait3A_191 = tpu.memref_slice %arg12[%dma_wait3A_186, %dma_wait3A_190] : memref<40x128xi32, #tpu.memory_space<vmem>> -> memref<1x64xi32, #tpu.memory_space<vmem>>
    %dma_wait3A_192 = tpu.memref_squeeze %dma_wait3A_191 : memref<1x64xi32, #tpu.memory_space<vmem>> -> memref<64xi32, #tpu.memory_space<vmem>>
    %dma_wait3A_193 = arith.constant 0 : i32
    %dma_wait3A_194 = arith.constant 0 : i32
    %dma_wait3A_195 = tpu.memref_slice %arg2[%dma_wait3A_193, %dma_wait3A_194] : memref<10112x128xf32, #tpu.memory_space<hbm>> -> memref<10112x128xf32, #tpu.memory_space<hbm>>
    tpu.wait_indirect_dma semaphore(%arg19 : memref<!tpu.dma_semaphore, #tpu.memory_space<semaphore_mem>>) src(%dma_wait3A_195 : memref<10112x128xf32, #tpu.memory_space<hbm>>) dst(%dma_wait3A_189 : memref<64x128xf32, #tpu.memory_space<vmem>>)
    %dma_wait3A_196 = arith.constant 39 : i32
    %dma_wait3A_197 = arith.constant 64 : i32
    %dma_wait3A_198 = arith.constant 0 : i32
    %dma_wait3A_199 = tpu.memref_slice %arg15[%dma_wait3A_197, %dma_wait3A_198] : memref<128x128xf32, #tpu.memory_space<vmem>> -> memref<64x128xf32, #tpu.memory_space<vmem>>
    %dma_wait3A_200 = arith.constant 64 : i32
    %dma_wait3A_201 = tpu.memref_slice %arg12[%dma_wait3A_196, %dma_wait3A_200] : memref<40x128xi32, #tpu.memory_space<vmem>> -> memref<1x64xi32, #tpu.memory_space<vmem>>
    %dma_wait3A_202 = tpu.memref_squeeze %dma_wait3A_201 : memref<1x64xi32, #tpu.memory_space<vmem>> -> memref<64xi32, #tpu.memory_space<vmem>>
    %dma_wait3A_203 = arith.constant 0 : i32
    %dma_wait3A_204 = arith.constant 0 : i32
    %dma_wait3A_205 = tpu.memref_slice %arg2[%dma_wait3A_203, %dma_wait3A_204] : memref<10112x128xf32, #tpu.memory_space<hbm>> -> memref<10112x128xf32, #tpu.memory_space<hbm>>
    tpu.wait_indirect_dma semaphore(%arg19 : memref<!tpu.dma_semaphore, #tpu.memory_space<semaphore_mem>>) src(%dma_wait3A_205 : memref<10112x128xf32, #tpu.memory_space<hbm>>) dst(%dma_wait3A_199 : memref<64x128xf32, #tpu.memory_space<vmem>>)
    %run_scoped3A_206 = arith.constant 39 : i32
    "tpu.region"() ({
      %run_scoped3A_340 = tpu.sem_alloc : memref<!tpu.dma_semaphore, #tpu.memory_space<semaphore_mem>>
      %dma_start3A_341 = arith.constant 0 : i32
      %dma_start3A_342 = tpu.memref_slice %arg13[%run_scoped3A_206, %dma_start3A_341] : memref<40x128xi32, #tpu.memory_space<vmem>> -> memref<1x128xi32, #tpu.memory_space<vmem>>
      %dma_start3A_343 = tpu.memref_squeeze %dma_start3A_342 : memref<1x128xi32, #tpu.memory_space<vmem>> -> memref<128xi32, #tpu.memory_space<vmem>>
      %dma_start3A_344 = arith.constant 0 : i32
      %dma_start3A_345 = arith.constant 0 : i32
      %dma_start3A_346 = tpu.memref_slice %arg17[%dma_start3A_344, %dma_start3A_345] : memref<10112x128xf32, #tpu.memory_space<vmem_shared>> -> memref<10112x128xf32, #tpu.memory_space<vmem_shared>>
      tpu.enqueue_indirect_dma source(%arg15 : memref<128x128xf32, #tpu.memory_space<vmem>>) target(%dma_start3A_346 : memref<10112x128xf32, #tpu.memory_space<vmem_shared>>) offsets(%dma_start3A_343 : memref<128xi32, #tpu.memory_space<vmem>>) semaphore(%run_scoped3A_340 : memref<!tpu.dma_semaphore, #tpu.memory_space<semaphore_mem>>) {add = true}
      %dma_wait3A_347 = arith.constant 0 : i32
      %dma_wait3A_348 = tpu.memref_slice %arg13[%run_scoped3A_206, %dma_wait3A_347] : memref<40x128xi32, #tpu.memory_space<vmem>> -> memref<1x128xi32, #tpu.memory_space<vmem>>
      %dma_wait3A_349 = tpu.memref_squeeze %dma_wait3A_348 : memref<1x128xi32, #tpu.memory_space<vmem>> -> memref<128xi32, #tpu.memory_space<vmem>>
      %dma_wait3A_350 = arith.constant 0 : i32
      %dma_wait3A_351 = arith.constant 0 : i32
      %dma_wait3A_352 = tpu.memref_slice %arg17[%dma_wait3A_350, %dma_wait3A_351] : memref<10112x128xf32, #tpu.memory_space<vmem_shared>> -> memref<10112x128xf32, #tpu.memory_space<vmem_shared>>
      tpu.wait_indirect_dma semaphore(%run_scoped3A_340 : memref<!tpu.dma_semaphore, #tpu.memory_space<semaphore_mem>>) src(%arg15 : memref<128x128xf32, #tpu.memory_space<vmem>>) dst(%dma_wait3A_352 : memref<10112x128xf32, #tpu.memory_space<vmem_shared>>)
      tpu.yield
    }) : () -> ()
    %barrier3A_207 = arith.constant 0 : index
    tpu.barrier barrier_id(%barrier3A_207)
    %mul3A_208 = arith.constant 2 : i32
    %mul3A_209 = arith.muli %arg1, %mul3A_208 : i32
    %add3A_210 = arith.constant 0 : i32
    %add3A_211 = arith.addi %mul3A_209, %add3A_210 : i32
    %mul3A_212 = arith.constant 128 : i32
    %mul3A_213 = arith.muli %add3A_211, %mul3A_212 : i32
    %run_scoped3A_214 = arith.constant 0 : i32
    "tpu.region"() ({
      %run_scoped3A_340 = tpu.sem_alloc : memref<!tpu.dma_semaphore, #tpu.memory_space<semaphore_mem>>
      %dma_start3A_341 = arith.constant 0 : i32
      %dma_start3A_342 = tpu.memref_slice %arg12[%run_scoped3A_214, %dma_start3A_341] : memref<40x128xi32, #tpu.memory_space<vmem>> -> memref<1x128xi32, #tpu.memory_space<vmem>>
      %dma_start3A_343 = tpu.memref_squeeze %dma_start3A_342 : memref<1x128xi32, #tpu.memory_space<vmem>> -> memref<128xi32, #tpu.memory_space<vmem>>
      %dma_start3A_344 = tpu.memref_slice %arg5[%mul3A_213] : memref<4096xi32, #tpu.memory_space<hbm>> -> memref<128xi32, #tpu.memory_space<hbm>>
      %dma_start3A_345 = arith.constant 0 : i32
      %dma_start3A_346 = tpu.memref_slice %arg12[%run_scoped3A_214, %dma_start3A_345] : memref<40x128xi32, #tpu.memory_space<vmem>> -> memref<1x128xi32, #tpu.memory_space<vmem>>
      %dma_start3A_347 = tpu.memref_squeeze %dma_start3A_346 : memref<1x128xi32, #tpu.memory_space<vmem>> -> memref<128xi32, #tpu.memory_space<vmem>>
      %dma_start3A_348 = tpu.memref_slice %arg5[%mul3A_213] : memref<4096xi32, #tpu.memory_space<hbm>> -> memref<128xi32, #tpu.memory_space<hbm>>
      tpu.enqueue_dma source(%dma_start3A_348 : memref<128xi32, #tpu.memory_space<hbm>>) target(%dma_start3A_347 : memref<128xi32, #tpu.memory_space<vmem>>) target_semaphore(%run_scoped3A_340 : memref<!tpu.dma_semaphore, #tpu.memory_space<semaphore_mem>>)
      %dma_wait3A_349 = arith.constant 0 : i32
      %dma_wait3A_350 = tpu.memref_slice %arg12[%run_scoped3A_214, %dma_wait3A_349] : memref<40x128xi32, #tpu.memory_space<vmem>> -> memref<1x128xi32, #tpu.memory_space<vmem>>
      %dma_wait3A_351 = tpu.memref_squeeze %dma_wait3A_350 : memref<1x128xi32, #tpu.memory_space<vmem>> -> memref<128xi32, #tpu.memory_space<vmem>>
      %dma_wait3A_352 = tpu.memref_slice %arg5[%mul3A_213] : memref<4096xi32, #tpu.memory_space<hbm>> -> memref<128xi32, #tpu.memory_space<hbm>>
      %dma_wait3A_353 = arith.constant 0 : i32
      %dma_wait3A_354 = tpu.memref_slice %arg12[%run_scoped3A_214, %dma_wait3A_353] : memref<40x128xi32, #tpu.memory_space<vmem>> -> memref<1x128xi32, #tpu.memory_space<vmem>>
      %dma_wait3A_355 = tpu.memref_squeeze %dma_wait3A_354 : memref<1x128xi32, #tpu.memory_space<vmem>> -> memref<128xi32, #tpu.memory_space<vmem>>
      %dma_wait3A_356 = tpu.memref_slice %arg5[%mul3A_213] : memref<4096xi32, #tpu.memory_space<hbm>> -> memref<128xi32, #tpu.memory_space<hbm>>
      tpu.wait_dma2 semaphore(%run_scoped3A_340 : memref<!tpu.dma_semaphore, #tpu.memory_space<semaphore_mem>>) src(%dma_wait3A_356 : memref<128xi32, #tpu.memory_space<hbm>>) dst(%dma_wait3A_355 : memref<128xi32, #tpu.memory_space<vmem>>)
      tpu.yield
    }) : () -> ()
    %dma_start3A_215 = arith.constant 0 : i32
    %dma_start3A_216 = arith.constant 0 : i32
    %dma_start3A_217 = tpu.memref_slice %arg12[%dma_start3A_215, %dma_start3A_216] : memref<40x128xi32, #tpu.memory_space<vmem>> -> memref<1x128xi32, #tpu.memory_space<vmem>>
    %dma_start3A_218 = tpu.memref_squeeze %dma_start3A_217 : memref<1x128xi32, #tpu.memory_space<vmem>> -> memref<128xi32, #tpu.memory_space<vmem>>
    %dma_start3A_219 = arith.constant 0 : i32
    %dma_start3A_220 = arith.constant 0 : i32
    %dma_start3A_221 = tpu.memref_slice %arg17[%dma_start3A_219, %dma_start3A_220] : memref<10112x128xf32, #tpu.memory_space<vmem_shared>> -> memref<10112x128xf32, #tpu.memory_space<vmem_shared>>
    tpu.enqueue_indirect_dma source(%dma_start3A_221 : memref<10112x128xf32, #tpu.memory_space<vmem_shared>>) target(%arg14 : memref<128x128xf32, #tpu.memory_space<vmem>>) offsets(%dma_start3A_218 : memref<128xi32, #tpu.memory_space<vmem>>) semaphore(%arg18 : memref<!tpu.dma_semaphore, #tpu.memory_space<semaphore_mem>>)
    %dma_wait3A_222 = arith.constant 0 : i32
    %dma_wait3A_223 = arith.constant 0 : i32
    %dma_wait3A_224 = tpu.memref_slice %arg12[%dma_wait3A_222, %dma_wait3A_223] : memref<40x128xi32, #tpu.memory_space<vmem>> -> memref<1x128xi32, #tpu.memory_space<vmem>>
    %dma_wait3A_225 = tpu.memref_squeeze %dma_wait3A_224 : memref<1x128xi32, #tpu.memory_space<vmem>> -> memref<128xi32, #tpu.memory_space<vmem>>
    %dma_wait3A_226 = arith.constant 0 : i32
    %dma_wait3A_227 = arith.constant 0 : i32
    %dma_wait3A_228 = tpu.memref_slice %arg17[%dma_wait3A_226, %dma_wait3A_227] : memref<10112x128xf32, #tpu.memory_space<vmem_shared>> -> memref<10112x128xf32, #tpu.memory_space<vmem_shared>>
    tpu.wait_indirect_dma semaphore(%arg18 : memref<!tpu.dma_semaphore, #tpu.memory_space<semaphore_mem>>) src(%dma_wait3A_228 : memref<10112x128xf32, #tpu.memory_space<vmem_shared>>) dst(%arg14 : memref<128x128xf32, #tpu.memory_space<vmem>>)
    "tpu.region"() ({
      %run_scoped3A_340 = tpu.sem_alloc : memref<!tpu.dma_semaphore, #tpu.memory_space<semaphore_mem>>
      %dma_start3A_341 = arith.constant 0 : i32
      %dma_start3A_342 = tpu.memref_slice %arg8[%arg0, %mul3A_213, %dma_start3A_341] : memref<2x4096x128xf32, #tpu.memory_space<hbm>> -> memref<1x128x128xf32, #tpu.memory_space<hbm>>
      %dma_start3A_343 = tpu.memref_squeeze %dma_start3A_342 : memref<1x128x128xf32, #tpu.memory_space<hbm>> -> memref<128x128xf32, #tpu.memory_space<hbm>>
      %dma_start3A_344 = arith.constant 0 : i32
      %dma_start3A_345 = tpu.memref_slice %arg8[%arg0, %mul3A_213, %dma_start3A_344] : memref<2x4096x128xf32, #tpu.memory_space<hbm>> -> memref<1x128x128xf32, #tpu.memory_space<hbm>>
      %dma_start3A_346 = tpu.memref_squeeze %dma_start3A_345 : memref<1x128x128xf32, #tpu.memory_space<hbm>> -> memref<128x128xf32, #tpu.memory_space<hbm>>
      tpu.enqueue_dma source(%arg14 : memref<128x128xf32, #tpu.memory_space<vmem>>) target(%dma_start3A_346 : memref<128x128xf32, #tpu.memory_space<hbm>>) target_semaphore(%run_scoped3A_340 : memref<!tpu.dma_semaphore, #tpu.memory_space<semaphore_mem>>)
      %dma_wait3A_347 = arith.constant 0 : i32
      %dma_wait3A_348 = tpu.memref_slice %arg8[%arg0, %mul3A_213, %dma_wait3A_347] : memref<2x4096x128xf32, #tpu.memory_space<hbm>> -> memref<1x128x128xf32, #tpu.memory_space<hbm>>
      %dma_wait3A_349 = tpu.memref_squeeze %dma_wait3A_348 : memref<1x128x128xf32, #tpu.memory_space<hbm>> -> memref<128x128xf32, #tpu.memory_space<hbm>>
      %dma_wait3A_350 = arith.constant 0 : i32
      %dma_wait3A_351 = tpu.memref_slice %arg8[%arg0, %mul3A_213, %dma_wait3A_350] : memref<2x4096x128xf32, #tpu.memory_space<hbm>> -> memref<1x128x128xf32, #tpu.memory_space<hbm>>
      %dma_wait3A_352 = tpu.memref_squeeze %dma_wait3A_351 : memref<1x128x128xf32, #tpu.memory_space<hbm>> -> memref<128x128xf32, #tpu.memory_space<hbm>>
      tpu.wait_dma2 semaphore(%run_scoped3A_340 : memref<!tpu.dma_semaphore, #tpu.memory_space<semaphore_mem>>) src(%arg14 : memref<128x128xf32, #tpu.memory_space<vmem>>) dst(%dma_wait3A_352 : memref<128x128xf32, #tpu.memory_space<hbm>>)
      tpu.yield
    }) : () -> ()
    %dma_start3A_229 = arith.constant 0 : i32
    %dma_start3A_230 = arith.constant 0 : i32
    %dma_start3A_231 = tpu.memref_slice %arg12[%dma_start3A_229, %dma_start3A_230] : memref<40x128xi32, #tpu.memory_space<vmem>> -> memref<1x128xi32, #tpu.memory_space<vmem>>
    %dma_start3A_232 = tpu.memref_squeeze %dma_start3A_231 : memref<1x128xi32, #tpu.memory_space<vmem>> -> memref<128xi32, #tpu.memory_space<vmem>>
    %dma_start3A_233 = arith.constant 0 : i32
    %dma_start3A_234 = tpu.memref_slice %arg7[%dma_start3A_233] : memref<10112xf32, #tpu.memory_space<hbm>> -> memref<10112xf32, #tpu.memory_space<hbm>>
    tpu.enqueue_indirect_dma source(%dma_start3A_234 : memref<10112xf32, #tpu.memory_space<hbm>>) target(%arg16 : memref<128xf32, #tpu.memory_space<vmem>>) offsets(%dma_start3A_232 : memref<128xi32, #tpu.memory_space<vmem>>) semaphore(%arg18 : memref<!tpu.dma_semaphore, #tpu.memory_space<semaphore_mem>>)
    %dma_wait3A_235 = arith.constant 0 : i32
    %dma_wait3A_236 = arith.constant 0 : i32
    %dma_wait3A_237 = tpu.memref_slice %arg12[%dma_wait3A_235, %dma_wait3A_236] : memref<40x128xi32, #tpu.memory_space<vmem>> -> memref<1x128xi32, #tpu.memory_space<vmem>>
    %dma_wait3A_238 = tpu.memref_squeeze %dma_wait3A_237 : memref<1x128xi32, #tpu.memory_space<vmem>> -> memref<128xi32, #tpu.memory_space<vmem>>
    %dma_wait3A_239 = arith.constant 0 : i32
    %dma_wait3A_240 = tpu.memref_slice %arg7[%dma_wait3A_239] : memref<10112xf32, #tpu.memory_space<hbm>> -> memref<10112xf32, #tpu.memory_space<hbm>>
    tpu.wait_indirect_dma semaphore(%arg18 : memref<!tpu.dma_semaphore, #tpu.memory_space<semaphore_mem>>) src(%dma_wait3A_240 : memref<10112xf32, #tpu.memory_space<hbm>>) dst(%arg16 : memref<128xf32, #tpu.memory_space<vmem>>)
    %mul3A_241 = arith.constant 4096 : i32
    %mul3A_242 = arith.muli %arg0, %mul3A_241 : i32
    %add3A_243 = arith.addi %mul3A_242, %mul3A_213 : i32
    "tpu.region"() ({
      %run_scoped3A_340 = tpu.sem_alloc : memref<!tpu.dma_semaphore, #tpu.memory_space<semaphore_mem>>
      %dma_start3A_341 = tpu.memref_slice %arg10[%add3A_243] : memref<8192xf32, #tpu.memory_space<hbm>> -> memref<128xf32, #tpu.memory_space<hbm>>
      %dma_start3A_342 = tpu.memref_slice %arg10[%add3A_243] : memref<8192xf32, #tpu.memory_space<hbm>> -> memref<128xf32, #tpu.memory_space<hbm>>
      tpu.enqueue_dma source(%arg16 : memref<128xf32, #tpu.memory_space<vmem>>) target(%dma_start3A_342 : memref<128xf32, #tpu.memory_space<hbm>>) target_semaphore(%run_scoped3A_340 : memref<!tpu.dma_semaphore, #tpu.memory_space<semaphore_mem>>)
      %dma_wait3A_343 = tpu.memref_slice %arg10[%add3A_243] : memref<8192xf32, #tpu.memory_space<hbm>> -> memref<128xf32, #tpu.memory_space<hbm>>
      %dma_wait3A_344 = tpu.memref_slice %arg10[%add3A_243] : memref<8192xf32, #tpu.memory_space<hbm>> -> memref<128xf32, #tpu.memory_space<hbm>>
      tpu.wait_dma2 semaphore(%run_scoped3A_340 : memref<!tpu.dma_semaphore, #tpu.memory_space<semaphore_mem>>) src(%arg16 : memref<128xf32, #tpu.memory_space<vmem>>) dst(%dma_wait3A_344 : memref<128xf32, #tpu.memory_space<hbm>>)
      tpu.yield
    }) : () -> ()
    %run_scoped3A_244 = arith.constant 0 : i32
    "tpu.region"() ({
      %run_scoped3A_340 = tpu.sem_alloc : memref<!tpu.dma_semaphore, #tpu.memory_space<semaphore_mem>>
      %dma_start3A_341 = arith.constant 0 : i32
      %dma_start3A_342 = tpu.memref_slice %arg12[%run_scoped3A_244, %dma_start3A_341] : memref<40x128xi32, #tpu.memory_space<vmem>> -> memref<1x128xi32, #tpu.memory_space<vmem>>
      %dma_start3A_343 = tpu.memref_squeeze %dma_start3A_342 : memref<1x128xi32, #tpu.memory_space<vmem>> -> memref<128xi32, #tpu.memory_space<vmem>>
      %dma_start3A_344 = tpu.memref_slice %arg6[%mul3A_213] : memref<4096xi32, #tpu.memory_space<hbm>> -> memref<128xi32, #tpu.memory_space<hbm>>
      %dma_start3A_345 = arith.constant 0 : i32
      %dma_start3A_346 = tpu.memref_slice %arg12[%run_scoped3A_244, %dma_start3A_345] : memref<40x128xi32, #tpu.memory_space<vmem>> -> memref<1x128xi32, #tpu.memory_space<vmem>>
      %dma_start3A_347 = tpu.memref_squeeze %dma_start3A_346 : memref<1x128xi32, #tpu.memory_space<vmem>> -> memref<128xi32, #tpu.memory_space<vmem>>
      %dma_start3A_348 = tpu.memref_slice %arg6[%mul3A_213] : memref<4096xi32, #tpu.memory_space<hbm>> -> memref<128xi32, #tpu.memory_space<hbm>>
      tpu.enqueue_dma source(%dma_start3A_348 : memref<128xi32, #tpu.memory_space<hbm>>) target(%dma_start3A_347 : memref<128xi32, #tpu.memory_space<vmem>>) target_semaphore(%run_scoped3A_340 : memref<!tpu.dma_semaphore, #tpu.memory_space<semaphore_mem>>)
      %dma_wait3A_349 = arith.constant 0 : i32
      %dma_wait3A_350 = tpu.memref_slice %arg12[%run_scoped3A_244, %dma_wait3A_349] : memref<40x128xi32, #tpu.memory_space<vmem>> -> memref<1x128xi32, #tpu.memory_space<vmem>>
      %dma_wait3A_351 = tpu.memref_squeeze %dma_wait3A_350 : memref<1x128xi32, #tpu.memory_space<vmem>> -> memref<128xi32, #tpu.memory_space<vmem>>
      %dma_wait3A_352 = tpu.memref_slice %arg6[%mul3A_213] : memref<4096xi32, #tpu.memory_space<hbm>> -> memref<128xi32, #tpu.memory_space<hbm>>
      %dma_wait3A_353 = arith.constant 0 : i32
      %dma_wait3A_354 = tpu.memref_slice %arg12[%run_scoped3A_244, %dma_wait3A_353] : memref<40x128xi32, #tpu.memory_space<vmem>> -> memref<1x128xi32, #tpu.memory_space<vmem>>
      %dma_wait3A_355 = tpu.memref_squeeze %dma_wait3A_354 : memref<1x128xi32, #tpu.memory_space<vmem>> -> memref<128xi32, #tpu.memory_space<vmem>>
      %dma_wait3A_356 = tpu.memref_slice %arg6[%mul3A_213] : memref<4096xi32, #tpu.memory_space<hbm>> -> memref<128xi32, #tpu.memory_space<hbm>>
      tpu.wait_dma2 semaphore(%run_scoped3A_340 : memref<!tpu.dma_semaphore, #tpu.memory_space<semaphore_mem>>) src(%dma_wait3A_356 : memref<128xi32, #tpu.memory_space<hbm>>) dst(%dma_wait3A_355 : memref<128xi32, #tpu.memory_space<vmem>>)
      tpu.yield
    }) : () -> ()
    %dma_start3A_245 = arith.constant 0 : i32
    %dma_start3A_246 = arith.constant 0 : i32
    %dma_start3A_247 = tpu.memref_slice %arg12[%dma_start3A_245, %dma_start3A_246] : memref<40x128xi32, #tpu.memory_space<vmem>> -> memref<1x128xi32, #tpu.memory_space<vmem>>
    %dma_start3A_248 = tpu.memref_squeeze %dma_start3A_247 : memref<1x128xi32, #tpu.memory_space<vmem>> -> memref<128xi32, #tpu.memory_space<vmem>>
    %dma_start3A_249 = arith.constant 0 : i32
    %dma_start3A_250 = arith.constant 0 : i32
    %dma_start3A_251 = tpu.memref_slice %arg17[%dma_start3A_249, %dma_start3A_250] : memref<10112x128xf32, #tpu.memory_space<vmem_shared>> -> memref<10112x128xf32, #tpu.memory_space<vmem_shared>>
    tpu.enqueue_indirect_dma source(%dma_start3A_251 : memref<10112x128xf32, #tpu.memory_space<vmem_shared>>) target(%arg14 : memref<128x128xf32, #tpu.memory_space<vmem>>) offsets(%dma_start3A_248 : memref<128xi32, #tpu.memory_space<vmem>>) semaphore(%arg18 : memref<!tpu.dma_semaphore, #tpu.memory_space<semaphore_mem>>)
    %dma_wait3A_252 = arith.constant 0 : i32
    %dma_wait3A_253 = arith.constant 0 : i32
    %dma_wait3A_254 = tpu.memref_slice %arg12[%dma_wait3A_252, %dma_wait3A_253] : memref<40x128xi32, #tpu.memory_space<vmem>> -> memref<1x128xi32, #tpu.memory_space<vmem>>
    %dma_wait3A_255 = tpu.memref_squeeze %dma_wait3A_254 : memref<1x128xi32, #tpu.memory_space<vmem>> -> memref<128xi32, #tpu.memory_space<vmem>>
    %dma_wait3A_256 = arith.constant 0 : i32
    %dma_wait3A_257 = arith.constant 0 : i32
    %dma_wait3A_258 = tpu.memref_slice %arg17[%dma_wait3A_256, %dma_wait3A_257] : memref<10112x128xf32, #tpu.memory_space<vmem_shared>> -> memref<10112x128xf32, #tpu.memory_space<vmem_shared>>
    tpu.wait_indirect_dma semaphore(%arg18 : memref<!tpu.dma_semaphore, #tpu.memory_space<semaphore_mem>>) src(%dma_wait3A_258 : memref<10112x128xf32, #tpu.memory_space<vmem_shared>>) dst(%arg14 : memref<128x128xf32, #tpu.memory_space<vmem>>)
    "tpu.region"() ({
      %run_scoped3A_340 = tpu.sem_alloc : memref<!tpu.dma_semaphore, #tpu.memory_space<semaphore_mem>>
      %dma_start3A_341 = arith.constant 0 : i32
      %dma_start3A_342 = tpu.memref_slice %arg9[%arg0, %mul3A_213, %dma_start3A_341] : memref<2x4096x128xf32, #tpu.memory_space<hbm>> -> memref<1x128x128xf32, #tpu.memory_space<hbm>>
      %dma_start3A_343 = tpu.memref_squeeze %dma_start3A_342 : memref<1x128x128xf32, #tpu.memory_space<hbm>> -> memref<128x128xf32, #tpu.memory_space<hbm>>
      %dma_start3A_344 = arith.constant 0 : i32
      %dma_start3A_345 = tpu.memref_slice %arg9[%arg0, %mul3A_213, %dma_start3A_344] : memref<2x4096x128xf32, #tpu.memory_space<hbm>> -> memref<1x128x128xf32, #tpu.memory_space<hbm>>
      %dma_start3A_346 = tpu.memref_squeeze %dma_start3A_345 : memref<1x128x128xf32, #tpu.memory_space<hbm>> -> memref<128x128xf32, #tpu.memory_space<hbm>>
      tpu.enqueue_dma source(%arg14 : memref<128x128xf32, #tpu.memory_space<vmem>>) target(%dma_start3A_346 : memref<128x128xf32, #tpu.memory_space<hbm>>) target_semaphore(%run_scoped3A_340 : memref<!tpu.dma_semaphore, #tpu.memory_space<semaphore_mem>>)
      %dma_wait3A_347 = arith.constant 0 : i32
      %dma_wait3A_348 = tpu.memref_slice %arg9[%arg0, %mul3A_213, %dma_wait3A_347] : memref<2x4096x128xf32, #tpu.memory_space<hbm>> -> memref<1x128x128xf32, #tpu.memory_space<hbm>>
      %dma_wait3A_349 = tpu.memref_squeeze %dma_wait3A_348 : memref<1x128x128xf32, #tpu.memory_space<hbm>> -> memref<128x128xf32, #tpu.memory_space<hbm>>
      %dma_wait3A_350 = arith.constant 0 : i32
      %dma_wait3A_351 = tpu.memref_slice %arg9[%arg0, %mul3A_213, %dma_wait3A_350] : memref<2x4096x128xf32, #tpu.memory_space<hbm>> -> memref<1x128x128xf32, #tpu.memory_space<hbm>>
      %dma_wait3A_352 = tpu.memref_squeeze %dma_wait3A_351 : memref<1x128x128xf32, #tpu.memory_space<hbm>> -> memref<128x128xf32, #tpu.memory_space<hbm>>
      tpu.wait_dma2 semaphore(%run_scoped3A_340 : memref<!tpu.dma_semaphore, #tpu.memory_space<semaphore_mem>>) src(%arg14 : memref<128x128xf32, #tpu.memory_space<vmem>>) dst(%dma_wait3A_352 : memref<128x128xf32, #tpu.memory_space<hbm>>)
      tpu.yield
    }) : () -> ()
    %dma_start3A_259 = arith.constant 0 : i32
    %dma_start3A_260 = arith.constant 0 : i32
    %dma_start3A_261 = tpu.memref_slice %arg12[%dma_start3A_259, %dma_start3A_260] : memref<40x128xi32, #tpu.memory_space<vmem>> -> memref<1x128xi32, #tpu.memory_space<vmem>>
    %dma_start3A_262 = tpu.memref_squeeze %dma_start3A_261 : memref<1x128xi32, #tpu.memory_space<vmem>> -> memref<128xi32, #tpu.memory_space<vmem>>
    %dma_start3A_263 = arith.constant 0 : i32
    %dma_start3A_264 = tpu.memref_slice %arg7[%dma_start3A_263] : memref<10112xf32, #tpu.memory_space<hbm>> -> memref<10112xf32, #tpu.memory_space<hbm>>
    tpu.enqueue_indirect_dma source(%dma_start3A_264 : memref<10112xf32, #tpu.memory_space<hbm>>) target(%arg16 : memref<128xf32, #tpu.memory_space<vmem>>) offsets(%dma_start3A_262 : memref<128xi32, #tpu.memory_space<vmem>>) semaphore(%arg18 : memref<!tpu.dma_semaphore, #tpu.memory_space<semaphore_mem>>)
    %dma_wait3A_265 = arith.constant 0 : i32
    %dma_wait3A_266 = arith.constant 0 : i32
    %dma_wait3A_267 = tpu.memref_slice %arg12[%dma_wait3A_265, %dma_wait3A_266] : memref<40x128xi32, #tpu.memory_space<vmem>> -> memref<1x128xi32, #tpu.memory_space<vmem>>
    %dma_wait3A_268 = tpu.memref_squeeze %dma_wait3A_267 : memref<1x128xi32, #tpu.memory_space<vmem>> -> memref<128xi32, #tpu.memory_space<vmem>>
    %dma_wait3A_269 = arith.constant 0 : i32
    %dma_wait3A_270 = tpu.memref_slice %arg7[%dma_wait3A_269] : memref<10112xf32, #tpu.memory_space<hbm>> -> memref<10112xf32, #tpu.memory_space<hbm>>
    tpu.wait_indirect_dma semaphore(%arg18 : memref<!tpu.dma_semaphore, #tpu.memory_space<semaphore_mem>>) src(%dma_wait3A_270 : memref<10112xf32, #tpu.memory_space<hbm>>) dst(%arg16 : memref<128xf32, #tpu.memory_space<vmem>>)
    %mul3A_271 = arith.constant 4096 : i32
    %mul3A_272 = arith.muli %arg0, %mul3A_271 : i32
    %add3A_273 = arith.addi %mul3A_272, %mul3A_213 : i32
    "tpu.region"() ({
      %run_scoped3A_340 = tpu.sem_alloc : memref<!tpu.dma_semaphore, #tpu.memory_space<semaphore_mem>>
      %dma_start3A_341 = tpu.memref_slice %arg11[%add3A_273] : memref<8192xf32, #tpu.memory_space<hbm>> -> memref<128xf32, #tpu.memory_space<hbm>>
      %dma_start3A_342 = tpu.memref_slice %arg11[%add3A_273] : memref<8192xf32, #tpu.memory_space<hbm>> -> memref<128xf32, #tpu.memory_space<hbm>>
      tpu.enqueue_dma source(%arg16 : memref<128xf32, #tpu.memory_space<vmem>>) target(%dma_start3A_342 : memref<128xf32, #tpu.memory_space<hbm>>) target_semaphore(%run_scoped3A_340 : memref<!tpu.dma_semaphore, #tpu.memory_space<semaphore_mem>>)
      %dma_wait3A_343 = tpu.memref_slice %arg11[%add3A_273] : memref<8192xf32, #tpu.memory_space<hbm>> -> memref<128xf32, #tpu.memory_space<hbm>>
      %dma_wait3A_344 = tpu.memref_slice %arg11[%add3A_273] : memref<8192xf32, #tpu.memory_space<hbm>> -> memref<128xf32, #tpu.memory_space<hbm>>
      tpu.wait_dma2 semaphore(%run_scoped3A_340 : memref<!tpu.dma_semaphore, #tpu.memory_space<semaphore_mem>>) src(%arg16 : memref<128xf32, #tpu.memory_space<vmem>>) dst(%dma_wait3A_344 : memref<128xf32, #tpu.memory_space<hbm>>)
      tpu.yield
    }) : () -> ()
    %mul3A_274 = arith.constant 2 : i32
    %mul3A_275 = arith.muli %arg1, %mul3A_274 : i32
    %add3A_276 = arith.constant 1 : i32
    %add3A_277 = arith.addi %mul3A_275, %add3A_276 : i32
    %mul3A_278 = arith.constant 128 : i32
    %mul3A_279 = arith.muli %add3A_277, %mul3A_278 : i32
    %run_scoped3A_280 = arith.constant 0 : i32
    "tpu.region"() ({
      %run_scoped3A_340 = tpu.sem_alloc : memref<!tpu.dma_semaphore, #tpu.memory_space<semaphore_mem>>
      %dma_start3A_341 = arith.constant 0 : i32
      %dma_start3A_342 = tpu.memref_slice %arg12[%run_scoped3A_280, %dma_start3A_341] : memref<40x128xi32, #tpu.memory_space<vmem>> -> memref<1x128xi32, #tpu.memory_space<vmem>>
      %dma_start3A_343 = tpu.memref_squeeze %dma_start3A_342 : memref<1x128xi32, #tpu.memory_space<vmem>> -> memref<128xi32, #tpu.memory_space<vmem>>
      %dma_start3A_344 = tpu.memref_slice %arg5[%mul3A_279] : memref<4096xi32, #tpu.memory_space<hbm>> -> memref<128xi32, #tpu.memory_space<hbm>>
      %dma_start3A_345 = arith.constant 0 : i32
      %dma_start3A_346 = tpu.memref_slice %arg12[%run_scoped3A_280, %dma_start3A_345] : memref<40x128xi32, #tpu.memory_space<vmem>> -> memref<1x128xi32, #tpu.memory_space<vmem>>
      %dma_start3A_347 = tpu.memref_squeeze %dma_start3A_346 : memref<1x128xi32, #tpu.memory_space<vmem>> -> memref<128xi32, #tpu.memory_space<vmem>>
      %dma_start3A_348 = tpu.memref_slice %arg5[%mul3A_279] : memref<4096xi32, #tpu.memory_space<hbm>> -> memref<128xi32, #tpu.memory_space<hbm>>
      tpu.enqueue_dma source(%dma_start3A_348 : memref<128xi32, #tpu.memory_space<hbm>>) target(%dma_start3A_347 : memref<128xi32, #tpu.memory_space<vmem>>) target_semaphore(%run_scoped3A_340 : memref<!tpu.dma_semaphore, #tpu.memory_space<semaphore_mem>>)
      %dma_wait3A_349 = arith.constant 0 : i32
      %dma_wait3A_350 = tpu.memref_slice %arg12[%run_scoped3A_280, %dma_wait3A_349] : memref<40x128xi32, #tpu.memory_space<vmem>> -> memref<1x128xi32, #tpu.memory_space<vmem>>
      %dma_wait3A_351 = tpu.memref_squeeze %dma_wait3A_350 : memref<1x128xi32, #tpu.memory_space<vmem>> -> memref<128xi32, #tpu.memory_space<vmem>>
      %dma_wait3A_352 = tpu.memref_slice %arg5[%mul3A_279] : memref<4096xi32, #tpu.memory_space<hbm>> -> memref<128xi32, #tpu.memory_space<hbm>>
      %dma_wait3A_353 = arith.constant 0 : i32
      %dma_wait3A_354 = tpu.memref_slice %arg12[%run_scoped3A_280, %dma_wait3A_353] : memref<40x128xi32, #tpu.memory_space<vmem>> -> memref<1x128xi32, #tpu.memory_space<vmem>>
      %dma_wait3A_355 = tpu.memref_squeeze %dma_wait3A_354 : memref<1x128xi32, #tpu.memory_space<vmem>> -> memref<128xi32, #tpu.memory_space<vmem>>
      %dma_wait3A_356 = tpu.memref_slice %arg5[%mul3A_279] : memref<4096xi32, #tpu.memory_space<hbm>> -> memref<128xi32, #tpu.memory_space<hbm>>
      tpu.wait_dma2 semaphore(%run_scoped3A_340 : memref<!tpu.dma_semaphore, #tpu.memory_space<semaphore_mem>>) src(%dma_wait3A_356 : memref<128xi32, #tpu.memory_space<hbm>>) dst(%dma_wait3A_355 : memref<128xi32, #tpu.memory_space<vmem>>)
      tpu.yield
    }) : () -> ()
    %dma_start3A_281 = arith.constant 0 : i32
    %dma_start3A_282 = arith.constant 0 : i32
    %dma_start3A_283 = tpu.memref_slice %arg12[%dma_start3A_281, %dma_start3A_282] : memref<40x128xi32, #tpu.memory_space<vmem>> -> memref<1x128xi32, #tpu.memory_space<vmem>>
    %dma_start3A_284 = tpu.memref_squeeze %dma_start3A_283 : memref<1x128xi32, #tpu.memory_space<vmem>> -> memref<128xi32, #tpu.memory_space<vmem>>
    %dma_start3A_285 = arith.constant 0 : i32
    %dma_start3A_286 = arith.constant 0 : i32
    %dma_start3A_287 = tpu.memref_slice %arg17[%dma_start3A_285, %dma_start3A_286] : memref<10112x128xf32, #tpu.memory_space<vmem_shared>> -> memref<10112x128xf32, #tpu.memory_space<vmem_shared>>
    tpu.enqueue_indirect_dma source(%dma_start3A_287 : memref<10112x128xf32, #tpu.memory_space<vmem_shared>>) target(%arg14 : memref<128x128xf32, #tpu.memory_space<vmem>>) offsets(%dma_start3A_284 : memref<128xi32, #tpu.memory_space<vmem>>) semaphore(%arg18 : memref<!tpu.dma_semaphore, #tpu.memory_space<semaphore_mem>>)
    %dma_wait3A_288 = arith.constant 0 : i32
    %dma_wait3A_289 = arith.constant 0 : i32
    %dma_wait3A_290 = tpu.memref_slice %arg12[%dma_wait3A_288, %dma_wait3A_289] : memref<40x128xi32, #tpu.memory_space<vmem>> -> memref<1x128xi32, #tpu.memory_space<vmem>>
    %dma_wait3A_291 = tpu.memref_squeeze %dma_wait3A_290 : memref<1x128xi32, #tpu.memory_space<vmem>> -> memref<128xi32, #tpu.memory_space<vmem>>
    %dma_wait3A_292 = arith.constant 0 : i32
    %dma_wait3A_293 = arith.constant 0 : i32
    %dma_wait3A_294 = tpu.memref_slice %arg17[%dma_wait3A_292, %dma_wait3A_293] : memref<10112x128xf32, #tpu.memory_space<vmem_shared>> -> memref<10112x128xf32, #tpu.memory_space<vmem_shared>>
    tpu.wait_indirect_dma semaphore(%arg18 : memref<!tpu.dma_semaphore, #tpu.memory_space<semaphore_mem>>) src(%dma_wait3A_294 : memref<10112x128xf32, #tpu.memory_space<vmem_shared>>) dst(%arg14 : memref<128x128xf32, #tpu.memory_space<vmem>>)
    "tpu.region"() ({
      %run_scoped3A_340 = tpu.sem_alloc : memref<!tpu.dma_semaphore, #tpu.memory_space<semaphore_mem>>
      %dma_start3A_341 = arith.constant 0 : i32
      %dma_start3A_342 = tpu.memref_slice %arg8[%arg0, %mul3A_279, %dma_start3A_341] : memref<2x4096x128xf32, #tpu.memory_space<hbm>> -> memref<1x128x128xf32, #tpu.memory_space<hbm>>
      %dma_start3A_343 = tpu.memref_squeeze %dma_start3A_342 : memref<1x128x128xf32, #tpu.memory_space<hbm>> -> memref<128x128xf32, #tpu.memory_space<hbm>>
      %dma_start3A_344 = arith.constant 0 : i32
      %dma_start3A_345 = tpu.memref_slice %arg8[%arg0, %mul3A_279, %dma_start3A_344] : memref<2x4096x128xf32, #tpu.memory_space<hbm>> -> memref<1x128x128xf32, #tpu.memory_space<hbm>>
      %dma_start3A_346 = tpu.memref_squeeze %dma_start3A_345 : memref<1x128x128xf32, #tpu.memory_space<hbm>> -> memref<128x128xf32, #tpu.memory_space<hbm>>
      tpu.enqueue_dma source(%arg14 : memref<128x128xf32, #tpu.memory_space<vmem>>) target(%dma_start3A_346 : memref<128x128xf32, #tpu.memory_space<hbm>>) target_semaphore(%run_scoped3A_340 : memref<!tpu.dma_semaphore, #tpu.memory_space<semaphore_mem>>)
      %dma_wait3A_347 = arith.constant 0 : i32
      %dma_wait3A_348 = tpu.memref_slice %arg8[%arg0, %mul3A_279, %dma_wait3A_347] : memref<2x4096x128xf32, #tpu.memory_space<hbm>> -> memref<1x128x128xf32, #tpu.memory_space<hbm>>
      %dma_wait3A_349 = tpu.memref_squeeze %dma_wait3A_348 : memref<1x128x128xf32, #tpu.memory_space<hbm>> -> memref<128x128xf32, #tpu.memory_space<hbm>>
      %dma_wait3A_350 = arith.constant 0 : i32
      %dma_wait3A_351 = tpu.memref_slice %arg8[%arg0, %mul3A_279, %dma_wait3A_350] : memref<2x4096x128xf32, #tpu.memory_space<hbm>> -> memref<1x128x128xf32, #tpu.memory_space<hbm>>
      %dma_wait3A_352 = tpu.memref_squeeze %dma_wait3A_351 : memref<1x128x128xf32, #tpu.memory_space<hbm>> -> memref<128x128xf32, #tpu.memory_space<hbm>>
      tpu.wait_dma2 semaphore(%run_scoped3A_340 : memref<!tpu.dma_semaphore, #tpu.memory_space<semaphore_mem>>) src(%arg14 : memref<128x128xf32, #tpu.memory_space<vmem>>) dst(%dma_wait3A_352 : memref<128x128xf32, #tpu.memory_space<hbm>>)
      tpu.yield
    }) : () -> ()
    %dma_start3A_295 = arith.constant 0 : i32
    %dma_start3A_296 = arith.constant 0 : i32
    %dma_start3A_297 = tpu.memref_slice %arg12[%dma_start3A_295, %dma_start3A_296] : memref<40x128xi32, #tpu.memory_space<vmem>> -> memref<1x128xi32, #tpu.memory_space<vmem>>
    %dma_start3A_298 = tpu.memref_squeeze %dma_start3A_297 : memref<1x128xi32, #tpu.memory_space<vmem>> -> memref<128xi32, #tpu.memory_space<vmem>>
    %dma_start3A_299 = arith.constant 0 : i32
    %dma_start3A_300 = tpu.memref_slice %arg7[%dma_start3A_299] : memref<10112xf32, #tpu.memory_space<hbm>> -> memref<10112xf32, #tpu.memory_space<hbm>>
    tpu.enqueue_indirect_dma source(%dma_start3A_300 : memref<10112xf32, #tpu.memory_space<hbm>>) target(%arg16 : memref<128xf32, #tpu.memory_space<vmem>>) offsets(%dma_start3A_298 : memref<128xi32, #tpu.memory_space<vmem>>) semaphore(%arg18 : memref<!tpu.dma_semaphore, #tpu.memory_space<semaphore_mem>>)
    %dma_wait3A_301 = arith.constant 0 : i32
    %dma_wait3A_302 = arith.constant 0 : i32
    %dma_wait3A_303 = tpu.memref_slice %arg12[%dma_wait3A_301, %dma_wait3A_302] : memref<40x128xi32, #tpu.memory_space<vmem>> -> memref<1x128xi32, #tpu.memory_space<vmem>>
    %dma_wait3A_304 = tpu.memref_squeeze %dma_wait3A_303 : memref<1x128xi32, #tpu.memory_space<vmem>> -> memref<128xi32, #tpu.memory_space<vmem>>
    %dma_wait3A_305 = arith.constant 0 : i32
    %dma_wait3A_306 = tpu.memref_slice %arg7[%dma_wait3A_305] : memref<10112xf32, #tpu.memory_space<hbm>> -> memref<10112xf32, #tpu.memory_space<hbm>>
    tpu.wait_indirect_dma semaphore(%arg18 : memref<!tpu.dma_semaphore, #tpu.memory_space<semaphore_mem>>) src(%dma_wait3A_306 : memref<10112xf32, #tpu.memory_space<hbm>>) dst(%arg16 : memref<128xf32, #tpu.memory_space<vmem>>)
    %mul3A_307 = arith.constant 4096 : i32
    %mul3A_308 = arith.muli %arg0, %mul3A_307 : i32
    %add3A_309 = arith.addi %mul3A_308, %mul3A_279 : i32
    "tpu.region"() ({
      %run_scoped3A_340 = tpu.sem_alloc : memref<!tpu.dma_semaphore, #tpu.memory_space<semaphore_mem>>
      %dma_start3A_341 = tpu.memref_slice %arg10[%add3A_309] : memref<8192xf32, #tpu.memory_space<hbm>> -> memref<128xf32, #tpu.memory_space<hbm>>
      %dma_start3A_342 = tpu.memref_slice %arg10[%add3A_309] : memref<8192xf32, #tpu.memory_space<hbm>> -> memref<128xf32, #tpu.memory_space<hbm>>
      tpu.enqueue_dma source(%arg16 : memref<128xf32, #tpu.memory_space<vmem>>) target(%dma_start3A_342 : memref<128xf32, #tpu.memory_space<hbm>>) target_semaphore(%run_scoped3A_340 : memref<!tpu.dma_semaphore, #tpu.memory_space<semaphore_mem>>)
      %dma_wait3A_343 = tpu.memref_slice %arg10[%add3A_309] : memref<8192xf32, #tpu.memory_space<hbm>> -> memref<128xf32, #tpu.memory_space<hbm>>
      %dma_wait3A_344 = tpu.memref_slice %arg10[%add3A_309] : memref<8192xf32, #tpu.memory_space<hbm>> -> memref<128xf32, #tpu.memory_space<hbm>>
      tpu.wait_dma2 semaphore(%run_scoped3A_340 : memref<!tpu.dma_semaphore, #tpu.memory_space<semaphore_mem>>) src(%arg16 : memref<128xf32, #tpu.memory_space<vmem>>) dst(%dma_wait3A_344 : memref<128xf32, #tpu.memory_space<hbm>>)
      tpu.yield
    }) : () -> ()
    %run_scoped3A_310 = arith.constant 0 : i32
    "tpu.region"() ({
      %run_scoped3A_340 = tpu.sem_alloc : memref<!tpu.dma_semaphore, #tpu.memory_space<semaphore_mem>>
      %dma_start3A_341 = arith.constant 0 : i32
      %dma_start3A_342 = tpu.memref_slice %arg12[%run_scoped3A_310, %dma_start3A_341] : memref<40x128xi32, #tpu.memory_space<vmem>> -> memref<1x128xi32, #tpu.memory_space<vmem>>
      %dma_start3A_343 = tpu.memref_squeeze %dma_start3A_342 : memref<1x128xi32, #tpu.memory_space<vmem>> -> memref<128xi32, #tpu.memory_space<vmem>>
      %dma_start3A_344 = tpu.memref_slice %arg6[%mul3A_279] : memref<4096xi32, #tpu.memory_space<hbm>> -> memref<128xi32, #tpu.memory_space<hbm>>
      %dma_start3A_345 = arith.constant 0 : i32
      %dma_start3A_346 = tpu.memref_slice %arg12[%run_scoped3A_310, %dma_start3A_345] : memref<40x128xi32, #tpu.memory_space<vmem>> -> memref<1x128xi32, #tpu.memory_space<vmem>>
      %dma_start3A_347 = tpu.memref_squeeze %dma_start3A_346 : memref<1x128xi32, #tpu.memory_space<vmem>> -> memref<128xi32, #tpu.memory_space<vmem>>
      %dma_start3A_348 = tpu.memref_slice %arg6[%mul3A_279] : memref<4096xi32, #tpu.memory_space<hbm>> -> memref<128xi32, #tpu.memory_space<hbm>>
      tpu.enqueue_dma source(%dma_start3A_348 : memref<128xi32, #tpu.memory_space<hbm>>) target(%dma_start3A_347 : memref<128xi32, #tpu.memory_space<vmem>>) target_semaphore(%run_scoped3A_340 : memref<!tpu.dma_semaphore, #tpu.memory_space<semaphore_mem>>)
      %dma_wait3A_349 = arith.constant 0 : i32
      %dma_wait3A_350 = tpu.memref_slice %arg12[%run_scoped3A_310, %dma_wait3A_349] : memref<40x128xi32, #tpu.memory_space<vmem>> -> memref<1x128xi32, #tpu.memory_space<vmem>>
      %dma_wait3A_351 = tpu.memref_squeeze %dma_wait3A_350 : memref<1x128xi32, #tpu.memory_space<vmem>> -> memref<128xi32, #tpu.memory_space<vmem>>
      %dma_wait3A_352 = tpu.memref_slice %arg6[%mul3A_279] : memref<4096xi32, #tpu.memory_space<hbm>> -> memref<128xi32, #tpu.memory_space<hbm>>
      %dma_wait3A_353 = arith.constant 0 : i32
      %dma_wait3A_354 = tpu.memref_slice %arg12[%run_scoped3A_310, %dma_wait3A_353] : memref<40x128xi32, #tpu.memory_space<vmem>> -> memref<1x128xi32, #tpu.memory_space<vmem>>
      %dma_wait3A_355 = tpu.memref_squeeze %dma_wait3A_354 : memref<1x128xi32, #tpu.memory_space<vmem>> -> memref<128xi32, #tpu.memory_space<vmem>>
      %dma_wait3A_356 = tpu.memref_slice %arg6[%mul3A_279] : memref<4096xi32, #tpu.memory_space<hbm>> -> memref<128xi32, #tpu.memory_space<hbm>>
      tpu.wait_dma2 semaphore(%run_scoped3A_340 : memref<!tpu.dma_semaphore, #tpu.memory_space<semaphore_mem>>) src(%dma_wait3A_356 : memref<128xi32, #tpu.memory_space<hbm>>) dst(%dma_wait3A_355 : memref<128xi32, #tpu.memory_space<vmem>>)
      tpu.yield
    }) : () -> ()
    %dma_start3A_311 = arith.constant 0 : i32
    %dma_start3A_312 = arith.constant 0 : i32
    %dma_start3A_313 = tpu.memref_slice %arg12[%dma_start3A_311, %dma_start3A_312] : memref<40x128xi32, #tpu.memory_space<vmem>> -> memref<1x128xi32, #tpu.memory_space<vmem>>
    %dma_start3A_314 = tpu.memref_squeeze %dma_start3A_313 : memref<1x128xi32, #tpu.memory_space<vmem>> -> memref<128xi32, #tpu.memory_space<vmem>>
    %dma_start3A_315 = arith.constant 0 : i32
    %dma_start3A_316 = arith.constant 0 : i32
    %dma_start3A_317 = tpu.memref_slice %arg17[%dma_start3A_315, %dma_start3A_316] : memref<10112x128xf32, #tpu.memory_space<vmem_shared>> -> memref<10112x128xf32, #tpu.memory_space<vmem_shared>>
    tpu.enqueue_indirect_dma source(%dma_start3A_317 : memref<10112x128xf32, #tpu.memory_space<vmem_shared>>) target(%arg14 : memref<128x128xf32, #tpu.memory_space<vmem>>) offsets(%dma_start3A_314 : memref<128xi32, #tpu.memory_space<vmem>>) semaphore(%arg18 : memref<!tpu.dma_semaphore, #tpu.memory_space<semaphore_mem>>)
    %dma_wait3A_318 = arith.constant 0 : i32
    %dma_wait3A_319 = arith.constant 0 : i32
    %dma_wait3A_320 = tpu.memref_slice %arg12[%dma_wait3A_318, %dma_wait3A_319] : memref<40x128xi32, #tpu.memory_space<vmem>> -> memref<1x128xi32, #tpu.memory_space<vmem>>
    %dma_wait3A_321 = tpu.memref_squeeze %dma_wait3A_320 : memref<1x128xi32, #tpu.memory_space<vmem>> -> memref<128xi32, #tpu.memory_space<vmem>>
    %dma_wait3A_322 = arith.constant 0 : i32
    %dma_wait3A_323 = arith.constant 0 : i32
    %dma_wait3A_324 = tpu.memref_slice %arg17[%dma_wait3A_322, %dma_wait3A_323] : memref<10112x128xf32, #tpu.memory_space<vmem_shared>> -> memref<10112x128xf32, #tpu.memory_space<vmem_shared>>
    tpu.wait_indirect_dma semaphore(%arg18 : memref<!tpu.dma_semaphore, #tpu.memory_space<semaphore_mem>>) src(%dma_wait3A_324 : memref<10112x128xf32, #tpu.memory_space<vmem_shared>>) dst(%arg14 : memref<128x128xf32, #tpu.memory_space<vmem>>)
    "tpu.region"() ({
      %run_scoped3A_340 = tpu.sem_alloc : memref<!tpu.dma_semaphore, #tpu.memory_space<semaphore_mem>>
      %dma_start3A_341 = arith.constant 0 : i32
      %dma_start3A_342 = tpu.memref_slice %arg9[%arg0, %mul3A_279, %dma_start3A_341] : memref<2x4096x128xf32, #tpu.memory_space<hbm>> -> memref<1x128x128xf32, #tpu.memory_space<hbm>>
      %dma_start3A_343 = tpu.memref_squeeze %dma_start3A_342 : memref<1x128x128xf32, #tpu.memory_space<hbm>> -> memref<128x128xf32, #tpu.memory_space<hbm>>
      %dma_start3A_344 = arith.constant 0 : i32
      %dma_start3A_345 = tpu.memref_slice %arg9[%arg0, %mul3A_279, %dma_start3A_344] : memref<2x4096x128xf32, #tpu.memory_space<hbm>> -> memref<1x128x128xf32, #tpu.memory_space<hbm>>
      %dma_start3A_346 = tpu.memref_squeeze %dma_start3A_345 : memref<1x128x128xf32, #tpu.memory_space<hbm>> -> memref<128x128xf32, #tpu.memory_space<hbm>>
      tpu.enqueue_dma source(%arg14 : memref<128x128xf32, #tpu.memory_space<vmem>>) target(%dma_start3A_346 : memref<128x128xf32, #tpu.memory_space<hbm>>) target_semaphore(%run_scoped3A_340 : memref<!tpu.dma_semaphore, #tpu.memory_space<semaphore_mem>>)
      %dma_wait3A_347 = arith.constant 0 : i32
      %dma_wait3A_348 = tpu.memref_slice %arg9[%arg0, %mul3A_279, %dma_wait3A_347] : memref<2x4096x128xf32, #tpu.memory_space<hbm>> -> memref<1x128x128xf32, #tpu.memory_space<hbm>>
      %dma_wait3A_349 = tpu.memref_squeeze %dma_wait3A_348 : memref<1x128x128xf32, #tpu.memory_space<hbm>> -> memref<128x128xf32, #tpu.memory_space<hbm>>
      %dma_wait3A_350 = arith.constant 0 : i32
      %dma_wait3A_351 = tpu.memref_slice %arg9[%arg0, %mul3A_279, %dma_wait3A_350] : memref<2x4096x128xf32, #tpu.memory_space<hbm>> -> memref<1x128x128xf32, #tpu.memory_space<hbm>>
      %dma_wait3A_352 = tpu.memref_squeeze %dma_wait3A_351 : memref<1x128x128xf32, #tpu.memory_space<hbm>> -> memref<128x128xf32, #tpu.memory_space<hbm>>
      tpu.wait_dma2 semaphore(%run_scoped3A_340 : memref<!tpu.dma_semaphore, #tpu.memory_space<semaphore_mem>>) src(%arg14 : memref<128x128xf32, #tpu.memory_space<vmem>>) dst(%dma_wait3A_352 : memref<128x128xf32, #tpu.memory_space<hbm>>)
      tpu.yield
    }) : () -> ()
    %dma_start3A_325 = arith.constant 0 : i32
    %dma_start3A_326 = arith.constant 0 : i32
    %dma_start3A_327 = tpu.memref_slice %arg12[%dma_start3A_325, %dma_start3A_326] : memref<40x128xi32, #tpu.memory_space<vmem>> -> memref<1x128xi32, #tpu.memory_space<vmem>>
    %dma_start3A_328 = tpu.memref_squeeze %dma_start3A_327 : memref<1x128xi32, #tpu.memory_space<vmem>> -> memref<128xi32, #tpu.memory_space<vmem>>
    %dma_start3A_329 = arith.constant 0 : i32
    %dma_start3A_330 = tpu.memref_slice %arg7[%dma_start3A_329] : memref<10112xf32, #tpu.memory_space<hbm>> -> memref<10112xf32, #tpu.memory_space<hbm>>
    tpu.enqueue_indirect_dma source(%dma_start3A_330 : memref<10112xf32, #tpu.memory_space<hbm>>) target(%arg16 : memref<128xf32, #tpu.memory_space<vmem>>) offsets(%dma_start3A_328 : memref<128xi32, #tpu.memory_space<vmem>>) semaphore(%arg18 : memref<!tpu.dma_semaphore, #tpu.memory_space<semaphore_mem>>)
    %dma_wait3A_331 = arith.constant 0 : i32
    %dma_wait3A_332 = arith.constant 0 : i32
    %dma_wait3A_333 = tpu.memref_slice %arg12[%dma_wait3A_331, %dma_wait3A_332] : memref<40x128xi32, #tpu.memory_space<vmem>> -> memref<1x128xi32, #tpu.memory_space<vmem>>
    %dma_wait3A_334 = tpu.memref_squeeze %dma_wait3A_333 : memref<1x128xi32, #tpu.memory_space<vmem>> -> memref<128xi32, #tpu.memory_space<vmem>>
    %dma_wait3A_335 = arith.constant 0 : i32
    %dma_wait3A_336 = tpu.memref_slice %arg7[%dma_wait3A_335] : memref<10112xf32, #tpu.memory_space<hbm>> -> memref<10112xf32, #tpu.memory_space<hbm>>
    tpu.wait_indirect_dma semaphore(%arg18 : memref<!tpu.dma_semaphore, #tpu.memory_space<semaphore_mem>>) src(%dma_wait3A_336 : memref<10112xf32, #tpu.memory_space<hbm>>) dst(%arg16 : memref<128xf32, #tpu.memory_space<vmem>>)
    %mul3A_337 = arith.constant 4096 : i32
    %mul3A_338 = arith.muli %arg0, %mul3A_337 : i32
    %add3A_339 = arith.addi %mul3A_338, %mul3A_279 : i32
    "tpu.region"() ({
      %run_scoped3A_340 = tpu.sem_alloc : memref<!tpu.dma_semaphore, #tpu.memory_space<semaphore_mem>>
      %dma_start3A_341 = tpu.memref_slice %arg11[%add3A_339] : memref<8192xf32, #tpu.memory_space<hbm>> -> memref<128xf32, #tpu.memory_space<hbm>>
      %dma_start3A_342 = tpu.memref_slice %arg11[%add3A_339] : memref<8192xf32, #tpu.memory_space<hbm>> -> memref<128xf32, #tpu.memory_space<hbm>>
      tpu.enqueue_dma source(%arg16 : memref<128xf32, #tpu.memory_space<vmem>>) target(%dma_start3A_342 : memref<128xf32, #tpu.memory_space<hbm>>) target_semaphore(%run_scoped3A_340 : memref<!tpu.dma_semaphore, #tpu.memory_space<semaphore_mem>>)
      %dma_wait3A_343 = tpu.memref_slice %arg11[%add3A_339] : memref<8192xf32, #tpu.memory_space<hbm>> -> memref<128xf32, #tpu.memory_space<hbm>>
      %dma_wait3A_344 = tpu.memref_slice %arg11[%add3A_339] : memref<8192xf32, #tpu.memory_space<hbm>> -> memref<128xf32, #tpu.memory_space<hbm>>
      tpu.wait_dma2 semaphore(%run_scoped3A_340 : memref<!tpu.dma_semaphore, #tpu.memory_space<semaphore_mem>>) src(%arg16 : memref<128xf32, #tpu.memory_space<vmem>>) dst(%dma_wait3A_344 : memref<128xf32, #tpu.memory_space<hbm>>)
      tpu.yield
    }) : () -> ()
    return
  }
}

module attributes {stable_mosaic.version = 14 : i64} {
  func.func @_norm_body(%arg0: memref<10000x128xf32, #tpu.memory_space<vmem>>, %arg1: memref<20224xf32, #tpu.memory_space<vmem>>, %arg2: memref<20224xf32, #tpu.memory_space<vmem>>, %arg3: memref<10112x128xf32, #tpu.memory_space<vmem>>, %arg4: memref<10112xf32, #tpu.memory_space<vmem>>, %arg5: memref<10112xf32, #tpu.memory_space<vmem>>) attributes {dimension_semantics = [], scalar_prefetch = 0 : i64, scratch_operands = 0 : i64, tpu.core_type = #tpu.core_type<tc>} {
    %get3A = arith.constant 0 : index
    %get3A_0 = vector.load %arg1[%get3A] : memref<20224xf32, #tpu.memory_space<vmem>>, vector<20224xf32>
    %get3A_1 = arith.constant 0 : index
    %get3A_2 = vector.load %arg2[%get3A_1] : memref<20224xf32, #tpu.memory_space<vmem>>, vector<20224xf32>
    %slice3A = vector.extract_strided_slice %get3A_0 {offsets = [0], sizes = [10112], strides = [1]} : vector<20224xf32> to vector<10112xf32>
    %slice3A_3 = vector.extract_strided_slice %get3A_0 {offsets = [10112], sizes = [10112], strides = [1]} : vector<20224xf32> to vector<10112xf32>
    %add3A = arith.addf %slice3A, %slice3A_3 : vector<10112xf32>
    %max3A = arith.constant 1.000000e+00 : f32
    %max3A_4 = vector.broadcast %max3A : f32 to vector<10112xf32>
    %max3A_5 = arith.maximumf %add3A, %max3A_4 : vector<10112xf32>
    %rsqrt3A = math.rsqrt %max3A_5 : vector<10112xf32>
    %slice3A_6 = vector.extract_strided_slice %get3A_2 {offsets = [0], sizes = [10112], strides = [1]} : vector<20224xf32> to vector<10112xf32>
    %slice3A_7 = vector.extract_strided_slice %get3A_2 {offsets = [10112], sizes = [10112], strides = [1]} : vector<20224xf32> to vector<10112xf32>
    %add3A_8 = arith.addf %slice3A_6, %slice3A_7 : vector<10112xf32>
    %max3A_9 = arith.constant 1.000000e+00 : f32
    %max3A_10 = vector.broadcast %max3A_9 : f32 to vector<10112xf32>
    %max3A_11 = arith.maximumf %add3A_8, %max3A_10 : vector<10112xf32>
    %rsqrt3A_12 = math.rsqrt %max3A_11 : vector<10112xf32>
    %swap3A = arith.constant 0 : index
    %swap3A_13 = vector.load %arg5[%swap3A] : memref<10112xf32, #tpu.memory_space<vmem>>, vector<10112xf32>
    tpu.vector_store %arg5[%swap3A], %rsqrt3A {strides = array<i32>} : memref<10112xf32, #tpu.memory_space<vmem>>, vector<10112xf32>,
    %swap3A_14 = arith.constant 0 : index
    %swap3A_15 = vector.load %arg4[%swap3A_14] : memref<10112xf32, #tpu.memory_space<vmem>>, vector<10112xf32>
    tpu.vector_store %arg4[%swap3A_14], %rsqrt3A_12 {strides = array<i32>} : memref<10112xf32, #tpu.memory_space<vmem>>, vector<10112xf32>,
    %slice3A_16 = vector.extract_strided_slice %rsqrt3A {offsets = [0], sizes = [10000], strides = [1]} : vector<10112xf32> to vector<10000xf32>
    %reshape3A = vector.shape_cast %slice3A_16 : vector<10000xf32> to vector<10000x1xf32>
    %get3A_17 = arith.constant 0 : index
    %get3A_18 = arith.constant 0 : index
    %get3A_19 = vector.load %arg0[%get3A_17, %get3A_18] : memref<10000x128xf32, #tpu.memory_space<vmem>>, vector<10000x128xf32>
    %mul3A = vector.broadcast %reshape3A : vector<10000x1xf32> to vector<10000x128xf32>
    %mul3A_20 = arith.mulf %get3A_19, %mul3A : vector<10000x128xf32>
    %swap3A_21 = arith.constant 0 : index
    %swap3A_22 = arith.constant 0 : index
    %swap3A_23 = vector.load %arg3[%swap3A_21, %swap3A_22] : memref<10112x128xf32, #tpu.memory_space<vmem>>, vector<10000x128xf32>
    tpu.vector_store %arg3[%swap3A_21, %swap3A_22], %mul3A_20 {strides = array<i32>} : memref<10112x128xf32, #tpu.memory_space<vmem>>, vector<10000x128xf32>,
    %broadcast_in_dim3A = arith.constant 0.000000e+00 : f32
    %broadcast_in_dim3A_24 = vector.broadcast %broadcast_in_dim3A : f32 to vector<112x128xf32>
    %swap3A_25 = arith.constant 10000 : index
    %swap3A_26 = arith.constant 0 : index
    %swap3A_27 = vector.load %arg3[%swap3A_25, %swap3A_26] : memref<10112x128xf32, #tpu.memory_space<vmem>>, vector<112x128xf32>
    tpu.vector_store %arg3[%swap3A_25, %swap3A_26], %broadcast_in_dim3A_24 {strides = array<i32>} : memref<10112x128xf32, #tpu.memory_space<vmem>>, vector<112x128xf32>,
    return
  }
}

module attributes {stable_mosaic.version = 14 : i64} {
  func.func @_layer1_body(%arg0: memref<2x10112x128xf32, #tpu.memory_space<vmem>>, %arg1: memref<10112xf32, #tpu.memory_space<vmem>>, %arg2: memref<10112xf32, #tpu.memory_space<vmem>>, %arg3: memref<128x128xf32, #tpu.memory_space<vmem>>, %arg4: memref<1x128xf32, #tpu.memory_space<vmem>>, %arg5: memref<10112x128xf32, #tpu.memory_space<vmem>>) attributes {dimension_semantics = [], scalar_prefetch = 0 : i64, scratch_operands = 0 : i64, tpu.core_type = #tpu.core_type<tc>} {
    %get3A = arith.constant 0 : index
    %get3A_0 = vector.load %arg1[%get3A] : memref<10112xf32, #tpu.memory_space<vmem>>, vector<10112xf32>
    %reshape3A = vector.shape_cast %get3A_0 : vector<10112xf32> to vector<10112x1xf32>
    %get3A_1 = arith.constant 0 : index
    %get3A_2 = vector.load %arg2[%get3A_1] : memref<10112xf32, #tpu.memory_space<vmem>>, vector<10112xf32>
    %reshape3A_3 = vector.shape_cast %get3A_2 : vector<10112xf32> to vector<10112x1xf32>
    %get3A_4 = arith.constant 0 : index
    %get3A_5 = arith.constant 0 : index
    %get3A_6 = arith.constant 0 : index
    %get3A_7 = vector.load %arg0[%get3A_4, %get3A_5, %get3A_6] : memref<2x10112x128xf32, #tpu.memory_space<vmem>>, vector<1x10112x128xf32>
    %get3A_8 = vector.shape_cast %get3A_7 : vector<1x10112x128xf32> to vector<10112x128xf32>
    %get3A_9 = arith.constant 1 : index
    %get3A_10 = arith.constant 0 : index
    %get3A_11 = arith.constant 0 : index
    %get3A_12 = vector.load %arg0[%get3A_9, %get3A_10, %get3A_11] : memref<2x10112x128xf32, #tpu.memory_space<vmem>>, vector<1x10112x128xf32>
    %get3A_13 = vector.shape_cast %get3A_12 : vector<1x10112x128xf32> to vector<10112x128xf32>
    %add3A = arith.addf %get3A_8, %get3A_13 : vector<10112x128xf32>
    %mul3A = vector.broadcast %reshape3A : vector<10112x1xf32> to vector<10112x128xf32>
    %mul3A_14 = arith.mulf %add3A, %mul3A : vector<10112x128xf32>
    %get3A_15 = arith.constant 0 : index
    %get3A_16 = arith.constant 0 : index
    %get3A_17 = vector.load %arg3[%get3A_15, %get3A_16] : memref<128x128xf32, #tpu.memory_space<vmem>>, vector<128x128xf32>
    %dot_general3A = arith.constant dense<0.000000e+00> : vector<10112x128xf32>
    %dot_general3A_18 = tpu.matmul %mul3A_14, %get3A_17, %dot_general3A {dimension_numbers = #tpu.dot_dimension_numbers<[1], [0], [0], [1], [0, 0, 1, 1], [], []>, transpose_lhs_hint = false} : vector<10112x128xf32>, vector<128x128xf32>, vector<10112x128xf32> -> vector<10112x128xf32>
    %get3A_19 = arith.constant 0 : index
    %get3A_20 = arith.constant 0 : index
    %get3A_21 = vector.load %arg4[%get3A_19, %get3A_20] : memref<1x128xf32, #tpu.memory_space<vmem>>, vector<1x128xf32>
    %add3A_22 = vector.broadcast %get3A_21 : vector<1x128xf32> to vector<10112x128xf32>
    %add3A_23 = arith.addf %dot_general3A_18, %add3A_22 : vector<10112x128xf32>
    %max3A = arith.constant 0.000000e+00 : f32
    %max3A_24 = vector.broadcast %max3A : f32 to vector<10112x128xf32>
    %max3A_25 = arith.maximumf %add3A_23, %max3A_24 : vector<10112x128xf32>
    %mul3A_26 = vector.broadcast %reshape3A_3 : vector<10112x1xf32> to vector<10112x128xf32>
    %mul3A_27 = arith.mulf %max3A_25, %mul3A_26 : vector<10112x128xf32>
    %swap3A = arith.constant 0 : index
    %swap3A_28 = arith.constant 0 : index
    %swap3A_29 = vector.load %arg5[%swap3A, %swap3A_28] : memref<10112x128xf32, #tpu.memory_space<vmem>>, vector<10112x128xf32>
    tpu.vector_store %arg5[%swap3A, %swap3A_28], %mul3A_27 {strides = array<i32>} : memref<10112x128xf32, #tpu.memory_space<vmem>>, vector<10112x128xf32>,
    return
  }
}

module attributes {stable_mosaic.version = 14 : i64} {
  func.func @_head_body(%arg0: memref<2x4096x128xf32, #tpu.memory_space<vmem>>, %arg1: memref<2x4096x128xf32, #tpu.memory_space<vmem>>, %arg2: memref<8192xf32, #tpu.memory_space<vmem>>, %arg3: memref<8192xf32, #tpu.memory_space<vmem>>, %arg4: memref<128x128xf32, #tpu.memory_space<vmem>>, %arg5: memref<1x128xf32, #tpu.memory_space<vmem>>, %arg6: memref<384x128xf32, #tpu.memory_space<vmem>>, %arg7: memref<1x128xf32, #tpu.memory_space<vmem>>, %arg8: memref<128x16xf32, #tpu.memory_space<vmem>>, %arg9: memref<1x16xf32, #tpu.memory_space<vmem>>, %arg10: memref<1x128xf32, #tpu.memory_space<vmem>>, %arg11: memref<1x1xf32, #tpu.memory_space<vmem>>, %arg12: memref<4096x16xf32, #tpu.memory_space<vmem>>, %arg13: memref<4096x1xf32, #tpu.memory_space<vmem>>) attributes {dimension_semantics = [], scalar_prefetch = 0 : i64, scratch_operands = 0 : i64, tpu.core_type = #tpu.core_type<tc>} {
    %get3A = arith.constant 0 : index
    %get3A_0 = arith.constant 0 : index
    %get3A_1 = vector.load %arg4[%get3A, %get3A_0] : memref<128x128xf32, #tpu.memory_space<vmem>>, vector<128x128xf32>
    %get3A_2 = arith.constant 0 : index
    %get3A_3 = arith.constant 0 : index
    %get3A_4 = vector.load %arg5[%get3A_2, %get3A_3] : memref<1x128xf32, #tpu.memory_space<vmem>>, vector<1x128xf32>
    %get3A_5 = arith.constant 0 : index
    %get3A_6 = vector.load %arg2[%get3A_5] : memref<8192xf32, #tpu.memory_space<vmem>>, vector<8192xf32>
    %slice3A = vector.extract_strided_slice %get3A_6 {offsets = [0], sizes = [4096], strides = [1]} : vector<8192xf32> to vector<4096xf32>
    %reshape3A = vector.shape_cast %slice3A : vector<4096xf32> to vector<4096x1xf32>
    %get3A_7 = arith.constant 0 : index
    %get3A_8 = vector.load %arg3[%get3A_7] : memref<8192xf32, #tpu.memory_space<vmem>>, vector<8192xf32>
    %slice3A_9 = vector.extract_strided_slice %get3A_8 {offsets = [0], sizes = [4096], strides = [1]} : vector<8192xf32> to vector<4096xf32>
    %reshape3A_10 = vector.shape_cast %slice3A_9 : vector<4096xf32> to vector<4096x1xf32>
    %get3A_11 = arith.constant 0 : index
    %get3A_12 = arith.constant 0 : index
    %get3A_13 = arith.constant 0 : index
    %get3A_14 = vector.load %arg0[%get3A_11, %get3A_12, %get3A_13] : memref<2x4096x128xf32, #tpu.memory_space<vmem>>, vector<1x4096x128xf32>
    %get3A_15 = vector.shape_cast %get3A_14 : vector<1x4096x128xf32> to vector<4096x128xf32>
    %get3A_16 = arith.constant 1 : index
    %get3A_17 = arith.constant 0 : index
    %get3A_18 = arith.constant 0 : index
    %get3A_19 = vector.load %arg0[%get3A_16, %get3A_17, %get3A_18] : memref<2x4096x128xf32, #tpu.memory_space<vmem>>, vector<1x4096x128xf32>
    %get3A_20 = vector.shape_cast %get3A_19 : vector<1x4096x128xf32> to vector<4096x128xf32>
    %add3A = arith.addf %get3A_15, %get3A_20 : vector<4096x128xf32>
    %mul3A = vector.broadcast %reshape3A : vector<4096x1xf32> to vector<4096x128xf32>
    %mul3A_21 = arith.mulf %add3A, %mul3A : vector<4096x128xf32>
    %get3A_22 = arith.constant 0 : index
    %get3A_23 = arith.constant 0 : index
    %get3A_24 = arith.constant 0 : index
    %get3A_25 = vector.load %arg1[%get3A_22, %get3A_23, %get3A_24] : memref<2x4096x128xf32, #tpu.memory_space<vmem>>, vector<1x4096x128xf32>
    %get3A_26 = vector.shape_cast %get3A_25 : vector<1x4096x128xf32> to vector<4096x128xf32>
    %get3A_27 = arith.constant 1 : index
    %get3A_28 = arith.constant 0 : index
    %get3A_29 = arith.constant 0 : index
    %get3A_30 = vector.load %arg1[%get3A_27, %get3A_28, %get3A_29] : memref<2x4096x128xf32, #tpu.memory_space<vmem>>, vector<1x4096x128xf32>
    %get3A_31 = vector.shape_cast %get3A_30 : vector<1x4096x128xf32> to vector<4096x128xf32>
    %add3A_32 = arith.addf %get3A_26, %get3A_31 : vector<4096x128xf32>
    %mul3A_33 = vector.broadcast %reshape3A_10 : vector<4096x1xf32> to vector<4096x128xf32>
    %mul3A_34 = arith.mulf %add3A_32, %mul3A_33 : vector<4096x128xf32>
    %dot_general3A = arith.constant dense<0.000000e+00> : vector<4096x128xf32>
    %dot_general3A_35 = tpu.matmul %mul3A_21, %get3A_1, %dot_general3A {dimension_numbers = #tpu.dot_dimension_numbers<[1], [0], [0], [1], [0, 0, 1, 1], [], []>, transpose_lhs_hint = false} : vector<4096x128xf32>, vector<128x128xf32>, vector<4096x128xf32> -> vector<4096x128xf32>
    %add3A_36 = vector.broadcast %get3A_4 : vector<1x128xf32> to vector<4096x128xf32>
    %add3A_37 = arith.addf %dot_general3A_35, %add3A_36 : vector<4096x128xf32>
    %max3A = arith.constant 0.000000e+00 : f32
    %max3A_38 = vector.broadcast %max3A : f32 to vector<4096x128xf32>
    %max3A_39 = arith.maximumf %add3A_37, %max3A_38 : vector<4096x128xf32>
    %dot_general3A_40 = arith.constant dense<0.000000e+00> : vector<4096x128xf32>
    %dot_general3A_41 = tpu.matmul %mul3A_34, %get3A_1, %dot_general3A_40 {dimension_numbers = #tpu.dot_dimension_numbers<[1], [0], [0], [1], [0, 0, 1, 1], [], []>, transpose_lhs_hint = false} : vector<4096x128xf32>, vector<128x128xf32>, vector<4096x128xf32> -> vector<4096x128xf32>
    %add3A_42 = vector.broadcast %get3A_4 : vector<1x128xf32> to vector<4096x128xf32>
    %add3A_43 = arith.addf %dot_general3A_41, %add3A_42 : vector<4096x128xf32>
    %max3A_44 = arith.constant 0.000000e+00 : f32
    %max3A_45 = vector.broadcast %max3A_44 : f32 to vector<4096x128xf32>
    %max3A_46 = arith.maximumf %add3A_43, %max3A_45 : vector<4096x128xf32>
    %get3A_47 = arith.constant 0 : index
    %get3A_48 = arith.constant 0 : index
    %get3A_49 = vector.load %arg6[%get3A_47, %get3A_48] : memref<384x128xf32, #tpu.memory_space<vmem>>, vector<128x128xf32>
    %dot_general3A_50 = arith.constant dense<0.000000e+00> : vector<4096x128xf32>
    %dot_general3A_51 = tpu.matmul %max3A_39, %get3A_49, %dot_general3A_50 {dimension_numbers = #tpu.dot_dimension_numbers<[1], [0], [0], [1], [0, 0, 1, 1], [], []>, transpose_lhs_hint = false} : vector<4096x128xf32>, vector<128x128xf32>, vector<4096x128xf32> -> vector<4096x128xf32>
    %get3A_52 = arith.constant 128 : index
    %get3A_53 = arith.constant 0 : index
    %get3A_54 = vector.load %arg6[%get3A_52, %get3A_53] : memref<384x128xf32, #tpu.memory_space<vmem>>, vector<128x128xf32>
    %dot_general3A_55 = arith.constant dense<0.000000e+00> : vector<4096x128xf32>
    %dot_general3A_56 = tpu.matmul %max3A_46, %get3A_54, %dot_general3A_55 {dimension_numbers = #tpu.dot_dimension_numbers<[1], [0], [0], [1], [0, 0, 1, 1], [], []>, transpose_lhs_hint = false} : vector<4096x128xf32>, vector<128x128xf32>, vector<4096x128xf32> -> vector<4096x128xf32>
    %add3A_57 = arith.addf %dot_general3A_51, %dot_general3A_56 : vector<4096x128xf32>
    %sub3A = arith.subf %max3A_39, %max3A_46 : vector<4096x128xf32>
    %abs3A = math.absf %sub3A : vector<4096x128xf32>
    %get3A_58 = arith.constant 256 : index
    %get3A_59 = arith.constant 0 : index
    %get3A_60 = vector.load %arg6[%get3A_58, %get3A_59] : memref<384x128xf32, #tpu.memory_space<vmem>>, vector<128x128xf32>
    %dot_general3A_61 = arith.constant dense<0.000000e+00> : vector<4096x128xf32>
    %dot_general3A_62 = tpu.matmul %abs3A, %get3A_60, %dot_general3A_61 {dimension_numbers = #tpu.dot_dimension_numbers<[1], [0], [0], [1], [0, 0, 1, 1], [], []>, transpose_lhs_hint = false} : vector<4096x128xf32>, vector<128x128xf32>, vector<4096x128xf32> -> vector<4096x128xf32>
    %add3A_63 = arith.addf %add3A_57, %dot_general3A_62 : vector<4096x128xf32>
    %get3A_64 = arith.constant 0 : index
    %get3A_65 = arith.constant 0 : index
    %get3A_66 = vector.load %arg7[%get3A_64, %get3A_65] : memref<1x128xf32, #tpu.memory_space<vmem>>, vector<1x128xf32>
    %add3A_67 = vector.broadcast %get3A_66 : vector<1x128xf32> to vector<4096x128xf32>
    %add3A_68 = arith.addf %add3A_63, %add3A_67 : vector<4096x128xf32>
    %max3A_69 = arith.constant 0.000000e+00 : f32
    %max3A_70 = vector.broadcast %max3A_69 : f32 to vector<4096x128xf32>
    %max3A_71 = arith.maximumf %add3A_68, %max3A_70 : vector<4096x128xf32>
    %get3A_72 = arith.constant 0 : index
    %get3A_73 = arith.constant 0 : index
    %get3A_74 = vector.load %arg8[%get3A_72, %get3A_73] : memref<128x16xf32, #tpu.memory_space<vmem>>, vector<128x16xf32>
    %dot_general3A_75 = arith.constant dense<0.000000e+00> : vector<4096x16xf32>
    %dot_general3A_76 = tpu.matmul %max3A_71, %get3A_74, %dot_general3A_75 {dimension_numbers = #tpu.dot_dimension_numbers<[1], [0], [0], [1], [0, 0, 1, 1], [], []>, transpose_lhs_hint = false} : vector<4096x128xf32>, vector<128x16xf32>, vector<4096x16xf32> -> vector<4096x16xf32>
    %get3A_77 = arith.constant 0 : index
    %get3A_78 = arith.constant 0 : index
    %get3A_79 = vector.load %arg9[%get3A_77, %get3A_78] : memref<1x16xf32, #tpu.memory_space<vmem>>, vector<1x16xf32>
    %add3A_80 = vector.broadcast %get3A_79 : vector<1x16xf32> to vector<4096x16xf32>
    %add3A_81 = arith.addf %dot_general3A_76, %add3A_80 : vector<4096x16xf32>
    %swap3A = arith.constant 0 : index
    %swap3A_82 = arith.constant 0 : index
    %swap3A_83 = vector.load %arg12[%swap3A, %swap3A_82] : memref<4096x16xf32, #tpu.memory_space<vmem>>, vector<4096x16xf32>
    tpu.vector_store %arg12[%swap3A, %swap3A_82], %add3A_81 {strides = array<i32>} : memref<4096x16xf32, #tpu.memory_space<vmem>>, vector<4096x16xf32>,
    %get3A_84 = arith.constant 0 : index
    %get3A_85 = arith.constant 0 : index
    %get3A_86 = vector.load %arg10[%get3A_84, %get3A_85] : memref<1x128xf32, #tpu.memory_space<vmem>>, vector<1x128xf32>
    %mul3A_87 = vector.broadcast %get3A_86 : vector<1x128xf32> to vector<4096x128xf32>
    %mul3A_88 = arith.mulf %max3A_71, %mul3A_87 : vector<4096x128xf32>
    %reduce_sum3A = arith.constant dense<0.000000e+00> : vector<4096xf32>
    %reduce_sum3A_89 = vector.multi_reduction <add>, %mul3A_88, %reduce_sum3A [1] : vector<4096x128xf32> to vector<4096xf32>
    %broadcast_in_dim3A = vector.shape_cast %reduce_sum3A_89 : vector<4096xf32> to vector<4096x1xf32>
    %get3A_90 = arith.constant 0 : index
    %get3A_91 = arith.constant 0 : index
    %get3A_92 = vector.load %arg11[%get3A_90, %get3A_91] : memref<1x1xf32, #tpu.memory_space<vmem>>, vector<1x1xf32>
    %add3A_93 = vector.broadcast %get3A_92 : vector<1x1xf32> to vector<4096x1xf32>
    %add3A_94 = arith.addf %broadcast_in_dim3A, %add3A_93 : vector<4096x1xf32>
    %swap3A_95 = arith.constant 0 : index
    %swap3A_96 = arith.constant 0 : index
    %swap3A_97 = vector.load %arg13[%swap3A_95, %swap3A_96] : memref<4096x1xf32, #tpu.memory_space<vmem>>, vector<4096x1xf32>
    tpu.vector_store %arg13[%swap3A_95, %swap3A_96], %add3A_94 {strides = array<i32>} : memref<4096x1xf32, #tpu.memory_space<vmem>>, vector<4096x1xf32>,
    return
  }
}

</mosaic_0001>

<sc_bundles>
// kernel: kernel.11.cloned.1.call-start
scs
__scs_entry_jumppad:
0x0: {  	(pc) =	sbr.rel $0x88, $3  }
0x1: {  	(tag) =	ssettag $0x0;
	lr =	simm.s32 $0x1  }
0x2: {  	[smem:$0x3F93] =	sst lr;
	_ =	strace $0xD0000000  }
0x3: {  	_ = 	snop  }
0x4: {  	_ = 	snop  }
0x5: {  	_ = 	snop  }
0x6: {  	_ = 	snop  }
0x7: {  	_ = 	snop  }
__scs_overlays_trampoline_lowered:
0x8: {  	[smem:$0x3FA2] =	sst s0  }
0x9: {  	[smem:$0x3FA3] =	sst s1  }
0xa: {  	[smem:$0x3FA4] =	sst s2  }
0xb: {  	[smem:$0x3FA5] =	sst s3  }
0xc: {  	[smem:$0x3FA6] =	sst s4  }
0xd: {  	[smem:$0x3FA7] =	sst s5  }
0xe: {  	[smem:$0x3FA8] =	sst s6  }
0xf: {  	[smem:$0x3FA9] =	sst s7  }
0x10: {  	[smem:$0x3FAA] =	sst s8  }
0x11: {  	[smem:$0x3FAB] =	sst s9;
	s0 =	simm.s32 @!p0 $0x0  }
0x12: {  	s1 =	sld [smem:$0x3F91];
	s0 =	simm.s32 @p0 $0x1  }
0x13: {  	[smem:$0x3FAC] =	sst s0;
	s0 =	simm.s32 @!p1 $0x0  }
0x14: {  	s2 =	sld [smem:$0x3F90];
	s0 =	simm.s32 @p1 $0x1  }
0x15: {  	[smem:$0x3FAD] =	sst s0;
	s0 =	simm.s32 @!p2 $0x0  }
0x16: {  	s3 =	sld [smem:$0x3FDB];
	s0 =	simm.s32 @p2 $0x1  }
0x17: {  	s4 =	simm.s32 $0x1BF5;
	[smem:$0x3FAF] =	sst s0  }
0x18: {  	s0 =	sld [smem:$0x3F92];
	_ =	swait.ge [sflag:s4], $0x0  }
0x19: {  	s7 =	sld [smem:$0x3F93]  }
0x1a: {  	s8 =	sadd.s32 $0xFFFFE003, lr  }
0x1b: {  	s9 =	sadd.s32 $0xFFFFFEF7, lr;
	s5 =	simm.s32 $0xFFFFFFFF;
	p2 =	slt.u32 s8, $0xFFFFF086  }
0x1c: {  	p1 =	slt.u32 s9, $0xF7A;
	s5 =	simm.s32 @!p2 $0x0  }
0x1d: {  	s5 =	simm.s32 @p1 $0x1;
	p0 =	seq.s32 s7, s2  }
0x1e: {  	s7 =	smul.u32 @!p0 $0xF7A, s2;
	p2 =	seq.s32 @!p0 s5, $0x0  }
0x1f: {  	s9 =	smul.u32 $0xF7A, s1;
	s8 =	simm.s32 @!p0 $0x1BF5;
	p2 =	por !p2, p0  }
0x20: {  	[sflag:s8] =	ssyncset.s32 @!p0 $0xFFFFF086;
	s6 =	sadd.s32 @!p0 s3, s7;
	s7 =	simm.s32 @!p0 $0x108  }
0x21: {  	s3 =	sadd.s32 s3, s9;
	s6 =	sadd.s32 @!p0 $0x88, s6;
	s7 =	simm.s32 @p2 $0x1082  }
0x22: {  	[simem:s7], [sflag:s8] =	dma.local @!p0 [hbm:s6], $0xF7A  }
0x23: {  	s9 =	sor.u32 $0xD0000000, s2;
	s6 =	simm.s32 $0x108;
	_ =	swait.ge @!p0 [sflag:s8], $0x0  }
0x24: {  	s3 =	sadd.s32 $0x88, s3;
	s6 =	simm.s32 @!p1 $0x1082;
	[sflag:s4] =	ssyncset.s32 $0xFFFFF086  }
0x25: {  	[simem:s6], [sflag:s4] =	dma.local [hbm:s3], $0xF7A  }
0x26: {  	[smem:$0x3F93] =	sst s1;
	(tag) =	ssettag s2;
	_ =	strace s9  }
0x27: {  	s1 =	sld [smem:$0x3FA3]  }
0x28: {  	s2 =	sld [smem:$0x3FA4]  }
0x29: {  	s4 =	sld [smem:$0x3FA6]  }
0x2a: {  	p0 =	seq.s32 s5, $0x0;
	s5 =	sld [smem:$0x3FA7]  }
0x2b: {  	s6 =	sld [smem:$0x3FA8]  }
0x2c: {  	s7 =	sld [smem:$0x3FA9]  }
0x2d: {  	s3 =	simm.s32 $0x108;
	s8 =	sld [smem:$0x3FAA]  }
0x2e: {  	s3 =	simm.s32 @!p0 $0x1082;
	s9 =	sld [smem:$0x3FAB]  }
0x2f: {  	lr =	sadd.s32 s0, s3;
	s0 =	sld [smem:$0x3FA2]  }
0x30: {  	s3 =	sld [smem:$0x3FA5]  }
0x31: {  	[smem:$0x3FAE] =	sst s10  }
0x32: {  	s10 =	sld [smem:$0x3FAC];
	_ =	sdelay $0x3  }
0x33: {  	p0 =	seq.s32 s10, $0x1;
	s10 =	sld [smem:$0x3FAE];
	_ =	sdelay $0x3  }
0x34: {  	[smem:$0x3FAE] =	sst s10  }
0x35: {  	s10 =	sld [smem:$0x3FAD];
	_ =	sdelay $0x3  }
0x36: {  	p1 =	seq.s32 s10, $0x1;
	s10 =	sld [smem:$0x3FAE];
	_ =	sdelay $0x3  }
0x37: {  	[smem:$0x3FAE] =	sst s10  }
0x38: {  	s10 =	sld [smem:$0x3FAF]  }
0x39: {  	_ = 	snop;
	(pc) =	sbr.ind lr, $3  }
0x3a: {  	_ = 	snop  }
0x3b: {  	_ = 	snop  }
0x3c: {  	p2 =	seq.s32 s10, $0x1;
	s10 =	sld [smem:$0x3FAE]  }
0x3d: {  	_ =	shalt  }
0x3e: {  	_ =	shalt  }
0x3f: {  	_ =	shalt  }
0x40: {  	_ =	shalt  }
0x41: {  	_ =	shalt  }
0x42: {  	_ =	shalt  }
0x43: {  	_ =	shalt  }
0x44: {  	_ =	shalt  }
0x45: {  	_ =	shalt  }
0x46: {  	_ =	shalt  }
0x47: {  	_ =	shalt  }
0x48: {  	_ =	shalt  }
0x49: {  	_ =	shalt  }
0x4a: {  	_ =	shalt  }
0x4b: {  	_ =	shalt  }
0x4c: {  	_ =	shalt  }
0x4d: {  	_ =	shalt  }
0x4e: {  	_ =	shalt  }
0x4f: {  	_ =	shalt  }
0x50: {  	_ =	shalt  }
0x51: {  	_ =	shalt  }
0x52: {  	_ =	shalt  }
0x53: {  	_ =	shalt  }
0x54: {  	_ =	shalt  }
0x55: {  	_ =	shalt  }
0x56: {  	_ =	shalt  }
0x57: {  	_ =	shalt  }
0x58: {  	_ =	shalt  }
0x59: {  	_ =	shalt  }
0x5a: {  	_ =	shalt  }
0x5b: {  	_ =	shalt  }
0x5c: {  	_ =	shalt  }
0x5d: {  	_ =	shalt  }
0x5e: {  	_ =	shalt  }
0x5f: {  	_ =	shalt  }
0x60: {  	_ =	shalt  }
0x61: {  	_ =	shalt  }
0x62: {  	_ =	shalt  }
0x63: {  	_ =	shalt  }
0x64: {  	_ =	shalt  }
0x65: {  	_ =	shalt  }
0x66: {  	_ =	shalt  }
0x67: {  	_ =	shalt  }
0x68: {  	_ =	shalt  }
0x69: {  	_ =	shalt  }
0x6a: {  	_ =	shalt  }
0x6b: {  	_ =	shalt  }
0x6c: {  	_ =	shalt  }
0x6d: {  	_ =	shalt  }
0x6e: {  	_ =	shalt  }
0x6f: {  	_ =	shalt  }
0x70: {  	_ =	shalt  }
0x71: {  	_ =	shalt  }
0x72: {  	_ =	shalt  }
0x73: {  	_ =	shalt  }
0x74: {  	_ =	shalt  }
0x75: {  	_ =	shalt  }
0x76: {  	_ =	shalt  }
0x77: {  	_ =	shalt  }
0x78: {  	_ =	shalt  }
0x79: {  	_ =	shalt  }
0x7a: {  	_ =	shalt  }
0x7b: {  	_ =	shalt  }
0x7c: {  	_ =	shalt  }
0x7d: {  	_ =	shalt  }
0x7e: {  	_ =	shalt  }
0x7f: {  	_ =	shalt  }
0x80: {  	_ =	shalt  }
0x81: {  	_ =	shalt  }
0x82: {  	_ =	shalt  }
0x83: {  	_ =	shalt  }
0x84: {  	_ =	shalt  }
0x85: {  	_ =	shalt  }
0x86: {  	_ =	shalt  }
0x87: {  	_ =	shalt  }
.Lfunc_end0:
.L_simem_size_0:
called_computation.1_lowered:
.L_overlay_start_0:
0x88: {  	s2 =	sld [smem:$0x3FD9]  }
0x89: {  	s3 =	sld [smem:$0x3FFE];
	_ =	sdelay $0x1  }
0x8a: {  	s1 =	srdreg.scid  }
0x8b: {  	s0 =	sand.u32 $0x1, s1  }
0x8c: {  	s16 =	sshll.u32 s0, $0xA;
	s2 =	sadd.s32 s3, s2  }
0x8d: {  	s2 =	sadd.s32 s2, s16  }
0x8e: {  	[smem:$0x3FBA] =	sst s2  }
0x8f: {  	_ = 	snop  }
0x90: {  	(tm) =	ssettm $0x1  }
0x91: {  	s17 =	sld [smem:$0x3FFB];
	_ =	sdelay $0x3  }
0x92: {  	_ =	strace s17  }
0x93: {  	s2 =	sld [smem:$0x3FFC];
	_ =	sdelay $0x3  }
0x94: {  	_ =	strace s2  }
0x95: {  	s2 =	sld [smem:$0x3FFD];
	_ =	sdelay $0x3  }
0x96: {  	_ =	strace s2  }
0x97: {  	_ =	strace $0x8FFFFFFF  }
0x98: {  	s18 =	sld [smem:$0x3FDB];
	_ =	sdelay $0x1  }
0x99: {  	s19 =	simm.s32 $_scs_section_size  }
0x9a: {  	s4 =	simm.s32 $_size__tile_overlayer_lowered;
	s5 =	simm.s32 $_tile_overlayer_lowered  }
0x9b: {  	s22 =	simm.s32 $0x1BFF;
	s21 =	sshll.u32 s5, $0x1;
	s2 =	sadd.s32 s19, s18  }
0x9c: {  	s6 =	simm.s32 $0x0;
	s20 =	sshll.u32 s4, $0x1;
	s4 =	sadd.s32 s21, s2  }
0x9d: {  	[timem:s6], [sflag:s22] =	dma.local [hbm:s4], s20  }
0x9e: {  	_ =	swait.ge [sflag:s22], s20  }
0x9f: {  	s3 =	ssub.s32 $0x0, s20;
	[sflag:s22] =	ssyncset.done $0x0  }
0xa0: {  	[sflag:s22] =	ssyncadd.s32 s3;
	_ =	sdelay $0x1  }
0xa1: {  	s23 =	simm.s32 $0x1B8B  }
0xa2: {  	_ =	swait.ge [sflag:s23], $0x1  }
0xa3: {  	[sflag:s23] =	ssyncset.done $0x0  }
0xa4: {  	s25 =	simm.s32 $0x1B8E;
	s24 =	sld [smem:$0x3FFE];
	[sflag:s23] =	ssyncadd.s32 $0xFFFFFFFF  }
0xa5: {  	s26 =	simm.s32 $execute0_lowered;
	[smem:$0x3FD2] =	sst s25  }
0xa6: {  	s4 =	sshll.u32 s26, $0x1;
	_ =	strace $0x80000049;
	[dreg:$0x1] =	wrdreg $0xFFFFFFFF  }
0xa7: {  	s28 =	simm.s32 $_size_execute0_lowered;
	s2 =	sadd.s32 s2, s4;
	[dreg:$0x0] =	wrdreg $0x0  }
0xa8: {  	s4 =	sshll.u32 s28, $0x1;
	[dreg:$0x2] =	wrdreg s2  }
0xa9: {  	[dreg:$0x3] =	wrdreg s4  }
0xaa: {  	[dreg:$0x4] =	wrdreg $0xC0  }
0xab: {  	_ =	task [dreg:s6], $0x5FFFF  }
0xac: {  	[dreg:$0x1] =	wrdreg $0xFFFFFFFF  }
0xad: {  	[dreg:$0x0] =	wrdreg $0x60  }
0xae: {  	[dreg:$0x2] =	wrdreg s24  }
0xaf: {  	[dreg:$0x3] =	wrdreg $0xA8000  }
0xb0: {  	[dreg:$0x4] =	wrdreg $0x9  }
0xb1: {  	_ =	task.clear_ibuf [dreg:s6], $0x5FFFF;
	_ =	strace $0x90000049  }
0xb2: {  	s29 =	simm.s32 $0x9;
	_ =	strace $0x8000004B  }
0xb3: {  	_ =	swait.ge [sflag:s29], $0x1  }
0xb4: {  	[sflag:s29] =	ssyncadd.s32 $0xFFFFFFFF  }
0xb5: {  	_ =	strace $0x9000004B  }
0xb6: {  	_ =	sfence  }
0xb7: {  	s30 =	sld [smem:$0x0];
	_ =	sdelay $0x2  }
0xb8: {  	s31 =	sshll.u32 s1, $0xD;
	s1 =	sshrl.u32 s1, $0x2  }
0xb9: {  	s3 =	sand.u32 $0x4000, s31;
	s1 =	sadd.s32 s1, s30  }
0xba: {  	s0 =	sor.u32 s3, s0;
	s1 =	sshll.u32 s1, $0x11  }
0xbb: {  	s0 =	sor.u32 s1, s0  }
0xbc: {  	s0 =	sadd.s32 $0x8F2B, s0  }
0xbd: {  	[sflag:s0] =	ssyncadd.remote.s32 $0x1  }
0xbe: {  	_ =	sfence.sel $0xFFFF  }
0xbf: {  	[dreg:$0x0] =	wrdreg $0xFFFFFFFF;
	(pc) =	sbr.abs _section_cstart, $3  }
0xc0: {  	[dreg:$0x1] =	wrdreg $0xFFFFFFFF  }
0xc1: {  	_ =	task.clear_ibuf [dreg:s6], $0x2FFFF;
	_ =	strace $0x9FFFFFFF  }
0xc2: {  	(tm) =	ssettm $0x7FFFFFFF  }
0xc3: {  	_ =	shalt  }
tec
execute0_lowered:
.L_overlay_start_1:
0x0: {  	(tag) =	ssettag $0x1  }
0x1: {  	s0 =	rddreg [dreg:$0x0]  }
0x2: {  	s1 =	rddreg [dreg:$0x1];
	s2 =	srdreg.scid  }
0x3: {  	s3 =	simm.s32 $0x0;
	s22 =	stileid.u32;
	s16 =	simm.s32 $0x2800  }
0x4: {  	s17 =	simm.s32 $0x3;
	s18 =	simm.s32 $0x1400;
	s19 =	simm.s32 $0x40  }
0x5: {  	s20 =	simm.s32 $0x4800;
	s21 =	simm.s32 $0x6800;
	s28 =	simm.s32 $0x13C0  }
0x6: {  	s29 =	simm.s32 $0x2700;
	s30 =	simm.s32 $0x2780;
	s5 =	sand.u32 $0x1, s2  }
0x7: {  	[smem:$0x7FF] =	sst s3;
	s7 =	smul.u32 $0x13C00, s22;
	s4 =	sadd.s32 $0x18000, s0  }
0x8: {  	s12 =	sadd.s32 $0xE000, s0;
	s13 =	sadd.s32 $0x4000, s0;
	s23 =	smul.u32 $0x4F000, s22  }
0x9: {  	s8 =	sshll.u32 s22, $0x1;
	s22 =	simm.s32 $0x8800;
	s6 =	smul.u32 $0x13C000, s5  }
0xa: {  	_ =	strace $0x8000004A;
	s24 =	ssub.s32 $0x2, s5;
	s8 =	sor.u32 s5, s8  }
0xb: {  	s9 =	sshrl.u32 s24, $0x1;
	s25 =	sshrl.u32 s23, $0x2;
	s10 =	smul.u32 $0x2800, s8  }
0xc: {  	s11 =	smul.u32 $0x500, s8;
	s23 =	simm.s32 $0x1;
	s6 =	sadd.s32 s7, s6  }
0xd: {  	s15 =	ssub.s32 s24, s9;
	s5 =	sadd.s32 s25, s1;
	s24 =	simm.s32 $0x80  }
0xe: {  	s25 =	simm.s32 $0x2;
	s6 =	sshrl.u32 s6, $0x3;
	s26 =	sadd.s32 $0x4000, s5  }
0xf: {  	s31 =	sadd.s32 $0x8000, s5;
	s8 =	sadd.s32 $0xC000, s5;
	s9 =	sadd.s32 $0x10000, s5  }
0x10: {  	s14 =	sshrl.u32 s10, $0x3;
	s10 =	sadd.s32 s12, s11;
	s11 =	sadd.s32 s13, s11  }
0x11: {  	s15 =	smax.u32 s15, $0x1;
	s0 =	sadd.s32 s6, s0;
	[dreg:$0x3] =	wrdreg s26  }
0x12: {  	[dreg:$0x4] =	wrdreg s31;
	s14 =	sadd.s32 $0x280, s14;
	s26 =	simm.s32 $0x1380  }
0x13: {  	v0 =	vimm.f32 $0.0e+00;
	s12 =	sadd.s32 s12, s14;
	s13 =	sadd.s32 s13, s14;
	s14 =	sadd.s32 $0x3F800, s0  }
.LBB2_1:
0x14: {  	s31 =	simm.s32 $0x0;
	s0 =	simm.s32 $0x200  }
.LBB2_2:
0x15: {  	p0 =	sne.s32 s0, $0xFE00;
	[tilespmem:s31+$0x2870] =	vst v0  }
0x16: {  	[tilespmem:s31+$0x2800] =	vst v0  }
0x17: {  	[tilespmem:s31+$0x2810] =	vst v0  }
.Ltmp0:
0x18: {  	[tilespmem:s31+$0x2820] =	vst v0;
	(pc) =	sbr.rel @p0 .LBB2_2-.Ltmp0, $4  }
0x19: {  	[tilespmem:s31+$0x2830] =	vst v0  }
0x1a: {  	[tilespmem:s31+$0x2840] =	vst v0  }
0x1b: {  	[tilespmem:s31+$0x2850] =	vst v0  }
0x1c: {  	[tilespmem:s31+$0x2860] =	vst v0;
	s31 =	sshra.s32 s0, $0x2;
	s0 =	sadd.s32 $0x200, s0  }
0x1d: {  	[tilespmem:s31+$0x2870] =	vst v0  }
0x1e: {  	[tilespmem:s31+$0x2800] =	vst v0  }
0x1f: {  	[tilespmem:s31+$0x2810] =	vst v0  }
0x20: {  	[tilespmem:s31+$0x2820] =	vst v0  }
0x21: {  	[tilespmem:s31+$0x2830] =	vst v0  }
0x22: {  	[tilespmem:s31+$0x2840] =	vst v0  }
0x23: {  	[tilespmem:s31+$0x2850] =	vst v0  }
0x24: {  	[tilespmem:s31+$0x2860] =	vst v0  }
0x25: {  	[spmem:s5] =	stream.linear.scatter [tilespmem:s16], [sflag:$0x3], $0x4000, $0x38;
	[tilespmem:$0x1E400] =	vst v63  }
0x26: {  	_ =	swait.ge [sflag:s17], $0x4000  }
0x27: {  	[sflag:s17] =	ssyncset.done $0x0  }
0x28: {  	s0 =	rddreg [dreg:$0x3];
	[sflag:s17] =	ssyncadd.s32 $0xFFFFC000  }
0x29: {  	[spmem:s0] =	stream.linear.scatter [tilespmem:s16], [sflag:$0x3], $0x4000, $0x38;
	[tilespmem:$0x1E400] =	vst v63  }
0x2a: {  	_ =	swait.ge [sflag:s17], $0x4000  }
0x2b: {  	[sflag:s17] =	ssyncset.done $0x0  }
0x2c: {  	s6 =	rddreg [dreg:$0x4];
	[sflag:s17] =	ssyncadd.s32 $0xFFFFC000  }
0x2d: {  	[spmem:s6] =	stream.linear.scatter [tilespmem:s16], [sflag:$0x3], $0x4000, $0x38;
	[tilespmem:$0x1E400] =	vst v63  }
0x2e: {  	_ =	swait.ge [sflag:s17], $0x4000  }
0x2f: {  	[sflag:s17] =	ssyncset.done $0x0  }
0x30: {  	[sflag:s17] =	ssyncadd.s32 $0xFFFFC000  }
0x31: {  	[spmem:s8] =	stream.linear.scatter [tilespmem:s16], [sflag:$0x3], $0x4000, $0x38;
	[tilespmem:$0x1E400] =	vst v63  }
0x32: {  	_ =	swait.ge [sflag:s17], $0x4000  }
0x33: {  	[sflag:s17] =	ssyncset.done $0x0  }
0x34: {  	[sflag:s17] =	ssyncadd.s32 $0xFFFFC000  }
0x35: {  	[spmem:s9] =	stream.linear.scatter [tilespmem:s16], [sflag:$0x3], $0x3C00, $0x38;
	[tilespmem:$0x1E400] =	vst v63  }
0x36: {  	_ =	swait.ge [sflag:s17], $0x3C00  }
0x37: {  	[sflag:s17] =	ssyncset.done $0x0  }
0x38: {  	[sflag:s17] =	ssyncadd.s32 $0xFFFFC400  }
0x39: {  	s7 =	simm.s32 $0x0;
	[bflag:$0x0] =	sbarrier.arrive $0xFFFF  }
0x3a: {  	[tilespmem:s7], [sflag:$0x3] =	stream.linear.gather [hbm4b:s10+s7], $0x1400, $0x38;
	[tilespmem:$0x1E400] =	vst v63  }
0x3b: {  	_ =	swait.ge [sflag:s17], $0x1400  }
0x3c: {  	[sflag:s17] =	ssyncset.done $0x0  }
0x3d: {  	[sflag:s17] =	ssyncadd.s32 $0xFFFFEC00  }
0x3e: {  	[tilespmem:s18], [sflag:$0x3] =	stream.linear.gather [hbm4b:s11+s7], $0x1400, $0x38;
	[tilespmem:$0x1E400] =	vst v63  }
0x3f: {  	_ =	swait.ge [sflag:s17], $0x1400  }
0x40: {  	[sflag:s17] =	ssyncset.done $0x0  }
0x41: {  	[sflag:s17] =	ssyncadd.s32 $0xFFFFEC00  }
0x42: {  	[tilespmem:s16], [sflag:$0x1] =	stream.indirect.gather [hbm4b:s4+s19], $0x80, s7, s19, $0xb8;
	[tilespmem:$0x1E400] =	vst v63  }
0x43: {  	_ = 	snop  }
0x44: {  	[tilespmem:s20], [sflag:$0x1] =	stream.indirect.gather [hbm4b:s4+s19], $0x80, s19, s19, $0xb8;
	[tilespmem:$0x1E400] =	vst v63  }
0x45: {  	s2 =	simm.s32 $0x80  }
0x46: {  	[tilespmem:s21], [sflag:$0x2] =	stream.indirect.gather [hbm4b:s4+s19], $0x80, s2, s19, $0xb8;
	[tilespmem:$0x1E400] =	vst v63  }
0x47: {  	s6 =	simm.s32 $0xC0  }
0x48: {  	[tilespmem:s22], [sflag:$0x2] =	stream.indirect.gather [hbm4b:s4+s19], $0x80, s6, s19, $0xb8;
	[tilespmem:$0x1E400] =	vst v63  }
0x49: {  	_ =	swait.ge [sflag:s23], $0x2000  }
0x4a: {  	[sflag:s23] =	ssyncset.done $0x0  }
0x4b: {  	[sflag:s23] =	ssyncadd.s32 $0xFFFFE000  }
0x4c: {  	_ =	swait.ge [sflag:s23], $0x2000  }
0x4d: {  	[sflag:s23] =	ssyncset.done $0x0  }
0x4e: {  	s7 =	simm.s32 $0x1400;
	[sflag:s23] =	ssyncadd.s32 $0xFFFFE000  }
0x4f: {  	[spmem:s1] =	stream.indirect.scatter.add.f32 [tilespmem:s16], [sflag:$0x3], $0x80, s7, s24, $0xb8;
	[tilespmem:$0x1E400] =	vst v63  }
0x50: {  	_ =	swait.ge [sflag:s17], $0x4000  }
0x51: {  	[sflag:s17] =	ssyncset.done $0x0  }
0x52: {  	s2 =	simm.s32 $0x100;
	[sflag:s17] =	ssyncadd.s32 $0xFFFFC000  }
0x53: {  	[tilespmem:s16], [sflag:$0x1] =	stream.indirect.gather [hbm4b:s4+s19], $0x80, s2, s19, $0xb8;
	[tilespmem:$0x1E400] =	vst v63  }
0x54: {  	s6 =	simm.s32 $0x140  }
0x55: {  	[tilespmem:s20], [sflag:$0x1] =	stream.indirect.gather [hbm4b:s4+s19], $0x80, s6, s19, $0xb8;
	[tilespmem:$0x1E400] =	vst v63  }
0x56: {  	_ =	swait.ge [sflag:s25], $0x2000  }
0x57: {  	[sflag:s25] =	ssyncset.done $0x0  }
0x58: {  	[sflag:s25] =	ssyncadd.s32 $0xFFFFE000  }
0x59: {  	_ =	swait.ge [sflag:s25], $0x2000  }
0x5a: {  	[sflag:s25] =	ssyncset.done $0x0  }
0x5b: {  	s7 =	simm.s32 $0x1480;
	[sflag:s25] =	ssyncadd.s32 $0xFFFFE000  }
0x5c: {  	[spmem:s1] =	stream.indirect.scatter.add.f32 [tilespmem:s21], [sflag:$0x3], $0x80, s7, s24, $0xb8;
	[tilespmem:$0x1E400] =	vst v63  }
0x5d: {  	_ =	swait.ge [sflag:s17], $0x4000  }
0x5e: {  	s31 =	simm.s32 $0x100;
	s0 =	simm.s32 $0x800;
	[sflag:s17] =	ssyncset.done $0x0  }
.LBB2_4:
0x5f: {  	s2 =	sadd.s32 $0x80, s31  }
0x60: {  	[sflag:s17] =	ssyncadd.s32 $0xFFFFC000;
	s6 =	smov.u32 s0;
	s7 =	sadd.s32 $0x400, s0  }
0x61: {  	[tilespmem:s21], [sflag:$0x2] =	stream.indirect.gather [hbm4b:s4+s19], $0x80, s2, s19, $0xb8;
	[tilespmem:$0x1E400] =	vst v63  }
0x62: {  	p0 =	sne.s32 s0, $0x4800;
	s0 =	sadd.s32 $0xC0, s31  }
0x63: {  	[tilespmem:s22], [sflag:$0x2] =	stream.indirect.gather [hbm4b:s4+s19], $0x80, s0, s19, $0xb8;
	[tilespmem:$0x1E400] =	vst v63  }
0x64: {  	_ =	swait.ge [sflag:s23], $0x2000  }
0x65: {  	[sflag:s23] =	ssyncset.done $0x0  }
0x66: {  	[sflag:s23] =	ssyncadd.s32 $0xFFFFE000  }
0x67: {  	_ =	swait.ge [sflag:s23], $0x2000  }
0x68: {  	[sflag:s23] =	ssyncset.done $0x0  }
0x69: {  	s0 =	sadd.s32 $0x1400, s31;
	[sflag:s23] =	ssyncadd.s32 $0xFFFFE000  }
0x6a: {  	[spmem:s1] =	stream.indirect.scatter.add.f32 [tilespmem:s16], [sflag:$0x3], $0x80, s0, s24, $0xb8;
	[tilespmem:$0x1E400] =	vst v63  }
0x6b: {  	_ =	swait.ge [sflag:s17], $0x4000  }
0x6c: {  	[sflag:s17] =	ssyncset.done $0x0  }
0x6d: {  	s0 =	sadd.s32 $0x100, s31;
	[sflag:s17] =	ssyncadd.s32 $0xFFFFC000  }
0x6e: {  	[tilespmem:s16], [sflag:$0x1] =	stream.indirect.gather [hbm4b:s4+s19], $0x80, s0, s19, $0xb8;
	[tilespmem:$0x1E400] =	vst v63  }
0x6f: {  	s0 =	sadd.s32 $0x140, s31  }
0x70: {  	[tilespmem:s20], [sflag:$0x1] =	stream.indirect.gather [hbm4b:s4+s19], $0x80, s0, s19, $0xb8;
	[tilespmem:$0x1E400] =	vst v63  }
0x71: {  	_ =	swait.ge [sflag:s25], $0x2000  }
0x72: {  	[sflag:s25] =	ssyncset.done $0x0  }
0x73: {  	[sflag:s25] =	ssyncadd.s32 $0xFFFFE000  }
0x74: {  	_ =	swait.ge [sflag:s25], $0x2000  }
.Ltmp1:
0x75: {  	[sflag:s25] =	ssyncset.done $0x0;
	(pc) =	sbr.rel @p0 .LBB2_4-.Ltmp1, $4  }
0x76: {  	s0 =	sadd.s32 $0x1480, s31;
	[sflag:s25] =	ssyncadd.s32 $0xFFFFE000  }
0x77: {  	[spmem:s1] =	stream.indirect.scatter.add.f32 [tilespmem:s21], [sflag:$0x3], $0x80, s0, s24, $0xb8;
	[tilespmem:$0x1E400] =	vst v63  }
0x78: {  	_ =	swait.ge [sflag:s17], $0x4000  }
0x79: {  	s31 =	sshra.s32 s6, $0x2;
	s0 =	smov.u32 s7;
	[sflag:s17] =	ssyncset.done $0x0  }
0x7a: {  	s0 =	sadd.s32 $0x80, s31;
	[sflag:s17] =	ssyncadd.s32 $0xFFFFC000  }
0x7b: {  	[tilespmem:s21], [sflag:$0x2] =	stream.indirect.gather [hbm4b:s4+s19], $0x80, s0, s19, $0xb8;
	[tilespmem:$0x1E400] =	vst v63  }
0x7c: {  	s2 =	sadd.s32 $0xC0, s31  }
0x7d: {  	[tilespmem:s22], [sflag:$0x2] =	stream.indirect.gather [hbm4b:s4+s19], $0x80, s2, s19, $0xb8;
	[tilespmem:$0x1E400] =	vst v63  }
0x7e: {  	_ =	swait.ge [sflag:s23], $0x2000  }
0x7f: {  	[sflag:s23] =	ssyncset.done $0x0  }
0x80: {  	[sflag:s23] =	ssyncadd.s32 $0xFFFFE000  }
0x81: {  	_ =	swait.ge [sflag:s23], $0x2000  }
0x82: {  	[sflag:s23] =	ssyncset.done $0x0  }
0x83: {  	s6 =	sadd.s32 $0x1400, s31;
	[sflag:s23] =	ssyncadd.s32 $0xFFFFE000  }
0x84: {  	[spmem:s1] =	stream.indirect.scatter.add.f32 [tilespmem:s16], [sflag:$0x3], $0x80, s6, s24, $0xb8;
	[tilespmem:$0x1E400] =	vst v63  }
0x85: {  	_ =	swait.ge [sflag:s17], $0x4000  }
0x86: {  	[sflag:s17] =	ssyncset.done $0x0  }
0x87: {  	s7 =	sadd.s32 $0x100, s31;
	[sflag:s17] =	ssyncadd.s32 $0xFFFFC000  }
0x88: {  	[tilespmem:s16], [sflag:$0x1] =	stream.indirect.gather [hbm4b:s4+s19], $0x80, s7, s19, $0xb8;
	[tilespmem:$0x1E400] =	vst v63  }
0x89: {  	s2 =	sadd.s32 $0x140, s31  }
0x8a: {  	[tilespmem:s20], [sflag:$0x1] =	stream.indirect.gather [hbm4b:s4+s19], $0x80, s2, s19, $0xb8;
	[tilespmem:$0x1E400] =	vst v63  }
0x8b: {  	_ =	swait.ge [sflag:s25], $0x2000  }
0x8c: {  	[sflag:s25] =	ssyncset.done $0x0  }
0x8d: {  	[sflag:s25] =	ssyncadd.s32 $0xFFFFE000  }
0x8e: {  	_ =	swait.ge [sflag:s25], $0x2000  }
0x8f: {  	[sflag:s25] =	ssyncset.done $0x0  }
0x90: {  	s6 =	sadd.s32 $0x1480, s31;
	[sflag:s25] =	ssyncadd.s32 $0xFFFFE000  }
0x91: {  	[spmem:s1] =	stream.indirect.scatter.add.f32 [tilespmem:s21], [sflag:$0x3], $0x80, s6, s24, $0xb8;
	[tilespmem:$0x1E400] =	vst v63  }
0x92: {  	_ =	swait.ge [sflag:s17], $0x4000  }
0x93: {  	[sflag:s17] =	ssyncset.done $0x0  }
0x94: {  	[sflag:s17] =	ssyncadd.s32 $0xFFFFC000  }
0x95: {  	[tilespmem:s21], [sflag:$0x2] =	stream.indirect.gather [hbm4b:s4+s19], $0x80, s26, s19, $0xb8;
	[tilespmem:$0x1E400] =	vst v63  }
0x96: {  	_ = 	snop  }
0x97: {  	[tilespmem:s22], [sflag:$0x2] =	stream.indirect.gather [hbm4b:s4+s19], $0x80, s28, s19, $0xb8;
	[tilespmem:$0x1E400] =	vst v63  }
0x98: {  	_ =	swait.ge [sflag:s23], $0x2000  }
0x99: {  	[sflag:s23] =	ssyncset.done $0x0  }
0x9a: {  	[sflag:s23] =	ssyncadd.s32 $0xFFFFE000  }
0x9b: {  	_ =	swait.ge [sflag:s23], $0x2000  }
0x9c: {  	[sflag:s23] =	ssyncset.done $0x0  }
0x9d: {  	[sflag:s23] =	ssyncadd.s32 $0xFFFFE000  }
0x9e: {  	[spmem:s1] =	stream.indirect.scatter.add.f32 [tilespmem:s16], [sflag:$0x3], $0x80, s29, s24, $0xb8;
	[tilespmem:$0x1E400] =	vst v63  }
0x9f: {  	_ =	swait.ge [sflag:s17], $0x4000  }
0xa0: {  	[sflag:s17] =	ssyncset.done $0x0  }
0xa1: {  	[sflag:s17] =	ssyncadd.s32 $0xFFFFC000  }
0xa2: {  	_ =	swait.ge [sflag:s25], $0x2000  }
0xa3: {  	[sflag:s25] =	ssyncset.done $0x0  }
0xa4: {  	[sflag:s25] =	ssyncadd.s32 $0xFFFFE000  }
0xa5: {  	_ =	swait.ge [sflag:s25], $0x2000  }
0xa6: {  	[sflag:s25] =	ssyncset.done $0x0  }
0xa7: {  	[sflag:s25] =	ssyncadd.s32 $0xFFFFE000  }
0xa8: {  	[spmem:s1] =	stream.indirect.scatter.add.f32 [tilespmem:s21], [sflag:$0x3], $0x80, s30, s24, $0xb8;
	[tilespmem:$0x1E400] =	vst v63  }
0xa9: {  	_ =	swait.ge [sflag:s17], $0x4000  }
0xaa: {  	[sflag:s17] =	ssyncset.done $0x0  }
0xab: {  	s7 =	simm.s32 $0x0;
	[sflag:s17] =	ssyncadd.s32 $0xFFFFC000  }
0xac: {  	[tilespmem:s7], [sflag:$0x3] =	stream.linear.gather [hbm4b:s12+s7], $0x1400, $0x38;
	[tilespmem:$0x1E400] =	vst v63  }
0xad: {  	_ =	swait.ge [sflag:s17], $0x1400  }
0xae: {  	[sflag:s17] =	ssyncset.done $0x0  }
0xaf: {  	[sflag:s17] =	ssyncadd.s32 $0xFFFFEC00  }
0xb0: {  	[tilespmem:s18], [sflag:$0x3] =	stream.linear.gather [hbm4b:s13+s7], $0x1400, $0x38;
	[tilespmem:$0x1E400] =	vst v63  }
0xb1: {  	_ =	swait.ge [sflag:s17], $0x1400  }
0xb2: {  	[sflag:s17] =	ssyncset.done $0x0  }
0xb3: {  	[sflag:s17] =	ssyncadd.s32 $0xFFFFEC00  }
0xb4: {  	[tilespmem:s16], [sflag:$0x1] =	stream.indirect.gather [hbm4b:s4+s19], $0x80, s7, s19, $0xb8;
	[tilespmem:$0x1E400] =	vst v63  }
0xb5: {  	_ = 	snop  }
0xb6: {  	[tilespmem:s20], [sflag:$0x1] =	stream.indirect.gather [hbm4b:s4+s19], $0x80, s19, s19, $0xb8;
	[tilespmem:$0x1E400] =	vst v63  }
0xb7: {  	s2 =	simm.s32 $0x80  }
0xb8: {  	[tilespmem:s21], [sflag:$0x2] =	stream.indirect.gather [hbm4b:s4+s19], $0x80, s2, s19, $0xb8;
	[tilespmem:$0x1E400] =	vst v63  }
0xb9: {  	s6 =	simm.s32 $0xC0  }
0xba: {  	[tilespmem:s22], [sflag:$0x2] =	stream.indirect.gather [hbm4b:s4+s19], $0x80, s6, s19, $0xb8;
	[tilespmem:$0x1E400] =	vst v63  }
0xbb: {  	_ =	swait.ge [sflag:s23], $0x2000  }
0xbc: {  	[sflag:s23] =	ssyncset.done $0x0  }
0xbd: {  	[sflag:s23] =	ssyncadd.s32 $0xFFFFE000  }
0xbe: {  	_ =	swait.ge [sflag:s23], $0x2000  }
0xbf: {  	[sflag:s23] =	ssyncset.done $0x0  }
0xc0: {  	s7 =	simm.s32 $0x1400;
	[sflag:s23] =	ssyncadd.s32 $0xFFFFE000  }
0xc1: {  	[spmem:s1] =	stream.indirect.scatter.add.f32 [tilespmem:s16], [sflag:$0x3], $0x80, s7, s24, $0xb8;
	[tilespmem:$0x1E400] =	vst v63  }
0xc2: {  	_ =	swait.ge [sflag:s17], $0x4000  }
0xc3: {  	[sflag:s17] =	ssyncset.done $0x0  }
0xc4: {  	s2 =	simm.s32 $0x100;
	[sflag:s17] =	ssyncadd.s32 $0xFFFFC000  }
0xc5: {  	[tilespmem:s16], [sflag:$0x1] =	stream.indirect.gather [hbm4b:s4+s19], $0x80, s2, s19, $0xb8;
	[tilespmem:$0x1E400] =	vst v63  }
0xc6: {  	s6 =	simm.s32 $0x140  }
0xc7: {  	[tilespmem:s20], [sflag:$0x1] =	stream.indirect.gather [hbm4b:s4+s19], $0x80, s6, s19, $0xb8;
	[tilespmem:$0x1E400] =	vst v63  }
0xc8: {  	_ =	swait.ge [sflag:s25], $0x2000  }
0xc9: {  	[sflag:s25] =	ssyncset.done $0x0  }
0xca: {  	[sflag:s25] =	ssyncadd.s32 $0xFFFFE000  }
0xcb: {  	_ =	swait.ge [sflag:s25], $0x2000  }
0xcc: {  	[sflag:s25] =	ssyncset.done $0x0  }
0xcd: {  	s7 =	simm.s32 $0x1480;
	[sflag:s25] =	ssyncadd.s32 $0xFFFFE000  }
0xce: {  	[spmem:s1] =	stream.indirect.scatter.add.f32 [tilespmem:s21], [sflag:$0x3], $0x80, s7, s24, $0xb8;
	[tilespmem:$0x1E400] =	vst v63  }
0xcf: {  	_ =	swait.ge [sflag:s17], $0x4000  }
0xd0: {  	s0 =	simm.s32 $0x800;
	s31 =	simm.s32 $0x100;
	[sflag:s17] =	ssyncset.done $0x0  }
.LBB2_6:
0xd1: {  	s2 =	sadd.s32 $0x80, s31  }
0xd2: {  	[sflag:s17] =	ssyncadd.s32 $0xFFFFC000;
	s6 =	smov.u32 s0;
	s7 =	sadd.s32 $0x400, s0  }
0xd3: {  	[tilespmem:s21], [sflag:$0x2] =	stream.indirect.gather [hbm4b:s4+s19], $0x80, s2, s19, $0xb8;
	[tilespmem:$0x1E400] =	vst v63  }
0xd4: {  	p0 =	sne.s32 s0, $0x4800;
	s0 =	sadd.s32 $0xC0, s31  }
0xd5: {  	[tilespmem:s22], [sflag:$0x2] =	stream.indirect.gather [hbm4b:s4+s19], $0x80, s0, s19, $0xb8;
	[tilespmem:$0x1E400] =	vst v63  }
0xd6: {  	_ =	swait.ge [sflag:s23], $0x2000  }
0xd7: {  	[sflag:s23] =	ssyncset.done $0x0  }
0xd8: {  	[sflag:s23] =	ssyncadd.s32 $0xFFFFE000  }
0xd9: {  	_ =	swait.ge [sflag:s23], $0x2000  }
0xda: {  	[sflag:s23] =	ssyncset.done $0x0  }
0xdb: {  	s0 =	sadd.s32 $0x1400, s31;
	[sflag:s23] =	ssyncadd.s32 $0xFFFFE000  }
0xdc: {  	[spmem:s1] =	stream.indirect.scatter.add.f32 [tilespmem:s16], [sflag:$0x3], $0x80, s0, s24, $0xb8;
	[tilespmem:$0x1E400] =	vst v63  }
0xdd: {  	_ =	swait.ge [sflag:s17], $0x4000  }
0xde: {  	[sflag:s17] =	ssyncset.done $0x0  }
0xdf: {  	s0 =	sadd.s32 $0x100, s31;
	[sflag:s17] =	ssyncadd.s32 $0xFFFFC000  }
0xe0: {  	[tilespmem:s16], [sflag:$0x1] =	stream.indirect.gather [hbm4b:s4+s19], $0x80, s0, s19, $0xb8;
	[tilespmem:$0x1E400] =	vst v63  }
0xe1: {  	s0 =	sadd.s32 $0x140, s31  }
0xe2: {  	[tilespmem:s20], [sflag:$0x1] =	stream.indirect.gather [hbm4b:s4+s19], $0x80, s0, s19, $0xb8;
	[tilespmem:$0x1E400] =	vst v63  }
0xe3: {  	_ =	swait.ge [sflag:s25], $0x2000  }
0xe4: {  	[sflag:s25] =	ssyncset.done $0x0  }
0xe5: {  	[sflag:s25] =	ssyncadd.s32 $0xFFFFE000  }
0xe6: {  	_ =	swait.ge [sflag:s25], $0x2000  }
.Ltmp2:
0xe7: {  	[sflag:s25] =	ssyncset.done $0x0;
	(pc) =	sbr.rel @p0 .LBB2_6-.Ltmp2, $4  }
0xe8: {  	s0 =	sadd.s32 $0x1480, s31;
	[sflag:s25] =	ssyncadd.s32 $0xFFFFE000  }
0xe9: {  	[spmem:s1] =	stream.indirect.scatter.add.f32 [tilespmem:s21], [sflag:$0x3], $0x80, s0, s24, $0xb8;
	[tilespmem:$0x1E400] =	vst v63  }
0xea: {  	_ =	swait.ge [sflag:s17], $0x4000  }
0xeb: {  	s31 =	sshra.s32 s6, $0x2;
	s0 =	smov.u32 s7;
	[sflag:s17] =	ssyncset.done $0x0  }
0xec: {  	s0 =	sadd.s32 $0x80, s31;
	[sflag:s17] =	ssyncadd.s32 $0xFFFFC000  }
0xed: {  	[tilespmem:s21], [sflag:$0x2] =	stream.indirect.gather [hbm4b:s4+s19], $0x80, s0, s19, $0xb8;
	[tilespmem:$0x1E400] =	vst v63  }
0xee: {  	s6 =	sadd.s32 $0xC0, s31  }
0xef: {  	[tilespmem:s22], [sflag:$0x2] =	stream.indirect.gather [hbm4b:s4+s19], $0x80, s6, s19, $0xb8;
	[tilespmem:$0x1E400] =	vst v63  }
0xf0: {  	_ =	swait.ge [sflag:s23], $0x2000  }
0xf1: {  	[sflag:s23] =	ssyncset.done $0x0  }
0xf2: {  	[sflag:s23] =	ssyncadd.s32 $0xFFFFE000  }
0xf3: {  	_ =	swait.ge [sflag:s23], $0x2000  }
0xf4: {  	[sflag:s23] =	ssyncset.done $0x0  }
0xf5: {  	s7 =	sadd.s32 $0x1400, s31;
	[sflag:s23] =	ssyncadd.s32 $0xFFFFE000  }
0xf6: {  	[spmem:s1] =	stream.indirect.scatter.add.f32 [tilespmem:s16], [sflag:$0x3], $0x80, s7, s24, $0xb8;
	[tilespmem:$0x1E400] =	vst v63  }
0xf7: {  	_ =	swait.ge [sflag:s17], $0x4000  }
0xf8: {  	[sflag:s17] =	ssyncset.done $0x0  }
0xf9: {  	s2 =	sadd.s32 $0x100, s31;
	[sflag:s17] =	ssyncadd.s32 $0xFFFFC000  }
0xfa: {  	[tilespmem:s16], [sflag:$0x1] =	stream.indirect.gather [hbm4b:s4+s19], $0x80, s2, s19, $0xb8;
	[tilespmem:$0x1E400] =	vst v63  }
0xfb: {  	s6 =	sadd.s32 $0x140, s31  }
0xfc: {  	[tilespmem:s20], [sflag:$0x1] =	stream.indirect.gather [hbm4b:s4+s19], $0x80, s6, s19, $0xb8;
	[tilespmem:$0x1E400] =	vst v63  }
0xfd: {  	_ =	swait.ge [sflag:s25], $0x2000  }
0xfe: {  	[sflag:s25] =	ssyncset.done $0x0  }
0xff: {  	[sflag:s25] =	ssyncadd.s32 $0xFFFFE000  }
0x100: {  	_ =	swait.ge [sflag:s25], $0x2000  }
0x101: {  	[sflag:s25] =	ssyncset.done $0x0  }
0x102: {  	s7 =	sadd.s32 $0x1480, s31;
	[sflag:s25] =	ssyncadd.s32 $0xFFFFE000  }
0x103: {  	[spmem:s1] =	stream.indirect.scatter.add.f32 [tilespmem:s21], [sflag:$0x3], $0x80, s7, s24, $0xb8;
	[tilespmem:$0x1E400] =	vst v63  }
0x104: {  	_ =	swait.ge [sflag:s17], $0x4000  }
0x105: {  	[sflag:s17] =	ssyncset.done $0x0  }
0x106: {  	[sflag:s17] =	ssyncadd.s32 $0xFFFFC000  }
0x107: {  	[tilespmem:s21], [sflag:$0x2] =	stream.indirect.gather [hbm4b:s4+s19], $0x80, s26, s19, $0xb8;
	[tilespmem:$0x1E400] =	vst v63  }
0x108: {  	_ = 	snop  }
0x109: {  	[tilespmem:s22], [sflag:$0x2] =	stream.indirect.gather [hbm4b:s4+s19], $0x80, s28, s19, $0xb8;
	[tilespmem:$0x1E400] =	vst v63  }
0x10a: {  	_ =	swait.ge [sflag:s23], $0x2000  }
0x10b: {  	[sflag:s23] =	ssyncset.done $0x0  }
0x10c: {  	[sflag:s23] =	ssyncadd.s32 $0xFFFFE000  }
0x10d: {  	_ =	swait.ge [sflag:s23], $0x2000  }
0x10e: {  	[sflag:s23] =	ssyncset.done $0x0  }
0x10f: {  	[sflag:s23] =	ssyncadd.s32 $0xFFFFE000  }
0x110: {  	[spmem:s1] =	stream.indirect.scatter.add.f32 [tilespmem:s16], [sflag:$0x3], $0x80, s29, s24, $0xb8;
	[tilespmem:$0x1E400] =	vst v63  }
0x111: {  	_ =	swait.ge [sflag:s17], $0x4000  }
0x112: {  	[sflag:s17] =	ssyncset.done $0x0  }
0x113: {  	[sflag:s17] =	ssyncadd.s32 $0xFFFFC000  }
0x114: {  	_ =	swait.ge [sflag:s25], $0x2000  }
0x115: {  	[sflag:s25] =	ssyncset.done $0x0  }
0x116: {  	[sflag:s25] =	ssyncadd.s32 $0xFFFFE000  }
0x117: {  	_ =	swait.ge [sflag:s25], $0x2000  }
0x118: {  	[sflag:s25] =	ssyncset.done $0x0  }
0x119: {  	[sflag:s25] =	ssyncadd.s32 $0xFFFFE000  }
0x11a: {  	[spmem:s1] =	stream.indirect.scatter.add.f32 [tilespmem:s21], [sflag:$0x3], $0x80, s30, s24, $0xb8;
	[tilespmem:$0x1E400] =	vst v63  }
0x11b: {  	s31 =	stileid.u32;
	_ =	swait.ge [sflag:s17], $0x4000  }
0x11c: {  	s3 =	sadd.s32 $0x1, s3;
	s0 =	sshll.u32 s31, $0x6;
	[sflag:s17] =	ssyncset.done $0x0  }
0x11d: {  	p0 =	sne.s32 s3, s15;
	s0 =	sor.u32 $0x1C03, s0;
	[sflag:s17] =	ssyncadd.s32 $0xFFFFC000  }
.Ltmp3:
0x11e: {  	s2 =	sshrl.u32 s5, $0x3;
	[bflag:$0x0] =	sbarrier.arrive $0xFFFF;
	(pc) =	sbr.rel @p0 .LBB2_1-.Ltmp3, $4  }
0x11f: {  	[hbm:s14], [sflag:s0] =	dma.local [spmem:s2], $0x2780  }
0x120: {  	_ =	swait.ge [sflag:s17], $0x2780  }
0x121: {  	[sflag:s17] =	ssyncset.done $0x0  }
0x122: {  	[sflag:s17] =	ssyncadd.s32 $0xFFFFD880  }
0x123: {  	_ =	sfence.sel $0x180000  }
0x124: {  	[bflag:$0x0] =	sbarrier.arrive $0xFFFF  }
0x125: {  	_ =	strace $0x9000004A  }
0x126: {  	s0 =	stileid.u32;
	[bflag:$0x2] =	sbarrier.arrive $0xFFFF  }
0x127: {  	p0 =	sne.s32 s0, $0x0;
	s0 =	rddreg [dreg:$0x2]  }
0x128: {  	s0 =	sadd.s32 @!p0 $0x100000, s0  }
0x129: {  	[sflag:s0] =	ssyncadd.tile.s32 @!p0 $0x1;
	_ =	shalt  }
.Lfunc_end2:
_tile_overlayer_lowered:
.L_overlay_start_2:
0x12a: {  	(tag) =	ssettag $0x2  }
0x12b: {  	s0 =	rddreg [dreg:$0x0];
	s2 =	stileid.u32  }
0x12c: {  	s1 =	rddreg [dreg:$0x1];
	p0 =	sne.s32 s2, $0x0  }
0x12d: {  	s3 =	rddreg [dreg:$0x2];
	[bflag:$0x3] =	sbarrier.arrive $0xFFFF;
	s2 =	simm.s32 @!p0 $0x1C03  }
0x12e: {  	[timem:s3], [sflag:s2] =	dma.local @!p0 [hbm:s0], s1  }
0x12f: {  	s0 =	simm.s32 @!p0 $0x3  }
0x130: {  	_ =	swait.ge @!p0 [sflag:s0], s1  }
0x131: {  	s1 =	ssub.s32 @!p0 $0x0, s1;
	[sflag:s0] =	ssyncset.done @!p0 $0x0  }
0x132: {  	[sflag:s0] =	ssyncadd.s32 @!p0 s1  }
0x133: {  	[bflag:$0x3] =	sbarrier.arrive $0xFFFF  }
0x134: {  	_ =	shalt  }

// kernel: kernel.14.cloned.1.call-start
scs
__scs_entry_jumppad:
0x0: {  	(pc) =	sbr.rel $0x88, $3  }
0x1: {  	(tag) =	ssettag $0x0;
	lr =	simm.s32 $0x1  }
0x2: {  	[smem:$0x3F93] =	sst lr;
	_ =	strace $0xD0000000  }
0x3: {  	_ = 	snop  }
0x4: {  	_ = 	snop  }
0x5: {  	_ = 	snop  }
0x6: {  	_ = 	snop  }
0x7: {  	_ = 	snop  }
__scs_overlays_trampoline_lowered:
0x8: {  	[smem:$0x3FA2] =	sst s0  }
0x9: {  	[smem:$0x3FA3] =	sst s1  }
0xa: {  	[smem:$0x3FA4] =	sst s2  }
0xb: {  	[smem:$0x3FA5] =	sst s3  }
0xc: {  	[smem:$0x3FA6] =	sst s4  }
0xd: {  	[smem:$0x3FA7] =	sst s5  }
0xe: {  	[smem:$0x3FA8] =	sst s6  }
0xf: {  	[smem:$0x3FA9] =	sst s7  }
0x10: {  	[smem:$0x3FAA] =	sst s8  }
0x11: {  	[smem:$0x3FAB] =	sst s9;
	s0 =	simm.s32 @!p0 $0x0  }
0x12: {  	s1 =	sld [smem:$0x3F91];
	s0 =	simm.s32 @p0 $0x1  }
0x13: {  	[smem:$0x3FAC] =	sst s0;
	s0 =	simm.s32 @!p1 $0x0  }
0x14: {  	s2 =	sld [smem:$0x3F90];
	s0 =	simm.s32 @p1 $0x1  }
0x15: {  	[smem:$0x3FAD] =	sst s0;
	s0 =	simm.s32 @!p2 $0x0  }
0x16: {  	s3 =	sld [smem:$0x3FDB];
	s0 =	simm.s32 @p2 $0x1  }
0x17: {  	s4 =	simm.s32 $0x1BF5;
	[smem:$0x3FAF] =	sst s0  }
0x18: {  	s0 =	sld [smem:$0x3F92];
	_ =	swait.ge [sflag:s4], $0x0  }
0x19: {  	s7 =	sld [smem:$0x3F93]  }
0x1a: {  	s8 =	sadd.s32 $0xFFFFE003, lr  }
0x1b: {  	s9 =	sadd.s32 $0xFFFFFEF7, lr;
	s5 =	simm.s32 $0xFFFFFFFF;
	p2 =	slt.u32 s8, $0xFFFFF086  }
0x1c: {  	p1 =	slt.u32 s9, $0xF7A;
	s5 =	simm.s32 @!p2 $0x0  }
0x1d: {  	s5 =	simm.s32 @p1 $0x1;
	p0 =	seq.s32 s7, s2  }
0x1e: {  	s7 =	smul.u32 @!p0 $0xF7A, s2;
	p2 =	seq.s32 @!p0 s5, $0x0  }
0x1f: {  	s9 =	smul.u32 $0xF7A, s1;
	s8 =	simm.s32 @!p0 $0x1BF5;
	p2 =	por !p2, p0  }
0x20: {  	[sflag:s8] =	ssyncset.s32 @!p0 $0xFFFFF086;
	s6 =	sadd.s32 @!p0 s3, s7;
	s7 =	simm.s32 @!p0 $0x108  }
0x21: {  	s3 =	sadd.s32 s3, s9;
	s6 =	sadd.s32 @!p0 $0x88, s6;
	s7 =	simm.s32 @p2 $0x1082  }
0x22: {  	[simem:s7], [sflag:s8] =	dma.local @!p0 [hbm:s6], $0xF7A  }
0x23: {  	s9 =	sor.u32 $0xD0000000, s2;
	s6 =	simm.s32 $0x108;
	_ =	swait.ge @!p0 [sflag:s8], $0x0  }
0x24: {  	s3 =	sadd.s32 $0x88, s3;
	s6 =	simm.s32 @!p1 $0x1082;
	[sflag:s4] =	ssyncset.s32 $0xFFFFF086  }
0x25: {  	[simem:s6], [sflag:s4] =	dma.local [hbm:s3], $0xF7A  }
0x26: {  	[smem:$0x3F93] =	sst s1;
	(tag) =	ssettag s2;
	_ =	strace s9  }
0x27: {  	s1 =	sld [smem:$0x3FA3]  }
0x28: {  	s2 =	sld [smem:$0x3FA4]  }
0x29: {  	s4 =	sld [smem:$0x3FA6]  }
0x2a: {  	p0 =	seq.s32 s5, $0x0;
	s5 =	sld [smem:$0x3FA7]  }
0x2b: {  	s6 =	sld [smem:$0x3FA8]  }
0x2c: {  	s7 =	sld [smem:$0x3FA9]  }
0x2d: {  	s3 =	simm.s32 $0x108;
	s8 =	sld [smem:$0x3FAA]  }
0x2e: {  	s3 =	simm.s32 @!p0 $0x1082;
	s9 =	sld [smem:$0x3FAB]  }
0x2f: {  	lr =	sadd.s32 s0, s3;
	s0 =	sld [smem:$0x3FA2]  }
0x30: {  	s3 =	sld [smem:$0x3FA5]  }
0x31: {  	[smem:$0x3FAE] =	sst s10  }
0x32: {  	s10 =	sld [smem:$0x3FAC];
	_ =	sdelay $0x3  }
0x33: {  	p0 =	seq.s32 s10, $0x1;
	s10 =	sld [smem:$0x3FAE];
	_ =	sdelay $0x3  }
0x34: {  	[smem:$0x3FAE] =	sst s10  }
0x35: {  	s10 =	sld [smem:$0x3FAD];
	_ =	sdelay $0x3  }
0x36: {  	p1 =	seq.s32 s10, $0x1;
	s10 =	sld [smem:$0x3FAE];
	_ =	sdelay $0x3  }
0x37: {  	[smem:$0x3FAE] =	sst s10  }
0x38: {  	s10 =	sld [smem:$0x3FAF]  }
0x39: {  	_ = 	snop;
	(pc) =	sbr.ind lr, $3  }
0x3a: {  	_ = 	snop  }
0x3b: {  	_ = 	snop  }
0x3c: {  	p2 =	seq.s32 s10, $0x1;
	s10 =	sld [smem:$0x3FAE]  }
0x3d: {  	_ =	shalt  }
0x3e: {  	_ =	shalt  }
0x3f: {  	_ =	shalt  }
0x40: {  	_ =	shalt  }
0x41: {  	_ =	shalt  }
0x42: {  	_ =	shalt  }
0x43: {  	_ =	shalt  }
0x44: {  	_ =	shalt  }
0x45: {  	_ =	shalt  }
0x46: {  	_ =	shalt  }
0x47: {  	_ =	shalt  }
0x48: {  	_ =	shalt  }
0x49: {  	_ =	shalt  }
0x4a: {  	_ =	shalt  }
0x4b: {  	_ =	shalt  }
0x4c: {  	_ =	shalt  }
0x4d: {  	_ =	shalt  }
0x4e: {  	_ =	shalt  }
0x4f: {  	_ =	shalt  }
0x50: {  	_ =	shalt  }
0x51: {  	_ =	shalt  }
0x52: {  	_ =	shalt  }
0x53: {  	_ =	shalt  }
0x54: {  	_ =	shalt  }
0x55: {  	_ =	shalt  }
0x56: {  	_ =	shalt  }
0x57: {  	_ =	shalt  }
0x58: {  	_ =	shalt  }
0x59: {  	_ =	shalt  }
0x5a: {  	_ =	shalt  }
0x5b: {  	_ =	shalt  }
0x5c: {  	_ =	shalt  }
0x5d: {  	_ =	shalt  }
0x5e: {  	_ =	shalt  }
0x5f: {  	_ =	shalt  }
0x60: {  	_ =	shalt  }
0x61: {  	_ =	shalt  }
0x62: {  	_ =	shalt  }
0x63: {  	_ =	shalt  }
0x64: {  	_ =	shalt  }
0x65: {  	_ =	shalt  }
0x66: {  	_ =	shalt  }
0x67: {  	_ =	shalt  }
0x68: {  	_ =	shalt  }
0x69: {  	_ =	shalt  }
0x6a: {  	_ =	shalt  }
0x6b: {  	_ =	shalt  }
0x6c: {  	_ =	shalt  }
0x6d: {  	_ =	shalt  }
0x6e: {  	_ =	shalt  }
0x6f: {  	_ =	shalt  }
0x70: {  	_ =	shalt  }
0x71: {  	_ =	shalt  }
0x72: {  	_ =	shalt  }
0x73: {  	_ =	shalt  }
0x74: {  	_ =	shalt  }
0x75: {  	_ =	shalt  }
0x76: {  	_ =	shalt  }
0x77: {  	_ =	shalt  }
0x78: {  	_ =	shalt  }
0x79: {  	_ =	shalt  }
0x7a: {  	_ =	shalt  }
0x7b: {  	_ =	shalt  }
0x7c: {  	_ =	shalt  }
0x7d: {  	_ =	shalt  }
0x7e: {  	_ =	shalt  }
0x7f: {  	_ =	shalt  }
0x80: {  	_ =	shalt  }
0x81: {  	_ =	shalt  }
0x82: {  	_ =	shalt  }
0x83: {  	_ =	shalt  }
0x84: {  	_ =	shalt  }
0x85: {  	_ =	shalt  }
0x86: {  	_ =	shalt  }
0x87: {  	_ =	shalt  }
.Lfunc_end0:
.L_simem_size_0:
called_computation.2_lowered:
.L_overlay_start_0:
0x88: {  	s2 =	sld [smem:$0x3FD9]  }
0x89: {  	s3 =	sld [smem:$0x3FFE];
	_ =	sdelay $0x1  }
0x8a: {  	s1 =	srdreg.scid  }
0x8b: {  	s0 =	sand.u32 $0x1, s1  }
0x8c: {  	s14 =	sshll.u32 s0, $0xA;
	s2 =	sadd.s32 s3, s2  }
0x8d: {  	s2 =	sadd.s32 s2, s14  }
0x8e: {  	[smem:$0x3FBA] =	sst s2  }
0x8f: {  	_ = 	snop  }
0x90: {  	s2 =	sld [smem:$0x3FD0];
	_ =	sdelay $0x1  }
0x91: {  	s15 =	sld [smem:$0x3FC7]  }
0x92: {  	s5 =	simm.s32 $0xA;
	s6 =	simm.s32 $0x10;
	s4 =	sld [smem:$0x3FC6]  }
0x93: {  	[smem:s6], [sflag:s5] =	dma.local [hbm:s2], $0x1  }
0x94: {  	_ =	swait.eq [sflag:s5], $0x1  }
0x95: {  	[sflag:s5] =	ssyncset.done $0x0  }
0x96: {  	[sflag:s5] =	ssyncadd.s32 $0xFFFFFFFF  }
0x97: {  	s16 =	sld [smem:$0x10];
	(tm) =	ssettm $0x1  }
0x98: {  	s17 =	sld [smem:$0x3FFB];
	_ =	sdelay $0x3  }
0x99: {  	_ =	strace s17  }
0x9a: {  	s5 =	sld [smem:$0x3FFC];
	_ =	sdelay $0x3  }
0x9b: {  	_ =	strace s5  }
0x9c: {  	s5 =	sld [smem:$0x3FFD];
	_ =	sdelay $0x3  }
0x9d: {  	_ =	strace s5  }
0x9e: {  	_ =	strace $0x8FFFFFFF  }
0x9f: {  	s18 =	sld [smem:$0x3FDB];
	_ =	sdelay $0x1  }
0xa0: {  	s19 =	simm.s32 $_scs_section_size  }
0xa1: {  	s7 =	simm.s32 $_size__tile_overlayer_lowered;
	s8 =	simm.s32 $_tile_overlayer_lowered  }
0xa2: {  	s22 =	simm.s32 $0x1BFF;
	s21 =	sshll.u32 s8, $0x1;
	s5 =	sadd.s32 s19, s18  }
0xa3: {  	s9 =	simm.s32 $0x0;
	s20 =	sshll.u32 s7, $0x1;
	s7 =	sadd.s32 s21, s5  }
0xa4: {  	[timem:s9], [sflag:s22] =	dma.local [hbm:s7], s20  }
0xa5: {  	_ =	swait.ge [sflag:s22], s20  }
0xa6: {  	s6 =	ssub.s32 $0x0, s20;
	[sflag:s22] =	ssyncset.done $0x0  }
0xa7: {  	[sflag:s22] =	ssyncadd.s32 s6;
	_ =	sdelay $0x1  }
0xa8: {  	s23 =	simm.s32 $0x1B8B  }
0xa9: {  	_ =	swait.ge [sflag:s23], $0x1  }
0xaa: {  	[sflag:s23] =	ssyncset.done $0x0  }
0xab: {  	s25 =	simm.s32 $0x1B8E;
	s24 =	sld [smem:$0x3FFE];
	[sflag:s23] =	ssyncadd.s32 $0xFFFFFFFF  }
0xac: {  	s26 =	simm.s32 $execute0_lowered;
	[smem:$0x3FD2] =	sst s25  }
0xad: {  	s7 =	sshll.u32 s26, $0x1;
	_ =	strace $0x8000004C;
	[dreg:$0x1] =	wrdreg $0xFFFFFFFF  }
0xae: {  	s28 =	simm.s32 $_size_execute0_lowered;
	s5 =	sadd.s32 s5, s7;
	[dreg:$0x0] =	wrdreg $0x0  }
0xaf: {  	s7 =	sshll.u32 s28, $0x1;
	[dreg:$0x2] =	wrdreg s5  }
0xb0: {  	[dreg:$0x3] =	wrdreg s7  }
0xb1: {  	[dreg:$0x4] =	wrdreg $0xC0  }
0xb2: {  	_ =	task [dreg:s9], $0x5FFFF  }
0xb3: {  	[dreg:$0x1] =	wrdreg $0xFFFFFFFF  }
0xb4: {  	[dreg:$0x0] =	wrdreg $0x60  }
0xb5: {  	[dreg:$0x2] =	wrdreg s24  }
0xb6: {  	[dreg:$0x3] =	wrdreg s15  }
0xb7: {  	[dreg:$0x4] =	wrdreg s4  }
0xb8: {  	[dreg:$0x5] =	wrdreg s16  }
0xb9: {  	[dreg:$0x6] =	wrdreg $0xA8800  }
0xba: {  	[dreg:$0x7] =	wrdreg $0x9  }
0xbb: {  	_ =	task.clear_ibuf [dreg:s9], $0x8FFFF;
	_ =	strace $0x9000004C  }
0xbc: {  	s29 =	simm.s32 $0x9;
	_ =	strace $0x8000004E  }
0xbd: {  	_ =	swait.ge [sflag:s29], $0x1  }
0xbe: {  	[sflag:s29] =	ssyncadd.s32 $0xFFFFFFFF  }
0xbf: {  	_ =	strace $0x9000004E  }
0xc0: {  	_ =	sfence  }
0xc1: {  	s30 =	sld [smem:$0x0];
	_ =	sdelay $0x2  }
0xc2: {  	s31 =	sshll.u32 s1, $0xD;
	s1 =	sshrl.u32 s1, $0x2  }
0xc3: {  	s3 =	sand.u32 $0x4000, s31;
	s1 =	sadd.s32 s1, s30  }
0xc4: {  	s0 =	sor.u32 s3, s0;
	s1 =	sshll.u32 s1, $0x11  }
0xc5: {  	s0 =	sor.u32 s1, s0  }
0xc6: {  	s0 =	sadd.s32 $0x8F2B, s0  }
0xc7: {  	[sflag:s0] =	ssyncadd.remote.s32 $0x1  }
0xc8: {  	_ =	sfence.sel $0xFFFF  }
0xc9: {  	[dreg:$0x0] =	wrdreg $0xFFFFFFFF;
	(pc) =	sbr.abs _section_cstart, $3  }
0xca: {  	[dreg:$0x1] =	wrdreg $0xFFFFFFFF  }
0xcb: {  	_ =	task.clear_ibuf [dreg:s9], $0x2FFFF;
	_ =	strace $0x9FFFFFFF  }
0xcc: {  	(tm) =	ssettm $0x7FFFFFFF  }
0xcd: {  	_ =	shalt  }
tec
execute0_lowered:
.L_overlay_start_1:
0x0: {  	(tag) =	ssettag $0x1  }
0x1: {  	s0 =	rddreg [dreg:$0x0]  }
0x2: {  	s5 =	rddreg [dreg:$0x1]  }
0x3: {  	s7 =	rddreg [dreg:$0x2]  }
0x4: {  	s1 =	rddreg [dreg:$0x3]  }
0x5: {  	s2 =	rddreg [dreg:$0x4];
	s3 =	simm.s32 $0x0  }
0x6: {  	s6 =	srdreg.scid;
	s19 =	stileid.u32;
	s29 =	simm.s32 $0x2800  }
0x7: {  	s30 =	simm.s32 $0x3;
	s31 =	simm.s32 $0x1400;
	[smem:$0x7FF] =	sst s3  }
0x8: {  	s4 =	sadd.s32 $0x18000, s0;
	s8 =	sadd.s32 $0xE000, s0;
	s9 =	sadd.s32 $0x4000, s0  }
0x9: {  	s10 =	sadd.s32 $0x3F800, s0;
	s11 =	sadd.s32 $0x5F800, s0;
	s12 =	sand.u32 $0x1, s6  }
0xa: {  	s21 =	sshll.u32 s19, $0x1;
	s13 =	sadd.s32 $0x7F800, s0;
	s14 =	smul.u32 $0x4F000, s19  }
0xb: {  	s0 =	sadd.s32 $0x7FC00, s0;
	s26 =	sshll.u32 s19, $0x8;
	s20 =	sshll.u32 s19, $0x5  }
0xc: {  	_ =	strace $0x8000004D;
	s6 =	sor.u32 s12, s21;
	s15 =	ssub.s32 $0x2, s12  }
0xd: {  	s21 =	sor.u32 $0x80, s26;
	s16 =	smul.u32 $0x2800, s6;
	s14 =	sshrl.u32 s14, $0x2  }
0xe: {  	s17 =	sshrl.u32 s15, $0x1;
	s18 =	smul.u32 $0x500, s6;
	s6 =	sadd.s32 s14, s2  }
0xf: {  	s15 =	ssub.s32 s15, s17;
	s22 =	sshrl.u32 s16, $0x3;
	s23 =	sadd.s32 $0x4000, s6  }
0x10: {  	s24 =	sadd.s32 s8, s18;
	s25 =	sadd.s32 s9, s18;
	[dreg:$0x6] =	wrdreg s23  }
0x11: {  	s28 =	sadd.s32 $0x10000, s6;
	[dreg:$0x7] =	wrdreg s24;
	s14 =	sadd.s32 $0x280, s22  }
0x12: {  	[dreg:$0x8] =	wrdreg s25;
	s22 =	sshll.u32 s12, $0x13;
	s23 =	sshll.u32 s19, $0xF  }
0x13: {  	s24 =	sshll.u32 s21, $0x7;
	s12 =	sshll.u32 s12, $0xC;
	s25 =	sadd.s32 s5, s20  }
0x14: {  	s8 =	sadd.s32 s8, s14;
	s9 =	sadd.s32 s9, s14;
	[dreg:$0xb] =	wrdreg s25  }
0x15: {  	s17 =	sor.u32 s23, s22;
	s16 =	sor.u32 s22, s24;
	[dreg:$0x9] =	wrdreg s8  }
0x16: {  	s14 =	sshrl.u32 s21, $0x3;
	[dreg:$0xa] =	wrdreg s9;
	s17 =	sshrl.u32 s17, $0x3  }
0x17: {  	s8 =	sor.u32 s26, s12;
	s9 =	sadd.s32 s7, s20;
	s26 =	sor.u32 s12, s21  }
0x18: {  	s5 =	sadd.s32 s5, s14;
	s18 =	sadd.s32 s7, s14;
	[dreg:$0xc] =	wrdreg s9  }
0x19: {  	s22 =	sshrl.u32 s16, $0x3;
	s12 =	simm.s32 $0x1380;
	[dreg:$0xd] =	wrdreg s5  }
0x1a: {  	s14 =	simm.s32 $0x2700;
	s16 =	simm.s32 $0xA800;
	[dreg:$0xe] =	wrdreg s18  }
0x1b: {  	s19 =	sadd.s32 s10, s17;
	s20 =	sshrl.u32 s8, $0x3;
	s21 =	sadd.s32 s11, s17  }
0x1c: {  	s23 =	sadd.s32 s10, s22;
	s24 =	sshrl.u32 s26, $0x3;
	[dreg:$0xf] =	wrdreg s19  }
0x1d: {  	s7 =	sadd.s32 s11, s22;
	s8 =	simm.s32 $0x8800;
	[dreg:$0x10] =	wrdreg s21  }
0x1e: {  	s9 =	simm.s32 $0x1;
	s10 =	simm.s32 $0x80;
	[dreg:$0x11] =	wrdreg s23  }
0x1f: {  	s11 =	simm.s32 $0x2;
	s17 =	simm.s32 $0x0;
	[dreg:$0x12] =	wrdreg s7  }
0x20: {  	s25 =	sadd.s32 s13, s20;
	s5 =	sadd.s32 s0, s20;
	s26 =	sadd.s32 s13, s24  }
0x21: {  	s23 =	sadd.s32 s0, s24;
	s24 =	sadd.s32 $0x8000, s6;
	[dreg:$0x13] =	wrdreg s25  }
0x22: {  	s0 =	simm.s32 $0x40;
	s7 =	simm.s32 $0x6800;
	[dreg:$0x14] =	wrdreg s5  }
0x23: {  	s13 =	simm.s32 $0x13C0;
	[dreg:$0x15] =	wrdreg s26;
	s25 =	smax.u32 s15, $0x1  }
0x24: {  	v0 =	vimm.f32 $0.0e+00;
	s26 =	sadd.s32 $0xC000, s6;
	s5 =	simm.s32 $0x4800;
	s15 =	simm.s32 $0x2780  }
.LBB2_1:
0x25: {  	s18 =	simm.s32 $0x0;
	s19 =	simm.s32 $0x200  }
.LBB2_2:
0x26: {  	p0 =	sne.s32 s19, $0xFE00;
	[tilespmem:s18+$0x2870] =	vst v0  }
0x27: {  	[tilespmem:s18+$0x2800] =	vst v0  }
0x28: {  	[tilespmem:s18+$0x2810] =	vst v0  }
.Ltmp0:
0x29: {  	[tilespmem:s18+$0x2820] =	vst v0;
	(pc) =	sbr.rel @p0 .LBB2_2-.Ltmp0, $4  }
0x2a: {  	[tilespmem:s18+$0x2830] =	vst v0  }
0x2b: {  	[tilespmem:s18+$0x2840] =	vst v0  }
0x2c: {  	[tilespmem:s18+$0x2850] =	vst v0  }
0x2d: {  	[tilespmem:s18+$0x2860] =	vst v0;
	s18 =	sshra.s32 s19, $0x2;
	s19 =	sadd.s32 $0x200, s19  }
0x2e: {  	[tilespmem:s18+$0x2870] =	vst v0  }
0x2f: {  	[tilespmem:s18+$0x2800] =	vst v0  }
0x30: {  	[tilespmem:s18+$0x2810] =	vst v0  }
0x31: {  	[tilespmem:s18+$0x2820] =	vst v0  }
0x32: {  	[tilespmem:s18+$0x2830] =	vst v0  }
0x33: {  	[tilespmem:s18+$0x2840] =	vst v0  }
0x34: {  	[tilespmem:s18+$0x2850] =	vst v0  }
0x35: {  	[tilespmem:s18+$0x2860] =	vst v0  }
0x36: {  	[spmem:s6] =	stream.linear.scatter [tilespmem:s29], [sflag:$0x3], $0x4000, $0x38;
	[tilespmem:$0x1E480] =	vst v63  }
0x37: {  	_ =	swait.ge [sflag:s30], $0x4000  }
0x38: {  	[sflag:s30] =	ssyncset.done $0x0  }
0x39: {  	s21 =	rddreg [dreg:$0x6];
	[sflag:s30] =	ssyncadd.s32 $0xFFFFC000  }
0x3a: {  	[spmem:s21] =	stream.linear.scatter [tilespmem:s29], [sflag:$0x3], $0x4000, $0x38;
	[tilespmem:$0x1E480] =	vst v63  }
0x3b: {  	_ =	swait.ge [sflag:s30], $0x4000  }
0x3c: {  	[sflag:s30] =	ssyncset.done $0x0  }
0x3d: {  	[sflag:s30] =	ssyncadd.s32 $0xFFFFC000  }
0x3e: {  	[spmem:s24] =	stream.linear.scatter [tilespmem:s29], [sflag:$0x3], $0x4000, $0x38;
	[tilespmem:$0x1E480] =	vst v63  }
0x3f: {  	_ =	swait.ge [sflag:s30], $0x4000  }
0x40: {  	[sflag:s30] =	ssyncset.done $0x0  }
0x41: {  	[sflag:s30] =	ssyncadd.s32 $0xFFFFC000  }
0x42: {  	[spmem:s26] =	stream.linear.scatter [tilespmem:s29], [sflag:$0x3], $0x4000, $0x38;
	[tilespmem:$0x1E480] =	vst v63  }
0x43: {  	_ =	swait.ge [sflag:s30], $0x4000  }
0x44: {  	[sflag:s30] =	ssyncset.done $0x0  }
0x45: {  	[sflag:s30] =	ssyncadd.s32 $0xFFFFC000  }
0x46: {  	[spmem:s28] =	stream.linear.scatter [tilespmem:s29], [sflag:$0x3], $0x3C00, $0x38;
	[tilespmem:$0x1E480] =	vst v63  }
0x47: {  	_ =	swait.ge [sflag:s30], $0x3C00  }
0x48: {  	[sflag:s30] =	ssyncset.done $0x0  }
0x49: {  	[sflag:s30] =	ssyncadd.s32 $0xFFFFC400  }
0x4a: {  	[bflag:$0x0] =	sbarrier.arrive $0xFFFF  }
0x4b: {  	s22 =	simm.s32 $0x0;
	s19 =	rddreg [dreg:$0x7]  }
0x4c: {  	[tilespmem:s22], [sflag:$0x3] =	stream.linear.gather [hbm4b:s19+s22], $0x1400, $0x38;
	[tilespmem:$0x1E480] =	vst v63  }
0x4d: {  	_ =	swait.ge [sflag:s30], $0x1400  }
0x4e: {  	[sflag:s30] =	ssyncset.done $0x0  }
0x4f: {  	s20 =	rddreg [dreg:$0x8];
	[sflag:s30] =	ssyncadd.s32 $0xFFFFEC00  }
0x50: {  	[tilespmem:s31], [sflag:$0x3] =	stream.linear.gather [hbm4b:s20+s22], $0x1400, $0x38;
	[tilespmem:$0x1E480] =	vst v63  }
0x51: {  	_ =	swait.ge [sflag:s30], $0x1400  }
0x52: {  	[sflag:s30] =	ssyncset.done $0x0  }
0x53: {  	[sflag:s30] =	ssyncadd.s32 $0xFFFFEC00  }
0x54: {  	[tilespmem:s29], [sflag:$0x1] =	stream.indirect.gather [hbm4b:s4+s0], $0x80, s22, s0, $0xb8;
	[tilespmem:$0x1E480] =	vst v63  }
0x55: {  	_ = 	snop  }
0x56: {  	[tilespmem:s5], [sflag:$0x1] =	stream.indirect.gather [hbm4b:s4+s0], $0x80, s0, s0, $0xb8;
	[tilespmem:$0x1E480] =	vst v63  }
0x57: {  	s21 =	simm.s32 $0x80  }
0x58: {  	[tilespmem:s7], [sflag:$0x2] =	stream.indirect.gather [hbm4b:s4+s0], $0x80, s21, s0, $0xb8;
	[tilespmem:$0x1E480] =	vst v63  }
0x59: {  	s22 =	simm.s32 $0xC0  }
0x5a: {  	[tilespmem:s8], [sflag:$0x2] =	stream.indirect.gather [hbm4b:s4+s0], $0x80, s22, s0, $0xb8;
	[tilespmem:$0x1E480] =	vst v63  }
0x5b: {  	_ =	swait.ge [sflag:s9], $0x2000  }
0x5c: {  	[sflag:s9] =	ssyncset.done $0x0  }
0x5d: {  	[sflag:s9] =	ssyncadd.s32 $0xFFFFE000  }
0x5e: {  	_ =	swait.ge [sflag:s9], $0x2000  }
0x5f: {  	[sflag:s9] =	ssyncset.done $0x0  }
0x60: {  	s19 =	simm.s32 $0x1400;
	[sflag:s9] =	ssyncadd.s32 $0xFFFFE000  }
0x61: {  	[spmem:s2] =	stream.indirect.scatter.add.f32 [tilespmem:s29], [sflag:$0x3], $0x80, s19, s10, $0xb8;
	[tilespmem:$0x1E480] =	vst v63  }
0x62: {  	_ =	swait.ge [sflag:s30], $0x4000  }
0x63: {  	[sflag:s30] =	ssyncset.done $0x0  }
0x64: {  	s20 =	simm.s32 $0x100;
	[sflag:s30] =	ssyncadd.s32 $0xFFFFC000  }
0x65: {  	[tilespmem:s29], [sflag:$0x1] =	stream.indirect.gather [hbm4b:s4+s0], $0x80, s20, s0, $0xb8;
	[tilespmem:$0x1E480] =	vst v63  }
0x66: {  	s21 =	simm.s32 $0x140  }
0x67: {  	[tilespmem:s5], [sflag:$0x1] =	stream.indirect.gather [hbm4b:s4+s0], $0x80, s21, s0, $0xb8;
	[tilespmem:$0x1E480] =	vst v63  }
0x68: {  	_ =	swait.ge [sflag:s11], $0x2000  }
0x69: {  	[sflag:s11] =	ssyncset.done $0x0  }
0x6a: {  	[sflag:s11] =	ssyncadd.s32 $0xFFFFE000  }
0x6b: {  	_ =	swait.ge [sflag:s11], $0x2000  }
0x6c: {  	[sflag:s11] =	ssyncset.done $0x0  }
0x6d: {  	s22 =	simm.s32 $0x1480;
	[sflag:s11] =	ssyncadd.s32 $0xFFFFE000  }
0x6e: {  	[spmem:s2] =	stream.indirect.scatter.add.f32 [tilespmem:s7], [sflag:$0x3], $0x80, s22, s10, $0xb8;
	[tilespmem:$0x1E480] =	vst v63  }
0x6f: {  	_ =	swait.ge [sflag:s30], $0x4000  }
0x70: {  	s18 =	simm.s32 $0x100;
	s19 =	simm.s32 $0x800;
	[sflag:s30] =	ssyncset.done $0x0  }
.LBB2_4:
0x71: {  	s20 =	sadd.s32 $0x80, s18  }
0x72: {  	[sflag:s30] =	ssyncadd.s32 $0xFFFFC000;
	s21 =	smov.u32 s19;
	s22 =	sadd.s32 $0x400, s19  }
0x73: {  	[tilespmem:s7], [sflag:$0x2] =	stream.indirect.gather [hbm4b:s4+s0], $0x80, s20, s0, $0xb8;
	[tilespmem:$0x1E480] =	vst v63  }
0x74: {  	p0 =	sne.s32 s19, $0x4800;
	s19 =	sadd.s32 $0xC0, s18  }
0x75: {  	[tilespmem:s8], [sflag:$0x2] =	stream.indirect.gather [hbm4b:s4+s0], $0x80, s19, s0, $0xb8;
	[tilespmem:$0x1E480] =	vst v63  }
0x76: {  	_ =	swait.ge [sflag:s9], $0x2000  }
0x77: {  	[sflag:s9] =	ssyncset.done $0x0  }
0x78: {  	[sflag:s9] =	ssyncadd.s32 $0xFFFFE000  }
0x79: {  	_ =	swait.ge [sflag:s9], $0x2000  }
0x7a: {  	[sflag:s9] =	ssyncset.done $0x0  }
0x7b: {  	s19 =	sadd.s32 $0x1400, s18;
	[sflag:s9] =	ssyncadd.s32 $0xFFFFE000  }
0x7c: {  	[spmem:s2] =	stream.indirect.scatter.add.f32 [tilespmem:s29], [sflag:$0x3], $0x80, s19, s10, $0xb8;
	[tilespmem:$0x1E480] =	vst v63  }
0x7d: {  	_ =	swait.ge [sflag:s30], $0x4000  }
0x7e: {  	[sflag:s30] =	ssyncset.done $0x0  }
0x7f: {  	s19 =	sadd.s32 $0x100, s18;
	[sflag:s30] =	ssyncadd.s32 $0xFFFFC000  }
0x80: {  	[tilespmem:s29], [sflag:$0x1] =	stream.indirect.gather [hbm4b:s4+s0], $0x80, s19, s0, $0xb8;
	[tilespmem:$0x1E480] =	vst v63  }
0x81: {  	s19 =	sadd.s32 $0x140, s18  }
0x82: {  	[tilespmem:s5], [sflag:$0x1] =	stream.indirect.gather [hbm4b:s4+s0], $0x80, s19, s0, $0xb8;
	[tilespmem:$0x1E480] =	vst v63  }
0x83: {  	_ =	swait.ge [sflag:s11], $0x2000  }
0x84: {  	[sflag:s11] =	ssyncset.done $0x0  }
0x85: {  	[sflag:s11] =	ssyncadd.s32 $0xFFFFE000  }
0x86: {  	_ =	swait.ge [sflag:s11], $0x2000  }
.Ltmp1:
0x87: {  	[sflag:s11] =	ssyncset.done $0x0;
	(pc) =	sbr.rel @p0 .LBB2_4-.Ltmp1, $4  }
0x88: {  	s18 =	sadd.s32 $0x1480, s18;
	[sflag:s11] =	ssyncadd.s32 $0xFFFFE000  }
0x89: {  	[spmem:s2] =	stream.indirect.scatter.add.f32 [tilespmem:s7], [sflag:$0x3], $0x80, s18, s10, $0xb8;
	[tilespmem:$0x1E480] =	vst v63  }
0x8a: {  	_ =	swait.ge [sflag:s30], $0x4000  }
0x8b: {  	s19 =	smov.u32 s22;
	s18 =	sshra.s32 s21, $0x2;
	[sflag:s30] =	ssyncset.done $0x0  }
0x8c: {  	s19 =	sadd.s32 $0x80, s18;
	[sflag:s30] =	ssyncadd.s32 $0xFFFFC000  }
0x8d: {  	[tilespmem:s7], [sflag:$0x2] =	stream.indirect.gather [hbm4b:s4+s0], $0x80, s19, s0, $0xb8;
	[tilespmem:$0x1E480] =	vst v63  }
0x8e: {  	s22 =	sadd.s32 $0xC0, s18  }
0x8f: {  	[tilespmem:s8], [sflag:$0x2] =	stream.indirect.gather [hbm4b:s4+s0], $0x80, s22, s0, $0xb8;
	[tilespmem:$0x1E480] =	vst v63  }
0x90: {  	_ =	swait.ge [sflag:s9], $0x2000  }
0x91: {  	[sflag:s9] =	ssyncset.done $0x0  }
0x92: {  	[sflag:s9] =	ssyncadd.s32 $0xFFFFE000  }
0x93: {  	_ =	swait.ge [sflag:s9], $0x2000  }
0x94: {  	[sflag:s9] =	ssyncset.done $0x0  }
0x95: {  	s20 =	sadd.s32 $0x1400, s18;
	[sflag:s9] =	ssyncadd.s32 $0xFFFFE000  }
0x96: {  	[spmem:s2] =	stream.indirect.scatter.add.f32 [tilespmem:s29], [sflag:$0x3], $0x80, s20, s10, $0xb8;
	[tilespmem:$0x1E480] =	vst v63  }
0x97: {  	_ =	swait.ge [sflag:s30], $0x4000  }
0x98: {  	[sflag:s30] =	ssyncset.done $0x0  }
0x99: {  	s21 =	sadd.s32 $0x100, s18;
	[sflag:s30] =	ssyncadd.s32 $0xFFFFC000  }
0x9a: {  	[tilespmem:s29], [sflag:$0x1] =	stream.indirect.gather [hbm4b:s4+s0], $0x80, s21, s0, $0xb8;
	[tilespmem:$0x1E480] =	vst v63  }
0x9b: {  	s22 =	sadd.s32 $0x140, s18  }
0x9c: {  	[tilespmem:s5], [sflag:$0x1] =	stream.indirect.gather [hbm4b:s4+s0], $0x80, s22, s0, $0xb8;
	[tilespmem:$0x1E480] =	vst v63  }
0x9d: {  	_ =	swait.ge [sflag:s11], $0x2000  }
0x9e: {  	[sflag:s11] =	ssyncset.done $0x0  }
0x9f: {  	[sflag:s11] =	ssyncadd.s32 $0xFFFFE000  }
0xa0: {  	_ =	swait.ge [sflag:s11], $0x2000  }
0xa1: {  	[sflag:s11] =	ssyncset.done $0x0  }
0xa2: {  	s20 =	sadd.s32 $0x1480, s18;
	[sflag:s11] =	ssyncadd.s32 $0xFFFFE000  }
0xa3: {  	[spmem:s2] =	stream.indirect.scatter.add.f32 [tilespmem:s7], [sflag:$0x3], $0x80, s20, s10, $0xb8;
	[tilespmem:$0x1E480] =	vst v63  }
0xa4: {  	_ =	swait.ge [sflag:s30], $0x4000  }
0xa5: {  	[sflag:s30] =	ssyncset.done $0x0  }
0xa6: {  	[sflag:s30] =	ssyncadd.s32 $0xFFFFC000  }
0xa7: {  	[tilespmem:s7], [sflag:$0x2] =	stream.indirect.gather [hbm4b:s4+s0], $0x80, s12, s0, $0xb8;
	[tilespmem:$0x1E480] =	vst v63  }
0xa8: {  	_ = 	snop  }
0xa9: {  	[tilespmem:s8], [sflag:$0x2] =	stream.indirect.gather [hbm4b:s4+s0], $0x80, s13, s0, $0xb8;
	[tilespmem:$0x1E480] =	vst v63  }
0xaa: {  	_ =	swait.ge [sflag:s9], $0x2000  }
0xab: {  	[sflag:s9] =	ssyncset.done $0x0  }
0xac: {  	[sflag:s9] =	ssyncadd.s32 $0xFFFFE000  }
0xad: {  	_ =	swait.ge [sflag:s9], $0x2000  }
0xae: {  	[sflag:s9] =	ssyncset.done $0x0  }
0xaf: {  	[sflag:s9] =	ssyncadd.s32 $0xFFFFE000  }
0xb0: {  	[spmem:s2] =	stream.indirect.scatter.add.f32 [tilespmem:s29], [sflag:$0x3], $0x80, s14, s10, $0xb8;
	[tilespmem:$0x1E480] =	vst v63  }
0xb1: {  	_ =	swait.ge [sflag:s30], $0x4000  }
0xb2: {  	[sflag:s30] =	ssyncset.done $0x0  }
0xb3: {  	[sflag:s30] =	ssyncadd.s32 $0xFFFFC000  }
0xb4: {  	_ =	swait.ge [sflag:s11], $0x2000  }
0xb5: {  	[sflag:s11] =	ssyncset.done $0x0  }
0xb6: {  	[sflag:s11] =	ssyncadd.s32 $0xFFFFE000  }
0xb7: {  	_ =	swait.ge [sflag:s11], $0x2000  }
0xb8: {  	[sflag:s11] =	ssyncset.done $0x0  }
0xb9: {  	[sflag:s11] =	ssyncadd.s32 $0xFFFFE000  }
0xba: {  	[spmem:s2] =	stream.indirect.scatter.add.f32 [tilespmem:s7], [sflag:$0x3], $0x80, s15, s10, $0xb8;
	[tilespmem:$0x1E480] =	vst v63  }
0xbb: {  	_ =	swait.ge [sflag:s30], $0x4000  }
0xbc: {  	[sflag:s30] =	ssyncset.done $0x0  }
0xbd: {  	s21 =	simm.s32 $0x0;
	s22 =	rddreg [dreg:$0x9];
	[sflag:s30] =	ssyncadd.s32 $0xFFFFC000  }
0xbe: {  	[tilespmem:s21], [sflag:$0x3] =	stream.linear.gather [hbm4b:s22+s21], $0x1400, $0x38;
	[tilespmem:$0x1E480] =	vst v63  }
0xbf: {  	_ =	swait.ge [sflag:s30], $0x1400  }
0xc0: {  	[sflag:s30] =	ssyncset.done $0x0  }
0xc1: {  	s20 =	rddreg [dreg:$0xa];
	[sflag:s30] =	ssyncadd.s32 $0xFFFFEC00  }
0xc2: {  	[tilespmem:s31], [sflag:$0x3] =	stream.linear.gather [hbm4b:s20+s21], $0x1400, $0x38;
	[tilespmem:$0x1E480] =	vst v63  }
0xc3: {  	_ =	swait.ge [sflag:s30], $0x1400  }
0xc4: {  	[sflag:s30] =	ssyncset.done $0x0  }
0xc5: {  	[sflag:s30] =	ssyncadd.s32 $0xFFFFEC00  }
0xc6: {  	[tilespmem:s29], [sflag:$0x1] =	stream.indirect.gather [hbm4b:s4+s0], $0x80, s21, s0, $0xb8;
	[tilespmem:$0x1E480] =	vst v63  }
0xc7: {  	_ = 	snop  }
0xc8: {  	[tilespmem:s5], [sflag:$0x1] =	stream.indirect.gather [hbm4b:s4+s0], $0x80, s0, s0, $0xb8;
	[tilespmem:$0x1E480] =	vst v63  }
0xc9: {  	s21 =	simm.s32 $0x80  }
0xca: {  	[tilespmem:s7], [sflag:$0x2] =	stream.indirect.gather [hbm4b:s4+s0], $0x80, s21, s0, $0xb8;
	[tilespmem:$0x1E480] =	vst v63  }
0xcb: {  	s22 =	simm.s32 $0xC0  }
0xcc: {  	[tilespmem:s8], [sflag:$0x2] =	stream.indirect.gather [hbm4b:s4+s0], $0x80, s22, s0, $0xb8;
	[tilespmem:$0x1E480] =	vst v63  }
0xcd: {  	_ =	swait.ge [sflag:s9], $0x2000  }
0xce: {  	[sflag:s9] =	ssyncset.done $0x0  }
0xcf: {  	[sflag:s9] =	ssyncadd.s32 $0xFFFFE000  }
0xd0: {  	_ =	swait.ge [sflag:s9], $0x2000  }
0xd1: {  	[sflag:s9] =	ssyncset.done $0x0  }
0xd2: {  	s19 =	simm.s32 $0x1400;
	[sflag:s9] =	ssyncadd.s32 $0xFFFFE000  }
0xd3: {  	[spmem:s2] =	stream.indirect.scatter.add.f32 [tilespmem:s29], [sflag:$0x3], $0x80, s19, s10, $0xb8;
	[tilespmem:$0x1E480] =	vst v63  }
0xd4: {  	_ =	swait.ge [sflag:s30], $0x4000  }
0xd5: {  	[sflag:s30] =	ssyncset.done $0x0  }
0xd6: {  	s20 =	simm.s32 $0x100;
	[sflag:s30] =	ssyncadd.s32 $0xFFFFC000  }
0xd7: {  	[tilespmem:s29], [sflag:$0x1] =	stream.indirect.gather [hbm4b:s4+s0], $0x80, s20, s0, $0xb8;
	[tilespmem:$0x1E480] =	vst v63  }
0xd8: {  	s21 =	simm.s32 $0x140  }
0xd9: {  	[tilespmem:s5], [sflag:$0x1] =	stream.indirect.gather [hbm4b:s4+s0], $0x80, s21, s0, $0xb8;
	[tilespmem:$0x1E480] =	vst v63  }
0xda: {  	_ =	swait.ge [sflag:s11], $0x2000  }
0xdb: {  	[sflag:s11] =	ssyncset.done $0x0  }
0xdc: {  	[sflag:s11] =	ssyncadd.s32 $0xFFFFE000  }
0xdd: {  	_ =	swait.ge [sflag:s11], $0x2000  }
0xde: {  	[sflag:s11] =	ssyncset.done $0x0  }
0xdf: {  	s22 =	simm.s32 $0x1480;
	[sflag:s11] =	ssyncadd.s32 $0xFFFFE000  }
0xe0: {  	[spmem:s2] =	stream.indirect.scatter.add.f32 [tilespmem:s7], [sflag:$0x3], $0x80, s22, s10, $0xb8;
	[tilespmem:$0x1E480] =	vst v63  }
0xe1: {  	_ =	swait.ge [sflag:s30], $0x4000  }
0xe2: {  	s18 =	simm.s32 $0x100;
	s19 =	simm.s32 $0x800;
	[sflag:s30] =	ssyncset.done $0x0  }
.LBB2_6:
0xe3: {  	s20 =	sadd.s32 $0x80, s18  }
0xe4: {  	[sflag:s30] =	ssyncadd.s32 $0xFFFFC000;
	s21 =	smov.u32 s19;
	s22 =	sadd.s32 $0x400, s19  }
0xe5: {  	[tilespmem:s7], [sflag:$0x2] =	stream.indirect.gather [hbm4b:s4+s0], $0x80, s20, s0, $0xb8;
	[tilespmem:$0x1E480] =	vst v63  }
0xe6: {  	p0 =	sne.s32 s19, $0x4800;
	s19 =	sadd.s32 $0xC0, s18  }
0xe7: {  	[tilespmem:s8], [sflag:$0x2] =	stream.indirect.gather [hbm4b:s4+s0], $0x80, s19, s0, $0xb8;
	[tilespmem:$0x1E480] =	vst v63  }
0xe8: {  	_ =	swait.ge [sflag:s9], $0x2000  }
0xe9: {  	[sflag:s9] =	ssyncset.done $0x0  }
0xea: {  	[sflag:s9] =	ssyncadd.s32 $0xFFFFE000  }
0xeb: {  	_ =	swait.ge [sflag:s9], $0x2000  }
0xec: {  	[sflag:s9] =	ssyncset.done $0x0  }
0xed: {  	s19 =	sadd.s32 $0x1400, s18;
	[sflag:s9] =	ssyncadd.s32 $0xFFFFE000  }
0xee: {  	[spmem:s2] =	stream.indirect.scatter.add.f32 [tilespmem:s29], [sflag:$0x3], $0x80, s19, s10, $0xb8;
	[tilespmem:$0x1E480] =	vst v63  }
0xef: {  	_ =	swait.ge [sflag:s30], $0x4000  }
0xf0: {  	[sflag:s30] =	ssyncset.done $0x0  }
0xf1: {  	s19 =	sadd.s32 $0x100, s18;
	[sflag:s30] =	ssyncadd.s32 $0xFFFFC000  }
0xf2: {  	[tilespmem:s29], [sflag:$0x1] =	stream.indirect.gather [hbm4b:s4+s0], $0x80, s19, s0, $0xb8;
	[tilespmem:$0x1E480] =	vst v63  }
0xf3: {  	s19 =	sadd.s32 $0x140, s18  }
0xf4: {  	[tilespmem:s5], [sflag:$0x1] =	stream.indirect.gather [hbm4b:s4+s0], $0x80, s19, s0, $0xb8;
	[tilespmem:$0x1E480] =	vst v63  }
0xf5: {  	_ =	swait.ge [sflag:s11], $0x2000  }
0xf6: {  	[sflag:s11] =	ssyncset.done $0x0  }
0xf7: {  	[sflag:s11] =	ssyncadd.s32 $0xFFFFE000  }
0xf8: {  	_ =	swait.ge [sflag:s11], $0x2000  }
.Ltmp2:
0xf9: {  	[sflag:s11] =	ssyncset.done $0x0;
	(pc) =	sbr.rel @p0 .LBB2_6-.Ltmp2, $4  }
0xfa: {  	s18 =	sadd.s32 $0x1480, s18;
	[sflag:s11] =	ssyncadd.s32 $0xFFFFE000  }
0xfb: {  	[spmem:s2] =	stream.indirect.scatter.add.f32 [tilespmem:s7], [sflag:$0x3], $0x80, s18, s10, $0xb8;
	[tilespmem:$0x1E480] =	vst v63  }
0xfc: {  	_ =	swait.ge [sflag:s30], $0x4000  }
0xfd: {  	s19 =	smov.u32 s22;
	s18 =	sshra.s32 s21, $0x2;
	[sflag:s30] =	ssyncset.done $0x0  }
0xfe: {  	s19 =	sadd.s32 $0x80, s18;
	[sflag:s30] =	ssyncadd.s32 $0xFFFFC000  }
0xff: {  	[tilespmem:s7], [sflag:$0x2] =	stream.indirect.gather [hbm4b:s4+s0], $0x80, s19, s0, $0xb8;
	[tilespmem:$0x1E480] =	vst v63  }
0x100: {  	s22 =	sadd.s32 $0xC0, s18  }
0x101: {  	[tilespmem:s8], [sflag:$0x2] =	stream.indirect.gather [hbm4b:s4+s0], $0x80, s22, s0, $0xb8;
	[tilespmem:$0x1E480] =	vst v63  }
0x102: {  	_ =	swait.ge [sflag:s9], $0x2000  }
0x103: {  	[sflag:s9] =	ssyncset.done $0x0  }
0x104: {  	[sflag:s9] =	ssyncadd.s32 $0xFFFFE000  }
0x105: {  	_ =	swait.ge [sflag:s9], $0x2000  }
0x106: {  	[sflag:s9] =	ssyncset.done $0x0  }
0x107: {  	s20 =	sadd.s32 $0x1400, s18;
	[sflag:s9] =	ssyncadd.s32 $0xFFFFE000  }
0x108: {  	[spmem:s2] =	stream.indirect.scatter.add.f32 [tilespmem:s29], [sflag:$0x3], $0x80, s20, s10, $0xb8;
	[tilespmem:$0x1E480] =	vst v63  }
0x109: {  	_ =	swait.ge [sflag:s30], $0x4000  }
0x10a: {  	[sflag:s30] =	ssyncset.done $0x0  }
0x10b: {  	s21 =	sadd.s32 $0x100, s18;
	[sflag:s30] =	ssyncadd.s32 $0xFFFFC000  }
0x10c: {  	[tilespmem:s29], [sflag:$0x1] =	stream.indirect.gather [hbm4b:s4+s0], $0x80, s21, s0, $0xb8;
	[tilespmem:$0x1E480] =	vst v63  }
0x10d: {  	s22 =	sadd.s32 $0x140, s18  }
0x10e: {  	[tilespmem:s5], [sflag:$0x1] =	stream.indirect.gather [hbm4b:s4+s0], $0x80, s22, s0, $0xb8;
	[tilespmem:$0x1E480] =	vst v63  }
0x10f: {  	_ =	swait.ge [sflag:s11], $0x2000  }
0x110: {  	[sflag:s11] =	ssyncset.done $0x0  }
0x111: {  	[sflag:s11] =	ssyncadd.s32 $0xFFFFE000  }
0x112: {  	_ =	swait.ge [sflag:s11], $0x2000  }
0x113: {  	[sflag:s11] =	ssyncset.done $0x0  }
0x114: {  	s19 =	sadd.s32 $0x1480, s18;
	[sflag:s11] =	ssyncadd.s32 $0xFFFFE000  }
0x115: {  	[spmem:s2] =	stream.indirect.scatter.add.f32 [tilespmem:s7], [sflag:$0x3], $0x80, s19, s10, $0xb8;
	[tilespmem:$0x1E480] =	vst v63  }
0x116: {  	_ =	swait.ge [sflag:s30], $0x4000  }
0x117: {  	[sflag:s30] =	ssyncset.done $0x0  }
0x118: {  	[sflag:s30] =	ssyncadd.s32 $0xFFFFC000  }
0x119: {  	[tilespmem:s7], [sflag:$0x2] =	stream.indirect.gather [hbm4b:s4+s0], $0x80, s12, s0, $0xb8;
	[tilespmem:$0x1E480] =	vst v63  }
0x11a: {  	_ = 	snop  }
0x11b: {  	[tilespmem:s8], [sflag:$0x2] =	stream.indirect.gather [hbm4b:s4+s0], $0x80, s13, s0, $0xb8;
	[tilespmem:$0x1E480] =	vst v63  }
0x11c: {  	_ =	swait.ge [sflag:s9], $0x2000  }
0x11d: {  	[sflag:s9] =	ssyncset.done $0x0  }
0x11e: {  	[sflag:s9] =	ssyncadd.s32 $0xFFFFE000  }
0x11f: {  	_ =	swait.ge [sflag:s9], $0x2000  }
0x120: {  	[sflag:s9] =	ssyncset.done $0x0  }
0x121: {  	[sflag:s9] =	ssyncadd.s32 $0xFFFFE000  }
0x122: {  	[spmem:s2] =	stream.indirect.scatter.add.f32 [tilespmem:s29], [sflag:$0x3], $0x80, s14, s10, $0xb8;
	[tilespmem:$0x1E480] =	vst v63  }
0x123: {  	_ =	swait.ge [sflag:s30], $0x4000  }
0x124: {  	[sflag:s30] =	ssyncset.done $0x0  }
0x125: {  	[sflag:s30] =	ssyncadd.s32 $0xFFFFC000  }
0x126: {  	_ =	swait.ge [sflag:s11], $0x2000  }
0x127: {  	[sflag:s11] =	ssyncset.done $0x0  }
0x128: {  	[sflag:s11] =	ssyncadd.s32 $0xFFFFE000  }
0x129: {  	_ =	swait.ge [sflag:s11], $0x2000  }
0x12a: {  	[sflag:s11] =	ssyncset.done $0x0  }
0x12b: {  	[sflag:s11] =	ssyncadd.s32 $0xFFFFE000  }
0x12c: {  	[spmem:s2] =	stream.indirect.scatter.add.f32 [tilespmem:s7], [sflag:$0x3], $0x80, s15, s10, $0xb8;
	[tilespmem:$0x1E480] =	vst v63  }
0x12d: {  	_ =	swait.ge [sflag:s30], $0x4000  }
0x12e: {  	[sflag:s30] =	ssyncset.done $0x0  }
0x12f: {  	[sflag:s30] =	ssyncadd.s32 $0xFFFFC000  }
0x130: {  	[bflag:$0x0] =	sbarrier.arrive $0xFFFF  }
0x131: {  	s20 =	rddreg [dreg:$0xb]  }
0x132: {  	[tilespmem:s3], [sflag:$0x3] =	stream.linear.gather [hbm4b:s20+s3], $0x80, $0x38;
	[tilespmem:$0x1E480] =	vst v63  }
0x133: {  	_ =	swait.ge [sflag:s30], $0x80  }
0x134: {  	[sflag:s30] =	ssyncset.done $0x0  }
0x135: {  	[sflag:s30] =	ssyncadd.s32 $0xFFFFFF80  }
0x136: {  	[tilespmem:s29], [sflag:$0x1] =	stream.indirect.gather [spmem:s2], $0x80, s3, s10, $0xb8;
	[tilespmem:$0x1E480] =	vst v63  }
0x137: {  	_ =	swait.ge [sflag:s9], $0x4000  }
0x138: {  	[sflag:s9] =	ssyncset.done $0x0  }
0x139: {  	s21 =	rddreg [dreg:$0xf];
	[sflag:s9] =	ssyncadd.s32 $0xFFFFC000  }
0x13a: {  	[hbm4b:s21+s3] =	stream.linear.scatter [tilespmem:s29], [sflag:$0x3], $0x4000, $0x38;
	[tilespmem:$0x1E480] =	vst v63  }
0x13b: {  	_ =	swait.ge [sflag:s30], $0x4000  }
0x13c: {  	[sflag:s30] =	ssyncset.done $0x0  }
0x13d: {  	[sflag:s30] =	ssyncadd.s32 $0xFFFFC000  }
0x13e: {  	[tilespmem:s16], [sflag:$0x1] =	stream.indirect.gather [hbm4b:s1+s10], $0x1, s3, s10, $0xb8;
	[tilespmem:$0x1E480] =	vst v63  }
0x13f: {  	_ =	swait.ge [sflag:s9], $0x80  }
0x140: {  	[sflag:s9] =	ssyncset.done $0x0  }
0x141: {  	s22 =	rddreg [dreg:$0x13];
	[sflag:s9] =	ssyncadd.s32 $0xFFFFFF80  }
0x142: {  	[hbm4b:s22+s3] =	stream.linear.scatter [tilespmem:s16], [sflag:$0x3], $0x80, $0x38;
	[tilespmem:$0x1E480] =	vst v63  }
0x143: {  	_ =	swait.ge [sflag:s30], $0x80  }
0x144: {  	[sflag:s30] =	ssyncset.done $0x0  }
0x145: {  	s19 =	rddreg [dreg:$0xc];
	[sflag:s30] =	ssyncadd.s32 $0xFFFFFF80  }
0x146: {  	[tilespmem:s3], [sflag:$0x3] =	stream.linear.gather [hbm4b:s19+s3], $0x80, $0x38;
	[tilespmem:$0x1E480] =	vst v63  }
0x147: {  	_ =	swait.ge [sflag:s30], $0x80  }
0x148: {  	[sflag:s30] =	ssyncset.done $0x0  }
0x149: {  	[sflag:s30] =	ssyncadd.s32 $0xFFFFFF80  }
0x14a: {  	[tilespmem:s29], [sflag:$0x1] =	stream.indirect.gather [spmem:s2], $0x80, s3, s10, $0xb8;
	[tilespmem:$0x1E480] =	vst v63  }
0x14b: {  	_ =	swait.ge [sflag:s9], $0x4000  }
0x14c: {  	[sflag:s9] =	ssyncset.done $0x0  }
0x14d: {  	s20 =	rddreg [dreg:$0x10];
	[sflag:s9] =	ssyncadd.s32 $0xFFFFC000  }
0x14e: {  	[hbm4b:s20+s3] =	stream.linear.scatter [tilespmem:s29], [sflag:$0x3], $0x4000, $0x38;
	[tilespmem:$0x1E480] =	vst v63  }
0x14f: {  	_ =	swait.ge [sflag:s30], $0x4000  }
0x150: {  	[sflag:s30] =	ssyncset.done $0x0  }
0x151: {  	[sflag:s30] =	ssyncadd.s32 $0xFFFFC000  }
0x152: {  	[tilespmem:s16], [sflag:$0x1] =	stream.indirect.gather [hbm4b:s1+s10], $0x1, s3, s10, $0xb8;
	[tilespmem:$0x1E480] =	vst v63  }
0x153: {  	_ =	swait.ge [sflag:s9], $0x80  }
0x154: {  	[sflag:s9] =	ssyncset.done $0x0  }
0x155: {  	s21 =	rddreg [dreg:$0x14];
	[sflag:s9] =	ssyncadd.s32 $0xFFFFFF80  }
0x156: {  	[hbm4b:s21+s3] =	stream.linear.scatter [tilespmem:s16], [sflag:$0x3], $0x80, $0x38;
	[tilespmem:$0x1E480] =	vst v63  }
0x157: {  	_ =	swait.ge [sflag:s30], $0x80  }
0x158: {  	[sflag:s30] =	ssyncset.done $0x0  }
0x159: {  	s22 =	rddreg [dreg:$0xd];
	[sflag:s30] =	ssyncadd.s32 $0xFFFFFF80  }
0x15a: {  	[tilespmem:s3], [sflag:$0x3] =	stream.linear.gather [hbm4b:s22+s3], $0x80, $0x38;
	[tilespmem:$0x1E480] =	vst v63  }
0x15b: {  	_ =	swait.ge [sflag:s30], $0x80  }
0x15c: {  	[sflag:s30] =	ssyncset.done $0x0  }
0x15d: {  	[sflag:s30] =	ssyncadd.s32 $0xFFFFFF80  }
0x15e: {  	[tilespmem:s29], [sflag:$0x1] =	stream.indirect.gather [spmem:s2], $0x80, s3, s10, $0xb8;
	[tilespmem:$0x1E480] =	vst v63  }
0x15f: {  	_ =	swait.ge [sflag:s9], $0x4000  }
0x160: {  	[sflag:s9] =	ssyncset.done $0x0  }
0x161: {  	s19 =	rddreg [dreg:$0x11];
	[sflag:s9] =	ssyncadd.s32 $0xFFFFC000  }
0x162: {  	[hbm4b:s19+s3] =	stream.linear.scatter [tilespmem:s29], [sflag:$0x3], $0x4000, $0x38;
	[tilespmem:$0x1E480] =	vst v63  }
0x163: {  	_ =	swait.ge [sflag:s30], $0x4000  }
0x164: {  	[sflag:s30] =	ssyncset.done $0x0  }
0x165: {  	[sflag:s30] =	ssyncadd.s32 $0xFFFFC000  }
0x166: {  	[tilespmem:s16], [sflag:$0x1] =	stream.indirect.gather [hbm4b:s1+s10], $0x1, s3, s10, $0xb8;
	[tilespmem:$0x1E480] =	vst v63  }
0x167: {  	_ =	swait.ge [sflag:s9], $0x80  }
0x168: {  	[sflag:s9] =	ssyncset.done $0x0  }
0x169: {  	s20 =	rddreg [dreg:$0x15];
	[sflag:s9] =	ssyncadd.s32 $0xFFFFFF80  }
0x16a: {  	[hbm4b:s20+s3] =	stream.linear.scatter [tilespmem:s16], [sflag:$0x3], $0x80, $0x38;
	[tilespmem:$0x1E480] =	vst v63  }
0x16b: {  	_ =	swait.ge [sflag:s30], $0x80  }
0x16c: {  	[sflag:s30] =	ssyncset.done $0x0  }
0x16d: {  	s21 =	rddreg [dreg:$0xe];
	[sflag:s30] =	ssyncadd.s32 $0xFFFFFF80  }
0x16e: {  	[tilespmem:s3], [sflag:$0x3] =	stream.linear.gather [hbm4b:s21+s3], $0x80, $0x38;
	[tilespmem:$0x1E480] =	vst v63  }
0x16f: {  	_ =	swait.ge [sflag:s30], $0x80  }
0x170: {  	[sflag:s30] =	ssyncset.done $0x0  }
0x171: {  	[sflag:s30] =	ssyncadd.s32 $0xFFFFFF80  }
0x172: {  	[tilespmem:s29], [sflag:$0x1] =	stream.indirect.gather [spmem:s2], $0x80, s3, s10, $0xb8;
	[tilespmem:$0x1E480] =	vst v63  }
0x173: {  	_ =	swait.ge [sflag:s9], $0x4000  }
0x174: {  	[sflag:s9] =	ssyncset.done $0x0  }
0x175: {  	s22 =	rddreg [dreg:$0x12];
	[sflag:s9] =	ssyncadd.s32 $0xFFFFC000  }
0x176: {  	[hbm4b:s22+s3] =	stream.linear.scatter [tilespmem:s29], [sflag:$0x3], $0x4000, $0x38;
	[tilespmem:$0x1E480] =	vst v63  }
0x177: {  	_ =	swait.ge [sflag:s30], $0x4000  }
0x178: {  	[sflag:s30] =	ssyncset.done $0x0  }
0x179: {  	[sflag:s30] =	ssyncadd.s32 $0xFFFFC000  }
0x17a: {  	[tilespmem:s16], [sflag:$0x1] =	stream.indirect.gather [hbm4b:s1+s10], $0x1, s3, s10, $0xb8;
	[tilespmem:$0x1E480] =	vst v63  }
0x17b: {  	s17 =	sadd.s32 $0x1, s17;
	_ =	swait.ge [sflag:s9], $0x80  }
0x17c: {  	p0 =	sne.s32 s17, s25;
	[sflag:s9] =	ssyncset.done $0x0  }
.Ltmp3:
0x17d: {  	[sflag:s9] =	ssyncadd.s32 $0xFFFFFF80;
	(pc) =	sbr.rel @p0 .LBB2_1-.Ltmp3, $4  }
0x17e: {  	[hbm4b:s23+s3] =	stream.linear.scatter [tilespmem:s16], [sflag:$0x3], $0x80, $0x38;
	[tilespmem:$0x1E480] =	vst v63  }
0x17f: {  	_ =	swait.ge [sflag:s30], $0x80  }
0x180: {  	[sflag:s30] =	ssyncset.done $0x0  }
0x181: {  	[sflag:s30] =	ssyncadd.s32 $0xFFFFFF80  }
0x182: {  	_ =	sfence.sel $0x180000  }
0x183: {  	[bflag:$0x0] =	sbarrier.arrive $0xFFFF  }
0x184: {  	_ =	strace $0x9000004D  }
0x185: {  	s0 =	stileid.u32;
	[bflag:$0x2] =	sbarrier.arrive $0xFFFF  }
0x186: {  	p0 =	sne.s32 s0, $0x0;
	s0 =	rddreg [dreg:$0x5]  }
0x187: {  	s0 =	sadd.s32 @!p0 $0x100000, s0  }
0x188: {  	[sflag:s0] =	ssyncadd.tile.s32 @!p0 $0x1;
	_ =	shalt  }
.Lfunc_end2:
_tile_overlayer_lowered:
.L_overlay_start_2:
0x189: {  	(tag) =	ssettag $0x2  }
0x18a: {  	s0 =	rddreg [dreg:$0x0];
	s2 =	stileid.u32  }
0x18b: {  	s1 =	rddreg [dreg:$0x1];
	p0 =	sne.s32 s2, $0x0  }
0x18c: {  	s3 =	rddreg [dreg:$0x2];
	[bflag:$0x3] =	sbarrier.arrive $0xFFFF;
	s2 =	simm.s32 @!p0 $0x1C03  }
0x18d: {  	[timem:s3], [sflag:s2] =	dma.local @!p0 [hbm:s0], s1  }
0x18e: {  	s0 =	simm.s32 @!p0 $0x3  }
0x18f: {  	_ =	swait.ge @!p0 [sflag:s0], s1  }
0x190: {  	s1 =	ssub.s32 @!p0 $0x0, s1;
	[sflag:s0] =	ssyncset.done @!p0 $0x0  }
0x191: {  	[sflag:s0] =	ssyncadd.s32 @!p0 s1  }
0x192: {  	[bflag:$0x3] =	sbarrier.arrive $0xFFFF  }
0x193: {  	_ =	shalt  }

// kernel: kernel.8.cloned.1.call-start
scs
__scs_entry_jumppad:
0x0: {  	(pc) =	sbr.rel $0x88, $3  }
0x1: {  	(tag) =	ssettag $0x0;
	lr =	simm.s32 $0x1  }
0x2: {  	[smem:$0x3F93] =	sst lr;
	_ =	strace $0xD0000000  }
0x3: {  	_ = 	snop  }
0x4: {  	_ = 	snop  }
0x5: {  	_ = 	snop  }
0x6: {  	_ = 	snop  }
0x7: {  	_ = 	snop  }
__scs_overlays_trampoline_lowered:
0x8: {  	[smem:$0x3FA2] =	sst s0  }
0x9: {  	[smem:$0x3FA3] =	sst s1  }
0xa: {  	[smem:$0x3FA4] =	sst s2  }
0xb: {  	[smem:$0x3FA5] =	sst s3  }
0xc: {  	[smem:$0x3FA6] =	sst s4  }
0xd: {  	[smem:$0x3FA7] =	sst s5  }
0xe: {  	[smem:$0x3FA8] =	sst s6  }
0xf: {  	[smem:$0x3FA9] =	sst s7  }
0x10: {  	[smem:$0x3FAA] =	sst s8  }
0x11: {  	[smem:$0x3FAB] =	sst s9;
	s0 =	simm.s32 @!p0 $0x0  }
0x12: {  	s1 =	sld [smem:$0x3F91];
	s0 =	simm.s32 @p0 $0x1  }
0x13: {  	[smem:$0x3FAC] =	sst s0;
	s0 =	simm.s32 @!p1 $0x0  }
0x14: {  	s2 =	sld [smem:$0x3F90];
	s0 =	simm.s32 @p1 $0x1  }
0x15: {  	[smem:$0x3FAD] =	sst s0;
	s0 =	simm.s32 @!p2 $0x0  }
0x16: {  	s3 =	sld [smem:$0x3FDB];
	s0 =	simm.s32 @p2 $0x1  }
0x17: {  	s4 =	simm.s32 $0x1BF5;
	[smem:$0x3FAF] =	sst s0  }
0x18: {  	s0 =	sld [smem:$0x3F92];
	_ =	swait.ge [sflag:s4], $0x0  }
0x19: {  	s7 =	sld [smem:$0x3F93]  }
0x1a: {  	s8 =	sadd.s32 $0xFFFFE003, lr  }
0x1b: {  	s9 =	sadd.s32 $0xFFFFFEF7, lr;
	s5 =	simm.s32 $0xFFFFFFFF;
	p2 =	slt.u32 s8, $0xFFFFF086  }
0x1c: {  	p1 =	slt.u32 s9, $0xF7A;
	s5 =	simm.s32 @!p2 $0x0  }
0x1d: {  	s5 =	simm.s32 @p1 $0x1;
	p0 =	seq.s32 s7, s2  }
0x1e: {  	s7 =	smul.u32 @!p0 $0xF7A, s2;
	p2 =	seq.s32 @!p0 s5, $0x0  }
0x1f: {  	s9 =	smul.u32 $0xF7A, s1;
	s8 =	simm.s32 @!p0 $0x1BF5;
	p2 =	por !p2, p0  }
0x20: {  	[sflag:s8] =	ssyncset.s32 @!p0 $0xFFFFF086;
	s6 =	sadd.s32 @!p0 s3, s7;
	s7 =	simm.s32 @!p0 $0x108  }
0x21: {  	s3 =	sadd.s32 s3, s9;
	s6 =	sadd.s32 @!p0 $0x88, s6;
	s7 =	simm.s32 @p2 $0x1082  }
0x22: {  	[simem:s7], [sflag:s8] =	dma.local @!p0 [hbm:s6], $0xF7A  }
0x23: {  	s9 =	sor.u32 $0xD0000000, s2;
	s6 =	simm.s32 $0x108;
	_ =	swait.ge @!p0 [sflag:s8], $0x0  }
0x24: {  	s3 =	sadd.s32 $0x88, s3;
	s6 =	simm.s32 @!p1 $0x1082;
	[sflag:s4] =	ssyncset.s32 $0xFFFFF086  }
0x25: {  	[simem:s6], [sflag:s4] =	dma.local [hbm:s3], $0xF7A  }
0x26: {  	[smem:$0x3F93] =	sst s1;
	(tag) =	ssettag s2;
	_ =	strace s9  }
0x27: {  	s1 =	sld [smem:$0x3FA3]  }
0x28: {  	s2 =	sld [smem:$0x3FA4]  }
0x29: {  	s4 =	sld [smem:$0x3FA6]  }
0x2a: {  	p0 =	seq.s32 s5, $0x0;
	s5 =	sld [smem:$0x3FA7]  }
0x2b: {  	s6 =	sld [smem:$0x3FA8]  }
0x2c: {  	s7 =	sld [smem:$0x3FA9]  }
0x2d: {  	s3 =	simm.s32 $0x108;
	s8 =	sld [smem:$0x3FAA]  }
0x2e: {  	s3 =	simm.s32 @!p0 $0x1082;
	s9 =	sld [smem:$0x3FAB]  }
0x2f: {  	lr =	sadd.s32 s0, s3;
	s0 =	sld [smem:$0x3FA2]  }
0x30: {  	s3 =	sld [smem:$0x3FA5]  }
0x31: {  	[smem:$0x3FAE] =	sst s10  }
0x32: {  	s10 =	sld [smem:$0x3FAC];
	_ =	sdelay $0x3  }
0x33: {  	p0 =	seq.s32 s10, $0x1;
	s10 =	sld [smem:$0x3FAE];
	_ =	sdelay $0x3  }
0x34: {  	[smem:$0x3FAE] =	sst s10  }
0x35: {  	s10 =	sld [smem:$0x3FAD];
	_ =	sdelay $0x3  }
0x36: {  	p1 =	seq.s32 s10, $0x1;
	s10 =	sld [smem:$0x3FAE];
	_ =	sdelay $0x3  }
0x37: {  	[smem:$0x3FAE] =	sst s10  }
0x38: {  	s10 =	sld [smem:$0x3FAF]  }
0x39: {  	_ = 	snop;
	(pc) =	sbr.ind lr, $3  }
0x3a: {  	_ = 	snop  }
0x3b: {  	_ = 	snop  }
0x3c: {  	p2 =	seq.s32 s10, $0x1;
	s10 =	sld [smem:$0x3FAE]  }
0x3d: {  	_ =	shalt  }
0x3e: {  	_ =	shalt  }
0x3f: {  	_ =	shalt  }
0x40: {  	_ =	shalt  }
0x41: {  	_ =	shalt  }
0x42: {  	_ =	shalt  }
0x43: {  	_ =	shalt  }
0x44: {  	_ =	shalt  }
0x45: {  	_ =	shalt  }
0x46: {  	_ =	shalt  }
0x47: {  	_ =	shalt  }
0x48: {  	_ =	shalt  }
0x49: {  	_ =	shalt  }
0x4a: {  	_ =	shalt  }
0x4b: {  	_ =	shalt  }
0x4c: {  	_ =	shalt  }
0x4d: {  	_ =	shalt  }
0x4e: {  	_ =	shalt  }
0x4f: {  	_ =	shalt  }
0x50: {  	_ =	shalt  }
0x51: {  	_ =	shalt  }
0x52: {  	_ =	shalt  }
0x53: {  	_ =	shalt  }
0x54: {  	_ =	shalt  }
0x55: {  	_ =	shalt  }
0x56: {  	_ =	shalt  }
0x57: {  	_ =	shalt  }
0x58: {  	_ =	shalt  }
0x59: {  	_ =	shalt  }
0x5a: {  	_ =	shalt  }
0x5b: {  	_ =	shalt  }
0x5c: {  	_ =	shalt  }
0x5d: {  	_ =	shalt  }
0x5e: {  	_ =	shalt  }
0x5f: {  	_ =	shalt  }
0x60: {  	_ =	shalt  }
0x61: {  	_ =	shalt  }
0x62: {  	_ =	shalt  }
0x63: {  	_ =	shalt  }
0x64: {  	_ =	shalt  }
0x65: {  	_ =	shalt  }
0x66: {  	_ =	shalt  }
0x67: {  	_ =	shalt  }
0x68: {  	_ =	shalt  }
0x69: {  	_ =	shalt  }
0x6a: {  	_ =	shalt  }
0x6b: {  	_ =	shalt  }
0x6c: {  	_ =	shalt  }
0x6d: {  	_ =	shalt  }
0x6e: {  	_ =	shalt  }
0x6f: {  	_ =	shalt  }
0x70: {  	_ =	shalt  }
0x71: {  	_ =	shalt  }
0x72: {  	_ =	shalt  }
0x73: {  	_ =	shalt  }
0x74: {  	_ =	shalt  }
0x75: {  	_ =	shalt  }
0x76: {  	_ =	shalt  }
0x77: {  	_ =	shalt  }
0x78: {  	_ =	shalt  }
0x79: {  	_ =	shalt  }
0x7a: {  	_ =	shalt  }
0x7b: {  	_ =	shalt  }
0x7c: {  	_ =	shalt  }
0x7d: {  	_ =	shalt  }
0x7e: {  	_ =	shalt  }
0x7f: {  	_ =	shalt  }
0x80: {  	_ =	shalt  }
0x81: {  	_ =	shalt  }
0x82: {  	_ =	shalt  }
0x83: {  	_ =	shalt  }
0x84: {  	_ =	shalt  }
0x85: {  	_ =	shalt  }
0x86: {  	_ =	shalt  }
0x87: {  	_ =	shalt  }
.Lfunc_end0:
.L_simem_size_0:
called_computation_lowered:
.L_overlay_start_0:
0x88: {  	s2 =	sld [smem:$0x3FD9]  }
0x89: {  	s3 =	sld [smem:$0x3FFE];
	_ =	sdelay $0x1  }
0x8a: {  	s1 =	srdreg.scid  }
0x8b: {  	s0 =	sand.u32 $0x1, s1  }
0x8c: {  	s14 =	sshll.u32 s0, $0xA;
	s2 =	sadd.s32 s3, s2  }
0x8d: {  	s2 =	sadd.s32 s2, s14  }
0x8e: {  	[smem:$0x3FBA] =	sst s2  }
0x8f: {  	_ = 	snop  }
0x90: {  	s2 =	sld [smem:$0x3FD0];
	_ =	sdelay $0x2  }
0x91: {  	s15 =	simm.s32 $0xA;
	s4 =	simm.s32 $0x10  }
0x92: {  	[smem:s4], [sflag:s15] =	dma.local [hbm:s2], $0x1  }
0x93: {  	_ =	swait.eq [sflag:s15], $0x1  }
0x94: {  	[sflag:s15] =	ssyncset.done $0x0  }
0x95: {  	[sflag:s15] =	ssyncadd.s32 $0xFFFFFFFF  }
0x96: {  	s16 =	sld [smem:$0x10];
	(tm) =	ssettm $0x1  }
0x97: {  	s17 =	sld [smem:$0x3FFB];
	_ =	sdelay $0x3  }
0x98: {  	_ =	strace s17  }
0x99: {  	s3 =	sld [smem:$0x3FFC];
	_ =	sdelay $0x3  }
0x9a: {  	_ =	strace s3  }
0x9b: {  	s3 =	sld [smem:$0x3FFD];
	_ =	sdelay $0x3  }
0x9c: {  	_ =	strace s3  }
0x9d: {  	_ =	strace $0x8FFFFFFF  }
0x9e: {  	s18 =	sld [smem:$0x3FDB];
	_ =	sdelay $0x1  }
0x9f: {  	s19 =	simm.s32 $_scs_section_size  }
0xa0: {  	s5 =	simm.s32 $_size__tile_overlayer_lowered;
	s6 =	simm.s32 $_tile_overlayer_lowered  }
0xa1: {  	s22 =	simm.s32 $0x1BFF;
	s21 =	sshll.u32 s6, $0x1;
	s3 =	sadd.s32 s19, s18  }
0xa2: {  	s7 =	simm.s32 $0x0;
	s20 =	sshll.u32 s5, $0x1;
	s5 =	sadd.s32 s21, s3  }
0xa3: {  	[timem:s7], [sflag:s22] =	dma.local [hbm:s5], s20  }
0xa4: {  	_ =	swait.ge [sflag:s22], s20  }
0xa5: {  	s4 =	ssub.s32 $0x0, s20;
	[sflag:s22] =	ssyncset.done $0x0  }
0xa6: {  	[sflag:s22] =	ssyncadd.s32 s4;
	_ =	sdelay $0x1  }
0xa7: {  	s23 =	simm.s32 $0x1B8B  }
0xa8: {  	_ =	swait.ge [sflag:s23], $0x1  }
0xa9: {  	[sflag:s23] =	ssyncset.done $0x0  }
0xaa: {  	s25 =	simm.s32 $0x1B8E;
	s24 =	sld [smem:$0x3FFE];
	[sflag:s23] =	ssyncadd.s32 $0xFFFFFFFF  }
0xab: {  	s26 =	simm.s32 $execute0_lowered;
	[smem:$0x3FD2] =	sst s25  }
0xac: {  	s5 =	sshll.u32 s26, $0x1;
	_ =	strace $0x80000046;
	[dreg:$0x1] =	wrdreg $0xFFFFFFFF  }
0xad: {  	s28 =	simm.s32 $_size_execute0_lowered;
	s3 =	sadd.s32 s3, s5;
	[dreg:$0x0] =	wrdreg $0x0  }
0xae: {  	s5 =	sshll.u32 s28, $0x1;
	[dreg:$0x2] =	wrdreg s3  }
0xaf: {  	[dreg:$0x3] =	wrdreg s5  }
0xb0: {  	[dreg:$0x4] =	wrdreg $0xC0  }
0xb1: {  	_ =	task [dreg:s7], $0x5FFFF  }
0xb2: {  	[dreg:$0x1] =	wrdreg $0xFFFFFFFF  }
0xb3: {  	[dreg:$0x0] =	wrdreg $0x60  }
0xb4: {  	[dreg:$0x2] =	wrdreg s24  }
0xb5: {  	[dreg:$0x3] =	wrdreg s16  }
0xb6: {  	[dreg:$0x4] =	wrdreg $0x53000  }
0xb7: {  	[dreg:$0x5] =	wrdreg $0x55780  }
0xb8: {  	[dreg:$0x6] =	wrdreg $0x9  }
0xb9: {  	_ =	task.clear_ibuf [dreg:s7], $0x7FFFF;
	_ =	strace $0x90000046  }
0xba: {  	s29 =	simm.s32 $0x9;
	_ =	strace $0x80000048  }
0xbb: {  	_ =	swait.ge [sflag:s29], $0x1  }
0xbc: {  	[sflag:s29] =	ssyncadd.s32 $0xFFFFFFFF  }
0xbd: {  	_ =	strace $0x90000048  }
0xbe: {  	_ =	sfence  }
0xbf: {  	s30 =	sld [smem:$0x0];
	_ =	sdelay $0x2  }
0xc0: {  	s31 =	sshll.u32 s1, $0xD;
	s1 =	sshrl.u32 s1, $0x2  }
0xc1: {  	s3 =	sand.u32 $0x4000, s31;
	s1 =	sadd.s32 s1, s30  }
0xc2: {  	s0 =	sor.u32 s3, s0;
	s1 =	sshll.u32 s1, $0x11  }
0xc3: {  	s0 =	sor.u32 s1, s0  }
0xc4: {  	s0 =	sadd.s32 $0x8F2B, s0  }
0xc5: {  	[sflag:s0] =	ssyncadd.remote.s32 $0x1  }
0xc6: {  	_ =	sfence.sel $0xFFFF  }
0xc7: {  	[dreg:$0x0] =	wrdreg $0xFFFFFFFF;
	(pc) =	sbr.abs _section_cstart, $3  }
0xc8: {  	[dreg:$0x1] =	wrdreg $0xFFFFFFFF  }
0xc9: {  	_ =	task.clear_ibuf [dreg:s7], $0x2FFFF;
	_ =	strace $0x9FFFFFFF  }
0xca: {  	(tm) =	ssettm $0x7FFFFFFF  }
0xcb: {  	_ =	shalt  }
tec
execute0_lowered:
.L_overlay_start_1:
0x0: {  	(tag) =	ssettag $0x1  }
0x1: {  	s5 =	rddreg [dreg:$0x0]  }
0x2: {  	s9 =	rddreg [dreg:$0x1]  }
0x3: {  	s2 =	rddreg [dreg:$0x2]  }
0x4: {  	s3 =	rddreg [dreg:$0x3]  }
0x5: {  	s0 =	rddreg [dreg:$0x4];
	s4 =	srdreg.scid  }
0x6: {  	s1 =	stileid.u32;
	s14 =	simm.s32 $0x2800;
	s15 =	simm.s32 $0x80  }
0x7: {  	s16 =	simm.s32 $0x5000;
	s17 =	simm.s32 $0x0;
	s6 =	sand.u32 $0x1, s4  }
0x8: {  	s7 =	sshll.u32 s1, $0x1;
	s8 =	smul.u32 $0x278, s1;
	s4 =	simm.s32 $0x0  }
0x9: {  	s7 =	sor.u32 s6, s7;
	s10 =	smul.u32 $0x2780, s6;
	s6 =	ssub.s32 $0x2, s6  }
0xa: {  	[smem:$0x7FF] =	sst s4;
	s7 =	smul.u32 $0x500, s7;
	s31 =	sshrl.u32 s6, $0x1  }
0xb: {  	_ =	strace $0x80000047;
	s10 =	sadd.s32 s8, s10;
	s13 =	ssub.s32 s6, s31  }
0xc: {  	s6 =	sadd.s32 s8, s3;
	s11 =	sadd.s32 s7, s5;
	s10 =	sshrl.u32 s10, $0x3  }
0xd: {  	s12 =	sadd.s32 s10, s5;
	s5 =	sadd.s32 s8, s2;
	s7 =	sadd.s32 $0xE000, s11  }
0xe: {  	s8 =	sadd.s32 $0x4000, s11;
	s9 =	sadd.s32 s9, s10;
	s11 =	smax.u32 s13, $0x1  }
0xf: {  	v0 =	vimm.f32 $0.0e+00;
	v1 =	vimm.f32 $1.000000000e+00;
	s13 =	simm.s32 $0x1;
	s10 =	sadd.s32 $0x18000, s12;
	s12 =	simm.s32 $0x5080  }
.LBB2_1:
0x10: {  	[tilespmem:$0x5080] =	vst v0  }
0x11: {  	[tilespmem:$0x5090] =	vst v0  }
0x12: {  	[tilespmem:$0x50A0] =	vst v0  }
0x13: {  	[tilespmem:$0x50B0] =	vst v0  }
0x14: {  	[tilespmem:$0x50C0] =	vst v0  }
0x15: {  	[tilespmem:$0x50D0] =	vst v0  }
0x16: {  	[tilespmem:$0x50E0] =	vst v0  }
0x17: {  	[tilespmem:$0x50F0] =	vst v0  }
0x18: {  	[tilespmem:$0x5100] =	vst v0  }
0x19: {  	[tilespmem:$0x5110] =	vst v0  }
0x1a: {  	[tilespmem:$0x5120] =	vst v0  }
0x1b: {  	[tilespmem:$0x5130] =	vst v0  }
0x1c: {  	[tilespmem:$0x5140] =	vst v0  }
0x1d: {  	[tilespmem:$0x5150] =	vst v0  }
0x1e: {  	[tilespmem:$0x5160] =	vst v0  }
0x1f: {  	[tilespmem:$0x5170] =	vst v0  }
0x20: {  	[tilespmem:$0x5180] =	vst v0  }
0x21: {  	[tilespmem:$0x5190] =	vst v0  }
0x22: {  	[tilespmem:$0x51A0] =	vst v0  }
0x23: {  	[tilespmem:$0x51B0] =	vst v0  }
0x24: {  	[tilespmem:$0x51C0] =	vst v0  }
0x25: {  	[tilespmem:$0x51D0] =	vst v0  }
0x26: {  	[tilespmem:$0x51E0] =	vst v0  }
0x27: {  	[tilespmem:$0x51F0] =	vst v0  }
0x28: {  	[tilespmem:$0x5200] =	vst v0  }
0x29: {  	[tilespmem:$0x5210] =	vst v0  }
0x2a: {  	[tilespmem:$0x5220] =	vst v0  }
0x2b: {  	[tilespmem:$0x5230] =	vst v0  }
0x2c: {  	[tilespmem:$0x5240] =	vst v0  }
0x2d: {  	[tilespmem:$0x5250] =	vst v0  }
0x2e: {  	[tilespmem:$0x5260] =	vst v0  }
0x2f: {  	[tilespmem:$0x5270] =	vst v0  }
0x30: {  	[tilespmem:$0x5280] =	vst v0  }
0x31: {  	[tilespmem:$0x5290] =	vst v0  }
0x32: {  	[tilespmem:$0x52A0] =	vst v0  }
0x33: {  	[tilespmem:$0x52B0] =	vst v0  }
0x34: {  	[tilespmem:$0x52C0] =	vst v0  }
0x35: {  	[tilespmem:$0x52D0] =	vst v0  }
0x36: {  	[tilespmem:$0x52E0] =	vst v0  }
0x37: {  	[tilespmem:$0x5000] =	vst v1  }
0x38: {  	[tilespmem:$0x5010] =	vst v1  }
0x39: {  	[tilespmem:$0x5020] =	vst v1  }
0x3a: {  	[tilespmem:$0x5030] =	vst v1  }
0x3b: {  	[tilespmem:$0x5040] =	vst v1  }
0x3c: {  	[tilespmem:$0x5050] =	vst v1  }
0x3d: {  	[tilespmem:$0x5060] =	vst v1  }
0x3e: {  	[tilespmem:$0x5070] =	vst v1  }
0x3f: {  	[tilespmem:$0x52E8] =	vst v0  }
0x40: {  	[spmem:s5] =	stream.linear.scatter [tilespmem:s12], [sflag:$0x1], $0x278, $0x38;
	[tilespmem:$0x57F0] =	vst v63  }
0x41: {  	_ =	swait.ge [sflag:s13], $0x278  }
0x42: {  	[sflag:s13] =	ssyncset.done $0x0  }
0x43: {  	[sflag:s13] =	ssyncadd.s32 $0xFFFFFD88  }
0x44: {  	[spmem:s6] =	stream.linear.scatter [tilespmem:s12], [sflag:$0x1], $0x278, $0x38;
	[tilespmem:$0x57F0] =	vst v63  }
0x45: {  	_ =	swait.ge [sflag:s13], $0x278  }
0x46: {  	[sflag:s13] =	ssyncset.done $0x0  }
0x47: {  	[sflag:s13] =	ssyncadd.s32 $0xFFFFFD88  }
0x48: {  	[tilespmem:s4], [sflag:$0x1] =	stream.linear.gather [hbm4b:s7+s4], $0x2800, $0x38;
	[tilespmem:$0x57F0] =	vst v63  }
0x49: {  	_ =	swait.ge [sflag:s13], $0x2800  }
0x4a: {  	[sflag:s13] =	ssyncset.done $0x0  }
0x4b: {  	[sflag:s13] =	ssyncadd.s32 $0xFFFFD800  }
0x4c: {  	[tilespmem:s14], [sflag:$0x1] =	stream.linear.gather [hbm4b:s8+s4], $0x2800, $0x38;
	[tilespmem:$0x57F0] =	vst v63  }
0x4d: {  	_ =	swait.ge [sflag:s13], $0x2800  }
0x4e: {  	[sflag:s13] =	ssyncset.done $0x0  }
0x4f: {  	[sflag:s13] =	ssyncadd.s32 $0xFFFFD800  }
0x50: {  	s18 =	simm.s32 $0x0;
	[bflag:$0x0] =	sbarrier.arrive $0xFFFF  }
0x51: {  	[spmem:s2] =	stream.indirect.scatter.add.f32 [tilespmem:s16], [sflag:$0x1], $0x1, s18, s15, $0xb8;
	[tilespmem:$0x57F0] =	vst v63  }
0x52: {  	_ =	swait.ge [sflag:s13], $0x80  }
0x53: {  	[sflag:s13] =	ssyncset.done $0x0  }
0x54: {  	s31 =	simm.s32 $0x2800;
	[sflag:s13] =	ssyncadd.s32 $0xFFFFFF80  }
0x55: {  	[spmem:s3] =	stream.indirect.scatter.add.f32 [tilespmem:s16], [sflag:$0x1], $0x1, s31, s15, $0xb8;
	[tilespmem:$0x57F0] =	vst v63  }
0x56: {  	_ =	swait.ge [sflag:s13], $0x80  }
0x57: {  	s19 =	simm.s32 $0x400;
	s18 =	simm.s32 $0x200;
	[sflag:s13] =	ssyncset.done $0x0  }
.LBB2_2:
0x58: {  	s20 =	sshra.s32 s18, $0x2  }
0x59: {  	[sflag:s13] =	ssyncadd.s32 $0xFFFFFF80;
	s18 =	smov.u32 s19;
	s21 =	sadd.s32 $0x200, s19  }
0x5a: {  	[spmem:s2] =	stream.indirect.scatter.add.f32 [tilespmem:s16], [sflag:$0x1], $0x1, s20, s15, $0xb8;
	[tilespmem:$0x57F0] =	vst v63  }
0x5b: {  	p0 =	sne.s32 s19, $0x9E00;
	_ =	swait.ge [sflag:s13], $0x80  }
.Ltmp0:
0x5c: {  	[sflag:s13] =	ssyncset.done $0x0;
	(pc) =	sbr.rel @p0 .LBB2_2-.Ltmp0, $4  }
0x5d: {  	s19 =	sadd.s32 $0x2800, s20;
	[sflag:s13] =	ssyncadd.s32 $0xFFFFFF80  }
0x5e: {  	[spmem:s3] =	stream.indirect.scatter.add.f32 [tilespmem:s16], [sflag:$0x1], $0x1, s19, s15, $0xb8;
	[tilespmem:$0x57F0] =	vst v63  }
0x5f: {  	_ =	swait.ge [sflag:s13], $0x80  }
0x60: {  	s19 =	smov.u32 s21;
	[sflag:s13] =	ssyncset.done $0x0  }
0x61: {  	s18 =	sshra.s32 s18, $0x2;
	[sflag:s13] =	ssyncadd.s32 $0xFFFFFF80  }
0x62: {  	[spmem:s2] =	stream.indirect.scatter.add.f32 [tilespmem:s16], [sflag:$0x1], $0x1, s18, s15, $0xb8;
	[tilespmem:$0x57F0] =	vst v63  }
0x63: {  	_ =	swait.ge [sflag:s13], $0x80  }
0x64: {  	[sflag:s13] =	ssyncset.done $0x0  }
0x65: {  	s18 =	sadd.s32 $0x2800, s18;
	[sflag:s13] =	ssyncadd.s32 $0xFFFFFF80  }
0x66: {  	[spmem:s3] =	stream.indirect.scatter.add.f32 [tilespmem:s16], [sflag:$0x1], $0x1, s18, s15, $0xb8;
	[tilespmem:$0x57F0] =	vst v63  }
0x67: {  	_ =	swait.ge [sflag:s13], $0x80  }
0x68: {  	[sflag:s13] =	ssyncset.done $0x0  }
0x69: {  	[sflag:s13] =	ssyncadd.s32 $0xFFFFFF80  }
0x6a: {  	[bflag:$0x0] =	sbarrier.arrive $0xFFFF  }
0x6b: {  	[tilespmem:s12], [sflag:$0x1] =	stream.linear.gather [spmem:s5], $0x278, $0x38;
	[tilespmem:$0x57F0] =	vst v63  }
0x6c: {  	_ =	swait.ge [sflag:s13], $0x278  }
0x6d: {  	[sflag:s13] =	ssyncset.done $0x0  }
0x6e: {  	[sflag:s13] =	ssyncadd.s32 $0xFFFFFD88  }
0x6f: {  	[hbm4b:s9+s4] =	stream.linear.scatter [tilespmem:s12], [sflag:$0x1], $0x278, $0x38;
	[tilespmem:$0x57F0] =	vst v63  }
0x70: {  	_ =	swait.ge [sflag:s13], $0x278  }
0x71: {  	[sflag:s13] =	ssyncset.done $0x0  }
0x72: {  	[sflag:s13] =	ssyncadd.s32 $0xFFFFFD88  }
0x73: {  	[tilespmem:s12], [sflag:$0x1] =	stream.linear.gather [spmem:s6], $0x278, $0x38;
	[tilespmem:$0x57F0] =	vst v63  }
0x74: {  	s17 =	sadd.s32 $0x1, s17;
	_ =	swait.ge [sflag:s13], $0x278  }
0x75: {  	p0 =	sne.s32 s17, s11;
	[sflag:s13] =	ssyncset.done $0x0  }
.Ltmp1:
0x76: {  	[sflag:s13] =	ssyncadd.s32 $0xFFFFFD88;
	(pc) =	sbr.rel @p0 .LBB2_1-.Ltmp1, $4  }
0x77: {  	[hbm4b:s10+s4] =	stream.linear.scatter [tilespmem:s12], [sflag:$0x1], $0x278, $0x38;
	[tilespmem:$0x57F0] =	vst v63  }
0x78: {  	_ =	swait.ge [sflag:s13], $0x278  }
0x79: {  	[sflag:s13] =	ssyncset.done $0x0  }
0x7a: {  	[sflag:s13] =	ssyncadd.s32 $0xFFFFFD88  }
0x7b: {  	_ =	sfence.sel $0x180000  }
0x7c: {  	[bflag:$0x0] =	sbarrier.arrive $0xFFFF  }
0x7d: {  	p0 =	sne.s32 s1, $0x0;
	_ =	strace $0x90000047  }
0x7e: {  	s0 =	sadd.s32 @!p0 $0x100000, s0;
	[bflag:$0x2] =	sbarrier.arrive $0xFFFF  }
0x7f: {  	[sflag:s0] =	ssyncadd.tile.s32 @!p0 $0x1;
	_ =	shalt  }
.Lfunc_end2:
_tile_overlayer_lowered:
.L_overlay_start_2:
0x80: {  	(tag) =	ssettag $0x2  }
0x81: {  	s0 =	rddreg [dreg:$0x0];
	s2 =	stileid.u32  }
0x82: {  	s1 =	rddreg [dreg:$0x1];
	p0 =	sne.s32 s2, $0x0  }
0x83: {  	s3 =	rddreg [dreg:$0x2];
	[bflag:$0x3] =	sbarrier.arrive $0xFFFF;
	s2 =	simm.s32 @!p0 $0x1C01  }
0x84: {  	[timem:s3], [sflag:s2] =	dma.local @!p0 [hbm:s0], s1  }
0x85: {  	s0 =	simm.s32 @!p0 $0x1  }
0x86: {  	_ =	swait.ge @!p0 [sflag:s0], s1  }
0x87: {  	s1 =	ssub.s32 @!p0 $0x0, s1;
	[sflag:s0] =	ssyncset.done @!p0 $0x0  }
0x88: {  	[sflag:s0] =	ssyncadd.s32 @!p0 s1  }
0x89: {  	[bflag:$0x3] =	sbarrier.arrive $0xFFFF  }
0x8a: {  	_ =	shalt  }

</sc_bundles>
